<compile_context>
chip_gen: v7x
topology: tpu7x:2x2x1
jax: 0.10.2.dev20260603
libtpu: 0.0.44.dev20260713+nightly
codegen_flags: <defaults>
</compile_context>

<pallas_src>
import functools

import jax
import jax.numpy as jnp
from jax import lax
from jax.experimental import pallas as pl
from jax.experimental.pallas import tpu as pltpu
from jax.experimental.pallas import tpu_sc as plsc

_ALPHA = 0.1
_EPS_THRESH = 1e-05

_NS = 16
_L = 16


def _make_pagerank(N, E):
  chunk = _NS * _L
  Np = ((N + chunk - 1) // chunk) * chunk
  if Np == N:
    Np += chunk
  C = Np // _NS
  Ep = ((E + chunk - 1) // chunk) * chunk
  Et = Ep // _NS
  NV = Np // _L
  CV = C // _L
  EV = Et // _L
  UE = next(u for u in (50, 25, 10, 8, 5, 4, 2, 1) if EV % u == 0)
  UZ = next(u for u in (16, 8, 4, 2, 1) if NV % u == 0)

  mesh = plsc.VectorSubcoreMesh(
      core_axis_name="c", subcore_axis_name="s", num_cores=1, num_subcores=_NS
  )

  @functools.partial(
      pl.kernel,
      out_type=jax.ShapeDtypeStruct((Np,), jnp.float32),
      mesh=mesh,
      compiler_params=pltpu.CompilerParams(needs_layout_passes=False),
      scratch_types=[
          pltpu.VMEM((Et,), jnp.int32),
          pltpu.VMEM((Et,), jnp.int32),
          pltpu.VMEM((Np,), jnp.float32),
          pltpu.VMEM((Np,), jnp.float32),
          pltpu.VMEM((C,), jnp.float32),
          pltpu.VMEM((C,), jnp.float32),
          pltpu.VMEM((C,), jnp.float32),
          pltpu.VMEM((_NS, C), jnp.float32),
          pltpu.VMEM((_L,), jnp.float32),
          pltpu.VMEM((_NS, _L), jnp.float32),
          pltpu.VMEM_SHARED((_NS, Np), jnp.float32),
          pltpu.VMEM_SHARED((2, Np), jnp.float32),
          pltpu.VMEM_SHARED((Np,), jnp.float32),
          pltpu.VMEM_SHARED((2, _NS, _L), jnp.float32),
          pltpu.SemaphoreType.DMA,
          pltpu.SemaphoreType.DMA,
      ],
  )
  def pagerank(src_hbm, dst_hbm, pi0_hbm, out_hbm,
               src_v, dst_v, q_v, acc_v, dis_v, pis_v, qsl_v, red_v, tmp_v,
               eps_v, stage_s, vec_s, zero_s, eps_s, rsem, zsem):
    sid = lax.axis_index("s")
    ebase = sid * Et
    nbase = sid * C

    loads = [
        pltpu.make_async_copy(src_hbm.at[pl.ds(ebase, Et)], src_v, rsem),
        pltpu.make_async_copy(dst_hbm.at[pl.ds(ebase, Et)], dst_v, rsem),
        pltpu.make_async_copy(pi0_hbm.at[pl.ds(nbase, C)], pis_v, rsem),
    ]
    for cp in loads:
      cp.start()
    for cp in loads:
      cp.wait()

    zeros = jnp.zeros((_L,), jnp.float32)
    ones = jnp.ones((_L,), jnp.float32)
    lane = lax.iota(jnp.int32, _L)

    def zero_acc():
      def zbody(j, c):
        for u in range(UZ):
          acc_v[pl.ds((j * UZ + u) * _L, _L)] = zeros
        return c
      lax.fori_loop(0, NV // UZ, zbody, 0)

    def fetch_stage_rows():
      copies = [
          pltpu.make_async_copy(
              stage_s.at[t, pl.ds(nbase, C)], red_v.at[t], rsem)
          for t in range(_NS)
      ]
      for cp in copies:
        cp.start()
      for cp in copies:
        cp.wait()

    def reduce_slice(j, fn):
      tot = red_v[0, pl.ds(j * _L, _L)]
      for t in range(1, _NS):
        tot = tot + red_v[t, pl.ds(j * _L, _L)]
      return fn(j, tot)

    zero_acc()
    pltpu.sync_copy(acc_v.at[pl.ds(nbase, C)], zero_s.at[pl.ds(nbase, C)])

    def deg_body(j, c):
      for u in range(UE):
        d = dst_v[pl.ds((j * UE + u) * _L, _L)]
        plsc.addupdate_scatter(acc_v, [d], ones)
      return c

    lax.fori_loop(0, EV // UE, deg_body, 0)

    pltpu.sync_copy(acc_v, stage_s.at[sid])
    plsc.subcore_barrier()
    pltpu.async_copy(zero_s, acc_v, zsem)
    fetch_stage_rows()

    def dis_body(j, carry):
      def finish(j, deg):
        deg = deg + 1.0
        i = plsc.bitcast(deg, jnp.int32)
        i = jnp.int32(0x5F3759DF) - lax.shift_right_logical(i, 1)
        y = plsc.bitcast(i, jnp.float32)
        for _ in range(3):
          y = y * (1.5 - 0.5 * deg * y * y)
        gi = jnp.int32(nbase + j * _L) + lane
        y = jnp.where(gi < N, y, 0.0)
        dis_v[pl.ds(j * _L, _L)] = y
        qsl_v[pl.ds(j * _L, _L)] = y * pis_v[pl.ds(j * _L, _L)]
        return 0
      return reduce_slice(j, finish)

    lax.fori_loop(0, CV, dis_body, 0)

    pltpu.sync_copy(qsl_v, vec_s.at[0, pl.ds(nbase, C)])
    plsc.subcore_barrier()
    pltpu.sync_copy(vec_s.at[0], q_v)

    teleport = jnp.float32(_ALPHA / N)
    damp = jnp.float32(1.0 - _ALPHA)

    def it_body(carry):
      _, p = carry
      pnew = 1 - p
      pltpu.make_async_copy(zero_s, acc_v, zsem).wait()

      def edge_body(j, c):
        for u in range(UE):
          s = src_v[pl.ds((j * UE + u) * _L, _L)]
          d = dst_v[pl.ds((j * UE + u) * _L, _L)]
          plsc.addupdate_scatter(acc_v, [d], plsc.load_gather(q_v, [s]))
        return c

      lax.fori_loop(0, EV // UE, edge_body, 0)

      pltpu.sync_copy(acc_v, stage_s.at[sid])
      plsc.subcore_barrier()
      pltpu.async_copy(zero_s, acc_v, zsem)
      fetch_stage_rows()

      def new_body(j, sq):
        def finish(j, tot):
          old = pis_v[pl.ds(j * _L, _L)]
          dis = dis_v[pl.ds(j * _L, _L)]
          gi = jnp.int32(nbase + j * _L) + lane
          pin = damp * dis * (tot + dis * old) + teleport
          pin = jnp.where(gi < N, pin, 0.0)
          pis_v[pl.ds(j * _L, _L)] = pin
          qsl_v[pl.ds(j * _L, _L)] = dis * pin
          dlt = pin - old
          return sq + dlt * dlt
        return reduce_slice(j, finish)

      sq = lax.fori_loop(0, CV, new_body, zeros)
      tmp_v[...] = sq
      w1 = pltpu.make_async_copy(qsl_v, vec_s.at[pnew, pl.ds(nbase, C)], rsem)
      w2 = pltpu.make_async_copy(tmp_v, eps_s.at[pnew, sid], rsem)
      w1.start(); w2.start(); w1.wait(); w2.wait()
      plsc.subcore_barrier()
      r1 = pltpu.make_async_copy(vec_s.at[pnew], q_v, rsem)
      r2 = pltpu.make_async_copy(eps_s.at[pnew], eps_v, rsem)
      r1.start(); r2.start(); r1.wait(); r2.wait()
      tot16 = eps_v[0]
      for t in range(1, _NS):
        tot16 = tot16 + eps_v[t]
      return jnp.sum(tot16), pnew

    thresh = jnp.float32(_EPS_THRESH) * jnp.float32(_EPS_THRESH)
    lax.while_loop(lambda c: c[0] > thresh, it_body,
                   (jnp.float32(1e10), jnp.int32(0)))

    pltpu.make_async_copy(zero_s, acc_v, zsem).wait()
    pltpu.sync_copy(pis_v, out_hbm.at[pl.ds(nbase, C)])

  return pagerank, Np, Ep


def kernel(x, edge_index):
  N = x.shape[0]
  E = edge_index.shape[1]
  fn, Np, Ep = _make_pagerank(N, E)

  src = edge_index[0]
  dst = edge_index[1]
  if Ep > E:
    pad = jnp.full((Ep - E,), N, dtype=jnp.int32)
    src = jnp.concatenate([src, pad])
    dst = jnp.concatenate([dst, pad])

  kpi = jax.random.key(42)
  pi0 = jax.random.uniform(kpi, (N, 1), dtype=jnp.float32)
  pi0 = pi0 / jnp.sum(jnp.abs(pi0))
  pi0 = jnp.pad(pi0[:, 0], (0, Np - N))

  out = fn(src, dst, pi0)
  return out[:N, None]

# --- scband reference (transcript-rebuilt; emitter-appended) ---
"""Pipeline reference for scband-page-rank-79302276153391 (READ-ONLY COPY).

The authoritative reference and input builder live on the scoring server;
editing this copy changes nothing except your own understanding.
"""

import jax, jax.numpy as jnp
import numpy as np

ALPHA = 0.1
EPS_THRESH = 1e-05


def setup_inputs(seed: int = 0) -> dict:
    key = jax.random.key(seed)
    k1, k2 = jax.random.split(key)
    x = jax.random.normal(k1, (10000, 128), dtype=jnp.float32)
    edge_index = jax.random.randint(k2, (2, 320000), 0, 10000, dtype=jnp.int32)
    return {"x": x, "edge_index": edge_index}


def _gcn_norm(edge_index, N):
    # add self loops + symmetric normalization (GCN sym norm, improved=False)
    src = edge_index[0]
    dst = edge_index[1]
    loop = jnp.arange(N, dtype=src.dtype)
    src = jnp.concatenate([src, loop])
    dst = jnp.concatenate([dst, loop])
    w = jnp.ones(src.shape[0], dtype=jnp.float32)
    deg = jnp.zeros((N,), dtype=jnp.float32).at[dst].add(w)
    deg_inv_sqrt = jnp.where(deg > 0, 1.0 / jnp.sqrt(deg), 0.0)
    norm = deg_inv_sqrt[src] * deg_inv_sqrt[dst]
    return src, dst, norm


def reference(x, edge_index):
    N = x.shape[0]
    src, dst, norm = _gcn_norm(edge_index, N)

    def propagate(pi):
        msg = norm[:, None] * pi[src]
        return jnp.zeros((N, 1), dtype=jnp.float32).at[dst].add(msg)

    # random init pi, L1-normalized (matches torch.rand / norm(p=1))
    kpi = jax.random.key(42)
    pi = jax.random.uniform(kpi, (N, 1), dtype=jnp.float32)
    pi = pi / jnp.sum(jnp.abs(pi))
    pi_prev = pi
    eps = jnp.float32(1e10)

    def cond_fun(state):
        _, _, eps = state
        return eps > EPS_THRESH

    def body_fun(state):
        pi, pi_prev, _ = state
        pi_new = (1.0 - ALPHA) * propagate(pi) + ALPHA * (1.0 / N)
        eps = jnp.linalg.norm(pi_new - pi_prev)
        return pi_new, pi_new, eps

    pi, pi_prev, eps = jax.lax.while_loop(cond_fun, body_fun, (pi, pi_prev, eps))
    return pi

if __name__ == "__main__":
    import jax
    _d = setup_inputs()
    print(jax.jit(kernel)(*tuple(_d.values())))

</pallas_src>

<mosaic_0001>
#map = affine_map<(d0, d1) -> (0)>
module attributes {stable_mosaic.version = 14 : i64} {
  func.func @pagerank(%arg0: i32, %arg1: i32, %arg2: memref<320000xi32, #tpu.memory_space<hbm>>, %arg3: memref<320000xi32, #tpu.memory_space<hbm>>, %arg4: memref<10240xf32, #tpu.memory_space<hbm>>, %arg5: memref<10240xf32, #tpu.memory_space<hbm>>, %arg6: memref<20000xi32, #tpu.memory_space<vmem>>, %arg7: memref<20000xi32, #tpu.memory_space<vmem>>, %arg8: memref<10240xf32, #tpu.memory_space<vmem>>, %arg9: memref<10240xf32, #tpu.memory_space<vmem>>, %arg10: memref<640xf32, #tpu.memory_space<vmem>>, %arg11: memref<640xf32, #tpu.memory_space<vmem>>, %arg12: memref<640xf32, #tpu.memory_space<vmem>>, %arg13: memref<16x640xf32, #tpu.memory_space<vmem>>, %arg14: memref<16xf32, #tpu.memory_space<vmem>>, %arg15: memref<16x16xf32, #tpu.memory_space<vmem>>, %arg16: memref<16x10240xf32, #tpu.memory_space<vmem_shared>>, %arg17: memref<2x10240xf32, #tpu.memory_space<vmem_shared>>, %arg18: memref<10240xf32, #tpu.memory_space<vmem_shared>>, %arg19: memref<2x16x16xf32, #tpu.memory_space<vmem_shared>>, %arg20: memref<!tpu.dma_semaphore, #tpu.memory_space<semaphore_mem>>, %arg21: memref<!tpu.dma_semaphore, #tpu.memory_space<semaphore_mem>>) attributes {dimension_semantics = [#tpu.dimension_semantics<core_parallel>, #tpu.dimension_semantics<subcore_parallel>], iteration_bounds = array<i64: 1, 16>, scalar_prefetch = 0 : i64, scratch_operands = 16 : i64, tpu.core_type = #tpu.core_type<sc_vector_subcore>, window_params = [{transform_indices = #map}, {transform_indices = #map}, {transform_indices = #map}, {transform_indices = #map}]} {
    %mul3A = arith.constant 20000 : i32
    %mul3A_0 = arith.muli %arg1, %mul3A : i32
    %mul3A_1 = arith.constant 640 : i32
    %mul3A_2 = arith.muli %arg1, %mul3A_1 : i32
    %dma_start3A = tpu.memref_slice %arg2[%mul3A_0] : memref<320000xi32, #tpu.memory_space<hbm>> -> memref<20000xi32, #tpu.memory_space<hbm>>
    %dma_start3A_3 = tpu.memref_slice %arg2[%mul3A_0] : memref<320000xi32, #tpu.memory_space<hbm>> -> memref<20000xi32, #tpu.memory_space<hbm>>
    tpu.enqueue_dma source(%dma_start3A_3 : memref<20000xi32, #tpu.memory_space<hbm>>) target(%arg6 : memref<20000xi32, #tpu.memory_space<vmem>>) target_semaphore(%arg20 : memref<!tpu.dma_semaphore, #tpu.memory_space<semaphore_mem>>)
    %dma_start3A_4 = tpu.memref_slice %arg3[%mul3A_0] : memref<320000xi32, #tpu.memory_space<hbm>> -> memref<20000xi32, #tpu.memory_space<hbm>>
    %dma_start3A_5 = tpu.memref_slice %arg3[%mul3A_0] : memref<320000xi32, #tpu.memory_space<hbm>> -> memref<20000xi32, #tpu.memory_space<hbm>>
    tpu.enqueue_dma source(%dma_start3A_5 : memref<20000xi32, #tpu.memory_space<hbm>>) target(%arg7 : memref<20000xi32, #tpu.memory_space<vmem>>) target_semaphore(%arg20 : memref<!tpu.dma_semaphore, #tpu.memory_space<semaphore_mem>>)
    %dma_start3A_6 = tpu.memref_slice %arg4[%mul3A_2] : memref<10240xf32, #tpu.memory_space<hbm>> -> memref<640xf32, #tpu.memory_space<hbm>>
    %dma_start3A_7 = tpu.memref_slice %arg4[%mul3A_2] : memref<10240xf32, #tpu.memory_space<hbm>> -> memref<640xf32, #tpu.memory_space<hbm>>
    tpu.enqueue_dma source(%dma_start3A_7 : memref<640xf32, #tpu.memory_space<hbm>>) target(%arg11 : memref<640xf32, #tpu.memory_space<vmem>>) target_semaphore(%arg20 : memref<!tpu.dma_semaphore, #tpu.memory_space<semaphore_mem>>)
    %dma_wait3A = tpu.memref_slice %arg2[%mul3A_0] : memref<320000xi32, #tpu.memory_space<hbm>> -> memref<20000xi32, #tpu.memory_space<hbm>>
    %dma_wait3A_8 = tpu.memref_slice %arg2[%mul3A_0] : memref<320000xi32, #tpu.memory_space<hbm>> -> memref<20000xi32, #tpu.memory_space<hbm>>
    tpu.wait_dma2 semaphore(%arg20 : memref<!tpu.dma_semaphore, #tpu.memory_space<semaphore_mem>>) src(%dma_wait3A_8 : memref<20000xi32, #tpu.memory_space<hbm>>) dst(%arg6 : memref<20000xi32, #tpu.memory_space<vmem>>)
    %dma_wait3A_9 = tpu.memref_slice %arg3[%mul3A_0] : memref<320000xi32, #tpu.memory_space<hbm>> -> memref<20000xi32, #tpu.memory_space<hbm>>
    %dma_wait3A_10 = tpu.memref_slice %arg3[%mul3A_0] : memref<320000xi32, #tpu.memory_space<hbm>> -> memref<20000xi32, #tpu.memory_space<hbm>>
    tpu.wait_dma2 semaphore(%arg20 : memref<!tpu.dma_semaphore, #tpu.memory_space<semaphore_mem>>) src(%dma_wait3A_10 : memref<20000xi32, #tpu.memory_space<hbm>>) dst(%arg7 : memref<20000xi32, #tpu.memory_space<vmem>>)
    %dma_wait3A_11 = tpu.memref_slice %arg4[%mul3A_2] : memref<10240xf32, #tpu.memory_space<hbm>> -> memref<640xf32, #tpu.memory_space<hbm>>
    %dma_wait3A_12 = tpu.memref_slice %arg4[%mul3A_2] : memref<10240xf32, #tpu.memory_space<hbm>> -> memref<640xf32, #tpu.memory_space<hbm>>
    tpu.wait_dma2 semaphore(%arg20 : memref<!tpu.dma_semaphore, #tpu.memory_space<semaphore_mem>>) src(%dma_wait3A_12 : memref<640xf32, #tpu.memory_space<hbm>>) dst(%arg11 : memref<640xf32, #tpu.memory_space<vmem>>)
    %broadcast_in_dim3A = arith.constant 0.000000e+00 : f32
    %broadcast_in_dim3A_13 = vector.broadcast %broadcast_in_dim3A : f32 to vector<16xf32>
    %broadcast_in_dim3A_14 = arith.constant 1.000000e+00 : f32
    %broadcast_in_dim3A_15 = vector.broadcast %broadcast_in_dim3A_14 : f32 to vector<16xf32>
    %iota3A = tpu.iota {dimensions = array<i32: 0>} : vector<16xi32>
    %scan3A = arith.constant 0 : i32
    %scan3A_16 = arith.constant 0 : i32
    %scan3A_17 = arith.constant 40 : i32
    %scan3A_18 = arith.addi %scan3A_16, %scan3A_17 : i32
    %scan3A_19 = arith.constant 1 : i32
    scf.for %scan3A_427 = %scan3A_16 to %scan3A_18 step %scan3A_19  : i32 {
      %mul3A_428 = arith.constant 16 : i32
      %mul3A_429 = arith.muli %scan3A_427, %mul3A_428 : i32
      %add3A = arith.constant 0 : i32
      %add3A_430 = arith.addi %mul3A_429, %add3A : i32
      %mul3A_431 = arith.constant 16 : i32
      %mul3A_432 = arith.muli %add3A_430, %mul3A_431 : i32
      %swap3A = arith.index_cast %mul3A_432 : i32 to index
      %swap3A_433 = tpu.vector_load %arg9[%swap3A] {strides = array<i32>} : memref<10240xf32, #tpu.memory_space<vmem>>, vector<16xf32>,
      tpu.vector_store %arg9[%swap3A], %broadcast_in_dim3A_13 {strides = array<i32>} : memref<10240xf32, #tpu.memory_space<vmem>>, vector<16xf32>,
      %mul3A_434 = arith.constant 16 : i32
      %mul3A_435 = arith.muli %scan3A_427, %mul3A_434 : i32
      %add3A_436 = arith.constant 1 : i32
      %add3A_437 = arith.addi %mul3A_435, %add3A_436 : i32
      %mul3A_438 = arith.constant 16 : i32
      %mul3A_439 = arith.muli %add3A_437, %mul3A_438 : i32
      %swap3A_440 = arith.index_cast %mul3A_439 : i32 to index
      %swap3A_441 = tpu.vector_load %arg9[%swap3A_440] {strides = array<i32>} : memref<10240xf32, #tpu.memory_space<vmem>>, vector<16xf32>,
      tpu.vector_store %arg9[%swap3A_440], %broadcast_in_dim3A_13 {strides = array<i32>} : memref<10240xf32, #tpu.memory_space<vmem>>, vector<16xf32>,
      %mul3A_442 = arith.constant 16 : i32
      %mul3A_443 = arith.muli %scan3A_427, %mul3A_442 : i32
      %add3A_444 = arith.constant 2 : i32
      %add3A_445 = arith.addi %mul3A_443, %add3A_444 : i32
      %mul3A_446 = arith.constant 16 : i32
      %mul3A_447 = arith.muli %add3A_445, %mul3A_446 : i32
      %swap3A_448 = arith.index_cast %mul3A_447 : i32 to index
      %swap3A_449 = tpu.vector_load %arg9[%swap3A_448] {strides = array<i32>} : memref<10240xf32, #tpu.memory_space<vmem>>, vector<16xf32>,
      tpu.vector_store %arg9[%swap3A_448], %broadcast_in_dim3A_13 {strides = array<i32>} : memref<10240xf32, #tpu.memory_space<vmem>>, vector<16xf32>,
      %mul3A_450 = arith.constant 16 : i32
      %mul3A_451 = arith.muli %scan3A_427, %mul3A_450 : i32
      %add3A_452 = arith.constant 3 : i32
      %add3A_453 = arith.addi %mul3A_451, %add3A_452 : i32
      %mul3A_454 = arith.constant 16 : i32
      %mul3A_455 = arith.muli %add3A_453, %mul3A_454 : i32
      %swap3A_456 = arith.index_cast %mul3A_455 : i32 to index
      %swap3A_457 = tpu.vector_load %arg9[%swap3A_456] {strides = array<i32>} : memref<10240xf32, #tpu.memory_space<vmem>>, vector<16xf32>,
      tpu.vector_store %arg9[%swap3A_456], %broadcast_in_dim3A_13 {strides = array<i32>} : memref<10240xf32, #tpu.memory_space<vmem>>, vector<16xf32>,
      %mul3A_458 = arith.constant 16 : i32
      %mul3A_459 = arith.muli %scan3A_427, %mul3A_458 : i32
      %add3A_460 = arith.constant 4 : i32
      %add3A_461 = arith.addi %mul3A_459, %add3A_460 : i32
      %mul3A_462 = arith.constant 16 : i32
      %mul3A_463 = arith.muli %add3A_461, %mul3A_462 : i32
      %swap3A_464 = arith.index_cast %mul3A_463 : i32 to index
      %swap3A_465 = tpu.vector_load %arg9[%swap3A_464] {strides = array<i32>} : memref<10240xf32, #tpu.memory_space<vmem>>, vector<16xf32>,
      tpu.vector_store %arg9[%swap3A_464], %broadcast_in_dim3A_13 {strides = array<i32>} : memref<10240xf32, #tpu.memory_space<vmem>>, vector<16xf32>,
      %mul3A_466 = arith.constant 16 : i32
      %mul3A_467 = arith.muli %scan3A_427, %mul3A_466 : i32
      %add3A_468 = arith.constant 5 : i32
      %add3A_469 = arith.addi %mul3A_467, %add3A_468 : i32
      %mul3A_470 = arith.constant 16 : i32
      %mul3A_471 = arith.muli %add3A_469, %mul3A_470 : i32
      %swap3A_472 = arith.index_cast %mul3A_471 : i32 to index
      %swap3A_473 = tpu.vector_load %arg9[%swap3A_472] {strides = array<i32>} : memref<10240xf32, #tpu.memory_space<vmem>>, vector<16xf32>,
      tpu.vector_store %arg9[%swap3A_472], %broadcast_in_dim3A_13 {strides = array<i32>} : memref<10240xf32, #tpu.memory_space<vmem>>, vector<16xf32>,
      %mul3A_474 = arith.constant 16 : i32
      %mul3A_475 = arith.muli %scan3A_427, %mul3A_474 : i32
      %add3A_476 = arith.constant 6 : i32
      %add3A_477 = arith.addi %mul3A_475, %add3A_476 : i32
      %mul3A_478 = arith.constant 16 : i32
      %mul3A_479 = arith.muli %add3A_477, %mul3A_478 : i32
      %swap3A_480 = arith.index_cast %mul3A_479 : i32 to index
      %swap3A_481 = tpu.vector_load %arg9[%swap3A_480] {strides = array<i32>} : memref<10240xf32, #tpu.memory_space<vmem>>, vector<16xf32>,
      tpu.vector_store %arg9[%swap3A_480], %broadcast_in_dim3A_13 {strides = array<i32>} : memref<10240xf32, #tpu.memory_space<vmem>>, vector<16xf32>,
      %mul3A_482 = arith.constant 16 : i32
      %mul3A_483 = arith.muli %scan3A_427, %mul3A_482 : i32
      %add3A_484 = arith.constant 7 : i32
      %add3A_485 = arith.addi %mul3A_483, %add3A_484 : i32
      %mul3A_486 = arith.constant 16 : i32
      %mul3A_487 = arith.muli %add3A_485, %mul3A_486 : i32
      %swap3A_488 = arith.index_cast %mul3A_487 : i32 to index
      %swap3A_489 = tpu.vector_load %arg9[%swap3A_488] {strides = array<i32>} : memref<10240xf32, #tpu.memory_space<vmem>>, vector<16xf32>,
      tpu.vector_store %arg9[%swap3A_488], %broadcast_in_dim3A_13 {strides = array<i32>} : memref<10240xf32, #tpu.memory_space<vmem>>, vector<16xf32>,
      %mul3A_490 = arith.constant 16 : i32
      %mul3A_491 = arith.muli %scan3A_427, %mul3A_490 : i32
      %add3A_492 = arith.constant 8 : i32
      %add3A_493 = arith.addi %mul3A_491, %add3A_492 : i32
      %mul3A_494 = arith.constant 16 : i32
      %mul3A_495 = arith.muli %add3A_493, %mul3A_494 : i32
      %swap3A_496 = arith.index_cast %mul3A_495 : i32 to index
      %swap3A_497 = tpu.vector_load %arg9[%swap3A_496] {strides = array<i32>} : memref<10240xf32, #tpu.memory_space<vmem>>, vector<16xf32>,
      tpu.vector_store %arg9[%swap3A_496], %broadcast_in_dim3A_13 {strides = array<i32>} : memref<10240xf32, #tpu.memory_space<vmem>>, vector<16xf32>,
      %mul3A_498 = arith.constant 16 : i32
      %mul3A_499 = arith.muli %scan3A_427, %mul3A_498 : i32
      %add3A_500 = arith.constant 9 : i32
      %add3A_501 = arith.addi %mul3A_499, %add3A_500 : i32
      %mul3A_502 = arith.constant 16 : i32
      %mul3A_503 = arith.muli %add3A_501, %mul3A_502 : i32
      %swap3A_504 = arith.index_cast %mul3A_503 : i32 to index
      %swap3A_505 = tpu.vector_load %arg9[%swap3A_504] {strides = array<i32>} : memref<10240xf32, #tpu.memory_space<vmem>>, vector<16xf32>,
      tpu.vector_store %arg9[%swap3A_504], %broadcast_in_dim3A_13 {strides = array<i32>} : memref<10240xf32, #tpu.memory_space<vmem>>, vector<16xf32>,
      %mul3A_506 = arith.constant 16 : i32
      %mul3A_507 = arith.muli %scan3A_427, %mul3A_506 : i32
      %add3A_508 = arith.constant 10 : i32
      %add3A_509 = arith.addi %mul3A_507, %add3A_508 : i32
      %mul3A_510 = arith.constant 16 : i32
      %mul3A_511 = arith.muli %add3A_509, %mul3A_510 : i32
      %swap3A_512 = arith.index_cast %mul3A_511 : i32 to index
      %swap3A_513 = tpu.vector_load %arg9[%swap3A_512] {strides = array<i32>} : memref<10240xf32, #tpu.memory_space<vmem>>, vector<16xf32>,
      tpu.vector_store %arg9[%swap3A_512], %broadcast_in_dim3A_13 {strides = array<i32>} : memref<10240xf32, #tpu.memory_space<vmem>>, vector<16xf32>,
      %mul3A_514 = arith.constant 16 : i32
      %mul3A_515 = arith.muli %scan3A_427, %mul3A_514 : i32
      %add3A_516 = arith.constant 11 : i32
      %add3A_517 = arith.addi %mul3A_515, %add3A_516 : i32
      %mul3A_518 = arith.constant 16 : i32
      %mul3A_519 = arith.muli %add3A_517, %mul3A_518 : i32
      %swap3A_520 = arith.index_cast %mul3A_519 : i32 to index
      %swap3A_521 = tpu.vector_load %arg9[%swap3A_520] {strides = array<i32>} : memref<10240xf32, #tpu.memory_space<vmem>>, vector<16xf32>,
      tpu.vector_store %arg9[%swap3A_520], %broadcast_in_dim3A_13 {strides = array<i32>} : memref<10240xf32, #tpu.memory_space<vmem>>, vector<16xf32>,
      %mul3A_522 = arith.constant 16 : i32
      %mul3A_523 = arith.muli %scan3A_427, %mul3A_522 : i32
      %add3A_524 = arith.constant 12 : i32
      %add3A_525 = arith.addi %mul3A_523, %add3A_524 : i32
      %mul3A_526 = arith.constant 16 : i32
      %mul3A_527 = arith.muli %add3A_525, %mul3A_526 : i32
      %swap3A_528 = arith.index_cast %mul3A_527 : i32 to index
      %swap3A_529 = tpu.vector_load %arg9[%swap3A_528] {strides = array<i32>} : memref<10240xf32, #tpu.memory_space<vmem>>, vector<16xf32>,
      tpu.vector_store %arg9[%swap3A_528], %broadcast_in_dim3A_13 {strides = array<i32>} : memref<10240xf32, #tpu.memory_space<vmem>>, vector<16xf32>,
      %mul3A_530 = arith.constant 16 : i32
      %mul3A_531 = arith.muli %scan3A_427, %mul3A_530 : i32
      %add3A_532 = arith.constant 13 : i32
      %add3A_533 = arith.addi %mul3A_531, %add3A_532 : i32
      %mul3A_534 = arith.constant 16 : i32
      %mul3A_535 = arith.muli %add3A_533, %mul3A_534 : i32
      %swap3A_536 = arith.index_cast %mul3A_535 : i32 to index
      %swap3A_537 = tpu.vector_load %arg9[%swap3A_536] {strides = array<i32>} : memref<10240xf32, #tpu.memory_space<vmem>>, vector<16xf32>,
      tpu.vector_store %arg9[%swap3A_536], %broadcast_in_dim3A_13 {strides = array<i32>} : memref<10240xf32, #tpu.memory_space<vmem>>, vector<16xf32>,
      %mul3A_538 = arith.constant 16 : i32
      %mul3A_539 = arith.muli %scan3A_427, %mul3A_538 : i32
      %add3A_540 = arith.constant 14 : i32
      %add3A_541 = arith.addi %mul3A_539, %add3A_540 : i32
      %mul3A_542 = arith.constant 16 : i32
      %mul3A_543 = arith.muli %add3A_541, %mul3A_542 : i32
      %swap3A_544 = arith.index_cast %mul3A_543 : i32 to index
      %swap3A_545 = tpu.vector_load %arg9[%swap3A_544] {strides = array<i32>} : memref<10240xf32, #tpu.memory_space<vmem>>, vector<16xf32>,
      tpu.vector_store %arg9[%swap3A_544], %broadcast_in_dim3A_13 {strides = array<i32>} : memref<10240xf32, #tpu.memory_space<vmem>>, vector<16xf32>,
      %mul3A_546 = arith.constant 16 : i32
      %mul3A_547 = arith.muli %scan3A_427, %mul3A_546 : i32
      %add3A_548 = arith.constant 15 : i32
      %add3A_549 = arith.addi %mul3A_547, %add3A_548 : i32
      %mul3A_550 = arith.constant 16 : i32
      %mul3A_551 = arith.muli %add3A_549, %mul3A_550 : i32
      %swap3A_552 = arith.index_cast %mul3A_551 : i32 to index
      %swap3A_553 = tpu.vector_load %arg9[%swap3A_552] {strides = array<i32>} : memref<10240xf32, #tpu.memory_space<vmem>>, vector<16xf32>,
      tpu.vector_store %arg9[%swap3A_552], %broadcast_in_dim3A_13 {strides = array<i32>} : memref<10240xf32, #tpu.memory_space<vmem>>, vector<16xf32>,
    }
    %scan3A_20 = arith.constant 40 : i32
    "tpu.region"() ({
      %run_scoped3A_427 = tpu.sem_alloc : memref<!tpu.dma_semaphore, #tpu.memory_space<semaphore_mem>>
      %dma_start3A_428 = tpu.memref_slice %arg9[%mul3A_2] : memref<10240xf32, #tpu.memory_space<vmem>> -> memref<640xf32, #tpu.memory_space<vmem>>
      %dma_start3A_429 = tpu.memref_slice %arg18[%mul3A_2] : memref<10240xf32, #tpu.memory_space<vmem_shared>> -> memref<640xf32, #tpu.memory_space<vmem_shared>>
      %dma_start3A_430 = tpu.memref_slice %arg18[%mul3A_2] : memref<10240xf32, #tpu.memory_space<vmem_shared>> -> memref<640xf32, #tpu.memory_space<vmem_shared>>
      %dma_start3A_431 = tpu.memref_slice %arg9[%mul3A_2] : memref<10240xf32, #tpu.memory_space<vmem>> -> memref<640xf32, #tpu.memory_space<vmem>>
      tpu.enqueue_dma source(%dma_start3A_431 : memref<640xf32, #tpu.memory_space<vmem>>) target(%dma_start3A_430 : memref<640xf32, #tpu.memory_space<vmem_shared>>) target_semaphore(%run_scoped3A_427 : memref<!tpu.dma_semaphore, #tpu.memory_space<semaphore_mem>>)
      %dma_wait3A_432 = tpu.memref_slice %arg9[%mul3A_2] : memref<10240xf32, #tpu.memory_space<vmem>> -> memref<640xf32, #tpu.memory_space<vmem>>
      %dma_wait3A_433 = tpu.memref_slice %arg18[%mul3A_2] : memref<10240xf32, #tpu.memory_space<vmem_shared>> -> memref<640xf32, #tpu.memory_space<vmem_shared>>
      %dma_wait3A_434 = tpu.memref_slice %arg18[%mul3A_2] : memref<10240xf32, #tpu.memory_space<vmem_shared>> -> memref<640xf32, #tpu.memory_space<vmem_shared>>
      %dma_wait3A_435 = tpu.memref_slice %arg9[%mul3A_2] : memref<10240xf32, #tpu.memory_space<vmem>> -> memref<640xf32, #tpu.memory_space<vmem>>
      tpu.wait_dma2 semaphore(%run_scoped3A_427 : memref<!tpu.dma_semaphore, #tpu.memory_space<semaphore_mem>>) src(%dma_wait3A_435 : memref<640xf32, #tpu.memory_space<vmem>>) dst(%dma_wait3A_434 : memref<640xf32, #tpu.memory_space<vmem_shared>>)
      tpu.yield
    }) : () -> ()
    %scan3A_21 = arith.constant 0 : i32
    %scan3A_22 = arith.constant 0 : i32
    %scan3A_23 = arith.constant 25 : i32
    %scan3A_24 = arith.addi %scan3A_22, %scan3A_23 : i32
    %scan3A_25 = arith.constant 1 : i32
    scf.for %scan3A_427 = %scan3A_22 to %scan3A_24 step %scan3A_25  : i32 {
      %mul3A_428 = arith.constant 50 : i32
      %mul3A_429 = arith.muli %scan3A_427, %mul3A_428 : i32
      %add3A = arith.constant 0 : i32
      %add3A_430 = arith.addi %mul3A_429, %add3A : i32
      %mul3A_431 = arith.constant 16 : i32
      %mul3A_432 = arith.muli %add3A_430, %mul3A_431 : i32
      %get3A = arith.index_cast %mul3A_432 : i32 to index
      %get3A_433 = tpu.vector_load %arg7[%get3A] {strides = array<i32>} : memref<20000xi32, #tpu.memory_space<vmem>>, vector<16xi32>,
      tpu.vector_store_idx %arg9[%get3A_433], %broadcast_in_dim3A_15 {add = true} : memref<10240xf32, #tpu.memory_space<vmem>>[vector<16xi32>], vector<16xf32>,
      %mul3A_434 = arith.constant 50 : i32
      %mul3A_435 = arith.muli %scan3A_427, %mul3A_434 : i32
      %add3A_436 = arith.constant 1 : i32
      %add3A_437 = arith.addi %mul3A_435, %add3A_436 : i32
      %mul3A_438 = arith.constant 16 : i32
      %mul3A_439 = arith.muli %add3A_437, %mul3A_438 : i32
      %get3A_440 = arith.index_cast %mul3A_439 : i32 to index
      %get3A_441 = tpu.vector_load %arg7[%get3A_440] {strides = array<i32>} : memref<20000xi32, #tpu.memory_space<vmem>>, vector<16xi32>,
      tpu.vector_store_idx %arg9[%get3A_441], %broadcast_in_dim3A_15 {add = true} : memref<10240xf32, #tpu.memory_space<vmem>>[vector<16xi32>], vector<16xf32>,
      %mul3A_442 = arith.constant 50 : i32
      %mul3A_443 = arith.muli %scan3A_427, %mul3A_442 : i32
      %add3A_444 = arith.constant 2 : i32
      %add3A_445 = arith.addi %mul3A_443, %add3A_444 : i32
      %mul3A_446 = arith.constant 16 : i32
      %mul3A_447 = arith.muli %add3A_445, %mul3A_446 : i32
      %get3A_448 = arith.index_cast %mul3A_447 : i32 to index
      %get3A_449 = tpu.vector_load %arg7[%get3A_448] {strides = array<i32>} : memref<20000xi32, #tpu.memory_space<vmem>>, vector<16xi32>,
      tpu.vector_store_idx %arg9[%get3A_449], %broadcast_in_dim3A_15 {add = true} : memref<10240xf32, #tpu.memory_space<vmem>>[vector<16xi32>], vector<16xf32>,
      %mul3A_450 = arith.constant 50 : i32
      %mul3A_451 = arith.muli %scan3A_427, %mul3A_450 : i32
      %add3A_452 = arith.constant 3 : i32
      %add3A_453 = arith.addi %mul3A_451, %add3A_452 : i32
      %mul3A_454 = arith.constant 16 : i32
      %mul3A_455 = arith.muli %add3A_453, %mul3A_454 : i32
      %get3A_456 = arith.index_cast %mul3A_455 : i32 to index
      %get3A_457 = tpu.vector_load %arg7[%get3A_456] {strides = array<i32>} : memref<20000xi32, #tpu.memory_space<vmem>>, vector<16xi32>,
      tpu.vector_store_idx %arg9[%get3A_457], %broadcast_in_dim3A_15 {add = true} : memref<10240xf32, #tpu.memory_space<vmem>>[vector<16xi32>], vector<16xf32>,
      %mul3A_458 = arith.constant 50 : i32
      %mul3A_459 = arith.muli %scan3A_427, %mul3A_458 : i32
      %add3A_460 = arith.constant 4 : i32
      %add3A_461 = arith.addi %mul3A_459, %add3A_460 : i32
      %mul3A_462 = arith.constant 16 : i32
      %mul3A_463 = arith.muli %add3A_461, %mul3A_462 : i32
      %get3A_464 = arith.index_cast %mul3A_463 : i32 to index
      %get3A_465 = tpu.vector_load %arg7[%get3A_464] {strides = array<i32>} : memref<20000xi32, #tpu.memory_space<vmem>>, vector<16xi32>,
      tpu.vector_store_idx %arg9[%get3A_465], %broadcast_in_dim3A_15 {add = true} : memref<10240xf32, #tpu.memory_space<vmem>>[vector<16xi32>], vector<16xf32>,
      %mul3A_466 = arith.constant 50 : i32
      %mul3A_467 = arith.muli %scan3A_427, %mul3A_466 : i32
      %add3A_468 = arith.constant 5 : i32
      %add3A_469 = arith.addi %mul3A_467, %add3A_468 : i32
      %mul3A_470 = arith.constant 16 : i32
      %mul3A_471 = arith.muli %add3A_469, %mul3A_470 : i32
      %get3A_472 = arith.index_cast %mul3A_471 : i32 to index
      %get3A_473 = tpu.vector_load %arg7[%get3A_472] {strides = array<i32>} : memref<20000xi32, #tpu.memory_space<vmem>>, vector<16xi32>,
      tpu.vector_store_idx %arg9[%get3A_473], %broadcast_in_dim3A_15 {add = true} : memref<10240xf32, #tpu.memory_space<vmem>>[vector<16xi32>], vector<16xf32>,
      %mul3A_474 = arith.constant 50 : i32
      %mul3A_475 = arith.muli %scan3A_427, %mul3A_474 : i32
      %add3A_476 = arith.constant 6 : i32
      %add3A_477 = arith.addi %mul3A_475, %add3A_476 : i32
      %mul3A_478 = arith.constant 16 : i32
      %mul3A_479 = arith.muli %add3A_477, %mul3A_478 : i32
      %get3A_480 = arith.index_cast %mul3A_479 : i32 to index
      %get3A_481 = tpu.vector_load %arg7[%get3A_480] {strides = array<i32>} : memref<20000xi32, #tpu.memory_space<vmem>>, vector<16xi32>,
      tpu.vector_store_idx %arg9[%get3A_481], %broadcast_in_dim3A_15 {add = true} : memref<10240xf32, #tpu.memory_space<vmem>>[vector<16xi32>], vector<16xf32>,
      %mul3A_482 = arith.constant 50 : i32
      %mul3A_483 = arith.muli %scan3A_427, %mul3A_482 : i32
      %add3A_484 = arith.constant 7 : i32
      %add3A_485 = arith.addi %mul3A_483, %add3A_484 : i32
      %mul3A_486 = arith.constant 16 : i32
      %mul3A_487 = arith.muli %add3A_485, %mul3A_486 : i32
      %get3A_488 = arith.index_cast %mul3A_487 : i32 to index
      %get3A_489 = tpu.vector_load %arg7[%get3A_488] {strides = array<i32>} : memref<20000xi32, #tpu.memory_space<vmem>>, vector<16xi32>,
      tpu.vector_store_idx %arg9[%get3A_489], %broadcast_in_dim3A_15 {add = true} : memref<10240xf32, #tpu.memory_space<vmem>>[vector<16xi32>], vector<16xf32>,
      %mul3A_490 = arith.constant 50 : i32
      %mul3A_491 = arith.muli %scan3A_427, %mul3A_490 : i32
      %add3A_492 = arith.constant 8 : i32
      %add3A_493 = arith.addi %mul3A_491, %add3A_492 : i32
      %mul3A_494 = arith.constant 16 : i32
      %mul3A_495 = arith.muli %add3A_493, %mul3A_494 : i32
      %get3A_496 = arith.index_cast %mul3A_495 : i32 to index
      %get3A_497 = tpu.vector_load %arg7[%get3A_496] {strides = array<i32>} : memref<20000xi32, #tpu.memory_space<vmem>>, vector<16xi32>,
      tpu.vector_store_idx %arg9[%get3A_497], %broadcast_in_dim3A_15 {add = true} : memref<10240xf32, #tpu.memory_space<vmem>>[vector<16xi32>], vector<16xf32>,
      %mul3A_498 = arith.constant 50 : i32
      %mul3A_499 = arith.muli %scan3A_427, %mul3A_498 : i32
      %add3A_500 = arith.constant 9 : i32
      %add3A_501 = arith.addi %mul3A_499, %add3A_500 : i32
      %mul3A_502 = arith.constant 16 : i32
      %mul3A_503 = arith.muli %add3A_501, %mul3A_502 : i32
      %get3A_504 = arith.index_cast %mul3A_503 : i32 to index
      %get3A_505 = tpu.vector_load %arg7[%get3A_504] {strides = array<i32>} : memref<20000xi32, #tpu.memory_space<vmem>>, vector<16xi32>,
      tpu.vector_store_idx %arg9[%get3A_505], %broadcast_in_dim3A_15 {add = true} : memref<10240xf32, #tpu.memory_space<vmem>>[vector<16xi32>], vector<16xf32>,
      %mul3A_506 = arith.constant 50 : i32
      %mul3A_507 = arith.muli %scan3A_427, %mul3A_506 : i32
      %add3A_508 = arith.constant 10 : i32
      %add3A_509 = arith.addi %mul3A_507, %add3A_508 : i32
      %mul3A_510 = arith.constant 16 : i32
      %mul3A_511 = arith.muli %add3A_509, %mul3A_510 : i32
      %get3A_512 = arith.index_cast %mul3A_511 : i32 to index
      %get3A_513 = tpu.vector_load %arg7[%get3A_512] {strides = array<i32>} : memref<20000xi32, #tpu.memory_space<vmem>>, vector<16xi32>,
      tpu.vector_store_idx %arg9[%get3A_513], %broadcast_in_dim3A_15 {add = true} : memref<10240xf32, #tpu.memory_space<vmem>>[vector<16xi32>], vector<16xf32>,
      %mul3A_514 = arith.constant 50 : i32
      %mul3A_515 = arith.muli %scan3A_427, %mul3A_514 : i32
      %add3A_516 = arith.constant 11 : i32
      %add3A_517 = arith.addi %mul3A_515, %add3A_516 : i32
      %mul3A_518 = arith.constant 16 : i32
      %mul3A_519 = arith.muli %add3A_517, %mul3A_518 : i32
      %get3A_520 = arith.index_cast %mul3A_519 : i32 to index
      %get3A_521 = tpu.vector_load %arg7[%get3A_520] {strides = array<i32>} : memref<20000xi32, #tpu.memory_space<vmem>>, vector<16xi32>,
      tpu.vector_store_idx %arg9[%get3A_521], %broadcast_in_dim3A_15 {add = true} : memref<10240xf32, #tpu.memory_space<vmem>>[vector<16xi32>], vector<16xf32>,
      %mul3A_522 = arith.constant 50 : i32
      %mul3A_523 = arith.muli %scan3A_427, %mul3A_522 : i32
      %add3A_524 = arith.constant 12 : i32
      %add3A_525 = arith.addi %mul3A_523, %add3A_524 : i32
      %mul3A_526 = arith.constant 16 : i32
      %mul3A_527 = arith.muli %add3A_525, %mul3A_526 : i32
      %get3A_528 = arith.index_cast %mul3A_527 : i32 to index
      %get3A_529 = tpu.vector_load %arg7[%get3A_528] {strides = array<i32>} : memref<20000xi32, #tpu.memory_space<vmem>>, vector<16xi32>,
      tpu.vector_store_idx %arg9[%get3A_529], %broadcast_in_dim3A_15 {add = true} : memref<10240xf32, #tpu.memory_space<vmem>>[vector<16xi32>], vector<16xf32>,
      %mul3A_530 = arith.constant 50 : i32
      %mul3A_531 = arith.muli %scan3A_427, %mul3A_530 : i32
      %add3A_532 = arith.constant 13 : i32
      %add3A_533 = arith.addi %mul3A_531, %add3A_532 : i32
      %mul3A_534 = arith.constant 16 : i32
      %mul3A_535 = arith.muli %add3A_533, %mul3A_534 : i32
      %get3A_536 = arith.index_cast %mul3A_535 : i32 to index
      %get3A_537 = tpu.vector_load %arg7[%get3A_536] {strides = array<i32>} : memref<20000xi32, #tpu.memory_space<vmem>>, vector<16xi32>,
      tpu.vector_store_idx %arg9[%get3A_537], %broadcast_in_dim3A_15 {add = true} : memref<10240xf32, #tpu.memory_space<vmem>>[vector<16xi32>], vector<16xf32>,
      %mul3A_538 = arith.constant 50 : i32
      %mul3A_539 = arith.muli %scan3A_427, %mul3A_538 : i32
      %add3A_540 = arith.constant 14 : i32
      %add3A_541 = arith.addi %mul3A_539, %add3A_540 : i32
      %mul3A_542 = arith.constant 16 : i32
      %mul3A_543 = arith.muli %add3A_541, %mul3A_542 : i32
      %get3A_544 = arith.index_cast %mul3A_543 : i32 to index
      %get3A_545 = tpu.vector_load %arg7[%get3A_544] {strides = array<i32>} : memref<20000xi32, #tpu.memory_space<vmem>>, vector<16xi32>,
      tpu.vector_store_idx %arg9[%get3A_545], %broadcast_in_dim3A_15 {add = true} : memref<10240xf32, #tpu.memory_space<vmem>>[vector<16xi32>], vector<16xf32>,
      %mul3A_546 = arith.constant 50 : i32
      %mul3A_547 = arith.muli %scan3A_427, %mul3A_546 : i32
      %add3A_548 = arith.constant 15 : i32
      %add3A_549 = arith.addi %mul3A_547, %add3A_548 : i32
      %mul3A_550 = arith.constant 16 : i32
      %mul3A_551 = arith.muli %add3A_549, %mul3A_550 : i32
      %get3A_552 = arith.index_cast %mul3A_551 : i32 to index
      %get3A_553 = tpu.vector_load %arg7[%get3A_552] {strides = array<i32>} : memref<20000xi32, #tpu.memory_space<vmem>>, vector<16xi32>,
      tpu.vector_store_idx %arg9[%get3A_553], %broadcast_in_dim3A_15 {add = true} : memref<10240xf32, #tpu.memory_space<vmem>>[vector<16xi32>], vector<16xf32>,
      %mul3A_554 = arith.constant 50 : i32
      %mul3A_555 = arith.muli %scan3A_427, %mul3A_554 : i32
      %add3A_556 = arith.constant 16 : i32
      %add3A_557 = arith.addi %mul3A_555, %add3A_556 : i32
      %mul3A_558 = arith.constant 16 : i32
      %mul3A_559 = arith.muli %add3A_557, %mul3A_558 : i32
      %get3A_560 = arith.index_cast %mul3A_559 : i32 to index
      %get3A_561 = tpu.vector_load %arg7[%get3A_560] {strides = array<i32>} : memref<20000xi32, #tpu.memory_space<vmem>>, vector<16xi32>,
      tpu.vector_store_idx %arg9[%get3A_561], %broadcast_in_dim3A_15 {add = true} : memref<10240xf32, #tpu.memory_space<vmem>>[vector<16xi32>], vector<16xf32>,
      %mul3A_562 = arith.constant 50 : i32
      %mul3A_563 = arith.muli %scan3A_427, %mul3A_562 : i32
      %add3A_564 = arith.constant 17 : i32
      %add3A_565 = arith.addi %mul3A_563, %add3A_564 : i32
      %mul3A_566 = arith.constant 16 : i32
      %mul3A_567 = arith.muli %add3A_565, %mul3A_566 : i32
      %get3A_568 = arith.index_cast %mul3A_567 : i32 to index
      %get3A_569 = tpu.vector_load %arg7[%get3A_568] {strides = array<i32>} : memref<20000xi32, #tpu.memory_space<vmem>>, vector<16xi32>,
      tpu.vector_store_idx %arg9[%get3A_569], %broadcast_in_dim3A_15 {add = true} : memref<10240xf32, #tpu.memory_space<vmem>>[vector<16xi32>], vector<16xf32>,
      %mul3A_570 = arith.constant 50 : i32
      %mul3A_571 = arith.muli %scan3A_427, %mul3A_570 : i32
      %add3A_572 = arith.constant 18 : i32
      %add3A_573 = arith.addi %mul3A_571, %add3A_572 : i32
      %mul3A_574 = arith.constant 16 : i32
      %mul3A_575 = arith.muli %add3A_573, %mul3A_574 : i32
      %get3A_576 = arith.index_cast %mul3A_575 : i32 to index
      %get3A_577 = tpu.vector_load %arg7[%get3A_576] {strides = array<i32>} : memref<20000xi32, #tpu.memory_space<vmem>>, vector<16xi32>,
      tpu.vector_store_idx %arg9[%get3A_577], %broadcast_in_dim3A_15 {add = true} : memref<10240xf32, #tpu.memory_space<vmem>>[vector<16xi32>], vector<16xf32>,
      %mul3A_578 = arith.constant 50 : i32
      %mul3A_579 = arith.muli %scan3A_427, %mul3A_578 : i32
      %add3A_580 = arith.constant 19 : i32
      %add3A_581 = arith.addi %mul3A_579, %add3A_580 : i32
      %mul3A_582 = arith.constant 16 : i32
      %mul3A_583 = arith.muli %add3A_581, %mul3A_582 : i32
      %get3A_584 = arith.index_cast %mul3A_583 : i32 to index
      %get3A_585 = tpu.vector_load %arg7[%get3A_584] {strides = array<i32>} : memref<20000xi32, #tpu.memory_space<vmem>>, vector<16xi32>,
      tpu.vector_store_idx %arg9[%get3A_585], %broadcast_in_dim3A_15 {add = true} : memref<10240xf32, #tpu.memory_space<vmem>>[vector<16xi32>], vector<16xf32>,
      %mul3A_586 = arith.constant 50 : i32
      %mul3A_587 = arith.muli %scan3A_427, %mul3A_586 : i32
      %add3A_588 = arith.constant 20 : i32
      %add3A_589 = arith.addi %mul3A_587, %add3A_588 : i32
      %mul3A_590 = arith.constant 16 : i32
      %mul3A_591 = arith.muli %add3A_589, %mul3A_590 : i32
      %get3A_592 = arith.index_cast %mul3A_591 : i32 to index
      %get3A_593 = tpu.vector_load %arg7[%get3A_592] {strides = array<i32>} : memref<20000xi32, #tpu.memory_space<vmem>>, vector<16xi32>,
      tpu.vector_store_idx %arg9[%get3A_593], %broadcast_in_dim3A_15 {add = true} : memref<10240xf32, #tpu.memory_space<vmem>>[vector<16xi32>], vector<16xf32>,
      %mul3A_594 = arith.constant 50 : i32
      %mul3A_595 = arith.muli %scan3A_427, %mul3A_594 : i32
      %add3A_596 = arith.constant 21 : i32
      %add3A_597 = arith.addi %mul3A_595, %add3A_596 : i32
      %mul3A_598 = arith.constant 16 : i32
      %mul3A_599 = arith.muli %add3A_597, %mul3A_598 : i32
      %get3A_600 = arith.index_cast %mul3A_599 : i32 to index
      %get3A_601 = tpu.vector_load %arg7[%get3A_600] {strides = array<i32>} : memref<20000xi32, #tpu.memory_space<vmem>>, vector<16xi32>,
      tpu.vector_store_idx %arg9[%get3A_601], %broadcast_in_dim3A_15 {add = true} : memref<10240xf32, #tpu.memory_space<vmem>>[vector<16xi32>], vector<16xf32>,
      %mul3A_602 = arith.constant 50 : i32
      %mul3A_603 = arith.muli %scan3A_427, %mul3A_602 : i32
      %add3A_604 = arith.constant 22 : i32
      %add3A_605 = arith.addi %mul3A_603, %add3A_604 : i32
      %mul3A_606 = arith.constant 16 : i32
      %mul3A_607 = arith.muli %add3A_605, %mul3A_606 : i32
      %get3A_608 = arith.index_cast %mul3A_607 : i32 to index
      %get3A_609 = tpu.vector_load %arg7[%get3A_608] {strides = array<i32>} : memref<20000xi32, #tpu.memory_space<vmem>>, vector<16xi32>,
      tpu.vector_store_idx %arg9[%get3A_609], %broadcast_in_dim3A_15 {add = true} : memref<10240xf32, #tpu.memory_space<vmem>>[vector<16xi32>], vector<16xf32>,
      %mul3A_610 = arith.constant 50 : i32
      %mul3A_611 = arith.muli %scan3A_427, %mul3A_610 : i32
      %add3A_612 = arith.constant 23 : i32
      %add3A_613 = arith.addi %mul3A_611, %add3A_612 : i32
      %mul3A_614 = arith.constant 16 : i32
      %mul3A_615 = arith.muli %add3A_613, %mul3A_614 : i32
      %get3A_616 = arith.index_cast %mul3A_615 : i32 to index
      %get3A_617 = tpu.vector_load %arg7[%get3A_616] {strides = array<i32>} : memref<20000xi32, #tpu.memory_space<vmem>>, vector<16xi32>,
      tpu.vector_store_idx %arg9[%get3A_617], %broadcast_in_dim3A_15 {add = true} : memref<10240xf32, #tpu.memory_space<vmem>>[vector<16xi32>], vector<16xf32>,
      %mul3A_618 = arith.constant 50 : i32
      %mul3A_619 = arith.muli %scan3A_427, %mul3A_618 : i32
      %add3A_620 = arith.constant 24 : i32
      %add3A_621 = arith.addi %mul3A_619, %add3A_620 : i32
      %mul3A_622 = arith.constant 16 : i32
      %mul3A_623 = arith.muli %add3A_621, %mul3A_622 : i32
      %get3A_624 = arith.index_cast %mul3A_623 : i32 to index
      %get3A_625 = tpu.vector_load %arg7[%get3A_624] {strides = array<i32>} : memref<20000xi32, #tpu.memory_space<vmem>>, vector<16xi32>,
      tpu.vector_store_idx %arg9[%get3A_625], %broadcast_in_dim3A_15 {add = true} : memref<10240xf32, #tpu.memory_space<vmem>>[vector<16xi32>], vector<16xf32>,
      %mul3A_626 = arith.constant 50 : i32
      %mul3A_627 = arith.muli %scan3A_427, %mul3A_626 : i32
      %add3A_628 = arith.constant 25 : i32
      %add3A_629 = arith.addi %mul3A_627, %add3A_628 : i32
      %mul3A_630 = arith.constant 16 : i32
      %mul3A_631 = arith.muli %add3A_629, %mul3A_630 : i32
      %get3A_632 = arith.index_cast %mul3A_631 : i32 to index
      %get3A_633 = tpu.vector_load %arg7[%get3A_632] {strides = array<i32>} : memref<20000xi32, #tpu.memory_space<vmem>>, vector<16xi32>,
      tpu.vector_store_idx %arg9[%get3A_633], %broadcast_in_dim3A_15 {add = true} : memref<10240xf32, #tpu.memory_space<vmem>>[vector<16xi32>], vector<16xf32>,
      %mul3A_634 = arith.constant 50 : i32
      %mul3A_635 = arith.muli %scan3A_427, %mul3A_634 : i32
      %add3A_636 = arith.constant 26 : i32
      %add3A_637 = arith.addi %mul3A_635, %add3A_636 : i32
      %mul3A_638 = arith.constant 16 : i32
      %mul3A_639 = arith.muli %add3A_637, %mul3A_638 : i32
      %get3A_640 = arith.index_cast %mul3A_639 : i32 to index
      %get3A_641 = tpu.vector_load %arg7[%get3A_640] {strides = array<i32>} : memref<20000xi32, #tpu.memory_space<vmem>>, vector<16xi32>,
      tpu.vector_store_idx %arg9[%get3A_641], %broadcast_in_dim3A_15 {add = true} : memref<10240xf32, #tpu.memory_space<vmem>>[vector<16xi32>], vector<16xf32>,
      %mul3A_642 = arith.constant 50 : i32
      %mul3A_643 = arith.muli %scan3A_427, %mul3A_642 : i32
      %add3A_644 = arith.constant 27 : i32
      %add3A_645 = arith.addi %mul3A_643, %add3A_644 : i32
      %mul3A_646 = arith.constant 16 : i32
      %mul3A_647 = arith.muli %add3A_645, %mul3A_646 : i32
      %get3A_648 = arith.index_cast %mul3A_647 : i32 to index
      %get3A_649 = tpu.vector_load %arg7[%get3A_648] {strides = array<i32>} : memref<20000xi32, #tpu.memory_space<vmem>>, vector<16xi32>,
      tpu.vector_store_idx %arg9[%get3A_649], %broadcast_in_dim3A_15 {add = true} : memref<10240xf32, #tpu.memory_space<vmem>>[vector<16xi32>], vector<16xf32>,
      %mul3A_650 = arith.constant 50 : i32
      %mul3A_651 = arith.muli %scan3A_427, %mul3A_650 : i32
      %add3A_652 = arith.constant 28 : i32
      %add3A_653 = arith.addi %mul3A_651, %add3A_652 : i32
      %mul3A_654 = arith.constant 16 : i32
      %mul3A_655 = arith.muli %add3A_653, %mul3A_654 : i32
      %get3A_656 = arith.index_cast %mul3A_655 : i32 to index
      %get3A_657 = tpu.vector_load %arg7[%get3A_656] {strides = array<i32>} : memref<20000xi32, #tpu.memory_space<vmem>>, vector<16xi32>,
      tpu.vector_store_idx %arg9[%get3A_657], %broadcast_in_dim3A_15 {add = true} : memref<10240xf32, #tpu.memory_space<vmem>>[vector<16xi32>], vector<16xf32>,
      %mul3A_658 = arith.constant 50 : i32
      %mul3A_659 = arith.muli %scan3A_427, %mul3A_658 : i32
      %add3A_660 = arith.constant 29 : i32
      %add3A_661 = arith.addi %mul3A_659, %add3A_660 : i32
      %mul3A_662 = arith.constant 16 : i32
      %mul3A_663 = arith.muli %add3A_661, %mul3A_662 : i32
      %get3A_664 = arith.index_cast %mul3A_663 : i32 to index
      %get3A_665 = tpu.vector_load %arg7[%get3A_664] {strides = array<i32>} : memref<20000xi32, #tpu.memory_space<vmem>>, vector<16xi32>,
      tpu.vector_store_idx %arg9[%get3A_665], %broadcast_in_dim3A_15 {add = true} : memref<10240xf32, #tpu.memory_space<vmem>>[vector<16xi32>], vector<16xf32>,
      %mul3A_666 = arith.constant 50 : i32
      %mul3A_667 = arith.muli %scan3A_427, %mul3A_666 : i32
      %add3A_668 = arith.constant 30 : i32
      %add3A_669 = arith.addi %mul3A_667, %add3A_668 : i32
      %mul3A_670 = arith.constant 16 : i32
      %mul3A_671 = arith.muli %add3A_669, %mul3A_670 : i32
      %get3A_672 = arith.index_cast %mul3A_671 : i32 to index
      %get3A_673 = tpu.vector_load %arg7[%get3A_672] {strides = array<i32>} : memref<20000xi32, #tpu.memory_space<vmem>>, vector<16xi32>,
      tpu.vector_store_idx %arg9[%get3A_673], %broadcast_in_dim3A_15 {add = true} : memref<10240xf32, #tpu.memory_space<vmem>>[vector<16xi32>], vector<16xf32>,
      %mul3A_674 = arith.constant 50 : i32
      %mul3A_675 = arith.muli %scan3A_427, %mul3A_674 : i32
      %add3A_676 = arith.constant 31 : i32
      %add3A_677 = arith.addi %mul3A_675, %add3A_676 : i32
      %mul3A_678 = arith.constant 16 : i32
      %mul3A_679 = arith.muli %add3A_677, %mul3A_678 : i32
      %get3A_680 = arith.index_cast %mul3A_679 : i32 to index
      %get3A_681 = tpu.vector_load %arg7[%get3A_680] {strides = array<i32>} : memref<20000xi32, #tpu.memory_space<vmem>>, vector<16xi32>,
      tpu.vector_store_idx %arg9[%get3A_681], %broadcast_in_dim3A_15 {add = true} : memref<10240xf32, #tpu.memory_space<vmem>>[vector<16xi32>], vector<16xf32>,
      %mul3A_682 = arith.constant 50 : i32
      %mul3A_683 = arith.muli %scan3A_427, %mul3A_682 : i32
      %add3A_684 = arith.constant 32 : i32
      %add3A_685 = arith.addi %mul3A_683, %add3A_684 : i32
      %mul3A_686 = arith.constant 16 : i32
      %mul3A_687 = arith.muli %add3A_685, %mul3A_686 : i32
      %get3A_688 = arith.index_cast %mul3A_687 : i32 to index
      %get3A_689 = tpu.vector_load %arg7[%get3A_688] {strides = array<i32>} : memref<20000xi32, #tpu.memory_space<vmem>>, vector<16xi32>,
      tpu.vector_store_idx %arg9[%get3A_689], %broadcast_in_dim3A_15 {add = true} : memref<10240xf32, #tpu.memory_space<vmem>>[vector<16xi32>], vector<16xf32>,
      %mul3A_690 = arith.constant 50 : i32
      %mul3A_691 = arith.muli %scan3A_427, %mul3A_690 : i32
      %add3A_692 = arith.constant 33 : i32
      %add3A_693 = arith.addi %mul3A_691, %add3A_692 : i32
      %mul3A_694 = arith.constant 16 : i32
      %mul3A_695 = arith.muli %add3A_693, %mul3A_694 : i32
      %get3A_696 = arith.index_cast %mul3A_695 : i32 to index
      %get3A_697 = tpu.vector_load %arg7[%get3A_696] {strides = array<i32>} : memref<20000xi32, #tpu.memory_space<vmem>>, vector<16xi32>,
      tpu.vector_store_idx %arg9[%get3A_697], %broadcast_in_dim3A_15 {add = true} : memref<10240xf32, #tpu.memory_space<vmem>>[vector<16xi32>], vector<16xf32>,
      %mul3A_698 = arith.constant 50 : i32
      %mul3A_699 = arith.muli %scan3A_427, %mul3A_698 : i32
      %add3A_700 = arith.constant 34 : i32
      %add3A_701 = arith.addi %mul3A_699, %add3A_700 : i32
      %mul3A_702 = arith.constant 16 : i32
      %mul3A_703 = arith.muli %add3A_701, %mul3A_702 : i32
      %get3A_704 = arith.index_cast %mul3A_703 : i32 to index
      %get3A_705 = tpu.vector_load %arg7[%get3A_704] {strides = array<i32>} : memref<20000xi32, #tpu.memory_space<vmem>>, vector<16xi32>,
      tpu.vector_store_idx %arg9[%get3A_705], %broadcast_in_dim3A_15 {add = true} : memref<10240xf32, #tpu.memory_space<vmem>>[vector<16xi32>], vector<16xf32>,
      %mul3A_706 = arith.constant 50 : i32
      %mul3A_707 = arith.muli %scan3A_427, %mul3A_706 : i32
      %add3A_708 = arith.constant 35 : i32
      %add3A_709 = arith.addi %mul3A_707, %add3A_708 : i32
      %mul3A_710 = arith.constant 16 : i32
      %mul3A_711 = arith.muli %add3A_709, %mul3A_710 : i32
      %get3A_712 = arith.index_cast %mul3A_711 : i32 to index
      %get3A_713 = tpu.vector_load %arg7[%get3A_712] {strides = array<i32>} : memref<20000xi32, #tpu.memory_space<vmem>>, vector<16xi32>,
      tpu.vector_store_idx %arg9[%get3A_713], %broadcast_in_dim3A_15 {add = true} : memref<10240xf32, #tpu.memory_space<vmem>>[vector<16xi32>], vector<16xf32>,
      %mul3A_714 = arith.constant 50 : i32
      %mul3A_715 = arith.muli %scan3A_427, %mul3A_714 : i32
      %add3A_716 = arith.constant 36 : i32
      %add3A_717 = arith.addi %mul3A_715, %add3A_716 : i32
      %mul3A_718 = arith.constant 16 : i32
      %mul3A_719 = arith.muli %add3A_717, %mul3A_718 : i32
      %get3A_720 = arith.index_cast %mul3A_719 : i32 to index
      %get3A_721 = tpu.vector_load %arg7[%get3A_720] {strides = array<i32>} : memref<20000xi32, #tpu.memory_space<vmem>>, vector<16xi32>,
      tpu.vector_store_idx %arg9[%get3A_721], %broadcast_in_dim3A_15 {add = true} : memref<10240xf32, #tpu.memory_space<vmem>>[vector<16xi32>], vector<16xf32>,
      %mul3A_722 = arith.constant 50 : i32
      %mul3A_723 = arith.muli %scan3A_427, %mul3A_722 : i32
      %add3A_724 = arith.constant 37 : i32
      %add3A_725 = arith.addi %mul3A_723, %add3A_724 : i32
      %mul3A_726 = arith.constant 16 : i32
      %mul3A_727 = arith.muli %add3A_725, %mul3A_726 : i32
      %get3A_728 = arith.index_cast %mul3A_727 : i32 to index
      %get3A_729 = tpu.vector_load %arg7[%get3A_728] {strides = array<i32>} : memref<20000xi32, #tpu.memory_space<vmem>>, vector<16xi32>,
      tpu.vector_store_idx %arg9[%get3A_729], %broadcast_in_dim3A_15 {add = true} : memref<10240xf32, #tpu.memory_space<vmem>>[vector<16xi32>], vector<16xf32>,
      %mul3A_730 = arith.constant 50 : i32
      %mul3A_731 = arith.muli %scan3A_427, %mul3A_730 : i32
      %add3A_732 = arith.constant 38 : i32
      %add3A_733 = arith.addi %mul3A_731, %add3A_732 : i32
      %mul3A_734 = arith.constant 16 : i32
      %mul3A_735 = arith.muli %add3A_733, %mul3A_734 : i32
      %get3A_736 = arith.index_cast %mul3A_735 : i32 to index
      %get3A_737 = tpu.vector_load %arg7[%get3A_736] {strides = array<i32>} : memref<20000xi32, #tpu.memory_space<vmem>>, vector<16xi32>,
      tpu.vector_store_idx %arg9[%get3A_737], %broadcast_in_dim3A_15 {add = true} : memref<10240xf32, #tpu.memory_space<vmem>>[vector<16xi32>], vector<16xf32>,
      %mul3A_738 = arith.constant 50 : i32
      %mul3A_739 = arith.muli %scan3A_427, %mul3A_738 : i32
      %add3A_740 = arith.constant 39 : i32
      %add3A_741 = arith.addi %mul3A_739, %add3A_740 : i32
      %mul3A_742 = arith.constant 16 : i32
      %mul3A_743 = arith.muli %add3A_741, %mul3A_742 : i32
      %get3A_744 = arith.index_cast %mul3A_743 : i32 to index
      %get3A_745 = tpu.vector_load %arg7[%get3A_744] {strides = array<i32>} : memref<20000xi32, #tpu.memory_space<vmem>>, vector<16xi32>,
      tpu.vector_store_idx %arg9[%get3A_745], %broadcast_in_dim3A_15 {add = true} : memref<10240xf32, #tpu.memory_space<vmem>>[vector<16xi32>], vector<16xf32>,
      %mul3A_746 = arith.constant 50 : i32
      %mul3A_747 = arith.muli %scan3A_427, %mul3A_746 : i32
      %add3A_748 = arith.constant 40 : i32
      %add3A_749 = arith.addi %mul3A_747, %add3A_748 : i32
      %mul3A_750 = arith.constant 16 : i32
      %mul3A_751 = arith.muli %add3A_749, %mul3A_750 : i32
      %get3A_752 = arith.index_cast %mul3A_751 : i32 to index
      %get3A_753 = tpu.vector_load %arg7[%get3A_752] {strides = array<i32>} : memref<20000xi32, #tpu.memory_space<vmem>>, vector<16xi32>,
      tpu.vector_store_idx %arg9[%get3A_753], %broadcast_in_dim3A_15 {add = true} : memref<10240xf32, #tpu.memory_space<vmem>>[vector<16xi32>], vector<16xf32>,
      %mul3A_754 = arith.constant 50 : i32
      %mul3A_755 = arith.muli %scan3A_427, %mul3A_754 : i32
      %add3A_756 = arith.constant 41 : i32
      %add3A_757 = arith.addi %mul3A_755, %add3A_756 : i32
      %mul3A_758 = arith.constant 16 : i32
      %mul3A_759 = arith.muli %add3A_757, %mul3A_758 : i32
      %get3A_760 = arith.index_cast %mul3A_759 : i32 to index
      %get3A_761 = tpu.vector_load %arg7[%get3A_760] {strides = array<i32>} : memref<20000xi32, #tpu.memory_space<vmem>>, vector<16xi32>,
      tpu.vector_store_idx %arg9[%get3A_761], %broadcast_in_dim3A_15 {add = true} : memref<10240xf32, #tpu.memory_space<vmem>>[vector<16xi32>], vector<16xf32>,
      %mul3A_762 = arith.constant 50 : i32
      %mul3A_763 = arith.muli %scan3A_427, %mul3A_762 : i32
      %add3A_764 = arith.constant 42 : i32
      %add3A_765 = arith.addi %mul3A_763, %add3A_764 : i32
      %mul3A_766 = arith.constant 16 : i32
      %mul3A_767 = arith.muli %add3A_765, %mul3A_766 : i32
      %get3A_768 = arith.index_cast %mul3A_767 : i32 to index
      %get3A_769 = tpu.vector_load %arg7[%get3A_768] {strides = array<i32>} : memref<20000xi32, #tpu.memory_space<vmem>>, vector<16xi32>,
      tpu.vector_store_idx %arg9[%get3A_769], %broadcast_in_dim3A_15 {add = true} : memref<10240xf32, #tpu.memory_space<vmem>>[vector<16xi32>], vector<16xf32>,
      %mul3A_770 = arith.constant 50 : i32
      %mul3A_771 = arith.muli %scan3A_427, %mul3A_770 : i32
      %add3A_772 = arith.constant 43 : i32
      %add3A_773 = arith.addi %mul3A_771, %add3A_772 : i32
      %mul3A_774 = arith.constant 16 : i32
      %mul3A_775 = arith.muli %add3A_773, %mul3A_774 : i32
      %get3A_776 = arith.index_cast %mul3A_775 : i32 to index
      %get3A_777 = tpu.vector_load %arg7[%get3A_776] {strides = array<i32>} : memref<20000xi32, #tpu.memory_space<vmem>>, vector<16xi32>,
      tpu.vector_store_idx %arg9[%get3A_777], %broadcast_in_dim3A_15 {add = true} : memref<10240xf32, #tpu.memory_space<vmem>>[vector<16xi32>], vector<16xf32>,
      %mul3A_778 = arith.constant 50 : i32
      %mul3A_779 = arith.muli %scan3A_427, %mul3A_778 : i32
      %add3A_780 = arith.constant 44 : i32
      %add3A_781 = arith.addi %mul3A_779, %add3A_780 : i32
      %mul3A_782 = arith.constant 16 : i32
      %mul3A_783 = arith.muli %add3A_781, %mul3A_782 : i32
      %get3A_784 = arith.index_cast %mul3A_783 : i32 to index
      %get3A_785 = tpu.vector_load %arg7[%get3A_784] {strides = array<i32>} : memref<20000xi32, #tpu.memory_space<vmem>>, vector<16xi32>,
      tpu.vector_store_idx %arg9[%get3A_785], %broadcast_in_dim3A_15 {add = true} : memref<10240xf32, #tpu.memory_space<vmem>>[vector<16xi32>], vector<16xf32>,
      %mul3A_786 = arith.constant 50 : i32
      %mul3A_787 = arith.muli %scan3A_427, %mul3A_786 : i32
      %add3A_788 = arith.constant 45 : i32
      %add3A_789 = arith.addi %mul3A_787, %add3A_788 : i32
      %mul3A_790 = arith.constant 16 : i32
      %mul3A_791 = arith.muli %add3A_789, %mul3A_790 : i32
      %get3A_792 = arith.index_cast %mul3A_791 : i32 to index
      %get3A_793 = tpu.vector_load %arg7[%get3A_792] {strides = array<i32>} : memref<20000xi32, #tpu.memory_space<vmem>>, vector<16xi32>,
      tpu.vector_store_idx %arg9[%get3A_793], %broadcast_in_dim3A_15 {add = true} : memref<10240xf32, #tpu.memory_space<vmem>>[vector<16xi32>], vector<16xf32>,
      %mul3A_794 = arith.constant 50 : i32
      %mul3A_795 = arith.muli %scan3A_427, %mul3A_794 : i32
      %add3A_796 = arith.constant 46 : i32
      %add3A_797 = arith.addi %mul3A_795, %add3A_796 : i32
      %mul3A_798 = arith.constant 16 : i32
      %mul3A_799 = arith.muli %add3A_797, %mul3A_798 : i32
      %get3A_800 = arith.index_cast %mul3A_799 : i32 to index
      %get3A_801 = tpu.vector_load %arg7[%get3A_800] {strides = array<i32>} : memref<20000xi32, #tpu.memory_space<vmem>>, vector<16xi32>,
      tpu.vector_store_idx %arg9[%get3A_801], %broadcast_in_dim3A_15 {add = true} : memref<10240xf32, #tpu.memory_space<vmem>>[vector<16xi32>], vector<16xf32>,
      %mul3A_802 = arith.constant 50 : i32
      %mul3A_803 = arith.muli %scan3A_427, %mul3A_802 : i32
      %add3A_804 = arith.constant 47 : i32
      %add3A_805 = arith.addi %mul3A_803, %add3A_804 : i32
      %mul3A_806 = arith.constant 16 : i32
      %mul3A_807 = arith.muli %add3A_805, %mul3A_806 : i32
      %get3A_808 = arith.index_cast %mul3A_807 : i32 to index
      %get3A_809 = tpu.vector_load %arg7[%get3A_808] {strides = array<i32>} : memref<20000xi32, #tpu.memory_space<vmem>>, vector<16xi32>,
      tpu.vector_store_idx %arg9[%get3A_809], %broadcast_in_dim3A_15 {add = true} : memref<10240xf32, #tpu.memory_space<vmem>>[vector<16xi32>], vector<16xf32>,
      %mul3A_810 = arith.constant 50 : i32
      %mul3A_811 = arith.muli %scan3A_427, %mul3A_810 : i32
      %add3A_812 = arith.constant 48 : i32
      %add3A_813 = arith.addi %mul3A_811, %add3A_812 : i32
      %mul3A_814 = arith.constant 16 : i32
      %mul3A_815 = arith.muli %add3A_813, %mul3A_814 : i32
      %get3A_816 = arith.index_cast %mul3A_815 : i32 to index
      %get3A_817 = tpu.vector_load %arg7[%get3A_816] {strides = array<i32>} : memref<20000xi32, #tpu.memory_space<vmem>>, vector<16xi32>,
      tpu.vector_store_idx %arg9[%get3A_817], %broadcast_in_dim3A_15 {add = true} : memref<10240xf32, #tpu.memory_space<vmem>>[vector<16xi32>], vector<16xf32>,
      %mul3A_818 = arith.constant 50 : i32
      %mul3A_819 = arith.muli %scan3A_427, %mul3A_818 : i32
      %add3A_820 = arith.constant 49 : i32
      %add3A_821 = arith.addi %mul3A_819, %add3A_820 : i32
      %mul3A_822 = arith.constant 16 : i32
      %mul3A_823 = arith.muli %add3A_821, %mul3A_822 : i32
      %get3A_824 = arith.index_cast %mul3A_823 : i32 to index
      %get3A_825 = tpu.vector_load %arg7[%get3A_824] {strides = array<i32>} : memref<20000xi32, #tpu.memory_space<vmem>>, vector<16xi32>,
      tpu.vector_store_idx %arg9[%get3A_825], %broadcast_in_dim3A_15 {add = true} : memref<10240xf32, #tpu.memory_space<vmem>>[vector<16xi32>], vector<16xf32>,
    }
    %scan3A_26 = arith.constant 25 : i32
    "tpu.region"() ({
      %run_scoped3A_427 = tpu.sem_alloc : memref<!tpu.dma_semaphore, #tpu.memory_space<semaphore_mem>>
      %dma_start3A_428 = arith.constant 0 : i32
      %dma_start3A_429 = tpu.memref_slice %arg16[%arg1, %dma_start3A_428] : memref<16x10240xf32, #tpu.memory_space<vmem_shared>> -> memref<1x10240xf32, #tpu.memory_space<vmem_shared>>
      %dma_start3A_430 = tpu.memref_squeeze %dma_start3A_429 : memref<1x10240xf32, #tpu.memory_space<vmem_shared>> -> memref<10240xf32, #tpu.memory_space<vmem_shared>>
      %dma_start3A_431 = arith.constant 0 : i32
      %dma_start3A_432 = tpu.memref_slice %arg16[%arg1, %dma_start3A_431] : memref<16x10240xf32, #tpu.memory_space<vmem_shared>> -> memref<1x10240xf32, #tpu.memory_space<vmem_shared>>
      %dma_start3A_433 = tpu.memref_squeeze %dma_start3A_432 : memref<1x10240xf32, #tpu.memory_space<vmem_shared>> -> memref<10240xf32, #tpu.memory_space<vmem_shared>>
      tpu.enqueue_dma source(%arg9 : memref<10240xf32, #tpu.memory_space<vmem>>) target(%dma_start3A_433 : memref<10240xf32, #tpu.memory_space<vmem_shared>>) target_semaphore(%run_scoped3A_427 : memref<!tpu.dma_semaphore, #tpu.memory_space<semaphore_mem>>)
      %dma_wait3A_434 = arith.constant 0 : i32
      %dma_wait3A_435 = tpu.memref_slice %arg16[%arg1, %dma_wait3A_434] : memref<16x10240xf32, #tpu.memory_space<vmem_shared>> -> memref<1x10240xf32, #tpu.memory_space<vmem_shared>>
      %dma_wait3A_436 = tpu.memref_squeeze %dma_wait3A_435 : memref<1x10240xf32, #tpu.memory_space<vmem_shared>> -> memref<10240xf32, #tpu.memory_space<vmem_shared>>
      %dma_wait3A_437 = arith.constant 0 : i32
      %dma_wait3A_438 = tpu.memref_slice %arg16[%arg1, %dma_wait3A_437] : memref<16x10240xf32, #tpu.memory_space<vmem_shared>> -> memref<1x10240xf32, #tpu.memory_space<vmem_shared>>
      %dma_wait3A_439 = tpu.memref_squeeze %dma_wait3A_438 : memref<1x10240xf32, #tpu.memory_space<vmem_shared>> -> memref<10240xf32, #tpu.memory_space<vmem_shared>>
      tpu.wait_dma2 semaphore(%run_scoped3A_427 : memref<!tpu.dma_semaphore, #tpu.memory_space<semaphore_mem>>) src(%arg9 : memref<10240xf32, #tpu.memory_space<vmem>>) dst(%dma_wait3A_439 : memref<10240xf32, #tpu.memory_space<vmem_shared>>)
      tpu.yield
    }) : () -> ()
    %barrier3A = arith.constant 0 : index
    tpu.barrier barrier_id(%barrier3A)
    tpu.enqueue_dma source(%arg18 : memref<10240xf32, #tpu.memory_space<vmem_shared>>) target(%arg9 : memref<10240xf32, #tpu.memory_space<vmem>>) target_semaphore(%arg21 : memref<!tpu.dma_semaphore, #tpu.memory_space<semaphore_mem>>)
    %dma_start3A_27 = arith.constant 0 : i32
    %dma_start3A_28 = arith.constant 0 : i32
    %dma_start3A_29 = arith.constant 0 : i32
    %dma_start3A_30 = tpu.memref_slice %arg13[%dma_start3A_28, %dma_start3A_29] : memref<16x640xf32, #tpu.memory_space<vmem>> -> memref<1x640xf32, #tpu.memory_space<vmem>>
    %dma_start3A_31 = tpu.memref_squeeze %dma_start3A_30 : memref<1x640xf32, #tpu.memory_space<vmem>> -> memref<640xf32, #tpu.memory_space<vmem>>
    %dma_start3A_32 = tpu.memref_slice %arg16[%dma_start3A_27, %mul3A_2] : memref<16x10240xf32, #tpu.memory_space<vmem_shared>> -> memref<1x640xf32, #tpu.memory_space<vmem_shared>>
    %dma_start3A_33 = tpu.memref_squeeze %dma_start3A_32 : memref<1x640xf32, #tpu.memory_space<vmem_shared>> -> memref<640xf32, #tpu.memory_space<vmem_shared>>
    %dma_start3A_34 = arith.constant 0 : i32
    %dma_start3A_35 = tpu.memref_slice %arg13[%dma_start3A_28, %dma_start3A_34] : memref<16x640xf32, #tpu.memory_space<vmem>> -> memref<1x640xf32, #tpu.memory_space<vmem>>
    %dma_start3A_36 = tpu.memref_squeeze %dma_start3A_35 : memref<1x640xf32, #tpu.memory_space<vmem>> -> memref<640xf32, #tpu.memory_space<vmem>>
    %dma_start3A_37 = tpu.memref_slice %arg16[%dma_start3A_27, %mul3A_2] : memref<16x10240xf32, #tpu.memory_space<vmem_shared>> -> memref<1x640xf32, #tpu.memory_space<vmem_shared>>
    %dma_start3A_38 = tpu.memref_squeeze %dma_start3A_37 : memref<1x640xf32, #tpu.memory_space<vmem_shared>> -> memref<640xf32, #tpu.memory_space<vmem_shared>>
    tpu.enqueue_dma source(%dma_start3A_38 : memref<640xf32, #tpu.memory_space<vmem_shared>>) target(%dma_start3A_36 : memref<640xf32, #tpu.memory_space<vmem>>) target_semaphore(%arg20 : memref<!tpu.dma_semaphore, #tpu.memory_space<semaphore_mem>>)
    %dma_start3A_39 = arith.constant 1 : i32
    %dma_start3A_40 = arith.constant 1 : i32
    %dma_start3A_41 = arith.constant 0 : i32
    %dma_start3A_42 = tpu.memref_slice %arg13[%dma_start3A_40, %dma_start3A_41] : memref<16x640xf32, #tpu.memory_space<vmem>> -> memref<1x640xf32, #tpu.memory_space<vmem>>
    %dma_start3A_43 = tpu.memref_squeeze %dma_start3A_42 : memref<1x640xf32, #tpu.memory_space<vmem>> -> memref<640xf32, #tpu.memory_space<vmem>>
    %dma_start3A_44 = tpu.memref_slice %arg16[%dma_start3A_39, %mul3A_2] : memref<16x10240xf32, #tpu.memory_space<vmem_shared>> -> memref<1x640xf32, #tpu.memory_space<vmem_shared>>
    %dma_start3A_45 = tpu.memref_squeeze %dma_start3A_44 : memref<1x640xf32, #tpu.memory_space<vmem_shared>> -> memref<640xf32, #tpu.memory_space<vmem_shared>>
    %dma_start3A_46 = arith.constant 0 : i32
    %dma_start3A_47 = tpu.memref_slice %arg13[%dma_start3A_40, %dma_start3A_46] : memref<16x640xf32, #tpu.memory_space<vmem>> -> memref<1x640xf32, #tpu.memory_space<vmem>>
    %dma_start3A_48 = tpu.memref_squeeze %dma_start3A_47 : memref<1x640xf32, #tpu.memory_space<vmem>> -> memref<640xf32, #tpu.memory_space<vmem>>
    %dma_start3A_49 = tpu.memref_slice %arg16[%dma_start3A_39, %mul3A_2] : memref<16x10240xf32, #tpu.memory_space<vmem_shared>> -> memref<1x640xf32, #tpu.memory_space<vmem_shared>>
    %dma_start3A_50 = tpu.memref_squeeze %dma_start3A_49 : memref<1x640xf32, #tpu.memory_space<vmem_shared>> -> memref<640xf32, #tpu.memory_space<vmem_shared>>
    tpu.enqueue_dma source(%dma_start3A_50 : memref<640xf32, #tpu.memory_space<vmem_shared>>) target(%dma_start3A_48 : memref<640xf32, #tpu.memory_space<vmem>>) target_semaphore(%arg20 : memref<!tpu.dma_semaphore, #tpu.memory_space<semaphore_mem>>)
    %dma_start3A_51 = arith.constant 2 : i32
    %dma_start3A_52 = arith.constant 2 : i32
    %dma_start3A_53 = arith.constant 0 : i32
    %dma_start3A_54 = tpu.memref_slice %arg13[%dma_start3A_52, %dma_start3A_53] : memref<16x640xf32, #tpu.memory_space<vmem>> -> memref<1x640xf32, #tpu.memory_space<vmem>>
    %dma_start3A_55 = tpu.memref_squeeze %dma_start3A_54 : memref<1x640xf32, #tpu.memory_space<vmem>> -> memref<640xf32, #tpu.memory_space<vmem>>
    %dma_start3A_56 = tpu.memref_slice %arg16[%dma_start3A_51, %mul3A_2] : memref<16x10240xf32, #tpu.memory_space<vmem_shared>> -> memref<1x640xf32, #tpu.memory_space<vmem_shared>>
    %dma_start3A_57 = tpu.memref_squeeze %dma_start3A_56 : memref<1x640xf32, #tpu.memory_space<vmem_shared>> -> memref<640xf32, #tpu.memory_space<vmem_shared>>
    %dma_start3A_58 = arith.constant 0 : i32
    %dma_start3A_59 = tpu.memref_slice %arg13[%dma_start3A_52, %dma_start3A_58] : memref<16x640xf32, #tpu.memory_space<vmem>> -> memref<1x640xf32, #tpu.memory_space<vmem>>
    %dma_start3A_60 = tpu.memref_squeeze %dma_start3A_59 : memref<1x640xf32, #tpu.memory_space<vmem>> -> memref<640xf32, #tpu.memory_space<vmem>>
    %dma_start3A_61 = tpu.memref_slice %arg16[%dma_start3A_51, %mul3A_2] : memref<16x10240xf32, #tpu.memory_space<vmem_shared>> -> memref<1x640xf32, #tpu.memory_space<vmem_shared>>
    %dma_start3A_62 = tpu.memref_squeeze %dma_start3A_61 : memref<1x640xf32, #tpu.memory_space<vmem_shared>> -> memref<640xf32, #tpu.memory_space<vmem_shared>>
    tpu.enqueue_dma source(%dma_start3A_62 : memref<640xf32, #tpu.memory_space<vmem_shared>>) target(%dma_start3A_60 : memref<640xf32, #tpu.memory_space<vmem>>) target_semaphore(%arg20 : memref<!tpu.dma_semaphore, #tpu.memory_space<semaphore_mem>>)
    %dma_start3A_63 = arith.constant 3 : i32
    %dma_start3A_64 = arith.constant 3 : i32
    %dma_start3A_65 = arith.constant 0 : i32
    %dma_start3A_66 = tpu.memref_slice %arg13[%dma_start3A_64, %dma_start3A_65] : memref<16x640xf32, #tpu.memory_space<vmem>> -> memref<1x640xf32, #tpu.memory_space<vmem>>
    %dma_start3A_67 = tpu.memref_squeeze %dma_start3A_66 : memref<1x640xf32, #tpu.memory_space<vmem>> -> memref<640xf32, #tpu.memory_space<vmem>>
    %dma_start3A_68 = tpu.memref_slice %arg16[%dma_start3A_63, %mul3A_2] : memref<16x10240xf32, #tpu.memory_space<vmem_shared>> -> memref<1x640xf32, #tpu.memory_space<vmem_shared>>
    %dma_start3A_69 = tpu.memref_squeeze %dma_start3A_68 : memref<1x640xf32, #tpu.memory_space<vmem_shared>> -> memref<640xf32, #tpu.memory_space<vmem_shared>>
    %dma_start3A_70 = arith.constant 0 : i32
    %dma_start3A_71 = tpu.memref_slice %arg13[%dma_start3A_64, %dma_start3A_70] : memref<16x640xf32, #tpu.memory_space<vmem>> -> memref<1x640xf32, #tpu.memory_space<vmem>>
    %dma_start3A_72 = tpu.memref_squeeze %dma_start3A_71 : memref<1x640xf32, #tpu.memory_space<vmem>> -> memref<640xf32, #tpu.memory_space<vmem>>
    %dma_start3A_73 = tpu.memref_slice %arg16[%dma_start3A_63, %mul3A_2] : memref<16x10240xf32, #tpu.memory_space<vmem_shared>> -> memref<1x640xf32, #tpu.memory_space<vmem_shared>>
    %dma_start3A_74 = tpu.memref_squeeze %dma_start3A_73 : memref<1x640xf32, #tpu.memory_space<vmem_shared>> -> memref<640xf32, #tpu.memory_space<vmem_shared>>
    tpu.enqueue_dma source(%dma_start3A_74 : memref<640xf32, #tpu.memory_space<vmem_shared>>) target(%dma_start3A_72 : memref<640xf32, #tpu.memory_space<vmem>>) target_semaphore(%arg20 : memref<!tpu.dma_semaphore, #tpu.memory_space<semaphore_mem>>)
    %dma_start3A_75 = arith.constant 4 : i32
    %dma_start3A_76 = arith.constant 4 : i32
    %dma_start3A_77 = arith.constant 0 : i32
    %dma_start3A_78 = tpu.memref_slice %arg13[%dma_start3A_76, %dma_start3A_77] : memref<16x640xf32, #tpu.memory_space<vmem>> -> memref<1x640xf32, #tpu.memory_space<vmem>>
    %dma_start3A_79 = tpu.memref_squeeze %dma_start3A_78 : memref<1x640xf32, #tpu.memory_space<vmem>> -> memref<640xf32, #tpu.memory_space<vmem>>
    %dma_start3A_80 = tpu.memref_slice %arg16[%dma_start3A_75, %mul3A_2] : memref<16x10240xf32, #tpu.memory_space<vmem_shared>> -> memref<1x640xf32, #tpu.memory_space<vmem_shared>>
    %dma_start3A_81 = tpu.memref_squeeze %dma_start3A_80 : memref<1x640xf32, #tpu.memory_space<vmem_shared>> -> memref<640xf32, #tpu.memory_space<vmem_shared>>
    %dma_start3A_82 = arith.constant 0 : i32
    %dma_start3A_83 = tpu.memref_slice %arg13[%dma_start3A_76, %dma_start3A_82] : memref<16x640xf32, #tpu.memory_space<vmem>> -> memref<1x640xf32, #tpu.memory_space<vmem>>
    %dma_start3A_84 = tpu.memref_squeeze %dma_start3A_83 : memref<1x640xf32, #tpu.memory_space<vmem>> -> memref<640xf32, #tpu.memory_space<vmem>>
    %dma_start3A_85 = tpu.memref_slice %arg16[%dma_start3A_75, %mul3A_2] : memref<16x10240xf32, #tpu.memory_space<vmem_shared>> -> memref<1x640xf32, #tpu.memory_space<vmem_shared>>
    %dma_start3A_86 = tpu.memref_squeeze %dma_start3A_85 : memref<1x640xf32, #tpu.memory_space<vmem_shared>> -> memref<640xf32, #tpu.memory_space<vmem_shared>>
    tpu.enqueue_dma source(%dma_start3A_86 : memref<640xf32, #tpu.memory_space<vmem_shared>>) target(%dma_start3A_84 : memref<640xf32, #tpu.memory_space<vmem>>) target_semaphore(%arg20 : memref<!tpu.dma_semaphore, #tpu.memory_space<semaphore_mem>>)
    %dma_start3A_87 = arith.constant 5 : i32
    %dma_start3A_88 = arith.constant 5 : i32
    %dma_start3A_89 = arith.constant 0 : i32
    %dma_start3A_90 = tpu.memref_slice %arg13[%dma_start3A_88, %dma_start3A_89] : memref<16x640xf32, #tpu.memory_space<vmem>> -> memref<1x640xf32, #tpu.memory_space<vmem>>
    %dma_start3A_91 = tpu.memref_squeeze %dma_start3A_90 : memref<1x640xf32, #tpu.memory_space<vmem>> -> memref<640xf32, #tpu.memory_space<vmem>>
    %dma_start3A_92 = tpu.memref_slice %arg16[%dma_start3A_87, %mul3A_2] : memref<16x10240xf32, #tpu.memory_space<vmem_shared>> -> memref<1x640xf32, #tpu.memory_space<vmem_shared>>
    %dma_start3A_93 = tpu.memref_squeeze %dma_start3A_92 : memref<1x640xf32, #tpu.memory_space<vmem_shared>> -> memref<640xf32, #tpu.memory_space<vmem_shared>>
    %dma_start3A_94 = arith.constant 0 : i32
    %dma_start3A_95 = tpu.memref_slice %arg13[%dma_start3A_88, %dma_start3A_94] : memref<16x640xf32, #tpu.memory_space<vmem>> -> memref<1x640xf32, #tpu.memory_space<vmem>>
    %dma_start3A_96 = tpu.memref_squeeze %dma_start3A_95 : memref<1x640xf32, #tpu.memory_space<vmem>> -> memref<640xf32, #tpu.memory_space<vmem>>
    %dma_start3A_97 = tpu.memref_slice %arg16[%dma_start3A_87, %mul3A_2] : memref<16x10240xf32, #tpu.memory_space<vmem_shared>> -> memref<1x640xf32, #tpu.memory_space<vmem_shared>>
    %dma_start3A_98 = tpu.memref_squeeze %dma_start3A_97 : memref<1x640xf32, #tpu.memory_space<vmem_shared>> -> memref<640xf32, #tpu.memory_space<vmem_shared>>
    tpu.enqueue_dma source(%dma_start3A_98 : memref<640xf32, #tpu.memory_space<vmem_shared>>) target(%dma_start3A_96 : memref<640xf32, #tpu.memory_space<vmem>>) target_semaphore(%arg20 : memref<!tpu.dma_semaphore, #tpu.memory_space<semaphore_mem>>)
    %dma_start3A_99 = arith.constant 6 : i32
    %dma_start3A_100 = arith.constant 6 : i32
    %dma_start3A_101 = arith.constant 0 : i32
    %dma_start3A_102 = tpu.memref_slice %arg13[%dma_start3A_100, %dma_start3A_101] : memref<16x640xf32, #tpu.memory_space<vmem>> -> memref<1x640xf32, #tpu.memory_space<vmem>>
    %dma_start3A_103 = tpu.memref_squeeze %dma_start3A_102 : memref<1x640xf32, #tpu.memory_space<vmem>> -> memref<640xf32, #tpu.memory_space<vmem>>
    %dma_start3A_104 = tpu.memref_slice %arg16[%dma_start3A_99, %mul3A_2] : memref<16x10240xf32, #tpu.memory_space<vmem_shared>> -> memref<1x640xf32, #tpu.memory_space<vmem_shared>>
    %dma_start3A_105 = tpu.memref_squeeze %dma_start3A_104 : memref<1x640xf32, #tpu.memory_space<vmem_shared>> -> memref<640xf32, #tpu.memory_space<vmem_shared>>
    %dma_start3A_106 = arith.constant 0 : i32
    %dma_start3A_107 = tpu.memref_slice %arg13[%dma_start3A_100, %dma_start3A_106] : memref<16x640xf32, #tpu.memory_space<vmem>> -> memref<1x640xf32, #tpu.memory_space<vmem>>
    %dma_start3A_108 = tpu.memref_squeeze %dma_start3A_107 : memref<1x640xf32, #tpu.memory_space<vmem>> -> memref<640xf32, #tpu.memory_space<vmem>>
    %dma_start3A_109 = tpu.memref_slice %arg16[%dma_start3A_99, %mul3A_2] : memref<16x10240xf32, #tpu.memory_space<vmem_shared>> -> memref<1x640xf32, #tpu.memory_space<vmem_shared>>
    %dma_start3A_110 = tpu.memref_squeeze %dma_start3A_109 : memref<1x640xf32, #tpu.memory_space<vmem_shared>> -> memref<640xf32, #tpu.memory_space<vmem_shared>>
    tpu.enqueue_dma source(%dma_start3A_110 : memref<640xf32, #tpu.memory_space<vmem_shared>>) target(%dma_start3A_108 : memref<640xf32, #tpu.memory_space<vmem>>) target_semaphore(%arg20 : memref<!tpu.dma_semaphore, #tpu.memory_space<semaphore_mem>>)
    %dma_start3A_111 = arith.constant 7 : i32
    %dma_start3A_112 = arith.constant 7 : i32
    %dma_start3A_113 = arith.constant 0 : i32
    %dma_start3A_114 = tpu.memref_slice %arg13[%dma_start3A_112, %dma_start3A_113] : memref<16x640xf32, #tpu.memory_space<vmem>> -> memref<1x640xf32, #tpu.memory_space<vmem>>
    %dma_start3A_115 = tpu.memref_squeeze %dma_start3A_114 : memref<1x640xf32, #tpu.memory_space<vmem>> -> memref<640xf32, #tpu.memory_space<vmem>>
    %dma_start3A_116 = tpu.memref_slice %arg16[%dma_start3A_111, %mul3A_2] : memref<16x10240xf32, #tpu.memory_space<vmem_shared>> -> memref<1x640xf32, #tpu.memory_space<vmem_shared>>
    %dma_start3A_117 = tpu.memref_squeeze %dma_start3A_116 : memref<1x640xf32, #tpu.memory_space<vmem_shared>> -> memref<640xf32, #tpu.memory_space<vmem_shared>>
    %dma_start3A_118 = arith.constant 0 : i32
    %dma_start3A_119 = tpu.memref_slice %arg13[%dma_start3A_112, %dma_start3A_118] : memref<16x640xf32, #tpu.memory_space<vmem>> -> memref<1x640xf32, #tpu.memory_space<vmem>>
    %dma_start3A_120 = tpu.memref_squeeze %dma_start3A_119 : memref<1x640xf32, #tpu.memory_space<vmem>> -> memref<640xf32, #tpu.memory_space<vmem>>
    %dma_start3A_121 = tpu.memref_slice %arg16[%dma_start3A_111, %mul3A_2] : memref<16x10240xf32, #tpu.memory_space<vmem_shared>> -> memref<1x640xf32, #tpu.memory_space<vmem_shared>>
    %dma_start3A_122 = tpu.memref_squeeze %dma_start3A_121 : memref<1x640xf32, #tpu.memory_space<vmem_shared>> -> memref<640xf32, #tpu.memory_space<vmem_shared>>
    tpu.enqueue_dma source(%dma_start3A_122 : memref<640xf32, #tpu.memory_space<vmem_shared>>) target(%dma_start3A_120 : memref<640xf32, #tpu.memory_space<vmem>>) target_semaphore(%arg20 : memref<!tpu.dma_semaphore, #tpu.memory_space<semaphore_mem>>)
    %dma_start3A_123 = arith.constant 8 : i32
    %dma_start3A_124 = arith.constant 8 : i32
    %dma_start3A_125 = arith.constant 0 : i32
    %dma_start3A_126 = tpu.memref_slice %arg13[%dma_start3A_124, %dma_start3A_125] : memref<16x640xf32, #tpu.memory_space<vmem>> -> memref<1x640xf32, #tpu.memory_space<vmem>>
    %dma_start3A_127 = tpu.memref_squeeze %dma_start3A_126 : memref<1x640xf32, #tpu.memory_space<vmem>> -> memref<640xf32, #tpu.memory_space<vmem>>
    %dma_start3A_128 = tpu.memref_slice %arg16[%dma_start3A_123, %mul3A_2] : memref<16x10240xf32, #tpu.memory_space<vmem_shared>> -> memref<1x640xf32, #tpu.memory_space<vmem_shared>>
    %dma_start3A_129 = tpu.memref_squeeze %dma_start3A_128 : memref<1x640xf32, #tpu.memory_space<vmem_shared>> -> memref<640xf32, #tpu.memory_space<vmem_shared>>
    %dma_start3A_130 = arith.constant 0 : i32
    %dma_start3A_131 = tpu.memref_slice %arg13[%dma_start3A_124, %dma_start3A_130] : memref<16x640xf32, #tpu.memory_space<vmem>> -> memref<1x640xf32, #tpu.memory_space<vmem>>
    %dma_start3A_132 = tpu.memref_squeeze %dma_start3A_131 : memref<1x640xf32, #tpu.memory_space<vmem>> -> memref<640xf32, #tpu.memory_space<vmem>>
    %dma_start3A_133 = tpu.memref_slice %arg16[%dma_start3A_123, %mul3A_2] : memref<16x10240xf32, #tpu.memory_space<vmem_shared>> -> memref<1x640xf32, #tpu.memory_space<vmem_shared>>
    %dma_start3A_134 = tpu.memref_squeeze %dma_start3A_133 : memref<1x640xf32, #tpu.memory_space<vmem_shared>> -> memref<640xf32, #tpu.memory_space<vmem_shared>>
    tpu.enqueue_dma source(%dma_start3A_134 : memref<640xf32, #tpu.memory_space<vmem_shared>>) target(%dma_start3A_132 : memref<640xf32, #tpu.memory_space<vmem>>) target_semaphore(%arg20 : memref<!tpu.dma_semaphore, #tpu.memory_space<semaphore_mem>>)
    %dma_start3A_135 = arith.constant 9 : i32
    %dma_start3A_136 = arith.constant 9 : i32
    %dma_start3A_137 = arith.constant 0 : i32
    %dma_start3A_138 = tpu.memref_slice %arg13[%dma_start3A_136, %dma_start3A_137] : memref<16x640xf32, #tpu.memory_space<vmem>> -> memref<1x640xf32, #tpu.memory_space<vmem>>
    %dma_start3A_139 = tpu.memref_squeeze %dma_start3A_138 : memref<1x640xf32, #tpu.memory_space<vmem>> -> memref<640xf32, #tpu.memory_space<vmem>>
    %dma_start3A_140 = tpu.memref_slice %arg16[%dma_start3A_135, %mul3A_2] : memref<16x10240xf32, #tpu.memory_space<vmem_shared>> -> memref<1x640xf32, #tpu.memory_space<vmem_shared>>
    %dma_start3A_141 = tpu.memref_squeeze %dma_start3A_140 : memref<1x640xf32, #tpu.memory_space<vmem_shared>> -> memref<640xf32, #tpu.memory_space<vmem_shared>>
    %dma_start3A_142 = arith.constant 0 : i32
    %dma_start3A_143 = tpu.memref_slice %arg13[%dma_start3A_136, %dma_start3A_142] : memref<16x640xf32, #tpu.memory_space<vmem>> -> memref<1x640xf32, #tpu.memory_space<vmem>>
    %dma_start3A_144 = tpu.memref_squeeze %dma_start3A_143 : memref<1x640xf32, #tpu.memory_space<vmem>> -> memref<640xf32, #tpu.memory_space<vmem>>
    %dma_start3A_145 = tpu.memref_slice %arg16[%dma_start3A_135, %mul3A_2] : memref<16x10240xf32, #tpu.memory_space<vmem_shared>> -> memref<1x640xf32, #tpu.memory_space<vmem_shared>>
    %dma_start3A_146 = tpu.memref_squeeze %dma_start3A_145 : memref<1x640xf32, #tpu.memory_space<vmem_shared>> -> memref<640xf32, #tpu.memory_space<vmem_shared>>
    tpu.enqueue_dma source(%dma_start3A_146 : memref<640xf32, #tpu.memory_space<vmem_shared>>) target(%dma_start3A_144 : memref<640xf32, #tpu.memory_space<vmem>>) target_semaphore(%arg20 : memref<!tpu.dma_semaphore, #tpu.memory_space<semaphore_mem>>)
    %dma_start3A_147 = arith.constant 10 : i32
    %dma_start3A_148 = arith.constant 10 : i32
    %dma_start3A_149 = arith.constant 0 : i32
    %dma_start3A_150 = tpu.memref_slice %arg13[%dma_start3A_148, %dma_start3A_149] : memref<16x640xf32, #tpu.memory_space<vmem>> -> memref<1x640xf32, #tpu.memory_space<vmem>>
    %dma_start3A_151 = tpu.memref_squeeze %dma_start3A_150 : memref<1x640xf32, #tpu.memory_space<vmem>> -> memref<640xf32, #tpu.memory_space<vmem>>
    %dma_start3A_152 = tpu.memref_slice %arg16[%dma_start3A_147, %mul3A_2] : memref<16x10240xf32, #tpu.memory_space<vmem_shared>> -> memref<1x640xf32, #tpu.memory_space<vmem_shared>>
    %dma_start3A_153 = tpu.memref_squeeze %dma_start3A_152 : memref<1x640xf32, #tpu.memory_space<vmem_shared>> -> memref<640xf32, #tpu.memory_space<vmem_shared>>
    %dma_start3A_154 = arith.constant 0 : i32
    %dma_start3A_155 = tpu.memref_slice %arg13[%dma_start3A_148, %dma_start3A_154] : memref<16x640xf32, #tpu.memory_space<vmem>> -> memref<1x640xf32, #tpu.memory_space<vmem>>
    %dma_start3A_156 = tpu.memref_squeeze %dma_start3A_155 : memref<1x640xf32, #tpu.memory_space<vmem>> -> memref<640xf32, #tpu.memory_space<vmem>>
    %dma_start3A_157 = tpu.memref_slice %arg16[%dma_start3A_147, %mul3A_2] : memref<16x10240xf32, #tpu.memory_space<vmem_shared>> -> memref<1x640xf32, #tpu.memory_space<vmem_shared>>
    %dma_start3A_158 = tpu.memref_squeeze %dma_start3A_157 : memref<1x640xf32, #tpu.memory_space<vmem_shared>> -> memref<640xf32, #tpu.memory_space<vmem_shared>>
    tpu.enqueue_dma source(%dma_start3A_158 : memref<640xf32, #tpu.memory_space<vmem_shared>>) target(%dma_start3A_156 : memref<640xf32, #tpu.memory_space<vmem>>) target_semaphore(%arg20 : memref<!tpu.dma_semaphore, #tpu.memory_space<semaphore_mem>>)
    %dma_start3A_159 = arith.constant 11 : i32
    %dma_start3A_160 = arith.constant 11 : i32
    %dma_start3A_161 = arith.constant 0 : i32
    %dma_start3A_162 = tpu.memref_slice %arg13[%dma_start3A_160, %dma_start3A_161] : memref<16x640xf32, #tpu.memory_space<vmem>> -> memref<1x640xf32, #tpu.memory_space<vmem>>
    %dma_start3A_163 = tpu.memref_squeeze %dma_start3A_162 : memref<1x640xf32, #tpu.memory_space<vmem>> -> memref<640xf32, #tpu.memory_space<vmem>>
    %dma_start3A_164 = tpu.memref_slice %arg16[%dma_start3A_159, %mul3A_2] : memref<16x10240xf32, #tpu.memory_space<vmem_shared>> -> memref<1x640xf32, #tpu.memory_space<vmem_shared>>
    %dma_start3A_165 = tpu.memref_squeeze %dma_start3A_164 : memref<1x640xf32, #tpu.memory_space<vmem_shared>> -> memref<640xf32, #tpu.memory_space<vmem_shared>>
    %dma_start3A_166 = arith.constant 0 : i32
    %dma_start3A_167 = tpu.memref_slice %arg13[%dma_start3A_160, %dma_start3A_166] : memref<16x640xf32, #tpu.memory_space<vmem>> -> memref<1x640xf32, #tpu.memory_space<vmem>>
    %dma_start3A_168 = tpu.memref_squeeze %dma_start3A_167 : memref<1x640xf32, #tpu.memory_space<vmem>> -> memref<640xf32, #tpu.memory_space<vmem>>
    %dma_start3A_169 = tpu.memref_slice %arg16[%dma_start3A_159, %mul3A_2] : memref<16x10240xf32, #tpu.memory_space<vmem_shared>> -> memref<1x640xf32, #tpu.memory_space<vmem_shared>>
    %dma_start3A_170 = tpu.memref_squeeze %dma_start3A_169 : memref<1x640xf32, #tpu.memory_space<vmem_shared>> -> memref<640xf32, #tpu.memory_space<vmem_shared>>
    tpu.enqueue_dma source(%dma_start3A_170 : memref<640xf32, #tpu.memory_space<vmem_shared>>) target(%dma_start3A_168 : memref<640xf32, #tpu.memory_space<vmem>>) target_semaphore(%arg20 : memref<!tpu.dma_semaphore, #tpu.memory_space<semaphore_mem>>)
    %dma_start3A_171 = arith.constant 12 : i32
    %dma_start3A_172 = arith.constant 12 : i32
    %dma_start3A_173 = arith.constant 0 : i32
    %dma_start3A_174 = tpu.memref_slice %arg13[%dma_start3A_172, %dma_start3A_173] : memref<16x640xf32, #tpu.memory_space<vmem>> -> memref<1x640xf32, #tpu.memory_space<vmem>>
    %dma_start3A_175 = tpu.memref_squeeze %dma_start3A_174 : memref<1x640xf32, #tpu.memory_space<vmem>> -> memref<640xf32, #tpu.memory_space<vmem>>
    %dma_start3A_176 = tpu.memref_slice %arg16[%dma_start3A_171, %mul3A_2] : memref<16x10240xf32, #tpu.memory_space<vmem_shared>> -> memref<1x640xf32, #tpu.memory_space<vmem_shared>>
    %dma_start3A_177 = tpu.memref_squeeze %dma_start3A_176 : memref<1x640xf32, #tpu.memory_space<vmem_shared>> -> memref<640xf32, #tpu.memory_space<vmem_shared>>
    %dma_start3A_178 = arith.constant 0 : i32
    %dma_start3A_179 = tpu.memref_slice %arg13[%dma_start3A_172, %dma_start3A_178] : memref<16x640xf32, #tpu.memory_space<vmem>> -> memref<1x640xf32, #tpu.memory_space<vmem>>
    %dma_start3A_180 = tpu.memref_squeeze %dma_start3A_179 : memref<1x640xf32, #tpu.memory_space<vmem>> -> memref<640xf32, #tpu.memory_space<vmem>>
    %dma_start3A_181 = tpu.memref_slice %arg16[%dma_start3A_171, %mul3A_2] : memref<16x10240xf32, #tpu.memory_space<vmem_shared>> -> memref<1x640xf32, #tpu.memory_space<vmem_shared>>
    %dma_start3A_182 = tpu.memref_squeeze %dma_start3A_181 : memref<1x640xf32, #tpu.memory_space<vmem_shared>> -> memref<640xf32, #tpu.memory_space<vmem_shared>>
    tpu.enqueue_dma source(%dma_start3A_182 : memref<640xf32, #tpu.memory_space<vmem_shared>>) target(%dma_start3A_180 : memref<640xf32, #tpu.memory_space<vmem>>) target_semaphore(%arg20 : memref<!tpu.dma_semaphore, #tpu.memory_space<semaphore_mem>>)
    %dma_start3A_183 = arith.constant 13 : i32
    %dma_start3A_184 = arith.constant 13 : i32
    %dma_start3A_185 = arith.constant 0 : i32
    %dma_start3A_186 = tpu.memref_slice %arg13[%dma_start3A_184, %dma_start3A_185] : memref<16x640xf32, #tpu.memory_space<vmem>> -> memref<1x640xf32, #tpu.memory_space<vmem>>
    %dma_start3A_187 = tpu.memref_squeeze %dma_start3A_186 : memref<1x640xf32, #tpu.memory_space<vmem>> -> memref<640xf32, #tpu.memory_space<vmem>>
    %dma_start3A_188 = tpu.memref_slice %arg16[%dma_start3A_183, %mul3A_2] : memref<16x10240xf32, #tpu.memory_space<vmem_shared>> -> memref<1x640xf32, #tpu.memory_space<vmem_shared>>
    %dma_start3A_189 = tpu.memref_squeeze %dma_start3A_188 : memref<1x640xf32, #tpu.memory_space<vmem_shared>> -> memref<640xf32, #tpu.memory_space<vmem_shared>>
    %dma_start3A_190 = arith.constant 0 : i32
    %dma_start3A_191 = tpu.memref_slice %arg13[%dma_start3A_184, %dma_start3A_190] : memref<16x640xf32, #tpu.memory_space<vmem>> -> memref<1x640xf32, #tpu.memory_space<vmem>>
    %dma_start3A_192 = tpu.memref_squeeze %dma_start3A_191 : memref<1x640xf32, #tpu.memory_space<vmem>> -> memref<640xf32, #tpu.memory_space<vmem>>
    %dma_start3A_193 = tpu.memref_slice %arg16[%dma_start3A_183, %mul3A_2] : memref<16x10240xf32, #tpu.memory_space<vmem_shared>> -> memref<1x640xf32, #tpu.memory_space<vmem_shared>>
    %dma_start3A_194 = tpu.memref_squeeze %dma_start3A_193 : memref<1x640xf32, #tpu.memory_space<vmem_shared>> -> memref<640xf32, #tpu.memory_space<vmem_shared>>
    tpu.enqueue_dma source(%dma_start3A_194 : memref<640xf32, #tpu.memory_space<vmem_shared>>) target(%dma_start3A_192 : memref<640xf32, #tpu.memory_space<vmem>>) target_semaphore(%arg20 : memref<!tpu.dma_semaphore, #tpu.memory_space<semaphore_mem>>)
    %dma_start3A_195 = arith.constant 14 : i32
    %dma_start3A_196 = arith.constant 14 : i32
    %dma_start3A_197 = arith.constant 0 : i32
    %dma_start3A_198 = tpu.memref_slice %arg13[%dma_start3A_196, %dma_start3A_197] : memref<16x640xf32, #tpu.memory_space<vmem>> -> memref<1x640xf32, #tpu.memory_space<vmem>>
    %dma_start3A_199 = tpu.memref_squeeze %dma_start3A_198 : memref<1x640xf32, #tpu.memory_space<vmem>> -> memref<640xf32, #tpu.memory_space<vmem>>
    %dma_start3A_200 = tpu.memref_slice %arg16[%dma_start3A_195, %mul3A_2] : memref<16x10240xf32, #tpu.memory_space<vmem_shared>> -> memref<1x640xf32, #tpu.memory_space<vmem_shared>>
    %dma_start3A_201 = tpu.memref_squeeze %dma_start3A_200 : memref<1x640xf32, #tpu.memory_space<vmem_shared>> -> memref<640xf32, #tpu.memory_space<vmem_shared>>
    %dma_start3A_202 = arith.constant 0 : i32
    %dma_start3A_203 = tpu.memref_slice %arg13[%dma_start3A_196, %dma_start3A_202] : memref<16x640xf32, #tpu.memory_space<vmem>> -> memref<1x640xf32, #tpu.memory_space<vmem>>
    %dma_start3A_204 = tpu.memref_squeeze %dma_start3A_203 : memref<1x640xf32, #tpu.memory_space<vmem>> -> memref<640xf32, #tpu.memory_space<vmem>>
    %dma_start3A_205 = tpu.memref_slice %arg16[%dma_start3A_195, %mul3A_2] : memref<16x10240xf32, #tpu.memory_space<vmem_shared>> -> memref<1x640xf32, #tpu.memory_space<vmem_shared>>
    %dma_start3A_206 = tpu.memref_squeeze %dma_start3A_205 : memref<1x640xf32, #tpu.memory_space<vmem_shared>> -> memref<640xf32, #tpu.memory_space<vmem_shared>>
    tpu.enqueue_dma source(%dma_start3A_206 : memref<640xf32, #tpu.memory_space<vmem_shared>>) target(%dma_start3A_204 : memref<640xf32, #tpu.memory_space<vmem>>) target_semaphore(%arg20 : memref<!tpu.dma_semaphore, #tpu.memory_space<semaphore_mem>>)
    %dma_start3A_207 = arith.constant 15 : i32
    %dma_start3A_208 = arith.constant 15 : i32
    %dma_start3A_209 = arith.constant 0 : i32
    %dma_start3A_210 = tpu.memref_slice %arg13[%dma_start3A_208, %dma_start3A_209] : memref<16x640xf32, #tpu.memory_space<vmem>> -> memref<1x640xf32, #tpu.memory_space<vmem>>
    %dma_start3A_211 = tpu.memref_squeeze %dma_start3A_210 : memref<1x640xf32, #tpu.memory_space<vmem>> -> memref<640xf32, #tpu.memory_space<vmem>>
    %dma_start3A_212 = tpu.memref_slice %arg16[%dma_start3A_207, %mul3A_2] : memref<16x10240xf32, #tpu.memory_space<vmem_shared>> -> memref<1x640xf32, #tpu.memory_space<vmem_shared>>
    %dma_start3A_213 = tpu.memref_squeeze %dma_start3A_212 : memref<1x640xf32, #tpu.memory_space<vmem_shared>> -> memref<640xf32, #tpu.memory_space<vmem_shared>>
    %dma_start3A_214 = arith.constant 0 : i32
    %dma_start3A_215 = tpu.memref_slice %arg13[%dma_start3A_208, %dma_start3A_214] : memref<16x640xf32, #tpu.memory_space<vmem>> -> memref<1x640xf32, #tpu.memory_space<vmem>>
    %dma_start3A_216 = tpu.memref_squeeze %dma_start3A_215 : memref<1x640xf32, #tpu.memory_space<vmem>> -> memref<640xf32, #tpu.memory_space<vmem>>
    %dma_start3A_217 = tpu.memref_slice %arg16[%dma_start3A_207, %mul3A_2] : memref<16x10240xf32, #tpu.memory_space<vmem_shared>> -> memref<1x640xf32, #tpu.memory_space<vmem_shared>>
    %dma_start3A_218 = tpu.memref_squeeze %dma_start3A_217 : memref<1x640xf32, #tpu.memory_space<vmem_shared>> -> memref<640xf32, #tpu.memory_space<vmem_shared>>
    tpu.enqueue_dma source(%dma_start3A_218 : memref<640xf32, #tpu.memory_space<vmem_shared>>) target(%dma_start3A_216 : memref<640xf32, #tpu.memory_space<vmem>>) target_semaphore(%arg20 : memref<!tpu.dma_semaphore, #tpu.memory_space<semaphore_mem>>)
    %dma_wait3A_219 = arith.constant 0 : i32
    %dma_wait3A_220 = arith.constant 0 : i32
    %dma_wait3A_221 = arith.constant 0 : i32
    %dma_wait3A_222 = tpu.memref_slice %arg13[%dma_wait3A_220, %dma_wait3A_221] : memref<16x640xf32, #tpu.memory_space<vmem>> -> memref<1x640xf32, #tpu.memory_space<vmem>>
    %dma_wait3A_223 = tpu.memref_squeeze %dma_wait3A_222 : memref<1x640xf32, #tpu.memory_space<vmem>> -> memref<640xf32, #tpu.memory_space<vmem>>
    %dma_wait3A_224 = tpu.memref_slice %arg16[%dma_wait3A_219, %mul3A_2] : memref<16x10240xf32, #tpu.memory_space<vmem_shared>> -> memref<1x640xf32, #tpu.memory_space<vmem_shared>>
    %dma_wait3A_225 = tpu.memref_squeeze %dma_wait3A_224 : memref<1x640xf32, #tpu.memory_space<vmem_shared>> -> memref<640xf32, #tpu.memory_space<vmem_shared>>
    %dma_wait3A_226 = arith.constant 0 : i32
    %dma_wait3A_227 = tpu.memref_slice %arg13[%dma_wait3A_220, %dma_wait3A_226] : memref<16x640xf32, #tpu.memory_space<vmem>> -> memref<1x640xf32, #tpu.memory_space<vmem>>
    %dma_wait3A_228 = tpu.memref_squeeze %dma_wait3A_227 : memref<1x640xf32, #tpu.memory_space<vmem>> -> memref<640xf32, #tpu.memory_space<vmem>>
    %dma_wait3A_229 = tpu.memref_slice %arg16[%dma_wait3A_219, %mul3A_2] : memref<16x10240xf32, #tpu.memory_space<vmem_shared>> -> memref<1x640xf32, #tpu.memory_space<vmem_shared>>
    %dma_wait3A_230 = tpu.memref_squeeze %dma_wait3A_229 : memref<1x640xf32, #tpu.memory_space<vmem_shared>> -> memref<640xf32, #tpu.memory_space<vmem_shared>>
    tpu.wait_dma2 semaphore(%arg20 : memref<!tpu.dma_semaphore, #tpu.memory_space<semaphore_mem>>) src(%dma_wait3A_230 : memref<640xf32, #tpu.memory_space<vmem_shared>>) dst(%dma_wait3A_228 : memref<640xf32, #tpu.memory_space<vmem>>)
    %dma_wait3A_231 = arith.constant 1 : i32
    %dma_wait3A_232 = arith.constant 1 : i32
    %dma_wait3A_233 = arith.constant 0 : i32
    %dma_wait3A_234 = tpu.memref_slice %arg13[%dma_wait3A_232, %dma_wait3A_233] : memref<16x640xf32, #tpu.memory_space<vmem>> -> memref<1x640xf32, #tpu.memory_space<vmem>>
    %dma_wait3A_235 = tpu.memref_squeeze %dma_wait3A_234 : memref<1x640xf32, #tpu.memory_space<vmem>> -> memref<640xf32, #tpu.memory_space<vmem>>
    %dma_wait3A_236 = tpu.memref_slice %arg16[%dma_wait3A_231, %mul3A_2] : memref<16x10240xf32, #tpu.memory_space<vmem_shared>> -> memref<1x640xf32, #tpu.memory_space<vmem_shared>>
    %dma_wait3A_237 = tpu.memref_squeeze %dma_wait3A_236 : memref<1x640xf32, #tpu.memory_space<vmem_shared>> -> memref<640xf32, #tpu.memory_space<vmem_shared>>
    %dma_wait3A_238 = arith.constant 0 : i32
    %dma_wait3A_239 = tpu.memref_slice %arg13[%dma_wait3A_232, %dma_wait3A_238] : memref<16x640xf32, #tpu.memory_space<vmem>> -> memref<1x640xf32, #tpu.memory_space<vmem>>
    %dma_wait3A_240 = tpu.memref_squeeze %dma_wait3A_239 : memref<1x640xf32, #tpu.memory_space<vmem>> -> memref<640xf32, #tpu.memory_space<vmem>>
    %dma_wait3A_241 = tpu.memref_slice %arg16[%dma_wait3A_231, %mul3A_2] : memref<16x10240xf32, #tpu.memory_space<vmem_shared>> -> memref<1x640xf32, #tpu.memory_space<vmem_shared>>
    %dma_wait3A_242 = tpu.memref_squeeze %dma_wait3A_241 : memref<1x640xf32, #tpu.memory_space<vmem_shared>> -> memref<640xf32, #tpu.memory_space<vmem_shared>>
    tpu.wait_dma2 semaphore(%arg20 : memref<!tpu.dma_semaphore, #tpu.memory_space<semaphore_mem>>) src(%dma_wait3A_242 : memref<640xf32, #tpu.memory_space<vmem_shared>>) dst(%dma_wait3A_240 : memref<640xf32, #tpu.memory_space<vmem>>)
    %dma_wait3A_243 = arith.constant 2 : i32
    %dma_wait3A_244 = arith.constant 2 : i32
    %dma_wait3A_245 = arith.constant 0 : i32
    %dma_wait3A_246 = tpu.memref_slice %arg13[%dma_wait3A_244, %dma_wait3A_245] : memref<16x640xf32, #tpu.memory_space<vmem>> -> memref<1x640xf32, #tpu.memory_space<vmem>>
    %dma_wait3A_247 = tpu.memref_squeeze %dma_wait3A_246 : memref<1x640xf32, #tpu.memory_space<vmem>> -> memref<640xf32, #tpu.memory_space<vmem>>
    %dma_wait3A_248 = tpu.memref_slice %arg16[%dma_wait3A_243, %mul3A_2] : memref<16x10240xf32, #tpu.memory_space<vmem_shared>> -> memref<1x640xf32, #tpu.memory_space<vmem_shared>>
    %dma_wait3A_249 = tpu.memref_squeeze %dma_wait3A_248 : memref<1x640xf32, #tpu.memory_space<vmem_shared>> -> memref<640xf32, #tpu.memory_space<vmem_shared>>
    %dma_wait3A_250 = arith.constant 0 : i32
    %dma_wait3A_251 = tpu.memref_slice %arg13[%dma_wait3A_244, %dma_wait3A_250] : memref<16x640xf32, #tpu.memory_space<vmem>> -> memref<1x640xf32, #tpu.memory_space<vmem>>
    %dma_wait3A_252 = tpu.memref_squeeze %dma_wait3A_251 : memref<1x640xf32, #tpu.memory_space<vmem>> -> memref<640xf32, #tpu.memory_space<vmem>>
    %dma_wait3A_253 = tpu.memref_slice %arg16[%dma_wait3A_243, %mul3A_2] : memref<16x10240xf32, #tpu.memory_space<vmem_shared>> -> memref<1x640xf32, #tpu.memory_space<vmem_shared>>
    %dma_wait3A_254 = tpu.memref_squeeze %dma_wait3A_253 : memref<1x640xf32, #tpu.memory_space<vmem_shared>> -> memref<640xf32, #tpu.memory_space<vmem_shared>>
    tpu.wait_dma2 semaphore(%arg20 : memref<!tpu.dma_semaphore, #tpu.memory_space<semaphore_mem>>) src(%dma_wait3A_254 : memref<640xf32, #tpu.memory_space<vmem_shared>>) dst(%dma_wait3A_252 : memref<640xf32, #tpu.memory_space<vmem>>)
    %dma_wait3A_255 = arith.constant 3 : i32
    %dma_wait3A_256 = arith.constant 3 : i32
    %dma_wait3A_257 = arith.constant 0 : i32
    %dma_wait3A_258 = tpu.memref_slice %arg13[%dma_wait3A_256, %dma_wait3A_257] : memref<16x640xf32, #tpu.memory_space<vmem>> -> memref<1x640xf32, #tpu.memory_space<vmem>>
    %dma_wait3A_259 = tpu.memref_squeeze %dma_wait3A_258 : memref<1x640xf32, #tpu.memory_space<vmem>> -> memref<640xf32, #tpu.memory_space<vmem>>
    %dma_wait3A_260 = tpu.memref_slice %arg16[%dma_wait3A_255, %mul3A_2] : memref<16x10240xf32, #tpu.memory_space<vmem_shared>> -> memref<1x640xf32, #tpu.memory_space<vmem_shared>>
    %dma_wait3A_261 = tpu.memref_squeeze %dma_wait3A_260 : memref<1x640xf32, #tpu.memory_space<vmem_shared>> -> memref<640xf32, #tpu.memory_space<vmem_shared>>
    %dma_wait3A_262 = arith.constant 0 : i32
    %dma_wait3A_263 = tpu.memref_slice %arg13[%dma_wait3A_256, %dma_wait3A_262] : memref<16x640xf32, #tpu.memory_space<vmem>> -> memref<1x640xf32, #tpu.memory_space<vmem>>
    %dma_wait3A_264 = tpu.memref_squeeze %dma_wait3A_263 : memref<1x640xf32, #tpu.memory_space<vmem>> -> memref<640xf32, #tpu.memory_space<vmem>>
    %dma_wait3A_265 = tpu.memref_slice %arg16[%dma_wait3A_255, %mul3A_2] : memref<16x10240xf32, #tpu.memory_space<vmem_shared>> -> memref<1x640xf32, #tpu.memory_space<vmem_shared>>
    %dma_wait3A_266 = tpu.memref_squeeze %dma_wait3A_265 : memref<1x640xf32, #tpu.memory_space<vmem_shared>> -> memref<640xf32, #tpu.memory_space<vmem_shared>>
    tpu.wait_dma2 semaphore(%arg20 : memref<!tpu.dma_semaphore, #tpu.memory_space<semaphore_mem>>) src(%dma_wait3A_266 : memref<640xf32, #tpu.memory_space<vmem_shared>>) dst(%dma_wait3A_264 : memref<640xf32, #tpu.memory_space<vmem>>)
    %dma_wait3A_267 = arith.constant 4 : i32
    %dma_wait3A_268 = arith.constant 4 : i32
    %dma_wait3A_269 = arith.constant 0 : i32
    %dma_wait3A_270 = tpu.memref_slice %arg13[%dma_wait3A_268, %dma_wait3A_269] : memref<16x640xf32, #tpu.memory_space<vmem>> -> memref<1x640xf32, #tpu.memory_space<vmem>>
    %dma_wait3A_271 = tpu.memref_squeeze %dma_wait3A_270 : memref<1x640xf32, #tpu.memory_space<vmem>> -> memref<640xf32, #tpu.memory_space<vmem>>
    %dma_wait3A_272 = tpu.memref_slice %arg16[%dma_wait3A_267, %mul3A_2] : memref<16x10240xf32, #tpu.memory_space<vmem_shared>> -> memref<1x640xf32, #tpu.memory_space<vmem_shared>>
    %dma_wait3A_273 = tpu.memref_squeeze %dma_wait3A_272 : memref<1x640xf32, #tpu.memory_space<vmem_shared>> -> memref<640xf32, #tpu.memory_space<vmem_shared>>
    %dma_wait3A_274 = arith.constant 0 : i32
    %dma_wait3A_275 = tpu.memref_slice %arg13[%dma_wait3A_268, %dma_wait3A_274] : memref<16x640xf32, #tpu.memory_space<vmem>> -> memref<1x640xf32, #tpu.memory_space<vmem>>
    %dma_wait3A_276 = tpu.memref_squeeze %dma_wait3A_275 : memref<1x640xf32, #tpu.memory_space<vmem>> -> memref<640xf32, #tpu.memory_space<vmem>>
    %dma_wait3A_277 = tpu.memref_slice %arg16[%dma_wait3A_267, %mul3A_2] : memref<16x10240xf32, #tpu.memory_space<vmem_shared>> -> memref<1x640xf32, #tpu.memory_space<vmem_shared>>
    %dma_wait3A_278 = tpu.memref_squeeze %dma_wait3A_277 : memref<1x640xf32, #tpu.memory_space<vmem_shared>> -> memref<640xf32, #tpu.memory_space<vmem_shared>>
    tpu.wait_dma2 semaphore(%arg20 : memref<!tpu.dma_semaphore, #tpu.memory_space<semaphore_mem>>) src(%dma_wait3A_278 : memref<640xf32, #tpu.memory_space<vmem_shared>>) dst(%dma_wait3A_276 : memref<640xf32, #tpu.memory_space<vmem>>)
    %dma_wait3A_279 = arith.constant 5 : i32
    %dma_wait3A_280 = arith.constant 5 : i32
    %dma_wait3A_281 = arith.constant 0 : i32
    %dma_wait3A_282 = tpu.memref_slice %arg13[%dma_wait3A_280, %dma_wait3A_281] : memref<16x640xf32, #tpu.memory_space<vmem>> -> memref<1x640xf32, #tpu.memory_space<vmem>>
    %dma_wait3A_283 = tpu.memref_squeeze %dma_wait3A_282 : memref<1x640xf32, #tpu.memory_space<vmem>> -> memref<640xf32, #tpu.memory_space<vmem>>
    %dma_wait3A_284 = tpu.memref_slice %arg16[%dma_wait3A_279, %mul3A_2] : memref<16x10240xf32, #tpu.memory_space<vmem_shared>> -> memref<1x640xf32, #tpu.memory_space<vmem_shared>>
    %dma_wait3A_285 = tpu.memref_squeeze %dma_wait3A_284 : memref<1x640xf32, #tpu.memory_space<vmem_shared>> -> memref<640xf32, #tpu.memory_space<vmem_shared>>
    %dma_wait3A_286 = arith.constant 0 : i32
    %dma_wait3A_287 = tpu.memref_slice %arg13[%dma_wait3A_280, %dma_wait3A_286] : memref<16x640xf32, #tpu.memory_space<vmem>> -> memref<1x640xf32, #tpu.memory_space<vmem>>
    %dma_wait3A_288 = tpu.memref_squeeze %dma_wait3A_287 : memref<1x640xf32, #tpu.memory_space<vmem>> -> memref<640xf32, #tpu.memory_space<vmem>>
    %dma_wait3A_289 = tpu.memref_slice %arg16[%dma_wait3A_279, %mul3A_2] : memref<16x10240xf32, #tpu.memory_space<vmem_shared>> -> memref<1x640xf32, #tpu.memory_space<vmem_shared>>
    %dma_wait3A_290 = tpu.memref_squeeze %dma_wait3A_289 : memref<1x640xf32, #tpu.memory_space<vmem_shared>> -> memref<640xf32, #tpu.memory_space<vmem_shared>>
    tpu.wait_dma2 semaphore(%arg20 : memref<!tpu.dma_semaphore, #tpu.memory_space<semaphore_mem>>) src(%dma_wait3A_290 : memref<640xf32, #tpu.memory_space<vmem_shared>>) dst(%dma_wait3A_288 : memref<640xf32, #tpu.memory_space<vmem>>)
    %dma_wait3A_291 = arith.constant 6 : i32
    %dma_wait3A_292 = arith.constant 6 : i32
    %dma_wait3A_293 = arith.constant 0 : i32
    %dma_wait3A_294 = tpu.memref_slice %arg13[%dma_wait3A_292, %dma_wait3A_293] : memref<16x640xf32, #tpu.memory_space<vmem>> -> memref<1x640xf32, #tpu.memory_space<vmem>>
    %dma_wait3A_295 = tpu.memref_squeeze %dma_wait3A_294 : memref<1x640xf32, #tpu.memory_space<vmem>> -> memref<640xf32, #tpu.memory_space<vmem>>
    %dma_wait3A_296 = tpu.memref_slice %arg16[%dma_wait3A_291, %mul3A_2] : memref<16x10240xf32, #tpu.memory_space<vmem_shared>> -> memref<1x640xf32, #tpu.memory_space<vmem_shared>>
    %dma_wait3A_297 = tpu.memref_squeeze %dma_wait3A_296 : memref<1x640xf32, #tpu.memory_space<vmem_shared>> -> memref<640xf32, #tpu.memory_space<vmem_shared>>
    %dma_wait3A_298 = arith.constant 0 : i32
    %dma_wait3A_299 = tpu.memref_slice %arg13[%dma_wait3A_292, %dma_wait3A_298] : memref<16x640xf32, #tpu.memory_space<vmem>> -> memref<1x640xf32, #tpu.memory_space<vmem>>
    %dma_wait3A_300 = tpu.memref_squeeze %dma_wait3A_299 : memref<1x640xf32, #tpu.memory_space<vmem>> -> memref<640xf32, #tpu.memory_space<vmem>>
    %dma_wait3A_301 = tpu.memref_slice %arg16[%dma_wait3A_291, %mul3A_2] : memref<16x10240xf32, #tpu.memory_space<vmem_shared>> -> memref<1x640xf32, #tpu.memory_space<vmem_shared>>
    %dma_wait3A_302 = tpu.memref_squeeze %dma_wait3A_301 : memref<1x640xf32, #tpu.memory_space<vmem_shared>> -> memref<640xf32, #tpu.memory_space<vmem_shared>>
    tpu.wait_dma2 semaphore(%arg20 : memref<!tpu.dma_semaphore, #tpu.memory_space<semaphore_mem>>) src(%dma_wait3A_302 : memref<640xf32, #tpu.memory_space<vmem_shared>>) dst(%dma_wait3A_300 : memref<640xf32, #tpu.memory_space<vmem>>)
    %dma_wait3A_303 = arith.constant 7 : i32
    %dma_wait3A_304 = arith.constant 7 : i32
    %dma_wait3A_305 = arith.constant 0 : i32
    %dma_wait3A_306 = tpu.memref_slice %arg13[%dma_wait3A_304, %dma_wait3A_305] : memref<16x640xf32, #tpu.memory_space<vmem>> -> memref<1x640xf32, #tpu.memory_space<vmem>>
    %dma_wait3A_307 = tpu.memref_squeeze %dma_wait3A_306 : memref<1x640xf32, #tpu.memory_space<vmem>> -> memref<640xf32, #tpu.memory_space<vmem>>
    %dma_wait3A_308 = tpu.memref_slice %arg16[%dma_wait3A_303, %mul3A_2] : memref<16x10240xf32, #tpu.memory_space<vmem_shared>> -> memref<1x640xf32, #tpu.memory_space<vmem_shared>>
    %dma_wait3A_309 = tpu.memref_squeeze %dma_wait3A_308 : memref<1x640xf32, #tpu.memory_space<vmem_shared>> -> memref<640xf32, #tpu.memory_space<vmem_shared>>
    %dma_wait3A_310 = arith.constant 0 : i32
    %dma_wait3A_311 = tpu.memref_slice %arg13[%dma_wait3A_304, %dma_wait3A_310] : memref<16x640xf32, #tpu.memory_space<vmem>> -> memref<1x640xf32, #tpu.memory_space<vmem>>
    %dma_wait3A_312 = tpu.memref_squeeze %dma_wait3A_311 : memref<1x640xf32, #tpu.memory_space<vmem>> -> memref<640xf32, #tpu.memory_space<vmem>>
    %dma_wait3A_313 = tpu.memref_slice %arg16[%dma_wait3A_303, %mul3A_2] : memref<16x10240xf32, #tpu.memory_space<vmem_shared>> -> memref<1x640xf32, #tpu.memory_space<vmem_shared>>
    %dma_wait3A_314 = tpu.memref_squeeze %dma_wait3A_313 : memref<1x640xf32, #tpu.memory_space<vmem_shared>> -> memref<640xf32, #tpu.memory_space<vmem_shared>>
    tpu.wait_dma2 semaphore(%arg20 : memref<!tpu.dma_semaphore, #tpu.memory_space<semaphore_mem>>) src(%dma_wait3A_314 : memref<640xf32, #tpu.memory_space<vmem_shared>>) dst(%dma_wait3A_312 : memref<640xf32, #tpu.memory_space<vmem>>)
    %dma_wait3A_315 = arith.constant 8 : i32
    %dma_wait3A_316 = arith.constant 8 : i32
    %dma_wait3A_317 = arith.constant 0 : i32
    %dma_wait3A_318 = tpu.memref_slice %arg13[%dma_wait3A_316, %dma_wait3A_317] : memref<16x640xf32, #tpu.memory_space<vmem>> -> memref<1x640xf32, #tpu.memory_space<vmem>>
    %dma_wait3A_319 = tpu.memref_squeeze %dma_wait3A_318 : memref<1x640xf32, #tpu.memory_space<vmem>> -> memref<640xf32, #tpu.memory_space<vmem>>
    %dma_wait3A_320 = tpu.memref_slice %arg16[%dma_wait3A_315, %mul3A_2] : memref<16x10240xf32, #tpu.memory_space<vmem_shared>> -> memref<1x640xf32, #tpu.memory_space<vmem_shared>>
    %dma_wait3A_321 = tpu.memref_squeeze %dma_wait3A_320 : memref<1x640xf32, #tpu.memory_space<vmem_shared>> -> memref<640xf32, #tpu.memory_space<vmem_shared>>
    %dma_wait3A_322 = arith.constant 0 : i32
    %dma_wait3A_323 = tpu.memref_slice %arg13[%dma_wait3A_316, %dma_wait3A_322] : memref<16x640xf32, #tpu.memory_space<vmem>> -> memref<1x640xf32, #tpu.memory_space<vmem>>
    %dma_wait3A_324 = tpu.memref_squeeze %dma_wait3A_323 : memref<1x640xf32, #tpu.memory_space<vmem>> -> memref<640xf32, #tpu.memory_space<vmem>>
    %dma_wait3A_325 = tpu.memref_slice %arg16[%dma_wait3A_315, %mul3A_2] : memref<16x10240xf32, #tpu.memory_space<vmem_shared>> -> memref<1x640xf32, #tpu.memory_space<vmem_shared>>
    %dma_wait3A_326 = tpu.memref_squeeze %dma_wait3A_325 : memref<1x640xf32, #tpu.memory_space<vmem_shared>> -> memref<640xf32, #tpu.memory_space<vmem_shared>>
    tpu.wait_dma2 semaphore(%arg20 : memref<!tpu.dma_semaphore, #tpu.memory_space<semaphore_mem>>) src(%dma_wait3A_326 : memref<640xf32, #tpu.memory_space<vmem_shared>>) dst(%dma_wait3A_324 : memref<640xf32, #tpu.memory_space<vmem>>)
    %dma_wait3A_327 = arith.constant 9 : i32
    %dma_wait3A_328 = arith.constant 9 : i32
    %dma_wait3A_329 = arith.constant 0 : i32
    %dma_wait3A_330 = tpu.memref_slice %arg13[%dma_wait3A_328, %dma_wait3A_329] : memref<16x640xf32, #tpu.memory_space<vmem>> -> memref<1x640xf32, #tpu.memory_space<vmem>>
    %dma_wait3A_331 = tpu.memref_squeeze %dma_wait3A_330 : memref<1x640xf32, #tpu.memory_space<vmem>> -> memref<640xf32, #tpu.memory_space<vmem>>
    %dma_wait3A_332 = tpu.memref_slice %arg16[%dma_wait3A_327, %mul3A_2] : memref<16x10240xf32, #tpu.memory_space<vmem_shared>> -> memref<1x640xf32, #tpu.memory_space<vmem_shared>>
    %dma_wait3A_333 = tpu.memref_squeeze %dma_wait3A_332 : memref<1x640xf32, #tpu.memory_space<vmem_shared>> -> memref<640xf32, #tpu.memory_space<vmem_shared>>
    %dma_wait3A_334 = arith.constant 0 : i32
    %dma_wait3A_335 = tpu.memref_slice %arg13[%dma_wait3A_328, %dma_wait3A_334] : memref<16x640xf32, #tpu.memory_space<vmem>> -> memref<1x640xf32, #tpu.memory_space<vmem>>
    %dma_wait3A_336 = tpu.memref_squeeze %dma_wait3A_335 : memref<1x640xf32, #tpu.memory_space<vmem>> -> memref<640xf32, #tpu.memory_space<vmem>>
    %dma_wait3A_337 = tpu.memref_slice %arg16[%dma_wait3A_327, %mul3A_2] : memref<16x10240xf32, #tpu.memory_space<vmem_shared>> -> memref<1x640xf32, #tpu.memory_space<vmem_shared>>
    %dma_wait3A_338 = tpu.memref_squeeze %dma_wait3A_337 : memref<1x640xf32, #tpu.memory_space<vmem_shared>> -> memref<640xf32, #tpu.memory_space<vmem_shared>>
    tpu.wait_dma2 semaphore(%arg20 : memref<!tpu.dma_semaphore, #tpu.memory_space<semaphore_mem>>) src(%dma_wait3A_338 : memref<640xf32, #tpu.memory_space<vmem_shared>>) dst(%dma_wait3A_336 : memref<640xf32, #tpu.memory_space<vmem>>)
    %dma_wait3A_339 = arith.constant 10 : i32
    %dma_wait3A_340 = arith.constant 10 : i32
    %dma_wait3A_341 = arith.constant 0 : i32
    %dma_wait3A_342 = tpu.memref_slice %arg13[%dma_wait3A_340, %dma_wait3A_341] : memref<16x640xf32, #tpu.memory_space<vmem>> -> memref<1x640xf32, #tpu.memory_space<vmem>>
    %dma_wait3A_343 = tpu.memref_squeeze %dma_wait3A_342 : memref<1x640xf32, #tpu.memory_space<vmem>> -> memref<640xf32, #tpu.memory_space<vmem>>
    %dma_wait3A_344 = tpu.memref_slice %arg16[%dma_wait3A_339, %mul3A_2] : memref<16x10240xf32, #tpu.memory_space<vmem_shared>> -> memref<1x640xf32, #tpu.memory_space<vmem_shared>>
    %dma_wait3A_345 = tpu.memref_squeeze %dma_wait3A_344 : memref<1x640xf32, #tpu.memory_space<vmem_shared>> -> memref<640xf32, #tpu.memory_space<vmem_shared>>
    %dma_wait3A_346 = arith.constant 0 : i32
    %dma_wait3A_347 = tpu.memref_slice %arg13[%dma_wait3A_340, %dma_wait3A_346] : memref<16x640xf32, #tpu.memory_space<vmem>> -> memref<1x640xf32, #tpu.memory_space<vmem>>
    %dma_wait3A_348 = tpu.memref_squeeze %dma_wait3A_347 : memref<1x640xf32, #tpu.memory_space<vmem>> -> memref<640xf32, #tpu.memory_space<vmem>>
    %dma_wait3A_349 = tpu.memref_slice %arg16[%dma_wait3A_339, %mul3A_2] : memref<16x10240xf32, #tpu.memory_space<vmem_shared>> -> memref<1x640xf32, #tpu.memory_space<vmem_shared>>
    %dma_wait3A_350 = tpu.memref_squeeze %dma_wait3A_349 : memref<1x640xf32, #tpu.memory_space<vmem_shared>> -> memref<640xf32, #tpu.memory_space<vmem_shared>>
    tpu.wait_dma2 semaphore(%arg20 : memref<!tpu.dma_semaphore, #tpu.memory_space<semaphore_mem>>) src(%dma_wait3A_350 : memref<640xf32, #tpu.memory_space<vmem_shared>>) dst(%dma_wait3A_348 : memref<640xf32, #tpu.memory_space<vmem>>)
    %dma_wait3A_351 = arith.constant 11 : i32
    %dma_wait3A_352 = arith.constant 11 : i32
    %dma_wait3A_353 = arith.constant 0 : i32
    %dma_wait3A_354 = tpu.memref_slice %arg13[%dma_wait3A_352, %dma_wait3A_353] : memref<16x640xf32, #tpu.memory_space<vmem>> -> memref<1x640xf32, #tpu.memory_space<vmem>>
    %dma_wait3A_355 = tpu.memref_squeeze %dma_wait3A_354 : memref<1x640xf32, #tpu.memory_space<vmem>> -> memref<640xf32, #tpu.memory_space<vmem>>
    %dma_wait3A_356 = tpu.memref_slice %arg16[%dma_wait3A_351, %mul3A_2] : memref<16x10240xf32, #tpu.memory_space<vmem_shared>> -> memref<1x640xf32, #tpu.memory_space<vmem_shared>>
    %dma_wait3A_357 = tpu.memref_squeeze %dma_wait3A_356 : memref<1x640xf32, #tpu.memory_space<vmem_shared>> -> memref<640xf32, #tpu.memory_space<vmem_shared>>
    %dma_wait3A_358 = arith.constant 0 : i32
    %dma_wait3A_359 = tpu.memref_slice %arg13[%dma_wait3A_352, %dma_wait3A_358] : memref<16x640xf32, #tpu.memory_space<vmem>> -> memref<1x640xf32, #tpu.memory_space<vmem>>
    %dma_wait3A_360 = tpu.memref_squeeze %dma_wait3A_359 : memref<1x640xf32, #tpu.memory_space<vmem>> -> memref<640xf32, #tpu.memory_space<vmem>>
    %dma_wait3A_361 = tpu.memref_slice %arg16[%dma_wait3A_351, %mul3A_2] : memref<16x10240xf32, #tpu.memory_space<vmem_shared>> -> memref<1x640xf32, #tpu.memory_space<vmem_shared>>
    %dma_wait3A_362 = tpu.memref_squeeze %dma_wait3A_361 : memref<1x640xf32, #tpu.memory_space<vmem_shared>> -> memref<640xf32, #tpu.memory_space<vmem_shared>>
    tpu.wait_dma2 semaphore(%arg20 : memref<!tpu.dma_semaphore, #tpu.memory_space<semaphore_mem>>) src(%dma_wait3A_362 : memref<640xf32, #tpu.memory_space<vmem_shared>>) dst(%dma_wait3A_360 : memref<640xf32, #tpu.memory_space<vmem>>)
    %dma_wait3A_363 = arith.constant 12 : i32
    %dma_wait3A_364 = arith.constant 12 : i32
    %dma_wait3A_365 = arith.constant 0 : i32
    %dma_wait3A_366 = tpu.memref_slice %arg13[%dma_wait3A_364, %dma_wait3A_365] : memref<16x640xf32, #tpu.memory_space<vmem>> -> memref<1x640xf32, #tpu.memory_space<vmem>>
    %dma_wait3A_367 = tpu.memref_squeeze %dma_wait3A_366 : memref<1x640xf32, #tpu.memory_space<vmem>> -> memref<640xf32, #tpu.memory_space<vmem>>
    %dma_wait3A_368 = tpu.memref_slice %arg16[%dma_wait3A_363, %mul3A_2] : memref<16x10240xf32, #tpu.memory_space<vmem_shared>> -> memref<1x640xf32, #tpu.memory_space<vmem_shared>>
    %dma_wait3A_369 = tpu.memref_squeeze %dma_wait3A_368 : memref<1x640xf32, #tpu.memory_space<vmem_shared>> -> memref<640xf32, #tpu.memory_space<vmem_shared>>
    %dma_wait3A_370 = arith.constant 0 : i32
    %dma_wait3A_371 = tpu.memref_slice %arg13[%dma_wait3A_364, %dma_wait3A_370] : memref<16x640xf32, #tpu.memory_space<vmem>> -> memref<1x640xf32, #tpu.memory_space<vmem>>
    %dma_wait3A_372 = tpu.memref_squeeze %dma_wait3A_371 : memref<1x640xf32, #tpu.memory_space<vmem>> -> memref<640xf32, #tpu.memory_space<vmem>>
    %dma_wait3A_373 = tpu.memref_slice %arg16[%dma_wait3A_363, %mul3A_2] : memref<16x10240xf32, #tpu.memory_space<vmem_shared>> -> memref<1x640xf32, #tpu.memory_space<vmem_shared>>
    %dma_wait3A_374 = tpu.memref_squeeze %dma_wait3A_373 : memref<1x640xf32, #tpu.memory_space<vmem_shared>> -> memref<640xf32, #tpu.memory_space<vmem_shared>>
    tpu.wait_dma2 semaphore(%arg20 : memref<!tpu.dma_semaphore, #tpu.memory_space<semaphore_mem>>) src(%dma_wait3A_374 : memref<640xf32, #tpu.memory_space<vmem_shared>>) dst(%dma_wait3A_372 : memref<640xf32, #tpu.memory_space<vmem>>)
    %dma_wait3A_375 = arith.constant 13 : i32
    %dma_wait3A_376 = arith.constant 13 : i32
    %dma_wait3A_377 = arith.constant 0 : i32
    %dma_wait3A_378 = tpu.memref_slice %arg13[%dma_wait3A_376, %dma_wait3A_377] : memref<16x640xf32, #tpu.memory_space<vmem>> -> memref<1x640xf32, #tpu.memory_space<vmem>>
    %dma_wait3A_379 = tpu.memref_squeeze %dma_wait3A_378 : memref<1x640xf32, #tpu.memory_space<vmem>> -> memref<640xf32, #tpu.memory_space<vmem>>
    %dma_wait3A_380 = tpu.memref_slice %arg16[%dma_wait3A_375, %mul3A_2] : memref<16x10240xf32, #tpu.memory_space<vmem_shared>> -> memref<1x640xf32, #tpu.memory_space<vmem_shared>>
    %dma_wait3A_381 = tpu.memref_squeeze %dma_wait3A_380 : memref<1x640xf32, #tpu.memory_space<vmem_shared>> -> memref<640xf32, #tpu.memory_space<vmem_shared>>
    %dma_wait3A_382 = arith.constant 0 : i32
    %dma_wait3A_383 = tpu.memref_slice %arg13[%dma_wait3A_376, %dma_wait3A_382] : memref<16x640xf32, #tpu.memory_space<vmem>> -> memref<1x640xf32, #tpu.memory_space<vmem>>
    %dma_wait3A_384 = tpu.memref_squeeze %dma_wait3A_383 : memref<1x640xf32, #tpu.memory_space<vmem>> -> memref<640xf32, #tpu.memory_space<vmem>>
    %dma_wait3A_385 = tpu.memref_slice %arg16[%dma_wait3A_375, %mul3A_2] : memref<16x10240xf32, #tpu.memory_space<vmem_shared>> -> memref<1x640xf32, #tpu.memory_space<vmem_shared>>
    %dma_wait3A_386 = tpu.memref_squeeze %dma_wait3A_385 : memref<1x640xf32, #tpu.memory_space<vmem_shared>> -> memref<640xf32, #tpu.memory_space<vmem_shared>>
    tpu.wait_dma2 semaphore(%arg20 : memref<!tpu.dma_semaphore, #tpu.memory_space<semaphore_mem>>) src(%dma_wait3A_386 : memref<640xf32, #tpu.memory_space<vmem_shared>>) dst(%dma_wait3A_384 : memref<640xf32, #tpu.memory_space<vmem>>)
    %dma_wait3A_387 = arith.constant 14 : i32
    %dma_wait3A_388 = arith.constant 14 : i32
    %dma_wait3A_389 = arith.constant 0 : i32
    %dma_wait3A_390 = tpu.memref_slice %arg13[%dma_wait3A_388, %dma_wait3A_389] : memref<16x640xf32, #tpu.memory_space<vmem>> -> memref<1x640xf32, #tpu.memory_space<vmem>>
    %dma_wait3A_391 = tpu.memref_squeeze %dma_wait3A_390 : memref<1x640xf32, #tpu.memory_space<vmem>> -> memref<640xf32, #tpu.memory_space<vmem>>
    %dma_wait3A_392 = tpu.memref_slice %arg16[%dma_wait3A_387, %mul3A_2] : memref<16x10240xf32, #tpu.memory_space<vmem_shared>> -> memref<1x640xf32, #tpu.memory_space<vmem_shared>>
    %dma_wait3A_393 = tpu.memref_squeeze %dma_wait3A_392 : memref<1x640xf32, #tpu.memory_space<vmem_shared>> -> memref<640xf32, #tpu.memory_space<vmem_shared>>
    %dma_wait3A_394 = arith.constant 0 : i32
    %dma_wait3A_395 = tpu.memref_slice %arg13[%dma_wait3A_388, %dma_wait3A_394] : memref<16x640xf32, #tpu.memory_space<vmem>> -> memref<1x640xf32, #tpu.memory_space<vmem>>
    %dma_wait3A_396 = tpu.memref_squeeze %dma_wait3A_395 : memref<1x640xf32, #tpu.memory_space<vmem>> -> memref<640xf32, #tpu.memory_space<vmem>>
    %dma_wait3A_397 = tpu.memref_slice %arg16[%dma_wait3A_387, %mul3A_2] : memref<16x10240xf32, #tpu.memory_space<vmem_shared>> -> memref<1x640xf32, #tpu.memory_space<vmem_shared>>
    %dma_wait3A_398 = tpu.memref_squeeze %dma_wait3A_397 : memref<1x640xf32, #tpu.memory_space<vmem_shared>> -> memref<640xf32, #tpu.memory_space<vmem_shared>>
    tpu.wait_dma2 semaphore(%arg20 : memref<!tpu.dma_semaphore, #tpu.memory_space<semaphore_mem>>) src(%dma_wait3A_398 : memref<640xf32, #tpu.memory_space<vmem_shared>>) dst(%dma_wait3A_396 : memref<640xf32, #tpu.memory_space<vmem>>)
    %dma_wait3A_399 = arith.constant 15 : i32
    %dma_wait3A_400 = arith.constant 15 : i32
    %dma_wait3A_401 = arith.constant 0 : i32
    %dma_wait3A_402 = tpu.memref_slice %arg13[%dma_wait3A_400, %dma_wait3A_401] : memref<16x640xf32, #tpu.memory_space<vmem>> -> memref<1x640xf32, #tpu.memory_space<vmem>>
    %dma_wait3A_403 = tpu.memref_squeeze %dma_wait3A_402 : memref<1x640xf32, #tpu.memory_space<vmem>> -> memref<640xf32, #tpu.memory_space<vmem>>
    %dma_wait3A_404 = tpu.memref_slice %arg16[%dma_wait3A_399, %mul3A_2] : memref<16x10240xf32, #tpu.memory_space<vmem_shared>> -> memref<1x640xf32, #tpu.memory_space<vmem_shared>>
    %dma_wait3A_405 = tpu.memref_squeeze %dma_wait3A_404 : memref<1x640xf32, #tpu.memory_space<vmem_shared>> -> memref<640xf32, #tpu.memory_space<vmem_shared>>
    %dma_wait3A_406 = arith.constant 0 : i32
    %dma_wait3A_407 = tpu.memref_slice %arg13[%dma_wait3A_400, %dma_wait3A_406] : memref<16x640xf32, #tpu.memory_space<vmem>> -> memref<1x640xf32, #tpu.memory_space<vmem>>
    %dma_wait3A_408 = tpu.memref_squeeze %dma_wait3A_407 : memref<1x640xf32, #tpu.memory_space<vmem>> -> memref<640xf32, #tpu.memory_space<vmem>>
    %dma_wait3A_409 = tpu.memref_slice %arg16[%dma_wait3A_399, %mul3A_2] : memref<16x10240xf32, #tpu.memory_space<vmem_shared>> -> memref<1x640xf32, #tpu.memory_space<vmem_shared>>
    %dma_wait3A_410 = tpu.memref_squeeze %dma_wait3A_409 : memref<1x640xf32, #tpu.memory_space<vmem_shared>> -> memref<640xf32, #tpu.memory_space<vmem_shared>>
    tpu.wait_dma2 semaphore(%arg20 : memref<!tpu.dma_semaphore, #tpu.memory_space<semaphore_mem>>) src(%dma_wait3A_410 : memref<640xf32, #tpu.memory_space<vmem_shared>>) dst(%dma_wait3A_408 : memref<640xf32, #tpu.memory_space<vmem>>)
    %scan3A_411 = arith.constant 0 : i32
    %scan3A_412 = arith.constant 0 : i32
    %scan3A_413 = arith.constant 40 : i32
    %scan3A_414 = arith.addi %scan3A_412, %scan3A_413 : i32
    %scan3A_415 = arith.constant 1 : i32
    %scan3A_416 = scf.for %scan3A_427 = %scan3A_412 to %scan3A_414 step %scan3A_415 iter_args(%scan3A_428 = %scan3A_411) -> (i32)  : i32 {
      %mul3A_429 = arith.constant 16 : i32
      %mul3A_430 = arith.muli %scan3A_427, %mul3A_429 : i32
      %get3A = arith.constant 0 : i32
      %get3A_431 = arith.index_cast %get3A : i32 to index
      %get3A_432 = arith.index_cast %mul3A_430 : i32 to index
      %get3A_433 = tpu.vector_load %arg13[%get3A_431, %get3A_432] {strides = array<i32>} : memref<16x640xf32, #tpu.memory_space<vmem>>, vector<16xf32>,
      %mul3A_434 = arith.constant 16 : i32
      %mul3A_435 = arith.muli %scan3A_427, %mul3A_434 : i32
      %get3A_436 = arith.constant 1 : i32
      %get3A_437 = arith.index_cast %get3A_436 : i32 to index
      %get3A_438 = arith.index_cast %mul3A_435 : i32 to index
      %get3A_439 = tpu.vector_load %arg13[%get3A_437, %get3A_438] {strides = array<i32>} : memref<16x640xf32, #tpu.memory_space<vmem>>, vector<16xf32>,
      %add3A = arith.addf %get3A_433, %get3A_439 : vector<16xf32>
      %mul3A_440 = arith.constant 16 : i32
      %mul3A_441 = arith.muli %scan3A_427, %mul3A_440 : i32
      %get3A_442 = arith.constant 2 : i32
      %get3A_443 = arith.index_cast %get3A_442 : i32 to index
      %get3A_444 = arith.index_cast %mul3A_441 : i32 to index
      %get3A_445 = tpu.vector_load %arg13[%get3A_443, %get3A_444] {strides = array<i32>} : memref<16x640xf32, #tpu.memory_space<vmem>>, vector<16xf32>,
      %add3A_446 = arith.addf %add3A, %get3A_445 : vector<16xf32>
      %mul3A_447 = arith.constant 16 : i32
      %mul3A_448 = arith.muli %scan3A_427, %mul3A_447 : i32
      %get3A_449 = arith.constant 3 : i32
      %get3A_450 = arith.index_cast %get3A_449 : i32 to index
      %get3A_451 = arith.index_cast %mul3A_448 : i32 to index
      %get3A_452 = tpu.vector_load %arg13[%get3A_450, %get3A_451] {strides = array<i32>} : memref<16x640xf32, #tpu.memory_space<vmem>>, vector<16xf32>,
      %add3A_453 = arith.addf %add3A_446, %get3A_452 : vector<16xf32>
      %mul3A_454 = arith.constant 16 : i32
      %mul3A_455 = arith.muli %scan3A_427, %mul3A_454 : i32
      %get3A_456 = arith.constant 4 : i32
      %get3A_457 = arith.index_cast %get3A_456 : i32 to index
      %get3A_458 = arith.index_cast %mul3A_455 : i32 to index
      %get3A_459 = tpu.vector_load %arg13[%get3A_457, %get3A_458] {strides = array<i32>} : memref<16x640xf32, #tpu.memory_space<vmem>>, vector<16xf32>,
      %add3A_460 = arith.addf %add3A_453, %get3A_459 : vector<16xf32>
      %mul3A_461 = arith.constant 16 : i32
      %mul3A_462 = arith.muli %scan3A_427, %mul3A_461 : i32
      %get3A_463 = arith.constant 5 : i32
      %get3A_464 = arith.index_cast %get3A_463 : i32 to index
      %get3A_465 = arith.index_cast %mul3A_462 : i32 to index
      %get3A_466 = tpu.vector_load %arg13[%get3A_464, %get3A_465] {strides = array<i32>} : memref<16x640xf32, #tpu.memory_space<vmem>>, vector<16xf32>,
      %add3A_467 = arith.addf %add3A_460, %get3A_466 : vector<16xf32>
      %mul3A_468 = arith.constant 16 : i32
      %mul3A_469 = arith.muli %scan3A_427, %mul3A_468 : i32
      %get3A_470 = arith.constant 6 : i32
      %get3A_471 = arith.index_cast %get3A_470 : i32 to index
      %get3A_472 = arith.index_cast %mul3A_469 : i32 to index
      %get3A_473 = tpu.vector_load %arg13[%get3A_471, %get3A_472] {strides = array<i32>} : memref<16x640xf32, #tpu.memory_space<vmem>>, vector<16xf32>,
      %add3A_474 = arith.addf %add3A_467, %get3A_473 : vector<16xf32>
      %mul3A_475 = arith.constant 16 : i32
      %mul3A_476 = arith.muli %scan3A_427, %mul3A_475 : i32
      %get3A_477 = arith.constant 7 : i32
      %get3A_478 = arith.index_cast %get3A_477 : i32 to index
      %get3A_479 = arith.index_cast %mul3A_476 : i32 to index
      %get3A_480 = tpu.vector_load %arg13[%get3A_478, %get3A_479] {strides = array<i32>} : memref<16x640xf32, #tpu.memory_space<vmem>>, vector<16xf32>,
      %add3A_481 = arith.addf %add3A_474, %get3A_480 : vector<16xf32>
      %mul3A_482 = arith.constant 16 : i32
      %mul3A_483 = arith.muli %scan3A_427, %mul3A_482 : i32
      %get3A_484 = arith.constant 8 : i32
      %get3A_485 = arith.index_cast %get3A_484 : i32 to index
      %get3A_486 = arith.index_cast %mul3A_483 : i32 to index
      %get3A_487 = tpu.vector_load %arg13[%get3A_485, %get3A_486] {strides = array<i32>} : memref<16x640xf32, #tpu.memory_space<vmem>>, vector<16xf32>,
      %add3A_488 = arith.addf %add3A_481, %get3A_487 : vector<16xf32>
      %mul3A_489 = arith.constant 16 : i32
      %mul3A_490 = arith.muli %scan3A_427, %mul3A_489 : i32
      %get3A_491 = arith.constant 9 : i32
      %get3A_492 = arith.index_cast %get3A_491 : i32 to index
      %get3A_493 = arith.index_cast %mul3A_490 : i32 to index
      %get3A_494 = tpu.vector_load %arg13[%get3A_492, %get3A_493] {strides = array<i32>} : memref<16x640xf32, #tpu.memory_space<vmem>>, vector<16xf32>,
      %add3A_495 = arith.addf %add3A_488, %get3A_494 : vector<16xf32>
      %mul3A_496 = arith.constant 16 : i32
      %mul3A_497 = arith.muli %scan3A_427, %mul3A_496 : i32
      %get3A_498 = arith.constant 10 : i32
      %get3A_499 = arith.index_cast %get3A_498 : i32 to index
      %get3A_500 = arith.index_cast %mul3A_497 : i32 to index
      %get3A_501 = tpu.vector_load %arg13[%get3A_499, %get3A_500] {strides = array<i32>} : memref<16x640xf32, #tpu.memory_space<vmem>>, vector<16xf32>,
      %add3A_502 = arith.addf %add3A_495, %get3A_501 : vector<16xf32>
      %mul3A_503 = arith.constant 16 : i32
      %mul3A_504 = arith.muli %scan3A_427, %mul3A_503 : i32
      %get3A_505 = arith.constant 11 : i32
      %get3A_506 = arith.index_cast %get3A_505 : i32 to index
      %get3A_507 = arith.index_cast %mul3A_504 : i32 to index
      %get3A_508 = tpu.vector_load %arg13[%get3A_506, %get3A_507] {strides = array<i32>} : memref<16x640xf32, #tpu.memory_space<vmem>>, vector<16xf32>,
      %add3A_509 = arith.addf %add3A_502, %get3A_508 : vector<16xf32>
      %mul3A_510 = arith.constant 16 : i32
      %mul3A_511 = arith.muli %scan3A_427, %mul3A_510 : i32
      %get3A_512 = arith.constant 12 : i32
      %get3A_513 = arith.index_cast %get3A_512 : i32 to index
      %get3A_514 = arith.index_cast %mul3A_511 : i32 to index
      %get3A_515 = tpu.vector_load %arg13[%get3A_513, %get3A_514] {strides = array<i32>} : memref<16x640xf32, #tpu.memory_space<vmem>>, vector<16xf32>,
      %add3A_516 = arith.addf %add3A_509, %get3A_515 : vector<16xf32>
      %mul3A_517 = arith.constant 16 : i32
      %mul3A_518 = arith.muli %scan3A_427, %mul3A_517 : i32
      %get3A_519 = arith.constant 13 : i32
      %get3A_520 = arith.index_cast %get3A_519 : i32 to index
      %get3A_521 = arith.index_cast %mul3A_518 : i32 to index
      %get3A_522 = tpu.vector_load %arg13[%get3A_520, %get3A_521] {strides = array<i32>} : memref<16x640xf32, #tpu.memory_space<vmem>>, vector<16xf32>,
      %add3A_523 = arith.addf %add3A_516, %get3A_522 : vector<16xf32>
      %mul3A_524 = arith.constant 16 : i32
      %mul3A_525 = arith.muli %scan3A_427, %mul3A_524 : i32
      %get3A_526 = arith.constant 14 : i32
      %get3A_527 = arith.index_cast %get3A_526 : i32 to index
      %get3A_528 = arith.index_cast %mul3A_525 : i32 to index
      %get3A_529 = tpu.vector_load %arg13[%get3A_527, %get3A_528] {strides = array<i32>} : memref<16x640xf32, #tpu.memory_space<vmem>>, vector<16xf32>,
      %add3A_530 = arith.addf %add3A_523, %get3A_529 : vector<16xf32>
      %mul3A_531 = arith.constant 16 : i32
      %mul3A_532 = arith.muli %scan3A_427, %mul3A_531 : i32
      %get3A_533 = arith.constant 15 : i32
      %get3A_534 = arith.index_cast %get3A_533 : i32 to index
      %get3A_535 = arith.index_cast %mul3A_532 : i32 to index
      %get3A_536 = tpu.vector_load %arg13[%get3A_534, %get3A_535] {strides = array<i32>} : memref<16x640xf32, #tpu.memory_space<vmem>>, vector<16xf32>,
      %add3A_537 = arith.addf %add3A_530, %get3A_536 : vector<16xf32>
      %add3A_538 = arith.constant 1.000000e+00 : f32
      %add3A_539 = vector.broadcast %add3A_538 : f32 to vector<16xf32>
      %add3A_540 = arith.addf %add3A_537, %add3A_539 : vector<16xf32>
      %bitcast3A = vector.bitcast %add3A_540 : vector<16xf32> to vector<16xi32>
      %shift_right_logical3A = arith.constant 1 : i32
      %shift_right_logical3A_541 = vector.broadcast %shift_right_logical3A : i32 to vector<16xi32>
      %shift_right_logical3A_542 = arith.shrui %bitcast3A, %shift_right_logical3A_541 : vector<16xi32>
      %sub3A = arith.constant 1597463007 : i32
      %sub3A_543 = vector.broadcast %sub3A : i32 to vector<16xi32>
      %sub3A_544 = arith.subi %sub3A_543, %shift_right_logical3A_542 : vector<16xi32>
      %bitcast3A_545 = vector.bitcast %sub3A_544 : vector<16xi32> to vector<16xf32>
      %mul3A_546 = arith.constant 5.000000e-01 : f32
      %mul3A_547 = vector.broadcast %mul3A_546 : f32 to vector<16xf32>
      %mul3A_548 = arith.mulf %mul3A_547, %add3A_540 : vector<16xf32>
      %mul3A_549 = arith.mulf %mul3A_548, %bitcast3A_545 : vector<16xf32>
      %mul3A_550 = arith.mulf %mul3A_549, %bitcast3A_545 : vector<16xf32>
      %sub3A_551 = arith.constant 1.500000e+00 : f32
      %sub3A_552 = vector.broadcast %sub3A_551 : f32 to vector<16xf32>
      %sub3A_553 = arith.subf %sub3A_552, %mul3A_550 : vector<16xf32>
      %mul3A_554 = arith.mulf %bitcast3A_545, %sub3A_553 : vector<16xf32>
      %mul3A_555 = arith.constant 5.000000e-01 : f32
      %mul3A_556 = vector.broadcast %mul3A_555 : f32 to vector<16xf32>
      %mul3A_557 = arith.mulf %mul3A_556, %add3A_540 : vector<16xf32>
      %mul3A_558 = arith.mulf %mul3A_557, %mul3A_554 : vector<16xf32>
      %mul3A_559 = arith.mulf %mul3A_558, %mul3A_554 : vector<16xf32>
      %sub3A_560 = arith.constant 1.500000e+00 : f32
      %sub3A_561 = vector.broadcast %sub3A_560 : f32 to vector<16xf32>
      %sub3A_562 = arith.subf %sub3A_561, %mul3A_559 : vector<16xf32>
      %mul3A_563 = arith.mulf %mul3A_554, %sub3A_562 : vector<16xf32>
      %mul3A_564 = arith.constant 5.000000e-01 : f32
      %mul3A_565 = vector.broadcast %mul3A_564 : f32 to vector<16xf32>
      %mul3A_566 = arith.mulf %mul3A_565, %add3A_540 : vector<16xf32>
      %mul3A_567 = arith.mulf %mul3A_566, %mul3A_563 : vector<16xf32>
      %mul3A_568 = arith.mulf %mul3A_567, %mul3A_563 : vector<16xf32>
      %sub3A_569 = arith.constant 1.500000e+00 : f32
      %sub3A_570 = vector.broadcast %sub3A_569 : f32 to vector<16xf32>
      %sub3A_571 = arith.subf %sub3A_570, %mul3A_568 : vector<16xf32>
      %mul3A_572 = arith.mulf %mul3A_563, %sub3A_571 : vector<16xf32>
      %mul3A_573 = arith.constant 16 : i32
      %mul3A_574 = arith.muli %scan3A_427, %mul3A_573 : i32
      %add3A_575 = arith.addi %mul3A_2, %mul3A_574 : i32
      %add3A_576 = vector.broadcast %add3A_575 : i32 to vector<16xi32>
      %add3A_577 = arith.addi %add3A_576, %iota3A : vector<16xi32>
      %lt3A = arith.constant 10000 : i32
      %lt3A_578 = vector.broadcast %lt3A : i32 to vector<16xi32>
      %lt3A_579 = arith.cmpi slt, %add3A_577, %lt3A_578 : vector<16xi32>
      %jit3A = arith.constant 0.000000e+00 : f32
      %broadcast_in_dim3A_580 = vector.broadcast %jit3A : f32 to vector<16xf32>
      %select_n3A = arith.select %lt3A_579, %mul3A_572, %broadcast_in_dim3A_580 : vector<16xi1>, vector<16xf32>
      %mul3A_581 = arith.constant 16 : i32
      %mul3A_582 = arith.muli %scan3A_427, %mul3A_581 : i32
      %swap3A = arith.index_cast %mul3A_582 : i32 to index
      %swap3A_583 = tpu.vector_load %arg10[%swap3A] {strides = array<i32>} : memref<640xf32, #tpu.memory_space<vmem>>, vector<16xf32>,
      tpu.vector_store %arg10[%swap3A], %select_n3A {strides = array<i32>} : memref<640xf32, #tpu.memory_space<vmem>>, vector<16xf32>,
      %mul3A_584 = arith.constant 16 : i32
      %mul3A_585 = arith.muli %scan3A_427, %mul3A_584 : i32
      %get3A_586 = arith.index_cast %mul3A_585 : i32 to index
      %get3A_587 = tpu.vector_load %arg11[%get3A_586] {strides = array<i32>} : memref<640xf32, #tpu.memory_space<vmem>>, vector<16xf32>,
      %mul3A_588 = arith.mulf %select_n3A, %get3A_587 : vector<16xf32>
      %mul3A_589 = arith.constant 16 : i32
      %mul3A_590 = arith.muli %scan3A_427, %mul3A_589 : i32
      %swap3A_591 = arith.index_cast %mul3A_590 : i32 to index
      %swap3A_592 = tpu.vector_load %arg12[%swap3A_591] {strides = array<i32>} : memref<640xf32, #tpu.memory_space<vmem>>, vector<16xf32>,
      tpu.vector_store %arg12[%swap3A_591], %mul3A_588 {strides = array<i32>} : memref<640xf32, #tpu.memory_space<vmem>>, vector<16xf32>,
      %scan3A_593 = arith.constant 0 : i32
      scf.yield %scan3A_593 : i32
    }
    %scan3A_417 = arith.constant 40 : i32
    %run_scoped3A = arith.constant 0 : i32
    "tpu.region"() ({
      %run_scoped3A_427 = tpu.sem_alloc : memref<!tpu.dma_semaphore, #tpu.memory_space<semaphore_mem>>
      %dma_start3A_428 = tpu.memref_slice %arg17[%run_scoped3A, %mul3A_2] : memref<2x10240xf32, #tpu.memory_space<vmem_shared>> -> memref<1x640xf32, #tpu.memory_space<vmem_shared>>
      %dma_start3A_429 = tpu.memref_squeeze %dma_start3A_428 : memref<1x640xf32, #tpu.memory_space<vmem_shared>> -> memref<640xf32, #tpu.memory_space<vmem_shared>>
      %dma_start3A_430 = tpu.memref_slice %arg17[%run_scoped3A, %mul3A_2] : memref<2x10240xf32, #tpu.memory_space<vmem_shared>> -> memref<1x640xf32, #tpu.memory_space<vmem_shared>>
      %dma_start3A_431 = tpu.memref_squeeze %dma_start3A_430 : memref<1x640xf32, #tpu.memory_space<vmem_shared>> -> memref<640xf32, #tpu.memory_space<vmem_shared>>
      tpu.enqueue_dma source(%arg12 : memref<640xf32, #tpu.memory_space<vmem>>) target(%dma_start3A_431 : memref<640xf32, #tpu.memory_space<vmem_shared>>) target_semaphore(%run_scoped3A_427 : memref<!tpu.dma_semaphore, #tpu.memory_space<semaphore_mem>>)
      %dma_wait3A_432 = tpu.memref_slice %arg17[%run_scoped3A, %mul3A_2] : memref<2x10240xf32, #tpu.memory_space<vmem_shared>> -> memref<1x640xf32, #tpu.memory_space<vmem_shared>>
      %dma_wait3A_433 = tpu.memref_squeeze %dma_wait3A_432 : memref<1x640xf32, #tpu.memory_space<vmem_shared>> -> memref<640xf32, #tpu.memory_space<vmem_shared>>
      %dma_wait3A_434 = tpu.memref_slice %arg17[%run_scoped3A, %mul3A_2] : memref<2x10240xf32, #tpu.memory_space<vmem_shared>> -> memref<1x640xf32, #tpu.memory_space<vmem_shared>>
      %dma_wait3A_435 = tpu.memref_squeeze %dma_wait3A_434 : memref<1x640xf32, #tpu.memory_space<vmem_shared>> -> memref<640xf32, #tpu.memory_space<vmem_shared>>
      tpu.wait_dma2 semaphore(%run_scoped3A_427 : memref<!tpu.dma_semaphore, #tpu.memory_space<semaphore_mem>>) src(%arg12 : memref<640xf32, #tpu.memory_space<vmem>>) dst(%dma_wait3A_435 : memref<640xf32, #tpu.memory_space<vmem_shared>>)
      tpu.yield
    }) : () -> ()
    %barrier3A_418 = arith.constant 0 : index
    tpu.barrier barrier_id(%barrier3A_418)
    %run_scoped3A_419 = arith.constant 0 : i32
    "tpu.region"() ({
      %run_scoped3A_427 = tpu.sem_alloc : memref<!tpu.dma_semaphore, #tpu.memory_space<semaphore_mem>>
      %dma_start3A_428 = arith.constant 0 : i32
      %dma_start3A_429 = tpu.memref_slice %arg17[%run_scoped3A_419, %dma_start3A_428] : memref<2x10240xf32, #tpu.memory_space<vmem_shared>> -> memref<1x10240xf32, #tpu.memory_space<vmem_shared>>
      %dma_start3A_430 = tpu.memref_squeeze %dma_start3A_429 : memref<1x10240xf32, #tpu.memory_space<vmem_shared>> -> memref<10240xf32, #tpu.memory_space<vmem_shared>>
      %dma_start3A_431 = arith.constant 0 : i32
      %dma_start3A_432 = tpu.memref_slice %arg17[%run_scoped3A_419, %dma_start3A_431] : memref<2x10240xf32, #tpu.memory_space<vmem_shared>> -> memref<1x10240xf32, #tpu.memory_space<vmem_shared>>
      %dma_start3A_433 = tpu.memref_squeeze %dma_start3A_432 : memref<1x10240xf32, #tpu.memory_space<vmem_shared>> -> memref<10240xf32, #tpu.memory_space<vmem_shared>>
      tpu.enqueue_dma source(%dma_start3A_433 : memref<10240xf32, #tpu.memory_space<vmem_shared>>) target(%arg8 : memref<10240xf32, #tpu.memory_space<vmem>>) target_semaphore(%run_scoped3A_427 : memref<!tpu.dma_semaphore, #tpu.memory_space<semaphore_mem>>)
      %dma_wait3A_434 = arith.constant 0 : i32
      %dma_wait3A_435 = tpu.memref_slice %arg17[%run_scoped3A_419, %dma_wait3A_434] : memref<2x10240xf32, #tpu.memory_space<vmem_shared>> -> memref<1x10240xf32, #tpu.memory_space<vmem_shared>>
      %dma_wait3A_436 = tpu.memref_squeeze %dma_wait3A_435 : memref<1x10240xf32, #tpu.memory_space<vmem_shared>> -> memref<10240xf32, #tpu.memory_space<vmem_shared>>
      %dma_wait3A_437 = arith.constant 0 : i32
      %dma_wait3A_438 = tpu.memref_slice %arg17[%run_scoped3A_419, %dma_wait3A_437] : memref<2x10240xf32, #tpu.memory_space<vmem_shared>> -> memref<1x10240xf32, #tpu.memory_space<vmem_shared>>
      %dma_wait3A_439 = tpu.memref_squeeze %dma_wait3A_438 : memref<1x10240xf32, #tpu.memory_space<vmem_shared>> -> memref<10240xf32, #tpu.memory_space<vmem_shared>>
      tpu.wait_dma2 semaphore(%run_scoped3A_427 : memref<!tpu.dma_semaphore, #tpu.memory_space<semaphore_mem>>) src(%dma_wait3A_439 : memref<10240xf32, #tpu.memory_space<vmem_shared>>) dst(%arg8 : memref<10240xf32, #tpu.memory_space<vmem>>)
      tpu.yield
    }) : () -> ()
    %mul3A_420 = arith.constant 9.99999974E-6 : f32
    %mul3A_421 = arith.constant 9.99999974E-6 : f32
    %mul3A_422 = arith.mulf %mul3A_420, %mul3A_421 : f32
    %while3A = arith.constant 0.899999976 : f32
    %while3A_423 = arith.constant 9.99999974E-6 : f32
    %while3A_424 = arith.constant 1.000000e+10 : f32
    %while3A_425 = arith.constant 0 : i32
    %while3A_426:2 = scf.while (%while3A_427 = %while3A_424, %while3A_428 = %while3A_425) : (f32, i32) -> (f32, i32) {
      %gt3A = arith.cmpf ogt, %while3A_427, %mul3A_422 : f32
      scf.condition(%gt3A) %while3A_427, %while3A_428 : f32, i32
    } do {
    ^bb0(%while3A_427: f32, %while3A_428: i32):
      %sub3A = arith.constant 1 : i32
      %sub3A_429 = arith.subi %sub3A, %while3A_428 : i32
      tpu.wait_dma2 semaphore(%arg21 : memref<!tpu.dma_semaphore, #tpu.memory_space<semaphore_mem>>) src(%arg18 : memref<10240xf32, #tpu.memory_space<vmem_shared>>) dst(%arg9 : memref<10240xf32, #tpu.memory_space<vmem>>)
      %scan3A_430 = arith.constant 0 : i32
      %scan3A_431 = arith.constant 0 : i32
      %scan3A_432 = arith.constant 25 : i32
      %scan3A_433 = arith.addi %scan3A_431, %scan3A_432 : i32
      %scan3A_434 = arith.constant 1 : i32
      scf.for %scan3A_957 = %scan3A_431 to %scan3A_433 step %scan3A_434  : i32 {
        %mul3A_958 = arith.constant 50 : i32
        %mul3A_959 = arith.muli %scan3A_957, %mul3A_958 : i32
        %add3A_960 = arith.constant 0 : i32
        %add3A_961 = arith.addi %mul3A_959, %add3A_960 : i32
        %mul3A_962 = arith.constant 16 : i32
        %mul3A_963 = arith.muli %add3A_961, %mul3A_962 : i32
        %get3A_964 = arith.index_cast %mul3A_963 : i32 to index
        %get3A_965 = tpu.vector_load %arg6[%get3A_964] {strides = array<i32>} : memref<20000xi32, #tpu.memory_space<vmem>>, vector<16xi32>,
        %mul3A_966 = arith.constant 50 : i32
        %mul3A_967 = arith.muli %scan3A_957, %mul3A_966 : i32
        %add3A_968 = arith.constant 0 : i32
        %add3A_969 = arith.addi %mul3A_967, %add3A_968 : i32
        %mul3A_970 = arith.constant 16 : i32
        %mul3A_971 = arith.muli %add3A_969, %mul3A_970 : i32
        %get3A_972 = arith.index_cast %mul3A_971 : i32 to index
        %get3A_973 = tpu.vector_load %arg7[%get3A_972] {strides = array<i32>} : memref<20000xi32, #tpu.memory_space<vmem>>, vector<16xi32>,
        %gather3A = tpu.vector_load_idx %arg8[%get3A_965] : memref<10240xf32, #tpu.memory_space<vmem>>[vector<16xi32>], vector<16xf32>,
        tpu.vector_store_idx %arg9[%get3A_973], %gather3A {add = true} : memref<10240xf32, #tpu.memory_space<vmem>>[vector<16xi32>], vector<16xf32>,
        %mul3A_974 = arith.constant 50 : i32
        %mul3A_975 = arith.muli %scan3A_957, %mul3A_974 : i32
        %add3A_976 = arith.constant 1 : i32
        %add3A_977 = arith.addi %mul3A_975, %add3A_976 : i32
        %mul3A_978 = arith.constant 16 : i32
        %mul3A_979 = arith.muli %add3A_977, %mul3A_978 : i32
        %get3A_980 = arith.index_cast %mul3A_979 : i32 to index
        %get3A_981 = tpu.vector_load %arg6[%get3A_980] {strides = array<i32>} : memref<20000xi32, #tpu.memory_space<vmem>>, vector<16xi32>,
        %mul3A_982 = arith.constant 50 : i32
        %mul3A_983 = arith.muli %scan3A_957, %mul3A_982 : i32
        %add3A_984 = arith.constant 1 : i32
        %add3A_985 = arith.addi %mul3A_983, %add3A_984 : i32
        %mul3A_986 = arith.constant 16 : i32
        %mul3A_987 = arith.muli %add3A_985, %mul3A_986 : i32
        %get3A_988 = arith.index_cast %mul3A_987 : i32 to index
        %get3A_989 = tpu.vector_load %arg7[%get3A_988] {strides = array<i32>} : memref<20000xi32, #tpu.memory_space<vmem>>, vector<16xi32>,
        %gather3A_990 = tpu.vector_load_idx %arg8[%get3A_981] : memref<10240xf32, #tpu.memory_space<vmem>>[vector<16xi32>], vector<16xf32>,
        tpu.vector_store_idx %arg9[%get3A_989], %gather3A_990 {add = true} : memref<10240xf32, #tpu.memory_space<vmem>>[vector<16xi32>], vector<16xf32>,
        %mul3A_991 = arith.constant 50 : i32
        %mul3A_992 = arith.muli %scan3A_957, %mul3A_991 : i32
        %add3A_993 = arith.constant 2 : i32
        %add3A_994 = arith.addi %mul3A_992, %add3A_993 : i32
        %mul3A_995 = arith.constant 16 : i32
        %mul3A_996 = arith.muli %add3A_994, %mul3A_995 : i32
        %get3A_997 = arith.index_cast %mul3A_996 : i32 to index
        %get3A_998 = tpu.vector_load %arg6[%get3A_997] {strides = array<i32>} : memref<20000xi32, #tpu.memory_space<vmem>>, vector<16xi32>,
        %mul3A_999 = arith.constant 50 : i32
        %mul3A_1000 = arith.muli %scan3A_957, %mul3A_999 : i32
        %add3A_1001 = arith.constant 2 : i32
        %add3A_1002 = arith.addi %mul3A_1000, %add3A_1001 : i32
        %mul3A_1003 = arith.constant 16 : i32
        %mul3A_1004 = arith.muli %add3A_1002, %mul3A_1003 : i32
        %get3A_1005 = arith.index_cast %mul3A_1004 : i32 to index
        %get3A_1006 = tpu.vector_load %arg7[%get3A_1005] {strides = array<i32>} : memref<20000xi32, #tpu.memory_space<vmem>>, vector<16xi32>,
        %gather3A_1007 = tpu.vector_load_idx %arg8[%get3A_998] : memref<10240xf32, #tpu.memory_space<vmem>>[vector<16xi32>], vector<16xf32>,
        tpu.vector_store_idx %arg9[%get3A_1006], %gather3A_1007 {add = true} : memref<10240xf32, #tpu.memory_space<vmem>>[vector<16xi32>], vector<16xf32>,
        %mul3A_1008 = arith.constant 50 : i32
        %mul3A_1009 = arith.muli %scan3A_957, %mul3A_1008 : i32
        %add3A_1010 = arith.constant 3 : i32
        %add3A_1011 = arith.addi %mul3A_1009, %add3A_1010 : i32
        %mul3A_1012 = arith.constant 16 : i32
        %mul3A_1013 = arith.muli %add3A_1011, %mul3A_1012 : i32
        %get3A_1014 = arith.index_cast %mul3A_1013 : i32 to index
        %get3A_1015 = tpu.vector_load %arg6[%get3A_1014] {strides = array<i32>} : memref<20000xi32, #tpu.memory_space<vmem>>, vector<16xi32>,
        %mul3A_1016 = arith.constant 50 : i32
        %mul3A_1017 = arith.muli %scan3A_957, %mul3A_1016 : i32
        %add3A_1018 = arith.constant 3 : i32
        %add3A_1019 = arith.addi %mul3A_1017, %add3A_1018 : i32
        %mul3A_1020 = arith.constant 16 : i32
        %mul3A_1021 = arith.muli %add3A_1019, %mul3A_1020 : i32
        %get3A_1022 = arith.index_cast %mul3A_1021 : i32 to index
        %get3A_1023 = tpu.vector_load %arg7[%get3A_1022] {strides = array<i32>} : memref<20000xi32, #tpu.memory_space<vmem>>, vector<16xi32>,
        %gather3A_1024 = tpu.vector_load_idx %arg8[%get3A_1015] : memref<10240xf32, #tpu.memory_space<vmem>>[vector<16xi32>], vector<16xf32>,
        tpu.vector_store_idx %arg9[%get3A_1023], %gather3A_1024 {add = true} : memref<10240xf32, #tpu.memory_space<vmem>>[vector<16xi32>], vector<16xf32>,
        %mul3A_1025 = arith.constant 50 : i32
        %mul3A_1026 = arith.muli %scan3A_957, %mul3A_1025 : i32
        %add3A_1027 = arith.constant 4 : i32
        %add3A_1028 = arith.addi %mul3A_1026, %add3A_1027 : i32
        %mul3A_1029 = arith.constant 16 : i32
        %mul3A_1030 = arith.muli %add3A_1028, %mul3A_1029 : i32
        %get3A_1031 = arith.index_cast %mul3A_1030 : i32 to index
        %get3A_1032 = tpu.vector_load %arg6[%get3A_1031] {strides = array<i32>} : memref<20000xi32, #tpu.memory_space<vmem>>, vector<16xi32>,
        %mul3A_1033 = arith.constant 50 : i32
        %mul3A_1034 = arith.muli %scan3A_957, %mul3A_1033 : i32
        %add3A_1035 = arith.constant 4 : i32
        %add3A_1036 = arith.addi %mul3A_1034, %add3A_1035 : i32
        %mul3A_1037 = arith.constant 16 : i32
        %mul3A_1038 = arith.muli %add3A_1036, %mul3A_1037 : i32
        %get3A_1039 = arith.index_cast %mul3A_1038 : i32 to index
        %get3A_1040 = tpu.vector_load %arg7[%get3A_1039] {strides = array<i32>} : memref<20000xi32, #tpu.memory_space<vmem>>, vector<16xi32>,
        %gather3A_1041 = tpu.vector_load_idx %arg8[%get3A_1032] : memref<10240xf32, #tpu.memory_space<vmem>>[vector<16xi32>], vector<16xf32>,
        tpu.vector_store_idx %arg9[%get3A_1040], %gather3A_1041 {add = true} : memref<10240xf32, #tpu.memory_space<vmem>>[vector<16xi32>], vector<16xf32>,
        %mul3A_1042 = arith.constant 50 : i32
        %mul3A_1043 = arith.muli %scan3A_957, %mul3A_1042 : i32
        %add3A_1044 = arith.constant 5 : i32
        %add3A_1045 = arith.addi %mul3A_1043, %add3A_1044 : i32
        %mul3A_1046 = arith.constant 16 : i32
        %mul3A_1047 = arith.muli %add3A_1045, %mul3A_1046 : i32
        %get3A_1048 = arith.index_cast %mul3A_1047 : i32 to index
        %get3A_1049 = tpu.vector_load %arg6[%get3A_1048] {strides = array<i32>} : memref<20000xi32, #tpu.memory_space<vmem>>, vector<16xi32>,
        %mul3A_1050 = arith.constant 50 : i32
        %mul3A_1051 = arith.muli %scan3A_957, %mul3A_1050 : i32
        %add3A_1052 = arith.constant 5 : i32
        %add3A_1053 = arith.addi %mul3A_1051, %add3A_1052 : i32
        %mul3A_1054 = arith.constant 16 : i32
        %mul3A_1055 = arith.muli %add3A_1053, %mul3A_1054 : i32
        %get3A_1056 = arith.index_cast %mul3A_1055 : i32 to index
        %get3A_1057 = tpu.vector_load %arg7[%get3A_1056] {strides = array<i32>} : memref<20000xi32, #tpu.memory_space<vmem>>, vector<16xi32>,
        %gather3A_1058 = tpu.vector_load_idx %arg8[%get3A_1049] : memref<10240xf32, #tpu.memory_space<vmem>>[vector<16xi32>], vector<16xf32>,
        tpu.vector_store_idx %arg9[%get3A_1057], %gather3A_1058 {add = true} : memref<10240xf32, #tpu.memory_space<vmem>>[vector<16xi32>], vector<16xf32>,
        %mul3A_1059 = arith.constant 50 : i32
        %mul3A_1060 = arith.muli %scan3A_957, %mul3A_1059 : i32
        %add3A_1061 = arith.constant 6 : i32
        %add3A_1062 = arith.addi %mul3A_1060, %add3A_1061 : i32
        %mul3A_1063 = arith.constant 16 : i32
        %mul3A_1064 = arith.muli %add3A_1062, %mul3A_1063 : i32
        %get3A_1065 = arith.index_cast %mul3A_1064 : i32 to index
        %get3A_1066 = tpu.vector_load %arg6[%get3A_1065] {strides = array<i32>} : memref<20000xi32, #tpu.memory_space<vmem>>, vector<16xi32>,
        %mul3A_1067 = arith.constant 50 : i32
        %mul3A_1068 = arith.muli %scan3A_957, %mul3A_1067 : i32
        %add3A_1069 = arith.constant 6 : i32
        %add3A_1070 = arith.addi %mul3A_1068, %add3A_1069 : i32
        %mul3A_1071 = arith.constant 16 : i32
        %mul3A_1072 = arith.muli %add3A_1070, %mul3A_1071 : i32
        %get3A_1073 = arith.index_cast %mul3A_1072 : i32 to index
        %get3A_1074 = tpu.vector_load %arg7[%get3A_1073] {strides = array<i32>} : memref<20000xi32, #tpu.memory_space<vmem>>, vector<16xi32>,
        %gather3A_1075 = tpu.vector_load_idx %arg8[%get3A_1066] : memref<10240xf32, #tpu.memory_space<vmem>>[vector<16xi32>], vector<16xf32>,
        tpu.vector_store_idx %arg9[%get3A_1074], %gather3A_1075 {add = true} : memref<10240xf32, #tpu.memory_space<vmem>>[vector<16xi32>], vector<16xf32>,
        %mul3A_1076 = arith.constant 50 : i32
        %mul3A_1077 = arith.muli %scan3A_957, %mul3A_1076 : i32
        %add3A_1078 = arith.constant 7 : i32
        %add3A_1079 = arith.addi %mul3A_1077, %add3A_1078 : i32
        %mul3A_1080 = arith.constant 16 : i32
        %mul3A_1081 = arith.muli %add3A_1079, %mul3A_1080 : i32
        %get3A_1082 = arith.index_cast %mul3A_1081 : i32 to index
        %get3A_1083 = tpu.vector_load %arg6[%get3A_1082] {strides = array<i32>} : memref<20000xi32, #tpu.memory_space<vmem>>, vector<16xi32>,
        %mul3A_1084 = arith.constant 50 : i32
        %mul3A_1085 = arith.muli %scan3A_957, %mul3A_1084 : i32
        %add3A_1086 = arith.constant 7 : i32
        %add3A_1087 = arith.addi %mul3A_1085, %add3A_1086 : i32
        %mul3A_1088 = arith.constant 16 : i32
        %mul3A_1089 = arith.muli %add3A_1087, %mul3A_1088 : i32
        %get3A_1090 = arith.index_cast %mul3A_1089 : i32 to index
        %get3A_1091 = tpu.vector_load %arg7[%get3A_1090] {strides = array<i32>} : memref<20000xi32, #tpu.memory_space<vmem>>, vector<16xi32>,
        %gather3A_1092 = tpu.vector_load_idx %arg8[%get3A_1083] : memref<10240xf32, #tpu.memory_space<vmem>>[vector<16xi32>], vector<16xf32>,
        tpu.vector_store_idx %arg9[%get3A_1091], %gather3A_1092 {add = true} : memref<10240xf32, #tpu.memory_space<vmem>>[vector<16xi32>], vector<16xf32>,
        %mul3A_1093 = arith.constant 50 : i32
        %mul3A_1094 = arith.muli %scan3A_957, %mul3A_1093 : i32
        %add3A_1095 = arith.constant 8 : i32
        %add3A_1096 = arith.addi %mul3A_1094, %add3A_1095 : i32
        %mul3A_1097 = arith.constant 16 : i32
        %mul3A_1098 = arith.muli %add3A_1096, %mul3A_1097 : i32
        %get3A_1099 = arith.index_cast %mul3A_1098 : i32 to index
        %get3A_1100 = tpu.vector_load %arg6[%get3A_1099] {strides = array<i32>} : memref<20000xi32, #tpu.memory_space<vmem>>, vector<16xi32>,
        %mul3A_1101 = arith.constant 50 : i32
        %mul3A_1102 = arith.muli %scan3A_957, %mul3A_1101 : i32
        %add3A_1103 = arith.constant 8 : i32
        %add3A_1104 = arith.addi %mul3A_1102, %add3A_1103 : i32
        %mul3A_1105 = arith.constant 16 : i32
        %mul3A_1106 = arith.muli %add3A_1104, %mul3A_1105 : i32
        %get3A_1107 = arith.index_cast %mul3A_1106 : i32 to index
        %get3A_1108 = tpu.vector_load %arg7[%get3A_1107] {strides = array<i32>} : memref<20000xi32, #tpu.memory_space<vmem>>, vector<16xi32>,
        %gather3A_1109 = tpu.vector_load_idx %arg8[%get3A_1100] : memref<10240xf32, #tpu.memory_space<vmem>>[vector<16xi32>], vector<16xf32>,
        tpu.vector_store_idx %arg9[%get3A_1108], %gather3A_1109 {add = true} : memref<10240xf32, #tpu.memory_space<vmem>>[vector<16xi32>], vector<16xf32>,
        %mul3A_1110 = arith.constant 50 : i32
        %mul3A_1111 = arith.muli %scan3A_957, %mul3A_1110 : i32
        %add3A_1112 = arith.constant 9 : i32
        %add3A_1113 = arith.addi %mul3A_1111, %add3A_1112 : i32
        %mul3A_1114 = arith.constant 16 : i32
        %mul3A_1115 = arith.muli %add3A_1113, %mul3A_1114 : i32
        %get3A_1116 = arith.index_cast %mul3A_1115 : i32 to index
        %get3A_1117 = tpu.vector_load %arg6[%get3A_1116] {strides = array<i32>} : memref<20000xi32, #tpu.memory_space<vmem>>, vector<16xi32>,
        %mul3A_1118 = arith.constant 50 : i32
        %mul3A_1119 = arith.muli %scan3A_957, %mul3A_1118 : i32
        %add3A_1120 = arith.constant 9 : i32
        %add3A_1121 = arith.addi %mul3A_1119, %add3A_1120 : i32
        %mul3A_1122 = arith.constant 16 : i32
        %mul3A_1123 = arith.muli %add3A_1121, %mul3A_1122 : i32
        %get3A_1124 = arith.index_cast %mul3A_1123 : i32 to index
        %get3A_1125 = tpu.vector_load %arg7[%get3A_1124] {strides = array<i32>} : memref<20000xi32, #tpu.memory_space<vmem>>, vector<16xi32>,
        %gather3A_1126 = tpu.vector_load_idx %arg8[%get3A_1117] : memref<10240xf32, #tpu.memory_space<vmem>>[vector<16xi32>], vector<16xf32>,
        tpu.vector_store_idx %arg9[%get3A_1125], %gather3A_1126 {add = true} : memref<10240xf32, #tpu.memory_space<vmem>>[vector<16xi32>], vector<16xf32>,
        %mul3A_1127 = arith.constant 50 : i32
        %mul3A_1128 = arith.muli %scan3A_957, %mul3A_1127 : i32
        %add3A_1129 = arith.constant 10 : i32
        %add3A_1130 = arith.addi %mul3A_1128, %add3A_1129 : i32
        %mul3A_1131 = arith.constant 16 : i32
        %mul3A_1132 = arith.muli %add3A_1130, %mul3A_1131 : i32
        %get3A_1133 = arith.index_cast %mul3A_1132 : i32 to index
        %get3A_1134 = tpu.vector_load %arg6[%get3A_1133] {strides = array<i32>} : memref<20000xi32, #tpu.memory_space<vmem>>, vector<16xi32>,
        %mul3A_1135 = arith.constant 50 : i32
        %mul3A_1136 = arith.muli %scan3A_957, %mul3A_1135 : i32
        %add3A_1137 = arith.constant 10 : i32
        %add3A_1138 = arith.addi %mul3A_1136, %add3A_1137 : i32
        %mul3A_1139 = arith.constant 16 : i32
        %mul3A_1140 = arith.muli %add3A_1138, %mul3A_1139 : i32
        %get3A_1141 = arith.index_cast %mul3A_1140 : i32 to index
        %get3A_1142 = tpu.vector_load %arg7[%get3A_1141] {strides = array<i32>} : memref<20000xi32, #tpu.memory_space<vmem>>, vector<16xi32>,
        %gather3A_1143 = tpu.vector_load_idx %arg8[%get3A_1134] : memref<10240xf32, #tpu.memory_space<vmem>>[vector<16xi32>], vector<16xf32>,
        tpu.vector_store_idx %arg9[%get3A_1142], %gather3A_1143 {add = true} : memref<10240xf32, #tpu.memory_space<vmem>>[vector<16xi32>], vector<16xf32>,
        %mul3A_1144 = arith.constant 50 : i32
        %mul3A_1145 = arith.muli %scan3A_957, %mul3A_1144 : i32
        %add3A_1146 = arith.constant 11 : i32
        %add3A_1147 = arith.addi %mul3A_1145, %add3A_1146 : i32
        %mul3A_1148 = arith.constant 16 : i32
        %mul3A_1149 = arith.muli %add3A_1147, %mul3A_1148 : i32
        %get3A_1150 = arith.index_cast %mul3A_1149 : i32 to index
        %get3A_1151 = tpu.vector_load %arg6[%get3A_1150] {strides = array<i32>} : memref<20000xi32, #tpu.memory_space<vmem>>, vector<16xi32>,
        %mul3A_1152 = arith.constant 50 : i32
        %mul3A_1153 = arith.muli %scan3A_957, %mul3A_1152 : i32
        %add3A_1154 = arith.constant 11 : i32
        %add3A_1155 = arith.addi %mul3A_1153, %add3A_1154 : i32
        %mul3A_1156 = arith.constant 16 : i32
        %mul3A_1157 = arith.muli %add3A_1155, %mul3A_1156 : i32
        %get3A_1158 = arith.index_cast %mul3A_1157 : i32 to index
        %get3A_1159 = tpu.vector_load %arg7[%get3A_1158] {strides = array<i32>} : memref<20000xi32, #tpu.memory_space<vmem>>, vector<16xi32>,
        %gather3A_1160 = tpu.vector_load_idx %arg8[%get3A_1151] : memref<10240xf32, #tpu.memory_space<vmem>>[vector<16xi32>], vector<16xf32>,
        tpu.vector_store_idx %arg9[%get3A_1159], %gather3A_1160 {add = true} : memref<10240xf32, #tpu.memory_space<vmem>>[vector<16xi32>], vector<16xf32>,
        %mul3A_1161 = arith.constant 50 : i32
        %mul3A_1162 = arith.muli %scan3A_957, %mul3A_1161 : i32
        %add3A_1163 = arith.constant 12 : i32
        %add3A_1164 = arith.addi %mul3A_1162, %add3A_1163 : i32
        %mul3A_1165 = arith.constant 16 : i32
        %mul3A_1166 = arith.muli %add3A_1164, %mul3A_1165 : i32
        %get3A_1167 = arith.index_cast %mul3A_1166 : i32 to index
        %get3A_1168 = tpu.vector_load %arg6[%get3A_1167] {strides = array<i32>} : memref<20000xi32, #tpu.memory_space<vmem>>, vector<16xi32>,
        %mul3A_1169 = arith.constant 50 : i32
        %mul3A_1170 = arith.muli %scan3A_957, %mul3A_1169 : i32
        %add3A_1171 = arith.constant 12 : i32
        %add3A_1172 = arith.addi %mul3A_1170, %add3A_1171 : i32
        %mul3A_1173 = arith.constant 16 : i32
        %mul3A_1174 = arith.muli %add3A_1172, %mul3A_1173 : i32
        %get3A_1175 = arith.index_cast %mul3A_1174 : i32 to index
        %get3A_1176 = tpu.vector_load %arg7[%get3A_1175] {strides = array<i32>} : memref<20000xi32, #tpu.memory_space<vmem>>, vector<16xi32>,
        %gather3A_1177 = tpu.vector_load_idx %arg8[%get3A_1168] : memref<10240xf32, #tpu.memory_space<vmem>>[vector<16xi32>], vector<16xf32>,
        tpu.vector_store_idx %arg9[%get3A_1176], %gather3A_1177 {add = true} : memref<10240xf32, #tpu.memory_space<vmem>>[vector<16xi32>], vector<16xf32>,
        %mul3A_1178 = arith.constant 50 : i32
        %mul3A_1179 = arith.muli %scan3A_957, %mul3A_1178 : i32
        %add3A_1180 = arith.constant 13 : i32
        %add3A_1181 = arith.addi %mul3A_1179, %add3A_1180 : i32
        %mul3A_1182 = arith.constant 16 : i32
        %mul3A_1183 = arith.muli %add3A_1181, %mul3A_1182 : i32
        %get3A_1184 = arith.index_cast %mul3A_1183 : i32 to index
        %get3A_1185 = tpu.vector_load %arg6[%get3A_1184] {strides = array<i32>} : memref<20000xi32, #tpu.memory_space<vmem>>, vector<16xi32>,
        %mul3A_1186 = arith.constant 50 : i32
        %mul3A_1187 = arith.muli %scan3A_957, %mul3A_1186 : i32
        %add3A_1188 = arith.constant 13 : i32
        %add3A_1189 = arith.addi %mul3A_1187, %add3A_1188 : i32
        %mul3A_1190 = arith.constant 16 : i32
        %mul3A_1191 = arith.muli %add3A_1189, %mul3A_1190 : i32
        %get3A_1192 = arith.index_cast %mul3A_1191 : i32 to index
        %get3A_1193 = tpu.vector_load %arg7[%get3A_1192] {strides = array<i32>} : memref<20000xi32, #tpu.memory_space<vmem>>, vector<16xi32>,
        %gather3A_1194 = tpu.vector_load_idx %arg8[%get3A_1185] : memref<10240xf32, #tpu.memory_space<vmem>>[vector<16xi32>], vector<16xf32>,
        tpu.vector_store_idx %arg9[%get3A_1193], %gather3A_1194 {add = true} : memref<10240xf32, #tpu.memory_space<vmem>>[vector<16xi32>], vector<16xf32>,
        %mul3A_1195 = arith.constant 50 : i32
        %mul3A_1196 = arith.muli %scan3A_957, %mul3A_1195 : i32
        %add3A_1197 = arith.constant 14 : i32
        %add3A_1198 = arith.addi %mul3A_1196, %add3A_1197 : i32
        %mul3A_1199 = arith.constant 16 : i32
        %mul3A_1200 = arith.muli %add3A_1198, %mul3A_1199 : i32
        %get3A_1201 = arith.index_cast %mul3A_1200 : i32 to index
        %get3A_1202 = tpu.vector_load %arg6[%get3A_1201] {strides = array<i32>} : memref<20000xi32, #tpu.memory_space<vmem>>, vector<16xi32>,
        %mul3A_1203 = arith.constant 50 : i32
        %mul3A_1204 = arith.muli %scan3A_957, %mul3A_1203 : i32
        %add3A_1205 = arith.constant 14 : i32
        %add3A_1206 = arith.addi %mul3A_1204, %add3A_1205 : i32
        %mul3A_1207 = arith.constant 16 : i32
        %mul3A_1208 = arith.muli %add3A_1206, %mul3A_1207 : i32
        %get3A_1209 = arith.index_cast %mul3A_1208 : i32 to index
        %get3A_1210 = tpu.vector_load %arg7[%get3A_1209] {strides = array<i32>} : memref<20000xi32, #tpu.memory_space<vmem>>, vector<16xi32>,
        %gather3A_1211 = tpu.vector_load_idx %arg8[%get3A_1202] : memref<10240xf32, #tpu.memory_space<vmem>>[vector<16xi32>], vector<16xf32>,
        tpu.vector_store_idx %arg9[%get3A_1210], %gather3A_1211 {add = true} : memref<10240xf32, #tpu.memory_space<vmem>>[vector<16xi32>], vector<16xf32>,
        %mul3A_1212 = arith.constant 50 : i32
        %mul3A_1213 = arith.muli %scan3A_957, %mul3A_1212 : i32
        %add3A_1214 = arith.constant 15 : i32
        %add3A_1215 = arith.addi %mul3A_1213, %add3A_1214 : i32
        %mul3A_1216 = arith.constant 16 : i32
        %mul3A_1217 = arith.muli %add3A_1215, %mul3A_1216 : i32
        %get3A_1218 = arith.index_cast %mul3A_1217 : i32 to index
        %get3A_1219 = tpu.vector_load %arg6[%get3A_1218] {strides = array<i32>} : memref<20000xi32, #tpu.memory_space<vmem>>, vector<16xi32>,
        %mul3A_1220 = arith.constant 50 : i32
        %mul3A_1221 = arith.muli %scan3A_957, %mul3A_1220 : i32
        %add3A_1222 = arith.constant 15 : i32
        %add3A_1223 = arith.addi %mul3A_1221, %add3A_1222 : i32
        %mul3A_1224 = arith.constant 16 : i32
        %mul3A_1225 = arith.muli %add3A_1223, %mul3A_1224 : i32
        %get3A_1226 = arith.index_cast %mul3A_1225 : i32 to index
        %get3A_1227 = tpu.vector_load %arg7[%get3A_1226] {strides = array<i32>} : memref<20000xi32, #tpu.memory_space<vmem>>, vector<16xi32>,
        %gather3A_1228 = tpu.vector_load_idx %arg8[%get3A_1219] : memref<10240xf32, #tpu.memory_space<vmem>>[vector<16xi32>], vector<16xf32>,
        tpu.vector_store_idx %arg9[%get3A_1227], %gather3A_1228 {add = true} : memref<10240xf32, #tpu.memory_space<vmem>>[vector<16xi32>], vector<16xf32>,
        %mul3A_1229 = arith.constant 50 : i32
        %mul3A_1230 = arith.muli %scan3A_957, %mul3A_1229 : i32
        %add3A_1231 = arith.constant 16 : i32
        %add3A_1232 = arith.addi %mul3A_1230, %add3A_1231 : i32
        %mul3A_1233 = arith.constant 16 : i32
        %mul3A_1234 = arith.muli %add3A_1232, %mul3A_1233 : i32
        %get3A_1235 = arith.index_cast %mul3A_1234 : i32 to index
        %get3A_1236 = tpu.vector_load %arg6[%get3A_1235] {strides = array<i32>} : memref<20000xi32, #tpu.memory_space<vmem>>, vector<16xi32>,
        %mul3A_1237 = arith.constant 50 : i32
        %mul3A_1238 = arith.muli %scan3A_957, %mul3A_1237 : i32
        %add3A_1239 = arith.constant 16 : i32
        %add3A_1240 = arith.addi %mul3A_1238, %add3A_1239 : i32
        %mul3A_1241 = arith.constant 16 : i32
        %mul3A_1242 = arith.muli %add3A_1240, %mul3A_1241 : i32
        %get3A_1243 = arith.index_cast %mul3A_1242 : i32 to index
        %get3A_1244 = tpu.vector_load %arg7[%get3A_1243] {strides = array<i32>} : memref<20000xi32, #tpu.memory_space<vmem>>, vector<16xi32>,
        %gather3A_1245 = tpu.vector_load_idx %arg8[%get3A_1236] : memref<10240xf32, #tpu.memory_space<vmem>>[vector<16xi32>], vector<16xf32>,
        tpu.vector_store_idx %arg9[%get3A_1244], %gather3A_1245 {add = true} : memref<10240xf32, #tpu.memory_space<vmem>>[vector<16xi32>], vector<16xf32>,
        %mul3A_1246 = arith.constant 50 : i32
        %mul3A_1247 = arith.muli %scan3A_957, %mul3A_1246 : i32
        %add3A_1248 = arith.constant 17 : i32
        %add3A_1249 = arith.addi %mul3A_1247, %add3A_1248 : i32
        %mul3A_1250 = arith.constant 16 : i32
        %mul3A_1251 = arith.muli %add3A_1249, %mul3A_1250 : i32
        %get3A_1252 = arith.index_cast %mul3A_1251 : i32 to index
        %get3A_1253 = tpu.vector_load %arg6[%get3A_1252] {strides = array<i32>} : memref<20000xi32, #tpu.memory_space<vmem>>, vector<16xi32>,
        %mul3A_1254 = arith.constant 50 : i32
        %mul3A_1255 = arith.muli %scan3A_957, %mul3A_1254 : i32
        %add3A_1256 = arith.constant 17 : i32
        %add3A_1257 = arith.addi %mul3A_1255, %add3A_1256 : i32
        %mul3A_1258 = arith.constant 16 : i32
        %mul3A_1259 = arith.muli %add3A_1257, %mul3A_1258 : i32
        %get3A_1260 = arith.index_cast %mul3A_1259 : i32 to index
        %get3A_1261 = tpu.vector_load %arg7[%get3A_1260] {strides = array<i32>} : memref<20000xi32, #tpu.memory_space<vmem>>, vector<16xi32>,
        %gather3A_1262 = tpu.vector_load_idx %arg8[%get3A_1253] : memref<10240xf32, #tpu.memory_space<vmem>>[vector<16xi32>], vector<16xf32>,
        tpu.vector_store_idx %arg9[%get3A_1261], %gather3A_1262 {add = true} : memref<10240xf32, #tpu.memory_space<vmem>>[vector<16xi32>], vector<16xf32>,
        %mul3A_1263 = arith.constant 50 : i32
        %mul3A_1264 = arith.muli %scan3A_957, %mul3A_1263 : i32
        %add3A_1265 = arith.constant 18 : i32
        %add3A_1266 = arith.addi %mul3A_1264, %add3A_1265 : i32
        %mul3A_1267 = arith.constant 16 : i32
        %mul3A_1268 = arith.muli %add3A_1266, %mul3A_1267 : i32
        %get3A_1269 = arith.index_cast %mul3A_1268 : i32 to index
        %get3A_1270 = tpu.vector_load %arg6[%get3A_1269] {strides = array<i32>} : memref<20000xi32, #tpu.memory_space<vmem>>, vector<16xi32>,
        %mul3A_1271 = arith.constant 50 : i32
        %mul3A_1272 = arith.muli %scan3A_957, %mul3A_1271 : i32
        %add3A_1273 = arith.constant 18 : i32
        %add3A_1274 = arith.addi %mul3A_1272, %add3A_1273 : i32
        %mul3A_1275 = arith.constant 16 : i32
        %mul3A_1276 = arith.muli %add3A_1274, %mul3A_1275 : i32
        %get3A_1277 = arith.index_cast %mul3A_1276 : i32 to index
        %get3A_1278 = tpu.vector_load %arg7[%get3A_1277] {strides = array<i32>} : memref<20000xi32, #tpu.memory_space<vmem>>, vector<16xi32>,
        %gather3A_1279 = tpu.vector_load_idx %arg8[%get3A_1270] : memref<10240xf32, #tpu.memory_space<vmem>>[vector<16xi32>], vector<16xf32>,
        tpu.vector_store_idx %arg9[%get3A_1278], %gather3A_1279 {add = true} : memref<10240xf32, #tpu.memory_space<vmem>>[vector<16xi32>], vector<16xf32>,
        %mul3A_1280 = arith.constant 50 : i32
        %mul3A_1281 = arith.muli %scan3A_957, %mul3A_1280 : i32
        %add3A_1282 = arith.constant 19 : i32
        %add3A_1283 = arith.addi %mul3A_1281, %add3A_1282 : i32
        %mul3A_1284 = arith.constant 16 : i32
        %mul3A_1285 = arith.muli %add3A_1283, %mul3A_1284 : i32
        %get3A_1286 = arith.index_cast %mul3A_1285 : i32 to index
        %get3A_1287 = tpu.vector_load %arg6[%get3A_1286] {strides = array<i32>} : memref<20000xi32, #tpu.memory_space<vmem>>, vector<16xi32>,
        %mul3A_1288 = arith.constant 50 : i32
        %mul3A_1289 = arith.muli %scan3A_957, %mul3A_1288 : i32
        %add3A_1290 = arith.constant 19 : i32
        %add3A_1291 = arith.addi %mul3A_1289, %add3A_1290 : i32
        %mul3A_1292 = arith.constant 16 : i32
        %mul3A_1293 = arith.muli %add3A_1291, %mul3A_1292 : i32
        %get3A_1294 = arith.index_cast %mul3A_1293 : i32 to index
        %get3A_1295 = tpu.vector_load %arg7[%get3A_1294] {strides = array<i32>} : memref<20000xi32, #tpu.memory_space<vmem>>, vector<16xi32>,
        %gather3A_1296 = tpu.vector_load_idx %arg8[%get3A_1287] : memref<10240xf32, #tpu.memory_space<vmem>>[vector<16xi32>], vector<16xf32>,
        tpu.vector_store_idx %arg9[%get3A_1295], %gather3A_1296 {add = true} : memref<10240xf32, #tpu.memory_space<vmem>>[vector<16xi32>], vector<16xf32>,
        %mul3A_1297 = arith.constant 50 : i32
        %mul3A_1298 = arith.muli %scan3A_957, %mul3A_1297 : i32
        %add3A_1299 = arith.constant 20 : i32
        %add3A_1300 = arith.addi %mul3A_1298, %add3A_1299 : i32
        %mul3A_1301 = arith.constant 16 : i32
        %mul3A_1302 = arith.muli %add3A_1300, %mul3A_1301 : i32
        %get3A_1303 = arith.index_cast %mul3A_1302 : i32 to index
        %get3A_1304 = tpu.vector_load %arg6[%get3A_1303] {strides = array<i32>} : memref<20000xi32, #tpu.memory_space<vmem>>, vector<16xi32>,
        %mul3A_1305 = arith.constant 50 : i32
        %mul3A_1306 = arith.muli %scan3A_957, %mul3A_1305 : i32
        %add3A_1307 = arith.constant 20 : i32
        %add3A_1308 = arith.addi %mul3A_1306, %add3A_1307 : i32
        %mul3A_1309 = arith.constant 16 : i32
        %mul3A_1310 = arith.muli %add3A_1308, %mul3A_1309 : i32
        %get3A_1311 = arith.index_cast %mul3A_1310 : i32 to index
        %get3A_1312 = tpu.vector_load %arg7[%get3A_1311] {strides = array<i32>} : memref<20000xi32, #tpu.memory_space<vmem>>, vector<16xi32>,
        %gather3A_1313 = tpu.vector_load_idx %arg8[%get3A_1304] : memref<10240xf32, #tpu.memory_space<vmem>>[vector<16xi32>], vector<16xf32>,
        tpu.vector_store_idx %arg9[%get3A_1312], %gather3A_1313 {add = true} : memref<10240xf32, #tpu.memory_space<vmem>>[vector<16xi32>], vector<16xf32>,
        %mul3A_1314 = arith.constant 50 : i32
        %mul3A_1315 = arith.muli %scan3A_957, %mul3A_1314 : i32
        %add3A_1316 = arith.constant 21 : i32
        %add3A_1317 = arith.addi %mul3A_1315, %add3A_1316 : i32
        %mul3A_1318 = arith.constant 16 : i32
        %mul3A_1319 = arith.muli %add3A_1317, %mul3A_1318 : i32
        %get3A_1320 = arith.index_cast %mul3A_1319 : i32 to index
        %get3A_1321 = tpu.vector_load %arg6[%get3A_1320] {strides = array<i32>} : memref<20000xi32, #tpu.memory_space<vmem>>, vector<16xi32>,
        %mul3A_1322 = arith.constant 50 : i32
        %mul3A_1323 = arith.muli %scan3A_957, %mul3A_1322 : i32
        %add3A_1324 = arith.constant 21 : i32
        %add3A_1325 = arith.addi %mul3A_1323, %add3A_1324 : i32
        %mul3A_1326 = arith.constant 16 : i32
        %mul3A_1327 = arith.muli %add3A_1325, %mul3A_1326 : i32
        %get3A_1328 = arith.index_cast %mul3A_1327 : i32 to index
        %get3A_1329 = tpu.vector_load %arg7[%get3A_1328] {strides = array<i32>} : memref<20000xi32, #tpu.memory_space<vmem>>, vector<16xi32>,
        %gather3A_1330 = tpu.vector_load_idx %arg8[%get3A_1321] : memref<10240xf32, #tpu.memory_space<vmem>>[vector<16xi32>], vector<16xf32>,
        tpu.vector_store_idx %arg9[%get3A_1329], %gather3A_1330 {add = true} : memref<10240xf32, #tpu.memory_space<vmem>>[vector<16xi32>], vector<16xf32>,
        %mul3A_1331 = arith.constant 50 : i32
        %mul3A_1332 = arith.muli %scan3A_957, %mul3A_1331 : i32
        %add3A_1333 = arith.constant 22 : i32
        %add3A_1334 = arith.addi %mul3A_1332, %add3A_1333 : i32
        %mul3A_1335 = arith.constant 16 : i32
        %mul3A_1336 = arith.muli %add3A_1334, %mul3A_1335 : i32
        %get3A_1337 = arith.index_cast %mul3A_1336 : i32 to index
        %get3A_1338 = tpu.vector_load %arg6[%get3A_1337] {strides = array<i32>} : memref<20000xi32, #tpu.memory_space<vmem>>, vector<16xi32>,
        %mul3A_1339 = arith.constant 50 : i32
        %mul3A_1340 = arith.muli %scan3A_957, %mul3A_1339 : i32
        %add3A_1341 = arith.constant 22 : i32
        %add3A_1342 = arith.addi %mul3A_1340, %add3A_1341 : i32
        %mul3A_1343 = arith.constant 16 : i32
        %mul3A_1344 = arith.muli %add3A_1342, %mul3A_1343 : i32
        %get3A_1345 = arith.index_cast %mul3A_1344 : i32 to index
        %get3A_1346 = tpu.vector_load %arg7[%get3A_1345] {strides = array<i32>} : memref<20000xi32, #tpu.memory_space<vmem>>, vector<16xi32>,
        %gather3A_1347 = tpu.vector_load_idx %arg8[%get3A_1338] : memref<10240xf32, #tpu.memory_space<vmem>>[vector<16xi32>], vector<16xf32>,
        tpu.vector_store_idx %arg9[%get3A_1346], %gather3A_1347 {add = true} : memref<10240xf32, #tpu.memory_space<vmem>>[vector<16xi32>], vector<16xf32>,
        %mul3A_1348 = arith.constant 50 : i32
        %mul3A_1349 = arith.muli %scan3A_957, %mul3A_1348 : i32
        %add3A_1350 = arith.constant 23 : i32
        %add3A_1351 = arith.addi %mul3A_1349, %add3A_1350 : i32
        %mul3A_1352 = arith.constant 16 : i32
        %mul3A_1353 = arith.muli %add3A_1351, %mul3A_1352 : i32
        %get3A_1354 = arith.index_cast %mul3A_1353 : i32 to index
        %get3A_1355 = tpu.vector_load %arg6[%get3A_1354] {strides = array<i32>} : memref<20000xi32, #tpu.memory_space<vmem>>, vector<16xi32>,
        %mul3A_1356 = arith.constant 50 : i32
        %mul3A_1357 = arith.muli %scan3A_957, %mul3A_1356 : i32
        %add3A_1358 = arith.constant 23 : i32
        %add3A_1359 = arith.addi %mul3A_1357, %add3A_1358 : i32
        %mul3A_1360 = arith.constant 16 : i32
        %mul3A_1361 = arith.muli %add3A_1359, %mul3A_1360 : i32
        %get3A_1362 = arith.index_cast %mul3A_1361 : i32 to index
        %get3A_1363 = tpu.vector_load %arg7[%get3A_1362] {strides = array<i32>} : memref<20000xi32, #tpu.memory_space<vmem>>, vector<16xi32>,
        %gather3A_1364 = tpu.vector_load_idx %arg8[%get3A_1355] : memref<10240xf32, #tpu.memory_space<vmem>>[vector<16xi32>], vector<16xf32>,
        tpu.vector_store_idx %arg9[%get3A_1363], %gather3A_1364 {add = true} : memref<10240xf32, #tpu.memory_space<vmem>>[vector<16xi32>], vector<16xf32>,
        %mul3A_1365 = arith.constant 50 : i32
        %mul3A_1366 = arith.muli %scan3A_957, %mul3A_1365 : i32
        %add3A_1367 = arith.constant 24 : i32
        %add3A_1368 = arith.addi %mul3A_1366, %add3A_1367 : i32
        %mul3A_1369 = arith.constant 16 : i32
        %mul3A_1370 = arith.muli %add3A_1368, %mul3A_1369 : i32
        %get3A_1371 = arith.index_cast %mul3A_1370 : i32 to index
        %get3A_1372 = tpu.vector_load %arg6[%get3A_1371] {strides = array<i32>} : memref<20000xi32, #tpu.memory_space<vmem>>, vector<16xi32>,
        %mul3A_1373 = arith.constant 50 : i32
        %mul3A_1374 = arith.muli %scan3A_957, %mul3A_1373 : i32
        %add3A_1375 = arith.constant 24 : i32
        %add3A_1376 = arith.addi %mul3A_1374, %add3A_1375 : i32
        %mul3A_1377 = arith.constant 16 : i32
        %mul3A_1378 = arith.muli %add3A_1376, %mul3A_1377 : i32
        %get3A_1379 = arith.index_cast %mul3A_1378 : i32 to index
        %get3A_1380 = tpu.vector_load %arg7[%get3A_1379] {strides = array<i32>} : memref<20000xi32, #tpu.memory_space<vmem>>, vector<16xi32>,
        %gather3A_1381 = tpu.vector_load_idx %arg8[%get3A_1372] : memref<10240xf32, #tpu.memory_space<vmem>>[vector<16xi32>], vector<16xf32>,
        tpu.vector_store_idx %arg9[%get3A_1380], %gather3A_1381 {add = true} : memref<10240xf32, #tpu.memory_space<vmem>>[vector<16xi32>], vector<16xf32>,
        %mul3A_1382 = arith.constant 50 : i32
        %mul3A_1383 = arith.muli %scan3A_957, %mul3A_1382 : i32
        %add3A_1384 = arith.constant 25 : i32
        %add3A_1385 = arith.addi %mul3A_1383, %add3A_1384 : i32
        %mul3A_1386 = arith.constant 16 : i32
        %mul3A_1387 = arith.muli %add3A_1385, %mul3A_1386 : i32
        %get3A_1388 = arith.index_cast %mul3A_1387 : i32 to index
        %get3A_1389 = tpu.vector_load %arg6[%get3A_1388] {strides = array<i32>} : memref<20000xi32, #tpu.memory_space<vmem>>, vector<16xi32>,
        %mul3A_1390 = arith.constant 50 : i32
        %mul3A_1391 = arith.muli %scan3A_957, %mul3A_1390 : i32
        %add3A_1392 = arith.constant 25 : i32
        %add3A_1393 = arith.addi %mul3A_1391, %add3A_1392 : i32
        %mul3A_1394 = arith.constant 16 : i32
        %mul3A_1395 = arith.muli %add3A_1393, %mul3A_1394 : i32
        %get3A_1396 = arith.index_cast %mul3A_1395 : i32 to index
        %get3A_1397 = tpu.vector_load %arg7[%get3A_1396] {strides = array<i32>} : memref<20000xi32, #tpu.memory_space<vmem>>, vector<16xi32>,
        %gather3A_1398 = tpu.vector_load_idx %arg8[%get3A_1389] : memref<10240xf32, #tpu.memory_space<vmem>>[vector<16xi32>], vector<16xf32>,
        tpu.vector_store_idx %arg9[%get3A_1397], %gather3A_1398 {add = true} : memref<10240xf32, #tpu.memory_space<vmem>>[vector<16xi32>], vector<16xf32>,
        %mul3A_1399 = arith.constant 50 : i32
        %mul3A_1400 = arith.muli %scan3A_957, %mul3A_1399 : i32
        %add3A_1401 = arith.constant 26 : i32
        %add3A_1402 = arith.addi %mul3A_1400, %add3A_1401 : i32
        %mul3A_1403 = arith.constant 16 : i32
        %mul3A_1404 = arith.muli %add3A_1402, %mul3A_1403 : i32
        %get3A_1405 = arith.index_cast %mul3A_1404 : i32 to index
        %get3A_1406 = tpu.vector_load %arg6[%get3A_1405] {strides = array<i32>} : memref<20000xi32, #tpu.memory_space<vmem>>, vector<16xi32>,
        %mul3A_1407 = arith.constant 50 : i32
        %mul3A_1408 = arith.muli %scan3A_957, %mul3A_1407 : i32
        %add3A_1409 = arith.constant 26 : i32
        %add3A_1410 = arith.addi %mul3A_1408, %add3A_1409 : i32
        %mul3A_1411 = arith.constant 16 : i32
        %mul3A_1412 = arith.muli %add3A_1410, %mul3A_1411 : i32
        %get3A_1413 = arith.index_cast %mul3A_1412 : i32 to index
        %get3A_1414 = tpu.vector_load %arg7[%get3A_1413] {strides = array<i32>} : memref<20000xi32, #tpu.memory_space<vmem>>, vector<16xi32>,
        %gather3A_1415 = tpu.vector_load_idx %arg8[%get3A_1406] : memref<10240xf32, #tpu.memory_space<vmem>>[vector<16xi32>], vector<16xf32>,
        tpu.vector_store_idx %arg9[%get3A_1414], %gather3A_1415 {add = true} : memref<10240xf32, #tpu.memory_space<vmem>>[vector<16xi32>], vector<16xf32>,
        %mul3A_1416 = arith.constant 50 : i32
        %mul3A_1417 = arith.muli %scan3A_957, %mul3A_1416 : i32
        %add3A_1418 = arith.constant 27 : i32
        %add3A_1419 = arith.addi %mul3A_1417, %add3A_1418 : i32
        %mul3A_1420 = arith.constant 16 : i32
        %mul3A_1421 = arith.muli %add3A_1419, %mul3A_1420 : i32
        %get3A_1422 = arith.index_cast %mul3A_1421 : i32 to index
        %get3A_1423 = tpu.vector_load %arg6[%get3A_1422] {strides = array<i32>} : memref<20000xi32, #tpu.memory_space<vmem>>, vector<16xi32>,
        %mul3A_1424 = arith.constant 50 : i32
        %mul3A_1425 = arith.muli %scan3A_957, %mul3A_1424 : i32
        %add3A_1426 = arith.constant 27 : i32
        %add3A_1427 = arith.addi %mul3A_1425, %add3A_1426 : i32
        %mul3A_1428 = arith.constant 16 : i32
        %mul3A_1429 = arith.muli %add3A_1427, %mul3A_1428 : i32
        %get3A_1430 = arith.index_cast %mul3A_1429 : i32 to index
        %get3A_1431 = tpu.vector_load %arg7[%get3A_1430] {strides = array<i32>} : memref<20000xi32, #tpu.memory_space<vmem>>, vector<16xi32>,
        %gather3A_1432 = tpu.vector_load_idx %arg8[%get3A_1423] : memref<10240xf32, #tpu.memory_space<vmem>>[vector<16xi32>], vector<16xf32>,
        tpu.vector_store_idx %arg9[%get3A_1431], %gather3A_1432 {add = true} : memref<10240xf32, #tpu.memory_space<vmem>>[vector<16xi32>], vector<16xf32>,
        %mul3A_1433 = arith.constant 50 : i32
        %mul3A_1434 = arith.muli %scan3A_957, %mul3A_1433 : i32
        %add3A_1435 = arith.constant 28 : i32
        %add3A_1436 = arith.addi %mul3A_1434, %add3A_1435 : i32
        %mul3A_1437 = arith.constant 16 : i32
        %mul3A_1438 = arith.muli %add3A_1436, %mul3A_1437 : i32
        %get3A_1439 = arith.index_cast %mul3A_1438 : i32 to index
        %get3A_1440 = tpu.vector_load %arg6[%get3A_1439] {strides = array<i32>} : memref<20000xi32, #tpu.memory_space<vmem>>, vector<16xi32>,
        %mul3A_1441 = arith.constant 50 : i32
        %mul3A_1442 = arith.muli %scan3A_957, %mul3A_1441 : i32
        %add3A_1443 = arith.constant 28 : i32
        %add3A_1444 = arith.addi %mul3A_1442, %add3A_1443 : i32
        %mul3A_1445 = arith.constant 16 : i32
        %mul3A_1446 = arith.muli %add3A_1444, %mul3A_1445 : i32
        %get3A_1447 = arith.index_cast %mul3A_1446 : i32 to index
        %get3A_1448 = tpu.vector_load %arg7[%get3A_1447] {strides = array<i32>} : memref<20000xi32, #tpu.memory_space<vmem>>, vector<16xi32>,
        %gather3A_1449 = tpu.vector_load_idx %arg8[%get3A_1440] : memref<10240xf32, #tpu.memory_space<vmem>>[vector<16xi32>], vector<16xf32>,
        tpu.vector_store_idx %arg9[%get3A_1448], %gather3A_1449 {add = true} : memref<10240xf32, #tpu.memory_space<vmem>>[vector<16xi32>], vector<16xf32>,
        %mul3A_1450 = arith.constant 50 : i32
        %mul3A_1451 = arith.muli %scan3A_957, %mul3A_1450 : i32
        %add3A_1452 = arith.constant 29 : i32
        %add3A_1453 = arith.addi %mul3A_1451, %add3A_1452 : i32
        %mul3A_1454 = arith.constant 16 : i32
        %mul3A_1455 = arith.muli %add3A_1453, %mul3A_1454 : i32
        %get3A_1456 = arith.index_cast %mul3A_1455 : i32 to index
        %get3A_1457 = tpu.vector_load %arg6[%get3A_1456] {strides = array<i32>} : memref<20000xi32, #tpu.memory_space<vmem>>, vector<16xi32>,
        %mul3A_1458 = arith.constant 50 : i32
        %mul3A_1459 = arith.muli %scan3A_957, %mul3A_1458 : i32
        %add3A_1460 = arith.constant 29 : i32
        %add3A_1461 = arith.addi %mul3A_1459, %add3A_1460 : i32
        %mul3A_1462 = arith.constant 16 : i32
        %mul3A_1463 = arith.muli %add3A_1461, %mul3A_1462 : i32
        %get3A_1464 = arith.index_cast %mul3A_1463 : i32 to index
        %get3A_1465 = tpu.vector_load %arg7[%get3A_1464] {strides = array<i32>} : memref<20000xi32, #tpu.memory_space<vmem>>, vector<16xi32>,
        %gather3A_1466 = tpu.vector_load_idx %arg8[%get3A_1457] : memref<10240xf32, #tpu.memory_space<vmem>>[vector<16xi32>], vector<16xf32>,
        tpu.vector_store_idx %arg9[%get3A_1465], %gather3A_1466 {add = true} : memref<10240xf32, #tpu.memory_space<vmem>>[vector<16xi32>], vector<16xf32>,
        %mul3A_1467 = arith.constant 50 : i32
        %mul3A_1468 = arith.muli %scan3A_957, %mul3A_1467 : i32
        %add3A_1469 = arith.constant 30 : i32
        %add3A_1470 = arith.addi %mul3A_1468, %add3A_1469 : i32
        %mul3A_1471 = arith.constant 16 : i32
        %mul3A_1472 = arith.muli %add3A_1470, %mul3A_1471 : i32
        %get3A_1473 = arith.index_cast %mul3A_1472 : i32 to index
        %get3A_1474 = tpu.vector_load %arg6[%get3A_1473] {strides = array<i32>} : memref<20000xi32, #tpu.memory_space<vmem>>, vector<16xi32>,
        %mul3A_1475 = arith.constant 50 : i32
        %mul3A_1476 = arith.muli %scan3A_957, %mul3A_1475 : i32
        %add3A_1477 = arith.constant 30 : i32
        %add3A_1478 = arith.addi %mul3A_1476, %add3A_1477 : i32
        %mul3A_1479 = arith.constant 16 : i32
        %mul3A_1480 = arith.muli %add3A_1478, %mul3A_1479 : i32
        %get3A_1481 = arith.index_cast %mul3A_1480 : i32 to index
        %get3A_1482 = tpu.vector_load %arg7[%get3A_1481] {strides = array<i32>} : memref<20000xi32, #tpu.memory_space<vmem>>, vector<16xi32>,
        %gather3A_1483 = tpu.vector_load_idx %arg8[%get3A_1474] : memref<10240xf32, #tpu.memory_space<vmem>>[vector<16xi32>], vector<16xf32>,
        tpu.vector_store_idx %arg9[%get3A_1482], %gather3A_1483 {add = true} : memref<10240xf32, #tpu.memory_space<vmem>>[vector<16xi32>], vector<16xf32>,
        %mul3A_1484 = arith.constant 50 : i32
        %mul3A_1485 = arith.muli %scan3A_957, %mul3A_1484 : i32
        %add3A_1486 = arith.constant 31 : i32
        %add3A_1487 = arith.addi %mul3A_1485, %add3A_1486 : i32
        %mul3A_1488 = arith.constant 16 : i32
        %mul3A_1489 = arith.muli %add3A_1487, %mul3A_1488 : i32
        %get3A_1490 = arith.index_cast %mul3A_1489 : i32 to index
        %get3A_1491 = tpu.vector_load %arg6[%get3A_1490] {strides = array<i32>} : memref<20000xi32, #tpu.memory_space<vmem>>, vector<16xi32>,
        %mul3A_1492 = arith.constant 50 : i32
        %mul3A_1493 = arith.muli %scan3A_957, %mul3A_1492 : i32
        %add3A_1494 = arith.constant 31 : i32
        %add3A_1495 = arith.addi %mul3A_1493, %add3A_1494 : i32
        %mul3A_1496 = arith.constant 16 : i32
        %mul3A_1497 = arith.muli %add3A_1495, %mul3A_1496 : i32
        %get3A_1498 = arith.index_cast %mul3A_1497 : i32 to index
        %get3A_1499 = tpu.vector_load %arg7[%get3A_1498] {strides = array<i32>} : memref<20000xi32, #tpu.memory_space<vmem>>, vector<16xi32>,
        %gather3A_1500 = tpu.vector_load_idx %arg8[%get3A_1491] : memref<10240xf32, #tpu.memory_space<vmem>>[vector<16xi32>], vector<16xf32>,
        tpu.vector_store_idx %arg9[%get3A_1499], %gather3A_1500 {add = true} : memref<10240xf32, #tpu.memory_space<vmem>>[vector<16xi32>], vector<16xf32>,
        %mul3A_1501 = arith.constant 50 : i32
        %mul3A_1502 = arith.muli %scan3A_957, %mul3A_1501 : i32
        %add3A_1503 = arith.constant 32 : i32
        %add3A_1504 = arith.addi %mul3A_1502, %add3A_1503 : i32
        %mul3A_1505 = arith.constant 16 : i32
        %mul3A_1506 = arith.muli %add3A_1504, %mul3A_1505 : i32
        %get3A_1507 = arith.index_cast %mul3A_1506 : i32 to index
        %get3A_1508 = tpu.vector_load %arg6[%get3A_1507] {strides = array<i32>} : memref<20000xi32, #tpu.memory_space<vmem>>, vector<16xi32>,
        %mul3A_1509 = arith.constant 50 : i32
        %mul3A_1510 = arith.muli %scan3A_957, %mul3A_1509 : i32
        %add3A_1511 = arith.constant 32 : i32
        %add3A_1512 = arith.addi %mul3A_1510, %add3A_1511 : i32
        %mul3A_1513 = arith.constant 16 : i32
        %mul3A_1514 = arith.muli %add3A_1512, %mul3A_1513 : i32
        %get3A_1515 = arith.index_cast %mul3A_1514 : i32 to index
        %get3A_1516 = tpu.vector_load %arg7[%get3A_1515] {strides = array<i32>} : memref<20000xi32, #tpu.memory_space<vmem>>, vector<16xi32>,
        %gather3A_1517 = tpu.vector_load_idx %arg8[%get3A_1508] : memref<10240xf32, #tpu.memory_space<vmem>>[vector<16xi32>], vector<16xf32>,
        tpu.vector_store_idx %arg9[%get3A_1516], %gather3A_1517 {add = true} : memref<10240xf32, #tpu.memory_space<vmem>>[vector<16xi32>], vector<16xf32>,
        %mul3A_1518 = arith.constant 50 : i32
        %mul3A_1519 = arith.muli %scan3A_957, %mul3A_1518 : i32
        %add3A_1520 = arith.constant 33 : i32
        %add3A_1521 = arith.addi %mul3A_1519, %add3A_1520 : i32
        %mul3A_1522 = arith.constant 16 : i32
        %mul3A_1523 = arith.muli %add3A_1521, %mul3A_1522 : i32
        %get3A_1524 = arith.index_cast %mul3A_1523 : i32 to index
        %get3A_1525 = tpu.vector_load %arg6[%get3A_1524] {strides = array<i32>} : memref<20000xi32, #tpu.memory_space<vmem>>, vector<16xi32>,
        %mul3A_1526 = arith.constant 50 : i32
        %mul3A_1527 = arith.muli %scan3A_957, %mul3A_1526 : i32
        %add3A_1528 = arith.constant 33 : i32
        %add3A_1529 = arith.addi %mul3A_1527, %add3A_1528 : i32
        %mul3A_1530 = arith.constant 16 : i32
        %mul3A_1531 = arith.muli %add3A_1529, %mul3A_1530 : i32
        %get3A_1532 = arith.index_cast %mul3A_1531 : i32 to index
        %get3A_1533 = tpu.vector_load %arg7[%get3A_1532] {strides = array<i32>} : memref<20000xi32, #tpu.memory_space<vmem>>, vector<16xi32>,
        %gather3A_1534 = tpu.vector_load_idx %arg8[%get3A_1525] : memref<10240xf32, #tpu.memory_space<vmem>>[vector<16xi32>], vector<16xf32>,
        tpu.vector_store_idx %arg9[%get3A_1533], %gather3A_1534 {add = true} : memref<10240xf32, #tpu.memory_space<vmem>>[vector<16xi32>], vector<16xf32>,
        %mul3A_1535 = arith.constant 50 : i32
        %mul3A_1536 = arith.muli %scan3A_957, %mul3A_1535 : i32
        %add3A_1537 = arith.constant 34 : i32
        %add3A_1538 = arith.addi %mul3A_1536, %add3A_1537 : i32
        %mul3A_1539 = arith.constant 16 : i32
        %mul3A_1540 = arith.muli %add3A_1538, %mul3A_1539 : i32
        %get3A_1541 = arith.index_cast %mul3A_1540 : i32 to index
        %get3A_1542 = tpu.vector_load %arg6[%get3A_1541] {strides = array<i32>} : memref<20000xi32, #tpu.memory_space<vmem>>, vector<16xi32>,
        %mul3A_1543 = arith.constant 50 : i32
        %mul3A_1544 = arith.muli %scan3A_957, %mul3A_1543 : i32
        %add3A_1545 = arith.constant 34 : i32
        %add3A_1546 = arith.addi %mul3A_1544, %add3A_1545 : i32
        %mul3A_1547 = arith.constant 16 : i32
        %mul3A_1548 = arith.muli %add3A_1546, %mul3A_1547 : i32
        %get3A_1549 = arith.index_cast %mul3A_1548 : i32 to index
        %get3A_1550 = tpu.vector_load %arg7[%get3A_1549] {strides = array<i32>} : memref<20000xi32, #tpu.memory_space<vmem>>, vector<16xi32>,
        %gather3A_1551 = tpu.vector_load_idx %arg8[%get3A_1542] : memref<10240xf32, #tpu.memory_space<vmem>>[vector<16xi32>], vector<16xf32>,
        tpu.vector_store_idx %arg9[%get3A_1550], %gather3A_1551 {add = true} : memref<10240xf32, #tpu.memory_space<vmem>>[vector<16xi32>], vector<16xf32>,
        %mul3A_1552 = arith.constant 50 : i32
        %mul3A_1553 = arith.muli %scan3A_957, %mul3A_1552 : i32
        %add3A_1554 = arith.constant 35 : i32
        %add3A_1555 = arith.addi %mul3A_1553, %add3A_1554 : i32
        %mul3A_1556 = arith.constant 16 : i32
        %mul3A_1557 = arith.muli %add3A_1555, %mul3A_1556 : i32
        %get3A_1558 = arith.index_cast %mul3A_1557 : i32 to index
        %get3A_1559 = tpu.vector_load %arg6[%get3A_1558] {strides = array<i32>} : memref<20000xi32, #tpu.memory_space<vmem>>, vector<16xi32>,
        %mul3A_1560 = arith.constant 50 : i32
        %mul3A_1561 = arith.muli %scan3A_957, %mul3A_1560 : i32
        %add3A_1562 = arith.constant 35 : i32
        %add3A_1563 = arith.addi %mul3A_1561, %add3A_1562 : i32
        %mul3A_1564 = arith.constant 16 : i32
        %mul3A_1565 = arith.muli %add3A_1563, %mul3A_1564 : i32
        %get3A_1566 = arith.index_cast %mul3A_1565 : i32 to index
        %get3A_1567 = tpu.vector_load %arg7[%get3A_1566] {strides = array<i32>} : memref<20000xi32, #tpu.memory_space<vmem>>, vector<16xi32>,
        %gather3A_1568 = tpu.vector_load_idx %arg8[%get3A_1559] : memref<10240xf32, #tpu.memory_space<vmem>>[vector<16xi32>], vector<16xf32>,
        tpu.vector_store_idx %arg9[%get3A_1567], %gather3A_1568 {add = true} : memref<10240xf32, #tpu.memory_space<vmem>>[vector<16xi32>], vector<16xf32>,
        %mul3A_1569 = arith.constant 50 : i32
        %mul3A_1570 = arith.muli %scan3A_957, %mul3A_1569 : i32
        %add3A_1571 = arith.constant 36 : i32
        %add3A_1572 = arith.addi %mul3A_1570, %add3A_1571 : i32
        %mul3A_1573 = arith.constant 16 : i32
        %mul3A_1574 = arith.muli %add3A_1572, %mul3A_1573 : i32
        %get3A_1575 = arith.index_cast %mul3A_1574 : i32 to index
        %get3A_1576 = tpu.vector_load %arg6[%get3A_1575] {strides = array<i32>} : memref<20000xi32, #tpu.memory_space<vmem>>, vector<16xi32>,
        %mul3A_1577 = arith.constant 50 : i32
        %mul3A_1578 = arith.muli %scan3A_957, %mul3A_1577 : i32
        %add3A_1579 = arith.constant 36 : i32
        %add3A_1580 = arith.addi %mul3A_1578, %add3A_1579 : i32
        %mul3A_1581 = arith.constant 16 : i32
        %mul3A_1582 = arith.muli %add3A_1580, %mul3A_1581 : i32
        %get3A_1583 = arith.index_cast %mul3A_1582 : i32 to index
        %get3A_1584 = tpu.vector_load %arg7[%get3A_1583] {strides = array<i32>} : memref<20000xi32, #tpu.memory_space<vmem>>, vector<16xi32>,
        %gather3A_1585 = tpu.vector_load_idx %arg8[%get3A_1576] : memref<10240xf32, #tpu.memory_space<vmem>>[vector<16xi32>], vector<16xf32>,
        tpu.vector_store_idx %arg9[%get3A_1584], %gather3A_1585 {add = true} : memref<10240xf32, #tpu.memory_space<vmem>>[vector<16xi32>], vector<16xf32>,
        %mul3A_1586 = arith.constant 50 : i32
        %mul3A_1587 = arith.muli %scan3A_957, %mul3A_1586 : i32
        %add3A_1588 = arith.constant 37 : i32
        %add3A_1589 = arith.addi %mul3A_1587, %add3A_1588 : i32
        %mul3A_1590 = arith.constant 16 : i32
        %mul3A_1591 = arith.muli %add3A_1589, %mul3A_1590 : i32
        %get3A_1592 = arith.index_cast %mul3A_1591 : i32 to index
        %get3A_1593 = tpu.vector_load %arg6[%get3A_1592] {strides = array<i32>} : memref<20000xi32, #tpu.memory_space<vmem>>, vector<16xi32>,
        %mul3A_1594 = arith.constant 50 : i32
        %mul3A_1595 = arith.muli %scan3A_957, %mul3A_1594 : i32
        %add3A_1596 = arith.constant 37 : i32
        %add3A_1597 = arith.addi %mul3A_1595, %add3A_1596 : i32
        %mul3A_1598 = arith.constant 16 : i32
        %mul3A_1599 = arith.muli %add3A_1597, %mul3A_1598 : i32
        %get3A_1600 = arith.index_cast %mul3A_1599 : i32 to index
        %get3A_1601 = tpu.vector_load %arg7[%get3A_1600] {strides = array<i32>} : memref<20000xi32, #tpu.memory_space<vmem>>, vector<16xi32>,
        %gather3A_1602 = tpu.vector_load_idx %arg8[%get3A_1593] : memref<10240xf32, #tpu.memory_space<vmem>>[vector<16xi32>], vector<16xf32>,
        tpu.vector_store_idx %arg9[%get3A_1601], %gather3A_1602 {add = true} : memref<10240xf32, #tpu.memory_space<vmem>>[vector<16xi32>], vector<16xf32>,
        %mul3A_1603 = arith.constant 50 : i32
        %mul3A_1604 = arith.muli %scan3A_957, %mul3A_1603 : i32
        %add3A_1605 = arith.constant 38 : i32
        %add3A_1606 = arith.addi %mul3A_1604, %add3A_1605 : i32
        %mul3A_1607 = arith.constant 16 : i32
        %mul3A_1608 = arith.muli %add3A_1606, %mul3A_1607 : i32
        %get3A_1609 = arith.index_cast %mul3A_1608 : i32 to index
        %get3A_1610 = tpu.vector_load %arg6[%get3A_1609] {strides = array<i32>} : memref<20000xi32, #tpu.memory_space<vmem>>, vector<16xi32>,
        %mul3A_1611 = arith.constant 50 : i32
        %mul3A_1612 = arith.muli %scan3A_957, %mul3A_1611 : i32
        %add3A_1613 = arith.constant 38 : i32
        %add3A_1614 = arith.addi %mul3A_1612, %add3A_1613 : i32
        %mul3A_1615 = arith.constant 16 : i32
        %mul3A_1616 = arith.muli %add3A_1614, %mul3A_1615 : i32
        %get3A_1617 = arith.index_cast %mul3A_1616 : i32 to index
        %get3A_1618 = tpu.vector_load %arg7[%get3A_1617] {strides = array<i32>} : memref<20000xi32, #tpu.memory_space<vmem>>, vector<16xi32>,
        %gather3A_1619 = tpu.vector_load_idx %arg8[%get3A_1610] : memref<10240xf32, #tpu.memory_space<vmem>>[vector<16xi32>], vector<16xf32>,
        tpu.vector_store_idx %arg9[%get3A_1618], %gather3A_1619 {add = true} : memref<10240xf32, #tpu.memory_space<vmem>>[vector<16xi32>], vector<16xf32>,
        %mul3A_1620 = arith.constant 50 : i32
        %mul3A_1621 = arith.muli %scan3A_957, %mul3A_1620 : i32
        %add3A_1622 = arith.constant 39 : i32
        %add3A_1623 = arith.addi %mul3A_1621, %add3A_1622 : i32
        %mul3A_1624 = arith.constant 16 : i32
        %mul3A_1625 = arith.muli %add3A_1623, %mul3A_1624 : i32
        %get3A_1626 = arith.index_cast %mul3A_1625 : i32 to index
        %get3A_1627 = tpu.vector_load %arg6[%get3A_1626] {strides = array<i32>} : memref<20000xi32, #tpu.memory_space<vmem>>, vector<16xi32>,
        %mul3A_1628 = arith.constant 50 : i32
        %mul3A_1629 = arith.muli %scan3A_957, %mul3A_1628 : i32
        %add3A_1630 = arith.constant 39 : i32
        %add3A_1631 = arith.addi %mul3A_1629, %add3A_1630 : i32
        %mul3A_1632 = arith.constant 16 : i32
        %mul3A_1633 = arith.muli %add3A_1631, %mul3A_1632 : i32
        %get3A_1634 = arith.index_cast %mul3A_1633 : i32 to index
        %get3A_1635 = tpu.vector_load %arg7[%get3A_1634] {strides = array<i32>} : memref<20000xi32, #tpu.memory_space<vmem>>, vector<16xi32>,
        %gather3A_1636 = tpu.vector_load_idx %arg8[%get3A_1627] : memref<10240xf32, #tpu.memory_space<vmem>>[vector<16xi32>], vector<16xf32>,
        tpu.vector_store_idx %arg9[%get3A_1635], %gather3A_1636 {add = true} : memref<10240xf32, #tpu.memory_space<vmem>>[vector<16xi32>], vector<16xf32>,
        %mul3A_1637 = arith.constant 50 : i32
        %mul3A_1638 = arith.muli %scan3A_957, %mul3A_1637 : i32
        %add3A_1639 = arith.constant 40 : i32
        %add3A_1640 = arith.addi %mul3A_1638, %add3A_1639 : i32
        %mul3A_1641 = arith.constant 16 : i32
        %mul3A_1642 = arith.muli %add3A_1640, %mul3A_1641 : i32
        %get3A_1643 = arith.index_cast %mul3A_1642 : i32 to index
        %get3A_1644 = tpu.vector_load %arg6[%get3A_1643] {strides = array<i32>} : memref<20000xi32, #tpu.memory_space<vmem>>, vector<16xi32>,
        %mul3A_1645 = arith.constant 50 : i32
        %mul3A_1646 = arith.muli %scan3A_957, %mul3A_1645 : i32
        %add3A_1647 = arith.constant 40 : i32
        %add3A_1648 = arith.addi %mul3A_1646, %add3A_1647 : i32
        %mul3A_1649 = arith.constant 16 : i32
        %mul3A_1650 = arith.muli %add3A_1648, %mul3A_1649 : i32
        %get3A_1651 = arith.index_cast %mul3A_1650 : i32 to index
        %get3A_1652 = tpu.vector_load %arg7[%get3A_1651] {strides = array<i32>} : memref<20000xi32, #tpu.memory_space<vmem>>, vector<16xi32>,
        %gather3A_1653 = tpu.vector_load_idx %arg8[%get3A_1644] : memref<10240xf32, #tpu.memory_space<vmem>>[vector<16xi32>], vector<16xf32>,
        tpu.vector_store_idx %arg9[%get3A_1652], %gather3A_1653 {add = true} : memref<10240xf32, #tpu.memory_space<vmem>>[vector<16xi32>], vector<16xf32>,
        %mul3A_1654 = arith.constant 50 : i32
        %mul3A_1655 = arith.muli %scan3A_957, %mul3A_1654 : i32
        %add3A_1656 = arith.constant 41 : i32
        %add3A_1657 = arith.addi %mul3A_1655, %add3A_1656 : i32
        %mul3A_1658 = arith.constant 16 : i32
        %mul3A_1659 = arith.muli %add3A_1657, %mul3A_1658 : i32
        %get3A_1660 = arith.index_cast %mul3A_1659 : i32 to index
        %get3A_1661 = tpu.vector_load %arg6[%get3A_1660] {strides = array<i32>} : memref<20000xi32, #tpu.memory_space<vmem>>, vector<16xi32>,
        %mul3A_1662 = arith.constant 50 : i32
        %mul3A_1663 = arith.muli %scan3A_957, %mul3A_1662 : i32
        %add3A_1664 = arith.constant 41 : i32
        %add3A_1665 = arith.addi %mul3A_1663, %add3A_1664 : i32
        %mul3A_1666 = arith.constant 16 : i32
        %mul3A_1667 = arith.muli %add3A_1665, %mul3A_1666 : i32
        %get3A_1668 = arith.index_cast %mul3A_1667 : i32 to index
        %get3A_1669 = tpu.vector_load %arg7[%get3A_1668] {strides = array<i32>} : memref<20000xi32, #tpu.memory_space<vmem>>, vector<16xi32>,
        %gather3A_1670 = tpu.vector_load_idx %arg8[%get3A_1661] : memref<10240xf32, #tpu.memory_space<vmem>>[vector<16xi32>], vector<16xf32>,
        tpu.vector_store_idx %arg9[%get3A_1669], %gather3A_1670 {add = true} : memref<10240xf32, #tpu.memory_space<vmem>>[vector<16xi32>], vector<16xf32>,
        %mul3A_1671 = arith.constant 50 : i32
        %mul3A_1672 = arith.muli %scan3A_957, %mul3A_1671 : i32
        %add3A_1673 = arith.constant 42 : i32
        %add3A_1674 = arith.addi %mul3A_1672, %add3A_1673 : i32
        %mul3A_1675 = arith.constant 16 : i32
        %mul3A_1676 = arith.muli %add3A_1674, %mul3A_1675 : i32
        %get3A_1677 = arith.index_cast %mul3A_1676 : i32 to index
        %get3A_1678 = tpu.vector_load %arg6[%get3A_1677] {strides = array<i32>} : memref<20000xi32, #tpu.memory_space<vmem>>, vector<16xi32>,
        %mul3A_1679 = arith.constant 50 : i32
        %mul3A_1680 = arith.muli %scan3A_957, %mul3A_1679 : i32
        %add3A_1681 = arith.constant 42 : i32
        %add3A_1682 = arith.addi %mul3A_1680, %add3A_1681 : i32
        %mul3A_1683 = arith.constant 16 : i32
        %mul3A_1684 = arith.muli %add3A_1682, %mul3A_1683 : i32
        %get3A_1685 = arith.index_cast %mul3A_1684 : i32 to index
        %get3A_1686 = tpu.vector_load %arg7[%get3A_1685] {strides = array<i32>} : memref<20000xi32, #tpu.memory_space<vmem>>, vector<16xi32>,
        %gather3A_1687 = tpu.vector_load_idx %arg8[%get3A_1678] : memref<10240xf32, #tpu.memory_space<vmem>>[vector<16xi32>], vector<16xf32>,
        tpu.vector_store_idx %arg9[%get3A_1686], %gather3A_1687 {add = true} : memref<10240xf32, #tpu.memory_space<vmem>>[vector<16xi32>], vector<16xf32>,
        %mul3A_1688 = arith.constant 50 : i32
        %mul3A_1689 = arith.muli %scan3A_957, %mul3A_1688 : i32
        %add3A_1690 = arith.constant 43 : i32
        %add3A_1691 = arith.addi %mul3A_1689, %add3A_1690 : i32
        %mul3A_1692 = arith.constant 16 : i32
        %mul3A_1693 = arith.muli %add3A_1691, %mul3A_1692 : i32
        %get3A_1694 = arith.index_cast %mul3A_1693 : i32 to index
        %get3A_1695 = tpu.vector_load %arg6[%get3A_1694] {strides = array<i32>} : memref<20000xi32, #tpu.memory_space<vmem>>, vector<16xi32>,
        %mul3A_1696 = arith.constant 50 : i32
        %mul3A_1697 = arith.muli %scan3A_957, %mul3A_1696 : i32
        %add3A_1698 = arith.constant 43 : i32
        %add3A_1699 = arith.addi %mul3A_1697, %add3A_1698 : i32
        %mul3A_1700 = arith.constant 16 : i32
        %mul3A_1701 = arith.muli %add3A_1699, %mul3A_1700 : i32
        %get3A_1702 = arith.index_cast %mul3A_1701 : i32 to index
        %get3A_1703 = tpu.vector_load %arg7[%get3A_1702] {strides = array<i32>} : memref<20000xi32, #tpu.memory_space<vmem>>, vector<16xi32>,
        %gather3A_1704 = tpu.vector_load_idx %arg8[%get3A_1695] : memref<10240xf32, #tpu.memory_space<vmem>>[vector<16xi32>], vector<16xf32>,
        tpu.vector_store_idx %arg9[%get3A_1703], %gather3A_1704 {add = true} : memref<10240xf32, #tpu.memory_space<vmem>>[vector<16xi32>], vector<16xf32>,
        %mul3A_1705 = arith.constant 50 : i32
        %mul3A_1706 = arith.muli %scan3A_957, %mul3A_1705 : i32
        %add3A_1707 = arith.constant 44 : i32
        %add3A_1708 = arith.addi %mul3A_1706, %add3A_1707 : i32
        %mul3A_1709 = arith.constant 16 : i32
        %mul3A_1710 = arith.muli %add3A_1708, %mul3A_1709 : i32
        %get3A_1711 = arith.index_cast %mul3A_1710 : i32 to index
        %get3A_1712 = tpu.vector_load %arg6[%get3A_1711] {strides = array<i32>} : memref<20000xi32, #tpu.memory_space<vmem>>, vector<16xi32>,
        %mul3A_1713 = arith.constant 50 : i32
        %mul3A_1714 = arith.muli %scan3A_957, %mul3A_1713 : i32
        %add3A_1715 = arith.constant 44 : i32
        %add3A_1716 = arith.addi %mul3A_1714, %add3A_1715 : i32
        %mul3A_1717 = arith.constant 16 : i32
        %mul3A_1718 = arith.muli %add3A_1716, %mul3A_1717 : i32
        %get3A_1719 = arith.index_cast %mul3A_1718 : i32 to index
        %get3A_1720 = tpu.vector_load %arg7[%get3A_1719] {strides = array<i32>} : memref<20000xi32, #tpu.memory_space<vmem>>, vector<16xi32>,
        %gather3A_1721 = tpu.vector_load_idx %arg8[%get3A_1712] : memref<10240xf32, #tpu.memory_space<vmem>>[vector<16xi32>], vector<16xf32>,
        tpu.vector_store_idx %arg9[%get3A_1720], %gather3A_1721 {add = true} : memref<10240xf32, #tpu.memory_space<vmem>>[vector<16xi32>], vector<16xf32>,
        %mul3A_1722 = arith.constant 50 : i32
        %mul3A_1723 = arith.muli %scan3A_957, %mul3A_1722 : i32
        %add3A_1724 = arith.constant 45 : i32
        %add3A_1725 = arith.addi %mul3A_1723, %add3A_1724 : i32
        %mul3A_1726 = arith.constant 16 : i32
        %mul3A_1727 = arith.muli %add3A_1725, %mul3A_1726 : i32
        %get3A_1728 = arith.index_cast %mul3A_1727 : i32 to index
        %get3A_1729 = tpu.vector_load %arg6[%get3A_1728] {strides = array<i32>} : memref<20000xi32, #tpu.memory_space<vmem>>, vector<16xi32>,
        %mul3A_1730 = arith.constant 50 : i32
        %mul3A_1731 = arith.muli %scan3A_957, %mul3A_1730 : i32
        %add3A_1732 = arith.constant 45 : i32
        %add3A_1733 = arith.addi %mul3A_1731, %add3A_1732 : i32
        %mul3A_1734 = arith.constant 16 : i32
        %mul3A_1735 = arith.muli %add3A_1733, %mul3A_1734 : i32
        %get3A_1736 = arith.index_cast %mul3A_1735 : i32 to index
        %get3A_1737 = tpu.vector_load %arg7[%get3A_1736] {strides = array<i32>} : memref<20000xi32, #tpu.memory_space<vmem>>, vector<16xi32>,
        %gather3A_1738 = tpu.vector_load_idx %arg8[%get3A_1729] : memref<10240xf32, #tpu.memory_space<vmem>>[vector<16xi32>], vector<16xf32>,
        tpu.vector_store_idx %arg9[%get3A_1737], %gather3A_1738 {add = true} : memref<10240xf32, #tpu.memory_space<vmem>>[vector<16xi32>], vector<16xf32>,
        %mul3A_1739 = arith.constant 50 : i32
        %mul3A_1740 = arith.muli %scan3A_957, %mul3A_1739 : i32
        %add3A_1741 = arith.constant 46 : i32
        %add3A_1742 = arith.addi %mul3A_1740, %add3A_1741 : i32
        %mul3A_1743 = arith.constant 16 : i32
        %mul3A_1744 = arith.muli %add3A_1742, %mul3A_1743 : i32
        %get3A_1745 = arith.index_cast %mul3A_1744 : i32 to index
        %get3A_1746 = tpu.vector_load %arg6[%get3A_1745] {strides = array<i32>} : memref<20000xi32, #tpu.memory_space<vmem>>, vector<16xi32>,
        %mul3A_1747 = arith.constant 50 : i32
        %mul3A_1748 = arith.muli %scan3A_957, %mul3A_1747 : i32
        %add3A_1749 = arith.constant 46 : i32
        %add3A_1750 = arith.addi %mul3A_1748, %add3A_1749 : i32
        %mul3A_1751 = arith.constant 16 : i32
        %mul3A_1752 = arith.muli %add3A_1750, %mul3A_1751 : i32
        %get3A_1753 = arith.index_cast %mul3A_1752 : i32 to index
        %get3A_1754 = tpu.vector_load %arg7[%get3A_1753] {strides = array<i32>} : memref<20000xi32, #tpu.memory_space<vmem>>, vector<16xi32>,
        %gather3A_1755 = tpu.vector_load_idx %arg8[%get3A_1746] : memref<10240xf32, #tpu.memory_space<vmem>>[vector<16xi32>], vector<16xf32>,
        tpu.vector_store_idx %arg9[%get3A_1754], %gather3A_1755 {add = true} : memref<10240xf32, #tpu.memory_space<vmem>>[vector<16xi32>], vector<16xf32>,
        %mul3A_1756 = arith.constant 50 : i32
        %mul3A_1757 = arith.muli %scan3A_957, %mul3A_1756 : i32
        %add3A_1758 = arith.constant 47 : i32
        %add3A_1759 = arith.addi %mul3A_1757, %add3A_1758 : i32
        %mul3A_1760 = arith.constant 16 : i32
        %mul3A_1761 = arith.muli %add3A_1759, %mul3A_1760 : i32
        %get3A_1762 = arith.index_cast %mul3A_1761 : i32 to index
        %get3A_1763 = tpu.vector_load %arg6[%get3A_1762] {strides = array<i32>} : memref<20000xi32, #tpu.memory_space<vmem>>, vector<16xi32>,
        %mul3A_1764 = arith.constant 50 : i32
        %mul3A_1765 = arith.muli %scan3A_957, %mul3A_1764 : i32
        %add3A_1766 = arith.constant 47 : i32
        %add3A_1767 = arith.addi %mul3A_1765, %add3A_1766 : i32
        %mul3A_1768 = arith.constant 16 : i32
        %mul3A_1769 = arith.muli %add3A_1767, %mul3A_1768 : i32
        %get3A_1770 = arith.index_cast %mul3A_1769 : i32 to index
        %get3A_1771 = tpu.vector_load %arg7[%get3A_1770] {strides = array<i32>} : memref<20000xi32, #tpu.memory_space<vmem>>, vector<16xi32>,
        %gather3A_1772 = tpu.vector_load_idx %arg8[%get3A_1763] : memref<10240xf32, #tpu.memory_space<vmem>>[vector<16xi32>], vector<16xf32>,
        tpu.vector_store_idx %arg9[%get3A_1771], %gather3A_1772 {add = true} : memref<10240xf32, #tpu.memory_space<vmem>>[vector<16xi32>], vector<16xf32>,
        %mul3A_1773 = arith.constant 50 : i32
        %mul3A_1774 = arith.muli %scan3A_957, %mul3A_1773 : i32
        %add3A_1775 = arith.constant 48 : i32
        %add3A_1776 = arith.addi %mul3A_1774, %add3A_1775 : i32
        %mul3A_1777 = arith.constant 16 : i32
        %mul3A_1778 = arith.muli %add3A_1776, %mul3A_1777 : i32
        %get3A_1779 = arith.index_cast %mul3A_1778 : i32 to index
        %get3A_1780 = tpu.vector_load %arg6[%get3A_1779] {strides = array<i32>} : memref<20000xi32, #tpu.memory_space<vmem>>, vector<16xi32>,
        %mul3A_1781 = arith.constant 50 : i32
        %mul3A_1782 = arith.muli %scan3A_957, %mul3A_1781 : i32
        %add3A_1783 = arith.constant 48 : i32
        %add3A_1784 = arith.addi %mul3A_1782, %add3A_1783 : i32
        %mul3A_1785 = arith.constant 16 : i32
        %mul3A_1786 = arith.muli %add3A_1784, %mul3A_1785 : i32
        %get3A_1787 = arith.index_cast %mul3A_1786 : i32 to index
        %get3A_1788 = tpu.vector_load %arg7[%get3A_1787] {strides = array<i32>} : memref<20000xi32, #tpu.memory_space<vmem>>, vector<16xi32>,
        %gather3A_1789 = tpu.vector_load_idx %arg8[%get3A_1780] : memref<10240xf32, #tpu.memory_space<vmem>>[vector<16xi32>], vector<16xf32>,
        tpu.vector_store_idx %arg9[%get3A_1788], %gather3A_1789 {add = true} : memref<10240xf32, #tpu.memory_space<vmem>>[vector<16xi32>], vector<16xf32>,
        %mul3A_1790 = arith.constant 50 : i32
        %mul3A_1791 = arith.muli %scan3A_957, %mul3A_1790 : i32
        %add3A_1792 = arith.constant 49 : i32
        %add3A_1793 = arith.addi %mul3A_1791, %add3A_1792 : i32
        %mul3A_1794 = arith.constant 16 : i32
        %mul3A_1795 = arith.muli %add3A_1793, %mul3A_1794 : i32
        %get3A_1796 = arith.index_cast %mul3A_1795 : i32 to index
        %get3A_1797 = tpu.vector_load %arg6[%get3A_1796] {strides = array<i32>} : memref<20000xi32, #tpu.memory_space<vmem>>, vector<16xi32>,
        %mul3A_1798 = arith.constant 50 : i32
        %mul3A_1799 = arith.muli %scan3A_957, %mul3A_1798 : i32
        %add3A_1800 = arith.constant 49 : i32
        %add3A_1801 = arith.addi %mul3A_1799, %add3A_1800 : i32
        %mul3A_1802 = arith.constant 16 : i32
        %mul3A_1803 = arith.muli %add3A_1801, %mul3A_1802 : i32
        %get3A_1804 = arith.index_cast %mul3A_1803 : i32 to index
        %get3A_1805 = tpu.vector_load %arg7[%get3A_1804] {strides = array<i32>} : memref<20000xi32, #tpu.memory_space<vmem>>, vector<16xi32>,
        %gather3A_1806 = tpu.vector_load_idx %arg8[%get3A_1797] : memref<10240xf32, #tpu.memory_space<vmem>>[vector<16xi32>], vector<16xf32>,
        tpu.vector_store_idx %arg9[%get3A_1805], %gather3A_1806 {add = true} : memref<10240xf32, #tpu.memory_space<vmem>>[vector<16xi32>], vector<16xf32>,
      }
      %scan3A_435 = arith.constant 25 : i32
      "tpu.region"() ({
        %run_scoped3A_957 = tpu.sem_alloc : memref<!tpu.dma_semaphore, #tpu.memory_space<semaphore_mem>>
        %dma_start3A_958 = arith.constant 0 : i32
        %dma_start3A_959 = tpu.memref_slice %arg16[%arg1, %dma_start3A_958] : memref<16x10240xf32, #tpu.memory_space<vmem_shared>> -> memref<1x10240xf32, #tpu.memory_space<vmem_shared>>
        %dma_start3A_960 = tpu.memref_squeeze %dma_start3A_959 : memref<1x10240xf32, #tpu.memory_space<vmem_shared>> -> memref<10240xf32, #tpu.memory_space<vmem_shared>>
        %dma_start3A_961 = arith.constant 0 : i32
        %dma_start3A_962 = tpu.memref_slice %arg16[%arg1, %dma_start3A_961] : memref<16x10240xf32, #tpu.memory_space<vmem_shared>> -> memref<1x10240xf32, #tpu.memory_space<vmem_shared>>
        %dma_start3A_963 = tpu.memref_squeeze %dma_start3A_962 : memref<1x10240xf32, #tpu.memory_space<vmem_shared>> -> memref<10240xf32, #tpu.memory_space<vmem_shared>>
        tpu.enqueue_dma source(%arg9 : memref<10240xf32, #tpu.memory_space<vmem>>) target(%dma_start3A_963 : memref<10240xf32, #tpu.memory_space<vmem_shared>>) target_semaphore(%run_scoped3A_957 : memref<!tpu.dma_semaphore, #tpu.memory_space<semaphore_mem>>)
        %dma_wait3A_964 = arith.constant 0 : i32
        %dma_wait3A_965 = tpu.memref_slice %arg16[%arg1, %dma_wait3A_964] : memref<16x10240xf32, #tpu.memory_space<vmem_shared>> -> memref<1x10240xf32, #tpu.memory_space<vmem_shared>>
        %dma_wait3A_966 = tpu.memref_squeeze %dma_wait3A_965 : memref<1x10240xf32, #tpu.memory_space<vmem_shared>> -> memref<10240xf32, #tpu.memory_space<vmem_shared>>
        %dma_wait3A_967 = arith.constant 0 : i32
        %dma_wait3A_968 = tpu.memref_slice %arg16[%arg1, %dma_wait3A_967] : memref<16x10240xf32, #tpu.memory_space<vmem_shared>> -> memref<1x10240xf32, #tpu.memory_space<vmem_shared>>
        %dma_wait3A_969 = tpu.memref_squeeze %dma_wait3A_968 : memref<1x10240xf32, #tpu.memory_space<vmem_shared>> -> memref<10240xf32, #tpu.memory_space<vmem_shared>>
        tpu.wait_dma2 semaphore(%run_scoped3A_957 : memref<!tpu.dma_semaphore, #tpu.memory_space<semaphore_mem>>) src(%arg9 : memref<10240xf32, #tpu.memory_space<vmem>>) dst(%dma_wait3A_969 : memref<10240xf32, #tpu.memory_space<vmem_shared>>)
        tpu.yield
      }) : () -> ()
      %barrier3A_436 = arith.constant 0 : index
      tpu.barrier barrier_id(%barrier3A_436)
      tpu.enqueue_dma source(%arg18 : memref<10240xf32, #tpu.memory_space<vmem_shared>>) target(%arg9 : memref<10240xf32, #tpu.memory_space<vmem>>) target_semaphore(%arg21 : memref<!tpu.dma_semaphore, #tpu.memory_space<semaphore_mem>>)
      %dma_start3A_437 = arith.constant 0 : i32
      %dma_start3A_438 = arith.constant 0 : i32
      %dma_start3A_439 = arith.constant 0 : i32
      %dma_start3A_440 = tpu.memref_slice %arg13[%dma_start3A_438, %dma_start3A_439] : memref<16x640xf32, #tpu.memory_space<vmem>> -> memref<1x640xf32, #tpu.memory_space<vmem>>
      %dma_start3A_441 = tpu.memref_squeeze %dma_start3A_440 : memref<1x640xf32, #tpu.memory_space<vmem>> -> memref<640xf32, #tpu.memory_space<vmem>>
      %dma_start3A_442 = tpu.memref_slice %arg16[%dma_start3A_437, %mul3A_2] : memref<16x10240xf32, #tpu.memory_space<vmem_shared>> -> memref<1x640xf32, #tpu.memory_space<vmem_shared>>
      %dma_start3A_443 = tpu.memref_squeeze %dma_start3A_442 : memref<1x640xf32, #tpu.memory_space<vmem_shared>> -> memref<640xf32, #tpu.memory_space<vmem_shared>>
      %dma_start3A_444 = arith.constant 0 : i32
      %dma_start3A_445 = tpu.memref_slice %arg13[%dma_start3A_438, %dma_start3A_444] : memref<16x640xf32, #tpu.memory_space<vmem>> -> memref<1x640xf32, #tpu.memory_space<vmem>>
      %dma_start3A_446 = tpu.memref_squeeze %dma_start3A_445 : memref<1x640xf32, #tpu.memory_space<vmem>> -> memref<640xf32, #tpu.memory_space<vmem>>
      %dma_start3A_447 = tpu.memref_slice %arg16[%dma_start3A_437, %mul3A_2] : memref<16x10240xf32, #tpu.memory_space<vmem_shared>> -> memref<1x640xf32, #tpu.memory_space<vmem_shared>>
      %dma_start3A_448 = tpu.memref_squeeze %dma_start3A_447 : memref<1x640xf32, #tpu.memory_space<vmem_shared>> -> memref<640xf32, #tpu.memory_space<vmem_shared>>
      tpu.enqueue_dma source(%dma_start3A_448 : memref<640xf32, #tpu.memory_space<vmem_shared>>) target(%dma_start3A_446 : memref<640xf32, #tpu.memory_space<vmem>>) target_semaphore(%arg20 : memref<!tpu.dma_semaphore, #tpu.memory_space<semaphore_mem>>)
      %dma_start3A_449 = arith.constant 1 : i32
      %dma_start3A_450 = arith.constant 1 : i32
      %dma_start3A_451 = arith.constant 0 : i32
      %dma_start3A_452 = tpu.memref_slice %arg13[%dma_start3A_450, %dma_start3A_451] : memref<16x640xf32, #tpu.memory_space<vmem>> -> memref<1x640xf32, #tpu.memory_space<vmem>>
      %dma_start3A_453 = tpu.memref_squeeze %dma_start3A_452 : memref<1x640xf32, #tpu.memory_space<vmem>> -> memref<640xf32, #tpu.memory_space<vmem>>
      %dma_start3A_454 = tpu.memref_slice %arg16[%dma_start3A_449, %mul3A_2] : memref<16x10240xf32, #tpu.memory_space<vmem_shared>> -> memref<1x640xf32, #tpu.memory_space<vmem_shared>>
      %dma_start3A_455 = tpu.memref_squeeze %dma_start3A_454 : memref<1x640xf32, #tpu.memory_space<vmem_shared>> -> memref<640xf32, #tpu.memory_space<vmem_shared>>
      %dma_start3A_456 = arith.constant 0 : i32
      %dma_start3A_457 = tpu.memref_slice %arg13[%dma_start3A_450, %dma_start3A_456] : memref<16x640xf32, #tpu.memory_space<vmem>> -> memref<1x640xf32, #tpu.memory_space<vmem>>
      %dma_start3A_458 = tpu.memref_squeeze %dma_start3A_457 : memref<1x640xf32, #tpu.memory_space<vmem>> -> memref<640xf32, #tpu.memory_space<vmem>>
      %dma_start3A_459 = tpu.memref_slice %arg16[%dma_start3A_449, %mul3A_2] : memref<16x10240xf32, #tpu.memory_space<vmem_shared>> -> memref<1x640xf32, #tpu.memory_space<vmem_shared>>
      %dma_start3A_460 = tpu.memref_squeeze %dma_start3A_459 : memref<1x640xf32, #tpu.memory_space<vmem_shared>> -> memref<640xf32, #tpu.memory_space<vmem_shared>>
      tpu.enqueue_dma source(%dma_start3A_460 : memref<640xf32, #tpu.memory_space<vmem_shared>>) target(%dma_start3A_458 : memref<640xf32, #tpu.memory_space<vmem>>) target_semaphore(%arg20 : memref<!tpu.dma_semaphore, #tpu.memory_space<semaphore_mem>>)
      %dma_start3A_461 = arith.constant 2 : i32
      %dma_start3A_462 = arith.constant 2 : i32
      %dma_start3A_463 = arith.constant 0 : i32
      %dma_start3A_464 = tpu.memref_slice %arg13[%dma_start3A_462, %dma_start3A_463] : memref<16x640xf32, #tpu.memory_space<vmem>> -> memref<1x640xf32, #tpu.memory_space<vmem>>
      %dma_start3A_465 = tpu.memref_squeeze %dma_start3A_464 : memref<1x640xf32, #tpu.memory_space<vmem>> -> memref<640xf32, #tpu.memory_space<vmem>>
      %dma_start3A_466 = tpu.memref_slice %arg16[%dma_start3A_461, %mul3A_2] : memref<16x10240xf32, #tpu.memory_space<vmem_shared>> -> memref<1x640xf32, #tpu.memory_space<vmem_shared>>
      %dma_start3A_467 = tpu.memref_squeeze %dma_start3A_466 : memref<1x640xf32, #tpu.memory_space<vmem_shared>> -> memref<640xf32, #tpu.memory_space<vmem_shared>>
      %dma_start3A_468 = arith.constant 0 : i32
      %dma_start3A_469 = tpu.memref_slice %arg13[%dma_start3A_462, %dma_start3A_468] : memref<16x640xf32, #tpu.memory_space<vmem>> -> memref<1x640xf32, #tpu.memory_space<vmem>>
      %dma_start3A_470 = tpu.memref_squeeze %dma_start3A_469 : memref<1x640xf32, #tpu.memory_space<vmem>> -> memref<640xf32, #tpu.memory_space<vmem>>
      %dma_start3A_471 = tpu.memref_slice %arg16[%dma_start3A_461, %mul3A_2] : memref<16x10240xf32, #tpu.memory_space<vmem_shared>> -> memref<1x640xf32, #tpu.memory_space<vmem_shared>>
      %dma_start3A_472 = tpu.memref_squeeze %dma_start3A_471 : memref<1x640xf32, #tpu.memory_space<vmem_shared>> -> memref<640xf32, #tpu.memory_space<vmem_shared>>
      tpu.enqueue_dma source(%dma_start3A_472 : memref<640xf32, #tpu.memory_space<vmem_shared>>) target(%dma_start3A_470 : memref<640xf32, #tpu.memory_space<vmem>>) target_semaphore(%arg20 : memref<!tpu.dma_semaphore, #tpu.memory_space<semaphore_mem>>)
      %dma_start3A_473 = arith.constant 3 : i32
      %dma_start3A_474 = arith.constant 3 : i32
      %dma_start3A_475 = arith.constant 0 : i32
      %dma_start3A_476 = tpu.memref_slice %arg13[%dma_start3A_474, %dma_start3A_475] : memref<16x640xf32, #tpu.memory_space<vmem>> -> memref<1x640xf32, #tpu.memory_space<vmem>>
      %dma_start3A_477 = tpu.memref_squeeze %dma_start3A_476 : memref<1x640xf32, #tpu.memory_space<vmem>> -> memref<640xf32, #tpu.memory_space<vmem>>
      %dma_start3A_478 = tpu.memref_slice %arg16[%dma_start3A_473, %mul3A_2] : memref<16x10240xf32, #tpu.memory_space<vmem_shared>> -> memref<1x640xf32, #tpu.memory_space<vmem_shared>>
      %dma_start3A_479 = tpu.memref_squeeze %dma_start3A_478 : memref<1x640xf32, #tpu.memory_space<vmem_shared>> -> memref<640xf32, #tpu.memory_space<vmem_shared>>
      %dma_start3A_480 = arith.constant 0 : i32
      %dma_start3A_481 = tpu.memref_slice %arg13[%dma_start3A_474, %dma_start3A_480] : memref<16x640xf32, #tpu.memory_space<vmem>> -> memref<1x640xf32, #tpu.memory_space<vmem>>
      %dma_start3A_482 = tpu.memref_squeeze %dma_start3A_481 : memref<1x640xf32, #tpu.memory_space<vmem>> -> memref<640xf32, #tpu.memory_space<vmem>>
      %dma_start3A_483 = tpu.memref_slice %arg16[%dma_start3A_473, %mul3A_2] : memref<16x10240xf32, #tpu.memory_space<vmem_shared>> -> memref<1x640xf32, #tpu.memory_space<vmem_shared>>
      %dma_start3A_484 = tpu.memref_squeeze %dma_start3A_483 : memref<1x640xf32, #tpu.memory_space<vmem_shared>> -> memref<640xf32, #tpu.memory_space<vmem_shared>>
      tpu.enqueue_dma source(%dma_start3A_484 : memref<640xf32, #tpu.memory_space<vmem_shared>>) target(%dma_start3A_482 : memref<640xf32, #tpu.memory_space<vmem>>) target_semaphore(%arg20 : memref<!tpu.dma_semaphore, #tpu.memory_space<semaphore_mem>>)
      %dma_start3A_485 = arith.constant 4 : i32
      %dma_start3A_486 = arith.constant 4 : i32
      %dma_start3A_487 = arith.constant 0 : i32
      %dma_start3A_488 = tpu.memref_slice %arg13[%dma_start3A_486, %dma_start3A_487] : memref<16x640xf32, #tpu.memory_space<vmem>> -> memref<1x640xf32, #tpu.memory_space<vmem>>
      %dma_start3A_489 = tpu.memref_squeeze %dma_start3A_488 : memref<1x640xf32, #tpu.memory_space<vmem>> -> memref<640xf32, #tpu.memory_space<vmem>>
      %dma_start3A_490 = tpu.memref_slice %arg16[%dma_start3A_485, %mul3A_2] : memref<16x10240xf32, #tpu.memory_space<vmem_shared>> -> memref<1x640xf32, #tpu.memory_space<vmem_shared>>
      %dma_start3A_491 = tpu.memref_squeeze %dma_start3A_490 : memref<1x640xf32, #tpu.memory_space<vmem_shared>> -> memref<640xf32, #tpu.memory_space<vmem_shared>>
      %dma_start3A_492 = arith.constant 0 : i32
      %dma_start3A_493 = tpu.memref_slice %arg13[%dma_start3A_486, %dma_start3A_492] : memref<16x640xf32, #tpu.memory_space<vmem>> -> memref<1x640xf32, #tpu.memory_space<vmem>>
      %dma_start3A_494 = tpu.memref_squeeze %dma_start3A_493 : memref<1x640xf32, #tpu.memory_space<vmem>> -> memref<640xf32, #tpu.memory_space<vmem>>
      %dma_start3A_495 = tpu.memref_slice %arg16[%dma_start3A_485, %mul3A_2] : memref<16x10240xf32, #tpu.memory_space<vmem_shared>> -> memref<1x640xf32, #tpu.memory_space<vmem_shared>>
      %dma_start3A_496 = tpu.memref_squeeze %dma_start3A_495 : memref<1x640xf32, #tpu.memory_space<vmem_shared>> -> memref<640xf32, #tpu.memory_space<vmem_shared>>
      tpu.enqueue_dma source(%dma_start3A_496 : memref<640xf32, #tpu.memory_space<vmem_shared>>) target(%dma_start3A_494 : memref<640xf32, #tpu.memory_space<vmem>>) target_semaphore(%arg20 : memref<!tpu.dma_semaphore, #tpu.memory_space<semaphore_mem>>)
      %dma_start3A_497 = arith.constant 5 : i32
      %dma_start3A_498 = arith.constant 5 : i32
      %dma_start3A_499 = arith.constant 0 : i32
      %dma_start3A_500 = tpu.memref_slice %arg13[%dma_start3A_498, %dma_start3A_499] : memref<16x640xf32, #tpu.memory_space<vmem>> -> memref<1x640xf32, #tpu.memory_space<vmem>>
      %dma_start3A_501 = tpu.memref_squeeze %dma_start3A_500 : memref<1x640xf32, #tpu.memory_space<vmem>> -> memref<640xf32, #tpu.memory_space<vmem>>
      %dma_start3A_502 = tpu.memref_slice %arg16[%dma_start3A_497, %mul3A_2] : memref<16x10240xf32, #tpu.memory_space<vmem_shared>> -> memref<1x640xf32, #tpu.memory_space<vmem_shared>>
      %dma_start3A_503 = tpu.memref_squeeze %dma_start3A_502 : memref<1x640xf32, #tpu.memory_space<vmem_shared>> -> memref<640xf32, #tpu.memory_space<vmem_shared>>
      %dma_start3A_504 = arith.constant 0 : i32
      %dma_start3A_505 = tpu.memref_slice %arg13[%dma_start3A_498, %dma_start3A_504] : memref<16x640xf32, #tpu.memory_space<vmem>> -> memref<1x640xf32, #tpu.memory_space<vmem>>
      %dma_start3A_506 = tpu.memref_squeeze %dma_start3A_505 : memref<1x640xf32, #tpu.memory_space<vmem>> -> memref<640xf32, #tpu.memory_space<vmem>>
      %dma_start3A_507 = tpu.memref_slice %arg16[%dma_start3A_497, %mul3A_2] : memref<16x10240xf32, #tpu.memory_space<vmem_shared>> -> memref<1x640xf32, #tpu.memory_space<vmem_shared>>
      %dma_start3A_508 = tpu.memref_squeeze %dma_start3A_507 : memref<1x640xf32, #tpu.memory_space<vmem_shared>> -> memref<640xf32, #tpu.memory_space<vmem_shared>>
      tpu.enqueue_dma source(%dma_start3A_508 : memref<640xf32, #tpu.memory_space<vmem_shared>>) target(%dma_start3A_506 : memref<640xf32, #tpu.memory_space<vmem>>) target_semaphore(%arg20 : memref<!tpu.dma_semaphore, #tpu.memory_space<semaphore_mem>>)
      %dma_start3A_509 = arith.constant 6 : i32
      %dma_start3A_510 = arith.constant 6 : i32
      %dma_start3A_511 = arith.constant 0 : i32
      %dma_start3A_512 = tpu.memref_slice %arg13[%dma_start3A_510, %dma_start3A_511] : memref<16x640xf32, #tpu.memory_space<vmem>> -> memref<1x640xf32, #tpu.memory_space<vmem>>
      %dma_start3A_513 = tpu.memref_squeeze %dma_start3A_512 : memref<1x640xf32, #tpu.memory_space<vmem>> -> memref<640xf32, #tpu.memory_space<vmem>>
      %dma_start3A_514 = tpu.memref_slice %arg16[%dma_start3A_509, %mul3A_2] : memref<16x10240xf32, #tpu.memory_space<vmem_shared>> -> memref<1x640xf32, #tpu.memory_space<vmem_shared>>
      %dma_start3A_515 = tpu.memref_squeeze %dma_start3A_514 : memref<1x640xf32, #tpu.memory_space<vmem_shared>> -> memref<640xf32, #tpu.memory_space<vmem_shared>>
      %dma_start3A_516 = arith.constant 0 : i32
      %dma_start3A_517 = tpu.memref_slice %arg13[%dma_start3A_510, %dma_start3A_516] : memref<16x640xf32, #tpu.memory_space<vmem>> -> memref<1x640xf32, #tpu.memory_space<vmem>>
      %dma_start3A_518 = tpu.memref_squeeze %dma_start3A_517 : memref<1x640xf32, #tpu.memory_space<vmem>> -> memref<640xf32, #tpu.memory_space<vmem>>
      %dma_start3A_519 = tpu.memref_slice %arg16[%dma_start3A_509, %mul3A_2] : memref<16x10240xf32, #tpu.memory_space<vmem_shared>> -> memref<1x640xf32, #tpu.memory_space<vmem_shared>>
      %dma_start3A_520 = tpu.memref_squeeze %dma_start3A_519 : memref<1x640xf32, #tpu.memory_space<vmem_shared>> -> memref<640xf32, #tpu.memory_space<vmem_shared>>
      tpu.enqueue_dma source(%dma_start3A_520 : memref<640xf32, #tpu.memory_space<vmem_shared>>) target(%dma_start3A_518 : memref<640xf32, #tpu.memory_space<vmem>>) target_semaphore(%arg20 : memref<!tpu.dma_semaphore, #tpu.memory_space<semaphore_mem>>)
      %dma_start3A_521 = arith.constant 7 : i32
      %dma_start3A_522 = arith.constant 7 : i32
      %dma_start3A_523 = arith.constant 0 : i32
      %dma_start3A_524 = tpu.memref_slice %arg13[%dma_start3A_522, %dma_start3A_523] : memref<16x640xf32, #tpu.memory_space<vmem>> -> memref<1x640xf32, #tpu.memory_space<vmem>>
      %dma_start3A_525 = tpu.memref_squeeze %dma_start3A_524 : memref<1x640xf32, #tpu.memory_space<vmem>> -> memref<640xf32, #tpu.memory_space<vmem>>
      %dma_start3A_526 = tpu.memref_slice %arg16[%dma_start3A_521, %mul3A_2] : memref<16x10240xf32, #tpu.memory_space<vmem_shared>> -> memref<1x640xf32, #tpu.memory_space<vmem_shared>>
      %dma_start3A_527 = tpu.memref_squeeze %dma_start3A_526 : memref<1x640xf32, #tpu.memory_space<vmem_shared>> -> memref<640xf32, #tpu.memory_space<vmem_shared>>
      %dma_start3A_528 = arith.constant 0 : i32
      %dma_start3A_529 = tpu.memref_slice %arg13[%dma_start3A_522, %dma_start3A_528] : memref<16x640xf32, #tpu.memory_space<vmem>> -> memref<1x640xf32, #tpu.memory_space<vmem>>
      %dma_start3A_530 = tpu.memref_squeeze %dma_start3A_529 : memref<1x640xf32, #tpu.memory_space<vmem>> -> memref<640xf32, #tpu.memory_space<vmem>>
      %dma_start3A_531 = tpu.memref_slice %arg16[%dma_start3A_521, %mul3A_2] : memref<16x10240xf32, #tpu.memory_space<vmem_shared>> -> memref<1x640xf32, #tpu.memory_space<vmem_shared>>
      %dma_start3A_532 = tpu.memref_squeeze %dma_start3A_531 : memref<1x640xf32, #tpu.memory_space<vmem_shared>> -> memref<640xf32, #tpu.memory_space<vmem_shared>>
      tpu.enqueue_dma source(%dma_start3A_532 : memref<640xf32, #tpu.memory_space<vmem_shared>>) target(%dma_start3A_530 : memref<640xf32, #tpu.memory_space<vmem>>) target_semaphore(%arg20 : memref<!tpu.dma_semaphore, #tpu.memory_space<semaphore_mem>>)
      %dma_start3A_533 = arith.constant 8 : i32
      %dma_start3A_534 = arith.constant 8 : i32
      %dma_start3A_535 = arith.constant 0 : i32
      %dma_start3A_536 = tpu.memref_slice %arg13[%dma_start3A_534, %dma_start3A_535] : memref<16x640xf32, #tpu.memory_space<vmem>> -> memref<1x640xf32, #tpu.memory_space<vmem>>
      %dma_start3A_537 = tpu.memref_squeeze %dma_start3A_536 : memref<1x640xf32, #tpu.memory_space<vmem>> -> memref<640xf32, #tpu.memory_space<vmem>>
      %dma_start3A_538 = tpu.memref_slice %arg16[%dma_start3A_533, %mul3A_2] : memref<16x10240xf32, #tpu.memory_space<vmem_shared>> -> memref<1x640xf32, #tpu.memory_space<vmem_shared>>
      %dma_start3A_539 = tpu.memref_squeeze %dma_start3A_538 : memref<1x640xf32, #tpu.memory_space<vmem_shared>> -> memref<640xf32, #tpu.memory_space<vmem_shared>>
      %dma_start3A_540 = arith.constant 0 : i32
      %dma_start3A_541 = tpu.memref_slice %arg13[%dma_start3A_534, %dma_start3A_540] : memref<16x640xf32, #tpu.memory_space<vmem>> -> memref<1x640xf32, #tpu.memory_space<vmem>>
      %dma_start3A_542 = tpu.memref_squeeze %dma_start3A_541 : memref<1x640xf32, #tpu.memory_space<vmem>> -> memref<640xf32, #tpu.memory_space<vmem>>
      %dma_start3A_543 = tpu.memref_slice %arg16[%dma_start3A_533, %mul3A_2] : memref<16x10240xf32, #tpu.memory_space<vmem_shared>> -> memref<1x640xf32, #tpu.memory_space<vmem_shared>>
      %dma_start3A_544 = tpu.memref_squeeze %dma_start3A_543 : memref<1x640xf32, #tpu.memory_space<vmem_shared>> -> memref<640xf32, #tpu.memory_space<vmem_shared>>
      tpu.enqueue_dma source(%dma_start3A_544 : memref<640xf32, #tpu.memory_space<vmem_shared>>) target(%dma_start3A_542 : memref<640xf32, #tpu.memory_space<vmem>>) target_semaphore(%arg20 : memref<!tpu.dma_semaphore, #tpu.memory_space<semaphore_mem>>)
      %dma_start3A_545 = arith.constant 9 : i32
      %dma_start3A_546 = arith.constant 9 : i32
      %dma_start3A_547 = arith.constant 0 : i32
      %dma_start3A_548 = tpu.memref_slice %arg13[%dma_start3A_546, %dma_start3A_547] : memref<16x640xf32, #tpu.memory_space<vmem>> -> memref<1x640xf32, #tpu.memory_space<vmem>>
      %dma_start3A_549 = tpu.memref_squeeze %dma_start3A_548 : memref<1x640xf32, #tpu.memory_space<vmem>> -> memref<640xf32, #tpu.memory_space<vmem>>
      %dma_start3A_550 = tpu.memref_slice %arg16[%dma_start3A_545, %mul3A_2] : memref<16x10240xf32, #tpu.memory_space<vmem_shared>> -> memref<1x640xf32, #tpu.memory_space<vmem_shared>>
      %dma_start3A_551 = tpu.memref_squeeze %dma_start3A_550 : memref<1x640xf32, #tpu.memory_space<vmem_shared>> -> memref<640xf32, #tpu.memory_space<vmem_shared>>
      %dma_start3A_552 = arith.constant 0 : i32
      %dma_start3A_553 = tpu.memref_slice %arg13[%dma_start3A_546, %dma_start3A_552] : memref<16x640xf32, #tpu.memory_space<vmem>> -> memref<1x640xf32, #tpu.memory_space<vmem>>
      %dma_start3A_554 = tpu.memref_squeeze %dma_start3A_553 : memref<1x640xf32, #tpu.memory_space<vmem>> -> memref<640xf32, #tpu.memory_space<vmem>>
      %dma_start3A_555 = tpu.memref_slice %arg16[%dma_start3A_545, %mul3A_2] : memref<16x10240xf32, #tpu.memory_space<vmem_shared>> -> memref<1x640xf32, #tpu.memory_space<vmem_shared>>
      %dma_start3A_556 = tpu.memref_squeeze %dma_start3A_555 : memref<1x640xf32, #tpu.memory_space<vmem_shared>> -> memref<640xf32, #tpu.memory_space<vmem_shared>>
      tpu.enqueue_dma source(%dma_start3A_556 : memref<640xf32, #tpu.memory_space<vmem_shared>>) target(%dma_start3A_554 : memref<640xf32, #tpu.memory_space<vmem>>) target_semaphore(%arg20 : memref<!tpu.dma_semaphore, #tpu.memory_space<semaphore_mem>>)
      %dma_start3A_557 = arith.constant 10 : i32
      %dma_start3A_558 = arith.constant 10 : i32
      %dma_start3A_559 = arith.constant 0 : i32
      %dma_start3A_560 = tpu.memref_slice %arg13[%dma_start3A_558, %dma_start3A_559] : memref<16x640xf32, #tpu.memory_space<vmem>> -> memref<1x640xf32, #tpu.memory_space<vmem>>
      %dma_start3A_561 = tpu.memref_squeeze %dma_start3A_560 : memref<1x640xf32, #tpu.memory_space<vmem>> -> memref<640xf32, #tpu.memory_space<vmem>>
      %dma_start3A_562 = tpu.memref_slice %arg16[%dma_start3A_557, %mul3A_2] : memref<16x10240xf32, #tpu.memory_space<vmem_shared>> -> memref<1x640xf32, #tpu.memory_space<vmem_shared>>
      %dma_start3A_563 = tpu.memref_squeeze %dma_start3A_562 : memref<1x640xf32, #tpu.memory_space<vmem_shared>> -> memref<640xf32, #tpu.memory_space<vmem_shared>>
      %dma_start3A_564 = arith.constant 0 : i32
      %dma_start3A_565 = tpu.memref_slice %arg13[%dma_start3A_558, %dma_start3A_564] : memref<16x640xf32, #tpu.memory_space<vmem>> -> memref<1x640xf32, #tpu.memory_space<vmem>>
      %dma_start3A_566 = tpu.memref_squeeze %dma_start3A_565 : memref<1x640xf32, #tpu.memory_space<vmem>> -> memref<640xf32, #tpu.memory_space<vmem>>
      %dma_start3A_567 = tpu.memref_slice %arg16[%dma_start3A_557, %mul3A_2] : memref<16x10240xf32, #tpu.memory_space<vmem_shared>> -> memref<1x640xf32, #tpu.memory_space<vmem_shared>>
      %dma_start3A_568 = tpu.memref_squeeze %dma_start3A_567 : memref<1x640xf32, #tpu.memory_space<vmem_shared>> -> memref<640xf32, #tpu.memory_space<vmem_shared>>
      tpu.enqueue_dma source(%dma_start3A_568 : memref<640xf32, #tpu.memory_space<vmem_shared>>) target(%dma_start3A_566 : memref<640xf32, #tpu.memory_space<vmem>>) target_semaphore(%arg20 : memref<!tpu.dma_semaphore, #tpu.memory_space<semaphore_mem>>)
      %dma_start3A_569 = arith.constant 11 : i32
      %dma_start3A_570 = arith.constant 11 : i32
      %dma_start3A_571 = arith.constant 0 : i32
      %dma_start3A_572 = tpu.memref_slice %arg13[%dma_start3A_570, %dma_start3A_571] : memref<16x640xf32, #tpu.memory_space<vmem>> -> memref<1x640xf32, #tpu.memory_space<vmem>>
      %dma_start3A_573 = tpu.memref_squeeze %dma_start3A_572 : memref<1x640xf32, #tpu.memory_space<vmem>> -> memref<640xf32, #tpu.memory_space<vmem>>
      %dma_start3A_574 = tpu.memref_slice %arg16[%dma_start3A_569, %mul3A_2] : memref<16x10240xf32, #tpu.memory_space<vmem_shared>> -> memref<1x640xf32, #tpu.memory_space<vmem_shared>>
      %dma_start3A_575 = tpu.memref_squeeze %dma_start3A_574 : memref<1x640xf32, #tpu.memory_space<vmem_shared>> -> memref<640xf32, #tpu.memory_space<vmem_shared>>
      %dma_start3A_576 = arith.constant 0 : i32
      %dma_start3A_577 = tpu.memref_slice %arg13[%dma_start3A_570, %dma_start3A_576] : memref<16x640xf32, #tpu.memory_space<vmem>> -> memref<1x640xf32, #tpu.memory_space<vmem>>
      %dma_start3A_578 = tpu.memref_squeeze %dma_start3A_577 : memref<1x640xf32, #tpu.memory_space<vmem>> -> memref<640xf32, #tpu.memory_space<vmem>>
      %dma_start3A_579 = tpu.memref_slice %arg16[%dma_start3A_569, %mul3A_2] : memref<16x10240xf32, #tpu.memory_space<vmem_shared>> -> memref<1x640xf32, #tpu.memory_space<vmem_shared>>
      %dma_start3A_580 = tpu.memref_squeeze %dma_start3A_579 : memref<1x640xf32, #tpu.memory_space<vmem_shared>> -> memref<640xf32, #tpu.memory_space<vmem_shared>>
      tpu.enqueue_dma source(%dma_start3A_580 : memref<640xf32, #tpu.memory_space<vmem_shared>>) target(%dma_start3A_578 : memref<640xf32, #tpu.memory_space<vmem>>) target_semaphore(%arg20 : memref<!tpu.dma_semaphore, #tpu.memory_space<semaphore_mem>>)
      %dma_start3A_581 = arith.constant 12 : i32
      %dma_start3A_582 = arith.constant 12 : i32
      %dma_start3A_583 = arith.constant 0 : i32
      %dma_start3A_584 = tpu.memref_slice %arg13[%dma_start3A_582, %dma_start3A_583] : memref<16x640xf32, #tpu.memory_space<vmem>> -> memref<1x640xf32, #tpu.memory_space<vmem>>
      %dma_start3A_585 = tpu.memref_squeeze %dma_start3A_584 : memref<1x640xf32, #tpu.memory_space<vmem>> -> memref<640xf32, #tpu.memory_space<vmem>>
      %dma_start3A_586 = tpu.memref_slice %arg16[%dma_start3A_581, %mul3A_2] : memref<16x10240xf32, #tpu.memory_space<vmem_shared>> -> memref<1x640xf32, #tpu.memory_space<vmem_shared>>
      %dma_start3A_587 = tpu.memref_squeeze %dma_start3A_586 : memref<1x640xf32, #tpu.memory_space<vmem_shared>> -> memref<640xf32, #tpu.memory_space<vmem_shared>>
      %dma_start3A_588 = arith.constant 0 : i32
      %dma_start3A_589 = tpu.memref_slice %arg13[%dma_start3A_582, %dma_start3A_588] : memref<16x640xf32, #tpu.memory_space<vmem>> -> memref<1x640xf32, #tpu.memory_space<vmem>>
      %dma_start3A_590 = tpu.memref_squeeze %dma_start3A_589 : memref<1x640xf32, #tpu.memory_space<vmem>> -> memref<640xf32, #tpu.memory_space<vmem>>
      %dma_start3A_591 = tpu.memref_slice %arg16[%dma_start3A_581, %mul3A_2] : memref<16x10240xf32, #tpu.memory_space<vmem_shared>> -> memref<1x640xf32, #tpu.memory_space<vmem_shared>>
      %dma_start3A_592 = tpu.memref_squeeze %dma_start3A_591 : memref<1x640xf32, #tpu.memory_space<vmem_shared>> -> memref<640xf32, #tpu.memory_space<vmem_shared>>
      tpu.enqueue_dma source(%dma_start3A_592 : memref<640xf32, #tpu.memory_space<vmem_shared>>) target(%dma_start3A_590 : memref<640xf32, #tpu.memory_space<vmem>>) target_semaphore(%arg20 : memref<!tpu.dma_semaphore, #tpu.memory_space<semaphore_mem>>)
      %dma_start3A_593 = arith.constant 13 : i32
      %dma_start3A_594 = arith.constant 13 : i32
      %dma_start3A_595 = arith.constant 0 : i32
      %dma_start3A_596 = tpu.memref_slice %arg13[%dma_start3A_594, %dma_start3A_595] : memref<16x640xf32, #tpu.memory_space<vmem>> -> memref<1x640xf32, #tpu.memory_space<vmem>>
      %dma_start3A_597 = tpu.memref_squeeze %dma_start3A_596 : memref<1x640xf32, #tpu.memory_space<vmem>> -> memref<640xf32, #tpu.memory_space<vmem>>
      %dma_start3A_598 = tpu.memref_slice %arg16[%dma_start3A_593, %mul3A_2] : memref<16x10240xf32, #tpu.memory_space<vmem_shared>> -> memref<1x640xf32, #tpu.memory_space<vmem_shared>>
      %dma_start3A_599 = tpu.memref_squeeze %dma_start3A_598 : memref<1x640xf32, #tpu.memory_space<vmem_shared>> -> memref<640xf32, #tpu.memory_space<vmem_shared>>
      %dma_start3A_600 = arith.constant 0 : i32
      %dma_start3A_601 = tpu.memref_slice %arg13[%dma_start3A_594, %dma_start3A_600] : memref<16x640xf32, #tpu.memory_space<vmem>> -> memref<1x640xf32, #tpu.memory_space<vmem>>
      %dma_start3A_602 = tpu.memref_squeeze %dma_start3A_601 : memref<1x640xf32, #tpu.memory_space<vmem>> -> memref<640xf32, #tpu.memory_space<vmem>>
      %dma_start3A_603 = tpu.memref_slice %arg16[%dma_start3A_593, %mul3A_2] : memref<16x10240xf32, #tpu.memory_space<vmem_shared>> -> memref<1x640xf32, #tpu.memory_space<vmem_shared>>
      %dma_start3A_604 = tpu.memref_squeeze %dma_start3A_603 : memref<1x640xf32, #tpu.memory_space<vmem_shared>> -> memref<640xf32, #tpu.memory_space<vmem_shared>>
      tpu.enqueue_dma source(%dma_start3A_604 : memref<640xf32, #tpu.memory_space<vmem_shared>>) target(%dma_start3A_602 : memref<640xf32, #tpu.memory_space<vmem>>) target_semaphore(%arg20 : memref<!tpu.dma_semaphore, #tpu.memory_space<semaphore_mem>>)
      %dma_start3A_605 = arith.constant 14 : i32
      %dma_start3A_606 = arith.constant 14 : i32
      %dma_start3A_607 = arith.constant 0 : i32
      %dma_start3A_608 = tpu.memref_slice %arg13[%dma_start3A_606, %dma_start3A_607] : memref<16x640xf32, #tpu.memory_space<vmem>> -> memref<1x640xf32, #tpu.memory_space<vmem>>
      %dma_start3A_609 = tpu.memref_squeeze %dma_start3A_608 : memref<1x640xf32, #tpu.memory_space<vmem>> -> memref<640xf32, #tpu.memory_space<vmem>>
      %dma_start3A_610 = tpu.memref_slice %arg16[%dma_start3A_605, %mul3A_2] : memref<16x10240xf32, #tpu.memory_space<vmem_shared>> -> memref<1x640xf32, #tpu.memory_space<vmem_shared>>
      %dma_start3A_611 = tpu.memref_squeeze %dma_start3A_610 : memref<1x640xf32, #tpu.memory_space<vmem_shared>> -> memref<640xf32, #tpu.memory_space<vmem_shared>>
      %dma_start3A_612 = arith.constant 0 : i32
      %dma_start3A_613 = tpu.memref_slice %arg13[%dma_start3A_606, %dma_start3A_612] : memref<16x640xf32, #tpu.memory_space<vmem>> -> memref<1x640xf32, #tpu.memory_space<vmem>>
      %dma_start3A_614 = tpu.memref_squeeze %dma_start3A_613 : memref<1x640xf32, #tpu.memory_space<vmem>> -> memref<640xf32, #tpu.memory_space<vmem>>
      %dma_start3A_615 = tpu.memref_slice %arg16[%dma_start3A_605, %mul3A_2] : memref<16x10240xf32, #tpu.memory_space<vmem_shared>> -> memref<1x640xf32, #tpu.memory_space<vmem_shared>>
      %dma_start3A_616 = tpu.memref_squeeze %dma_start3A_615 : memref<1x640xf32, #tpu.memory_space<vmem_shared>> -> memref<640xf32, #tpu.memory_space<vmem_shared>>
      tpu.enqueue_dma source(%dma_start3A_616 : memref<640xf32, #tpu.memory_space<vmem_shared>>) target(%dma_start3A_614 : memref<640xf32, #tpu.memory_space<vmem>>) target_semaphore(%arg20 : memref<!tpu.dma_semaphore, #tpu.memory_space<semaphore_mem>>)
      %dma_start3A_617 = arith.constant 15 : i32
      %dma_start3A_618 = arith.constant 15 : i32
      %dma_start3A_619 = arith.constant 0 : i32
      %dma_start3A_620 = tpu.memref_slice %arg13[%dma_start3A_618, %dma_start3A_619] : memref<16x640xf32, #tpu.memory_space<vmem>> -> memref<1x640xf32, #tpu.memory_space<vmem>>
      %dma_start3A_621 = tpu.memref_squeeze %dma_start3A_620 : memref<1x640xf32, #tpu.memory_space<vmem>> -> memref<640xf32, #tpu.memory_space<vmem>>
      %dma_start3A_622 = tpu.memref_slice %arg16[%dma_start3A_617, %mul3A_2] : memref<16x10240xf32, #tpu.memory_space<vmem_shared>> -> memref<1x640xf32, #tpu.memory_space<vmem_shared>>
      %dma_start3A_623 = tpu.memref_squeeze %dma_start3A_622 : memref<1x640xf32, #tpu.memory_space<vmem_shared>> -> memref<640xf32, #tpu.memory_space<vmem_shared>>
      %dma_start3A_624 = arith.constant 0 : i32
      %dma_start3A_625 = tpu.memref_slice %arg13[%dma_start3A_618, %dma_start3A_624] : memref<16x640xf32, #tpu.memory_space<vmem>> -> memref<1x640xf32, #tpu.memory_space<vmem>>
      %dma_start3A_626 = tpu.memref_squeeze %dma_start3A_625 : memref<1x640xf32, #tpu.memory_space<vmem>> -> memref<640xf32, #tpu.memory_space<vmem>>
      %dma_start3A_627 = tpu.memref_slice %arg16[%dma_start3A_617, %mul3A_2] : memref<16x10240xf32, #tpu.memory_space<vmem_shared>> -> memref<1x640xf32, #tpu.memory_space<vmem_shared>>
      %dma_start3A_628 = tpu.memref_squeeze %dma_start3A_627 : memref<1x640xf32, #tpu.memory_space<vmem_shared>> -> memref<640xf32, #tpu.memory_space<vmem_shared>>
      tpu.enqueue_dma source(%dma_start3A_628 : memref<640xf32, #tpu.memory_space<vmem_shared>>) target(%dma_start3A_626 : memref<640xf32, #tpu.memory_space<vmem>>) target_semaphore(%arg20 : memref<!tpu.dma_semaphore, #tpu.memory_space<semaphore_mem>>)
      %dma_wait3A_629 = arith.constant 0 : i32
      %dma_wait3A_630 = arith.constant 0 : i32
      %dma_wait3A_631 = arith.constant 0 : i32
      %dma_wait3A_632 = tpu.memref_slice %arg13[%dma_wait3A_630, %dma_wait3A_631] : memref<16x640xf32, #tpu.memory_space<vmem>> -> memref<1x640xf32, #tpu.memory_space<vmem>>
      %dma_wait3A_633 = tpu.memref_squeeze %dma_wait3A_632 : memref<1x640xf32, #tpu.memory_space<vmem>> -> memref<640xf32, #tpu.memory_space<vmem>>
      %dma_wait3A_634 = tpu.memref_slice %arg16[%dma_wait3A_629, %mul3A_2] : memref<16x10240xf32, #tpu.memory_space<vmem_shared>> -> memref<1x640xf32, #tpu.memory_space<vmem_shared>>
      %dma_wait3A_635 = tpu.memref_squeeze %dma_wait3A_634 : memref<1x640xf32, #tpu.memory_space<vmem_shared>> -> memref<640xf32, #tpu.memory_space<vmem_shared>>
      %dma_wait3A_636 = arith.constant 0 : i32
      %dma_wait3A_637 = tpu.memref_slice %arg13[%dma_wait3A_630, %dma_wait3A_636] : memref<16x640xf32, #tpu.memory_space<vmem>> -> memref<1x640xf32, #tpu.memory_space<vmem>>
      %dma_wait3A_638 = tpu.memref_squeeze %dma_wait3A_637 : memref<1x640xf32, #tpu.memory_space<vmem>> -> memref<640xf32, #tpu.memory_space<vmem>>
      %dma_wait3A_639 = tpu.memref_slice %arg16[%dma_wait3A_629, %mul3A_2] : memref<16x10240xf32, #tpu.memory_space<vmem_shared>> -> memref<1x640xf32, #tpu.memory_space<vmem_shared>>
      %dma_wait3A_640 = tpu.memref_squeeze %dma_wait3A_639 : memref<1x640xf32, #tpu.memory_space<vmem_shared>> -> memref<640xf32, #tpu.memory_space<vmem_shared>>
      tpu.wait_dma2 semaphore(%arg20 : memref<!tpu.dma_semaphore, #tpu.memory_space<semaphore_mem>>) src(%dma_wait3A_640 : memref<640xf32, #tpu.memory_space<vmem_shared>>) dst(%dma_wait3A_638 : memref<640xf32, #tpu.memory_space<vmem>>)
      %dma_wait3A_641 = arith.constant 1 : i32
      %dma_wait3A_642 = arith.constant 1 : i32
      %dma_wait3A_643 = arith.constant 0 : i32
      %dma_wait3A_644 = tpu.memref_slice %arg13[%dma_wait3A_642, %dma_wait3A_643] : memref<16x640xf32, #tpu.memory_space<vmem>> -> memref<1x640xf32, #tpu.memory_space<vmem>>
      %dma_wait3A_645 = tpu.memref_squeeze %dma_wait3A_644 : memref<1x640xf32, #tpu.memory_space<vmem>> -> memref<640xf32, #tpu.memory_space<vmem>>
      %dma_wait3A_646 = tpu.memref_slice %arg16[%dma_wait3A_641, %mul3A_2] : memref<16x10240xf32, #tpu.memory_space<vmem_shared>> -> memref<1x640xf32, #tpu.memory_space<vmem_shared>>
      %dma_wait3A_647 = tpu.memref_squeeze %dma_wait3A_646 : memref<1x640xf32, #tpu.memory_space<vmem_shared>> -> memref<640xf32, #tpu.memory_space<vmem_shared>>
      %dma_wait3A_648 = arith.constant 0 : i32
      %dma_wait3A_649 = tpu.memref_slice %arg13[%dma_wait3A_642, %dma_wait3A_648] : memref<16x640xf32, #tpu.memory_space<vmem>> -> memref<1x640xf32, #tpu.memory_space<vmem>>
      %dma_wait3A_650 = tpu.memref_squeeze %dma_wait3A_649 : memref<1x640xf32, #tpu.memory_space<vmem>> -> memref<640xf32, #tpu.memory_space<vmem>>
      %dma_wait3A_651 = tpu.memref_slice %arg16[%dma_wait3A_641, %mul3A_2] : memref<16x10240xf32, #tpu.memory_space<vmem_shared>> -> memref<1x640xf32, #tpu.memory_space<vmem_shared>>
      %dma_wait3A_652 = tpu.memref_squeeze %dma_wait3A_651 : memref<1x640xf32, #tpu.memory_space<vmem_shared>> -> memref<640xf32, #tpu.memory_space<vmem_shared>>
      tpu.wait_dma2 semaphore(%arg20 : memref<!tpu.dma_semaphore, #tpu.memory_space<semaphore_mem>>) src(%dma_wait3A_652 : memref<640xf32, #tpu.memory_space<vmem_shared>>) dst(%dma_wait3A_650 : memref<640xf32, #tpu.memory_space<vmem>>)
      %dma_wait3A_653 = arith.constant 2 : i32
      %dma_wait3A_654 = arith.constant 2 : i32
      %dma_wait3A_655 = arith.constant 0 : i32
      %dma_wait3A_656 = tpu.memref_slice %arg13[%dma_wait3A_654, %dma_wait3A_655] : memref<16x640xf32, #tpu.memory_space<vmem>> -> memref<1x640xf32, #tpu.memory_space<vmem>>
      %dma_wait3A_657 = tpu.memref_squeeze %dma_wait3A_656 : memref<1x640xf32, #tpu.memory_space<vmem>> -> memref<640xf32, #tpu.memory_space<vmem>>
      %dma_wait3A_658 = tpu.memref_slice %arg16[%dma_wait3A_653, %mul3A_2] : memref<16x10240xf32, #tpu.memory_space<vmem_shared>> -> memref<1x640xf32, #tpu.memory_space<vmem_shared>>
      %dma_wait3A_659 = tpu.memref_squeeze %dma_wait3A_658 : memref<1x640xf32, #tpu.memory_space<vmem_shared>> -> memref<640xf32, #tpu.memory_space<vmem_shared>>
      %dma_wait3A_660 = arith.constant 0 : i32
      %dma_wait3A_661 = tpu.memref_slice %arg13[%dma_wait3A_654, %dma_wait3A_660] : memref<16x640xf32, #tpu.memory_space<vmem>> -> memref<1x640xf32, #tpu.memory_space<vmem>>
      %dma_wait3A_662 = tpu.memref_squeeze %dma_wait3A_661 : memref<1x640xf32, #tpu.memory_space<vmem>> -> memref<640xf32, #tpu.memory_space<vmem>>
      %dma_wait3A_663 = tpu.memref_slice %arg16[%dma_wait3A_653, %mul3A_2] : memref<16x10240xf32, #tpu.memory_space<vmem_shared>> -> memref<1x640xf32, #tpu.memory_space<vmem_shared>>
      %dma_wait3A_664 = tpu.memref_squeeze %dma_wait3A_663 : memref<1x640xf32, #tpu.memory_space<vmem_shared>> -> memref<640xf32, #tpu.memory_space<vmem_shared>>
      tpu.wait_dma2 semaphore(%arg20 : memref<!tpu.dma_semaphore, #tpu.memory_space<semaphore_mem>>) src(%dma_wait3A_664 : memref<640xf32, #tpu.memory_space<vmem_shared>>) dst(%dma_wait3A_662 : memref<640xf32, #tpu.memory_space<vmem>>)
      %dma_wait3A_665 = arith.constant 3 : i32
      %dma_wait3A_666 = arith.constant 3 : i32
      %dma_wait3A_667 = arith.constant 0 : i32
      %dma_wait3A_668 = tpu.memref_slice %arg13[%dma_wait3A_666, %dma_wait3A_667] : memref<16x640xf32, #tpu.memory_space<vmem>> -> memref<1x640xf32, #tpu.memory_space<vmem>>
      %dma_wait3A_669 = tpu.memref_squeeze %dma_wait3A_668 : memref<1x640xf32, #tpu.memory_space<vmem>> -> memref<640xf32, #tpu.memory_space<vmem>>
      %dma_wait3A_670 = tpu.memref_slice %arg16[%dma_wait3A_665, %mul3A_2] : memref<16x10240xf32, #tpu.memory_space<vmem_shared>> -> memref<1x640xf32, #tpu.memory_space<vmem_shared>>
      %dma_wait3A_671 = tpu.memref_squeeze %dma_wait3A_670 : memref<1x640xf32, #tpu.memory_space<vmem_shared>> -> memref<640xf32, #tpu.memory_space<vmem_shared>>
      %dma_wait3A_672 = arith.constant 0 : i32
      %dma_wait3A_673 = tpu.memref_slice %arg13[%dma_wait3A_666, %dma_wait3A_672] : memref<16x640xf32, #tpu.memory_space<vmem>> -> memref<1x640xf32, #tpu.memory_space<vmem>>
      %dma_wait3A_674 = tpu.memref_squeeze %dma_wait3A_673 : memref<1x640xf32, #tpu.memory_space<vmem>> -> memref<640xf32, #tpu.memory_space<vmem>>
      %dma_wait3A_675 = tpu.memref_slice %arg16[%dma_wait3A_665, %mul3A_2] : memref<16x10240xf32, #tpu.memory_space<vmem_shared>> -> memref<1x640xf32, #tpu.memory_space<vmem_shared>>
      %dma_wait3A_676 = tpu.memref_squeeze %dma_wait3A_675 : memref<1x640xf32, #tpu.memory_space<vmem_shared>> -> memref<640xf32, #tpu.memory_space<vmem_shared>>
      tpu.wait_dma2 semaphore(%arg20 : memref<!tpu.dma_semaphore, #tpu.memory_space<semaphore_mem>>) src(%dma_wait3A_676 : memref<640xf32, #tpu.memory_space<vmem_shared>>) dst(%dma_wait3A_674 : memref<640xf32, #tpu.memory_space<vmem>>)
      %dma_wait3A_677 = arith.constant 4 : i32
      %dma_wait3A_678 = arith.constant 4 : i32
      %dma_wait3A_679 = arith.constant 0 : i32
      %dma_wait3A_680 = tpu.memref_slice %arg13[%dma_wait3A_678, %dma_wait3A_679] : memref<16x640xf32, #tpu.memory_space<vmem>> -> memref<1x640xf32, #tpu.memory_space<vmem>>
      %dma_wait3A_681 = tpu.memref_squeeze %dma_wait3A_680 : memref<1x640xf32, #tpu.memory_space<vmem>> -> memref<640xf32, #tpu.memory_space<vmem>>
      %dma_wait3A_682 = tpu.memref_slice %arg16[%dma_wait3A_677, %mul3A_2] : memref<16x10240xf32, #tpu.memory_space<vmem_shared>> -> memref<1x640xf32, #tpu.memory_space<vmem_shared>>
      %dma_wait3A_683 = tpu.memref_squeeze %dma_wait3A_682 : memref<1x640xf32, #tpu.memory_space<vmem_shared>> -> memref<640xf32, #tpu.memory_space<vmem_shared>>
      %dma_wait3A_684 = arith.constant 0 : i32
      %dma_wait3A_685 = tpu.memref_slice %arg13[%dma_wait3A_678, %dma_wait3A_684] : memref<16x640xf32, #tpu.memory_space<vmem>> -> memref<1x640xf32, #tpu.memory_space<vmem>>
      %dma_wait3A_686 = tpu.memref_squeeze %dma_wait3A_685 : memref<1x640xf32, #tpu.memory_space<vmem>> -> memref<640xf32, #tpu.memory_space<vmem>>
      %dma_wait3A_687 = tpu.memref_slice %arg16[%dma_wait3A_677, %mul3A_2] : memref<16x10240xf32, #tpu.memory_space<vmem_shared>> -> memref<1x640xf32, #tpu.memory_space<vmem_shared>>
      %dma_wait3A_688 = tpu.memref_squeeze %dma_wait3A_687 : memref<1x640xf32, #tpu.memory_space<vmem_shared>> -> memref<640xf32, #tpu.memory_space<vmem_shared>>
      tpu.wait_dma2 semaphore(%arg20 : memref<!tpu.dma_semaphore, #tpu.memory_space<semaphore_mem>>) src(%dma_wait3A_688 : memref<640xf32, #tpu.memory_space<vmem_shared>>) dst(%dma_wait3A_686 : memref<640xf32, #tpu.memory_space<vmem>>)
      %dma_wait3A_689 = arith.constant 5 : i32
      %dma_wait3A_690 = arith.constant 5 : i32
      %dma_wait3A_691 = arith.constant 0 : i32
      %dma_wait3A_692 = tpu.memref_slice %arg13[%dma_wait3A_690, %dma_wait3A_691] : memref<16x640xf32, #tpu.memory_space<vmem>> -> memref<1x640xf32, #tpu.memory_space<vmem>>
      %dma_wait3A_693 = tpu.memref_squeeze %dma_wait3A_692 : memref<1x640xf32, #tpu.memory_space<vmem>> -> memref<640xf32, #tpu.memory_space<vmem>>
      %dma_wait3A_694 = tpu.memref_slice %arg16[%dma_wait3A_689, %mul3A_2] : memref<16x10240xf32, #tpu.memory_space<vmem_shared>> -> memref<1x640xf32, #tpu.memory_space<vmem_shared>>
      %dma_wait3A_695 = tpu.memref_squeeze %dma_wait3A_694 : memref<1x640xf32, #tpu.memory_space<vmem_shared>> -> memref<640xf32, #tpu.memory_space<vmem_shared>>
      %dma_wait3A_696 = arith.constant 0 : i32
      %dma_wait3A_697 = tpu.memref_slice %arg13[%dma_wait3A_690, %dma_wait3A_696] : memref<16x640xf32, #tpu.memory_space<vmem>> -> memref<1x640xf32, #tpu.memory_space<vmem>>
      %dma_wait3A_698 = tpu.memref_squeeze %dma_wait3A_697 : memref<1x640xf32, #tpu.memory_space<vmem>> -> memref<640xf32, #tpu.memory_space<vmem>>
      %dma_wait3A_699 = tpu.memref_slice %arg16[%dma_wait3A_689, %mul3A_2] : memref<16x10240xf32, #tpu.memory_space<vmem_shared>> -> memref<1x640xf32, #tpu.memory_space<vmem_shared>>
      %dma_wait3A_700 = tpu.memref_squeeze %dma_wait3A_699 : memref<1x640xf32, #tpu.memory_space<vmem_shared>> -> memref<640xf32, #tpu.memory_space<vmem_shared>>
      tpu.wait_dma2 semaphore(%arg20 : memref<!tpu.dma_semaphore, #tpu.memory_space<semaphore_mem>>) src(%dma_wait3A_700 : memref<640xf32, #tpu.memory_space<vmem_shared>>) dst(%dma_wait3A_698 : memref<640xf32, #tpu.memory_space<vmem>>)
      %dma_wait3A_701 = arith.constant 6 : i32
      %dma_wait3A_702 = arith.constant 6 : i32
      %dma_wait3A_703 = arith.constant 0 : i32
      %dma_wait3A_704 = tpu.memref_slice %arg13[%dma_wait3A_702, %dma_wait3A_703] : memref<16x640xf32, #tpu.memory_space<vmem>> -> memref<1x640xf32, #tpu.memory_space<vmem>>
      %dma_wait3A_705 = tpu.memref_squeeze %dma_wait3A_704 : memref<1x640xf32, #tpu.memory_space<vmem>> -> memref<640xf32, #tpu.memory_space<vmem>>
      %dma_wait3A_706 = tpu.memref_slice %arg16[%dma_wait3A_701, %mul3A_2] : memref<16x10240xf32, #tpu.memory_space<vmem_shared>> -> memref<1x640xf32, #tpu.memory_space<vmem_shared>>
      %dma_wait3A_707 = tpu.memref_squeeze %dma_wait3A_706 : memref<1x640xf32, #tpu.memory_space<vmem_shared>> -> memref<640xf32, #tpu.memory_space<vmem_shared>>
      %dma_wait3A_708 = arith.constant 0 : i32
      %dma_wait3A_709 = tpu.memref_slice %arg13[%dma_wait3A_702, %dma_wait3A_708] : memref<16x640xf32, #tpu.memory_space<vmem>> -> memref<1x640xf32, #tpu.memory_space<vmem>>
      %dma_wait3A_710 = tpu.memref_squeeze %dma_wait3A_709 : memref<1x640xf32, #tpu.memory_space<vmem>> -> memref<640xf32, #tpu.memory_space<vmem>>
      %dma_wait3A_711 = tpu.memref_slice %arg16[%dma_wait3A_701, %mul3A_2] : memref<16x10240xf32, #tpu.memory_space<vmem_shared>> -> memref<1x640xf32, #tpu.memory_space<vmem_shared>>
      %dma_wait3A_712 = tpu.memref_squeeze %dma_wait3A_711 : memref<1x640xf32, #tpu.memory_space<vmem_shared>> -> memref<640xf32, #tpu.memory_space<vmem_shared>>
      tpu.wait_dma2 semaphore(%arg20 : memref<!tpu.dma_semaphore, #tpu.memory_space<semaphore_mem>>) src(%dma_wait3A_712 : memref<640xf32, #tpu.memory_space<vmem_shared>>) dst(%dma_wait3A_710 : memref<640xf32, #tpu.memory_space<vmem>>)
      %dma_wait3A_713 = arith.constant 7 : i32
      %dma_wait3A_714 = arith.constant 7 : i32
      %dma_wait3A_715 = arith.constant 0 : i32
      %dma_wait3A_716 = tpu.memref_slice %arg13[%dma_wait3A_714, %dma_wait3A_715] : memref<16x640xf32, #tpu.memory_space<vmem>> -> memref<1x640xf32, #tpu.memory_space<vmem>>
      %dma_wait3A_717 = tpu.memref_squeeze %dma_wait3A_716 : memref<1x640xf32, #tpu.memory_space<vmem>> -> memref<640xf32, #tpu.memory_space<vmem>>
      %dma_wait3A_718 = tpu.memref_slice %arg16[%dma_wait3A_713, %mul3A_2] : memref<16x10240xf32, #tpu.memory_space<vmem_shared>> -> memref<1x640xf32, #tpu.memory_space<vmem_shared>>
      %dma_wait3A_719 = tpu.memref_squeeze %dma_wait3A_718 : memref<1x640xf32, #tpu.memory_space<vmem_shared>> -> memref<640xf32, #tpu.memory_space<vmem_shared>>
      %dma_wait3A_720 = arith.constant 0 : i32
      %dma_wait3A_721 = tpu.memref_slice %arg13[%dma_wait3A_714, %dma_wait3A_720] : memref<16x640xf32, #tpu.memory_space<vmem>> -> memref<1x640xf32, #tpu.memory_space<vmem>>
      %dma_wait3A_722 = tpu.memref_squeeze %dma_wait3A_721 : memref<1x640xf32, #tpu.memory_space<vmem>> -> memref<640xf32, #tpu.memory_space<vmem>>
      %dma_wait3A_723 = tpu.memref_slice %arg16[%dma_wait3A_713, %mul3A_2] : memref<16x10240xf32, #tpu.memory_space<vmem_shared>> -> memref<1x640xf32, #tpu.memory_space<vmem_shared>>
      %dma_wait3A_724 = tpu.memref_squeeze %dma_wait3A_723 : memref<1x640xf32, #tpu.memory_space<vmem_shared>> -> memref<640xf32, #tpu.memory_space<vmem_shared>>
      tpu.wait_dma2 semaphore(%arg20 : memref<!tpu.dma_semaphore, #tpu.memory_space<semaphore_mem>>) src(%dma_wait3A_724 : memref<640xf32, #tpu.memory_space<vmem_shared>>) dst(%dma_wait3A_722 : memref<640xf32, #tpu.memory_space<vmem>>)
      %dma_wait3A_725 = arith.constant 8 : i32
      %dma_wait3A_726 = arith.constant 8 : i32
      %dma_wait3A_727 = arith.constant 0 : i32
      %dma_wait3A_728 = tpu.memref_slice %arg13[%dma_wait3A_726, %dma_wait3A_727] : memref<16x640xf32, #tpu.memory_space<vmem>> -> memref<1x640xf32, #tpu.memory_space<vmem>>
      %dma_wait3A_729 = tpu.memref_squeeze %dma_wait3A_728 : memref<1x640xf32, #tpu.memory_space<vmem>> -> memref<640xf32, #tpu.memory_space<vmem>>
      %dma_wait3A_730 = tpu.memref_slice %arg16[%dma_wait3A_725, %mul3A_2] : memref<16x10240xf32, #tpu.memory_space<vmem_shared>> -> memref<1x640xf32, #tpu.memory_space<vmem_shared>>
      %dma_wait3A_731 = tpu.memref_squeeze %dma_wait3A_730 : memref<1x640xf32, #tpu.memory_space<vmem_shared>> -> memref<640xf32, #tpu.memory_space<vmem_shared>>
      %dma_wait3A_732 = arith.constant 0 : i32
      %dma_wait3A_733 = tpu.memref_slice %arg13[%dma_wait3A_726, %dma_wait3A_732] : memref<16x640xf32, #tpu.memory_space<vmem>> -> memref<1x640xf32, #tpu.memory_space<vmem>>
      %dma_wait3A_734 = tpu.memref_squeeze %dma_wait3A_733 : memref<1x640xf32, #tpu.memory_space<vmem>> -> memref<640xf32, #tpu.memory_space<vmem>>
      %dma_wait3A_735 = tpu.memref_slice %arg16[%dma_wait3A_725, %mul3A_2] : memref<16x10240xf32, #tpu.memory_space<vmem_shared>> -> memref<1x640xf32, #tpu.memory_space<vmem_shared>>
      %dma_wait3A_736 = tpu.memref_squeeze %dma_wait3A_735 : memref<1x640xf32, #tpu.memory_space<vmem_shared>> -> memref<640xf32, #tpu.memory_space<vmem_shared>>
      tpu.wait_dma2 semaphore(%arg20 : memref<!tpu.dma_semaphore, #tpu.memory_space<semaphore_mem>>) src(%dma_wait3A_736 : memref<640xf32, #tpu.memory_space<vmem_shared>>) dst(%dma_wait3A_734 : memref<640xf32, #tpu.memory_space<vmem>>)
      %dma_wait3A_737 = arith.constant 9 : i32
      %dma_wait3A_738 = arith.constant 9 : i32
      %dma_wait3A_739 = arith.constant 0 : i32
      %dma_wait3A_740 = tpu.memref_slice %arg13[%dma_wait3A_738, %dma_wait3A_739] : memref<16x640xf32, #tpu.memory_space<vmem>> -> memref<1x640xf32, #tpu.memory_space<vmem>>
      %dma_wait3A_741 = tpu.memref_squeeze %dma_wait3A_740 : memref<1x640xf32, #tpu.memory_space<vmem>> -> memref<640xf32, #tpu.memory_space<vmem>>
      %dma_wait3A_742 = tpu.memref_slice %arg16[%dma_wait3A_737, %mul3A_2] : memref<16x10240xf32, #tpu.memory_space<vmem_shared>> -> memref<1x640xf32, #tpu.memory_space<vmem_shared>>
      %dma_wait3A_743 = tpu.memref_squeeze %dma_wait3A_742 : memref<1x640xf32, #tpu.memory_space<vmem_shared>> -> memref<640xf32, #tpu.memory_space<vmem_shared>>
      %dma_wait3A_744 = arith.constant 0 : i32
      %dma_wait3A_745 = tpu.memref_slice %arg13[%dma_wait3A_738, %dma_wait3A_744] : memref<16x640xf32, #tpu.memory_space<vmem>> -> memref<1x640xf32, #tpu.memory_space<vmem>>
      %dma_wait3A_746 = tpu.memref_squeeze %dma_wait3A_745 : memref<1x640xf32, #tpu.memory_space<vmem>> -> memref<640xf32, #tpu.memory_space<vmem>>
      %dma_wait3A_747 = tpu.memref_slice %arg16[%dma_wait3A_737, %mul3A_2] : memref<16x10240xf32, #tpu.memory_space<vmem_shared>> -> memref<1x640xf32, #tpu.memory_space<vmem_shared>>
      %dma_wait3A_748 = tpu.memref_squeeze %dma_wait3A_747 : memref<1x640xf32, #tpu.memory_space<vmem_shared>> -> memref<640xf32, #tpu.memory_space<vmem_shared>>
      tpu.wait_dma2 semaphore(%arg20 : memref<!tpu.dma_semaphore, #tpu.memory_space<semaphore_mem>>) src(%dma_wait3A_748 : memref<640xf32, #tpu.memory_space<vmem_shared>>) dst(%dma_wait3A_746 : memref<640xf32, #tpu.memory_space<vmem>>)
      %dma_wait3A_749 = arith.constant 10 : i32
      %dma_wait3A_750 = arith.constant 10 : i32
      %dma_wait3A_751 = arith.constant 0 : i32
      %dma_wait3A_752 = tpu.memref_slice %arg13[%dma_wait3A_750, %dma_wait3A_751] : memref<16x640xf32, #tpu.memory_space<vmem>> -> memref<1x640xf32, #tpu.memory_space<vmem>>
      %dma_wait3A_753 = tpu.memref_squeeze %dma_wait3A_752 : memref<1x640xf32, #tpu.memory_space<vmem>> -> memref<640xf32, #tpu.memory_space<vmem>>
      %dma_wait3A_754 = tpu.memref_slice %arg16[%dma_wait3A_749, %mul3A_2] : memref<16x10240xf32, #tpu.memory_space<vmem_shared>> -> memref<1x640xf32, #tpu.memory_space<vmem_shared>>
      %dma_wait3A_755 = tpu.memref_squeeze %dma_wait3A_754 : memref<1x640xf32, #tpu.memory_space<vmem_shared>> -> memref<640xf32, #tpu.memory_space<vmem_shared>>
      %dma_wait3A_756 = arith.constant 0 : i32
      %dma_wait3A_757 = tpu.memref_slice %arg13[%dma_wait3A_750, %dma_wait3A_756] : memref<16x640xf32, #tpu.memory_space<vmem>> -> memref<1x640xf32, #tpu.memory_space<vmem>>
      %dma_wait3A_758 = tpu.memref_squeeze %dma_wait3A_757 : memref<1x640xf32, #tpu.memory_space<vmem>> -> memref<640xf32, #tpu.memory_space<vmem>>
      %dma_wait3A_759 = tpu.memref_slice %arg16[%dma_wait3A_749, %mul3A_2] : memref<16x10240xf32, #tpu.memory_space<vmem_shared>> -> memref<1x640xf32, #tpu.memory_space<vmem_shared>>
      %dma_wait3A_760 = tpu.memref_squeeze %dma_wait3A_759 : memref<1x640xf32, #tpu.memory_space<vmem_shared>> -> memref<640xf32, #tpu.memory_space<vmem_shared>>
      tpu.wait_dma2 semaphore(%arg20 : memref<!tpu.dma_semaphore, #tpu.memory_space<semaphore_mem>>) src(%dma_wait3A_760 : memref<640xf32, #tpu.memory_space<vmem_shared>>) dst(%dma_wait3A_758 : memref<640xf32, #tpu.memory_space<vmem>>)
      %dma_wait3A_761 = arith.constant 11 : i32
      %dma_wait3A_762 = arith.constant 11 : i32
      %dma_wait3A_763 = arith.constant 0 : i32
      %dma_wait3A_764 = tpu.memref_slice %arg13[%dma_wait3A_762, %dma_wait3A_763] : memref<16x640xf32, #tpu.memory_space<vmem>> -> memref<1x640xf32, #tpu.memory_space<vmem>>
      %dma_wait3A_765 = tpu.memref_squeeze %dma_wait3A_764 : memref<1x640xf32, #tpu.memory_space<vmem>> -> memref<640xf32, #tpu.memory_space<vmem>>
      %dma_wait3A_766 = tpu.memref_slice %arg16[%dma_wait3A_761, %mul3A_2] : memref<16x10240xf32, #tpu.memory_space<vmem_shared>> -> memref<1x640xf32, #tpu.memory_space<vmem_shared>>
      %dma_wait3A_767 = tpu.memref_squeeze %dma_wait3A_766 : memref<1x640xf32, #tpu.memory_space<vmem_shared>> -> memref<640xf32, #tpu.memory_space<vmem_shared>>
      %dma_wait3A_768 = arith.constant 0 : i32
      %dma_wait3A_769 = tpu.memref_slice %arg13[%dma_wait3A_762, %dma_wait3A_768] : memref<16x640xf32, #tpu.memory_space<vmem>> -> memref<1x640xf32, #tpu.memory_space<vmem>>
      %dma_wait3A_770 = tpu.memref_squeeze %dma_wait3A_769 : memref<1x640xf32, #tpu.memory_space<vmem>> -> memref<640xf32, #tpu.memory_space<vmem>>
      %dma_wait3A_771 = tpu.memref_slice %arg16[%dma_wait3A_761, %mul3A_2] : memref<16x10240xf32, #tpu.memory_space<vmem_shared>> -> memref<1x640xf32, #tpu.memory_space<vmem_shared>>
      %dma_wait3A_772 = tpu.memref_squeeze %dma_wait3A_771 : memref<1x640xf32, #tpu.memory_space<vmem_shared>> -> memref<640xf32, #tpu.memory_space<vmem_shared>>
      tpu.wait_dma2 semaphore(%arg20 : memref<!tpu.dma_semaphore, #tpu.memory_space<semaphore_mem>>) src(%dma_wait3A_772 : memref<640xf32, #tpu.memory_space<vmem_shared>>) dst(%dma_wait3A_770 : memref<640xf32, #tpu.memory_space<vmem>>)
      %dma_wait3A_773 = arith.constant 12 : i32
      %dma_wait3A_774 = arith.constant 12 : i32
      %dma_wait3A_775 = arith.constant 0 : i32
      %dma_wait3A_776 = tpu.memref_slice %arg13[%dma_wait3A_774, %dma_wait3A_775] : memref<16x640xf32, #tpu.memory_space<vmem>> -> memref<1x640xf32, #tpu.memory_space<vmem>>
      %dma_wait3A_777 = tpu.memref_squeeze %dma_wait3A_776 : memref<1x640xf32, #tpu.memory_space<vmem>> -> memref<640xf32, #tpu.memory_space<vmem>>
      %dma_wait3A_778 = tpu.memref_slice %arg16[%dma_wait3A_773, %mul3A_2] : memref<16x10240xf32, #tpu.memory_space<vmem_shared>> -> memref<1x640xf32, #tpu.memory_space<vmem_shared>>
      %dma_wait3A_779 = tpu.memref_squeeze %dma_wait3A_778 : memref<1x640xf32, #tpu.memory_space<vmem_shared>> -> memref<640xf32, #tpu.memory_space<vmem_shared>>
      %dma_wait3A_780 = arith.constant 0 : i32
      %dma_wait3A_781 = tpu.memref_slice %arg13[%dma_wait3A_774, %dma_wait3A_780] : memref<16x640xf32, #tpu.memory_space<vmem>> -> memref<1x640xf32, #tpu.memory_space<vmem>>
      %dma_wait3A_782 = tpu.memref_squeeze %dma_wait3A_781 : memref<1x640xf32, #tpu.memory_space<vmem>> -> memref<640xf32, #tpu.memory_space<vmem>>
      %dma_wait3A_783 = tpu.memref_slice %arg16[%dma_wait3A_773, %mul3A_2] : memref<16x10240xf32, #tpu.memory_space<vmem_shared>> -> memref<1x640xf32, #tpu.memory_space<vmem_shared>>
      %dma_wait3A_784 = tpu.memref_squeeze %dma_wait3A_783 : memref<1x640xf32, #tpu.memory_space<vmem_shared>> -> memref<640xf32, #tpu.memory_space<vmem_shared>>
      tpu.wait_dma2 semaphore(%arg20 : memref<!tpu.dma_semaphore, #tpu.memory_space<semaphore_mem>>) src(%dma_wait3A_784 : memref<640xf32, #tpu.memory_space<vmem_shared>>) dst(%dma_wait3A_782 : memref<640xf32, #tpu.memory_space<vmem>>)
      %dma_wait3A_785 = arith.constant 13 : i32
      %dma_wait3A_786 = arith.constant 13 : i32
      %dma_wait3A_787 = arith.constant 0 : i32
      %dma_wait3A_788 = tpu.memref_slice %arg13[%dma_wait3A_786, %dma_wait3A_787] : memref<16x640xf32, #tpu.memory_space<vmem>> -> memref<1x640xf32, #tpu.memory_space<vmem>>
      %dma_wait3A_789 = tpu.memref_squeeze %dma_wait3A_788 : memref<1x640xf32, #tpu.memory_space<vmem>> -> memref<640xf32, #tpu.memory_space<vmem>>
      %dma_wait3A_790 = tpu.memref_slice %arg16[%dma_wait3A_785, %mul3A_2] : memref<16x10240xf32, #tpu.memory_space<vmem_shared>> -> memref<1x640xf32, #tpu.memory_space<vmem_shared>>
      %dma_wait3A_791 = tpu.memref_squeeze %dma_wait3A_790 : memref<1x640xf32, #tpu.memory_space<vmem_shared>> -> memref<640xf32, #tpu.memory_space<vmem_shared>>
      %dma_wait3A_792 = arith.constant 0 : i32
      %dma_wait3A_793 = tpu.memref_slice %arg13[%dma_wait3A_786, %dma_wait3A_792] : memref<16x640xf32, #tpu.memory_space<vmem>> -> memref<1x640xf32, #tpu.memory_space<vmem>>
      %dma_wait3A_794 = tpu.memref_squeeze %dma_wait3A_793 : memref<1x640xf32, #tpu.memory_space<vmem>> -> memref<640xf32, #tpu.memory_space<vmem>>
      %dma_wait3A_795 = tpu.memref_slice %arg16[%dma_wait3A_785, %mul3A_2] : memref<16x10240xf32, #tpu.memory_space<vmem_shared>> -> memref<1x640xf32, #tpu.memory_space<vmem_shared>>
      %dma_wait3A_796 = tpu.memref_squeeze %dma_wait3A_795 : memref<1x640xf32, #tpu.memory_space<vmem_shared>> -> memref<640xf32, #tpu.memory_space<vmem_shared>>
      tpu.wait_dma2 semaphore(%arg20 : memref<!tpu.dma_semaphore, #tpu.memory_space<semaphore_mem>>) src(%dma_wait3A_796 : memref<640xf32, #tpu.memory_space<vmem_shared>>) dst(%dma_wait3A_794 : memref<640xf32, #tpu.memory_space<vmem>>)
      %dma_wait3A_797 = arith.constant 14 : i32
      %dma_wait3A_798 = arith.constant 14 : i32
      %dma_wait3A_799 = arith.constant 0 : i32
      %dma_wait3A_800 = tpu.memref_slice %arg13[%dma_wait3A_798, %dma_wait3A_799] : memref<16x640xf32, #tpu.memory_space<vmem>> -> memref<1x640xf32, #tpu.memory_space<vmem>>
      %dma_wait3A_801 = tpu.memref_squeeze %dma_wait3A_800 : memref<1x640xf32, #tpu.memory_space<vmem>> -> memref<640xf32, #tpu.memory_space<vmem>>
      %dma_wait3A_802 = tpu.memref_slice %arg16[%dma_wait3A_797, %mul3A_2] : memref<16x10240xf32, #tpu.memory_space<vmem_shared>> -> memref<1x640xf32, #tpu.memory_space<vmem_shared>>
      %dma_wait3A_803 = tpu.memref_squeeze %dma_wait3A_802 : memref<1x640xf32, #tpu.memory_space<vmem_shared>> -> memref<640xf32, #tpu.memory_space<vmem_shared>>
      %dma_wait3A_804 = arith.constant 0 : i32
      %dma_wait3A_805 = tpu.memref_slice %arg13[%dma_wait3A_798, %dma_wait3A_804] : memref<16x640xf32, #tpu.memory_space<vmem>> -> memref<1x640xf32, #tpu.memory_space<vmem>>
      %dma_wait3A_806 = tpu.memref_squeeze %dma_wait3A_805 : memref<1x640xf32, #tpu.memory_space<vmem>> -> memref<640xf32, #tpu.memory_space<vmem>>
      %dma_wait3A_807 = tpu.memref_slice %arg16[%dma_wait3A_797, %mul3A_2] : memref<16x10240xf32, #tpu.memory_space<vmem_shared>> -> memref<1x640xf32, #tpu.memory_space<vmem_shared>>
      %dma_wait3A_808 = tpu.memref_squeeze %dma_wait3A_807 : memref<1x640xf32, #tpu.memory_space<vmem_shared>> -> memref<640xf32, #tpu.memory_space<vmem_shared>>
      tpu.wait_dma2 semaphore(%arg20 : memref<!tpu.dma_semaphore, #tpu.memory_space<semaphore_mem>>) src(%dma_wait3A_808 : memref<640xf32, #tpu.memory_space<vmem_shared>>) dst(%dma_wait3A_806 : memref<640xf32, #tpu.memory_space<vmem>>)
      %dma_wait3A_809 = arith.constant 15 : i32
      %dma_wait3A_810 = arith.constant 15 : i32
      %dma_wait3A_811 = arith.constant 0 : i32
      %dma_wait3A_812 = tpu.memref_slice %arg13[%dma_wait3A_810, %dma_wait3A_811] : memref<16x640xf32, #tpu.memory_space<vmem>> -> memref<1x640xf32, #tpu.memory_space<vmem>>
      %dma_wait3A_813 = tpu.memref_squeeze %dma_wait3A_812 : memref<1x640xf32, #tpu.memory_space<vmem>> -> memref<640xf32, #tpu.memory_space<vmem>>
      %dma_wait3A_814 = tpu.memref_slice %arg16[%dma_wait3A_809, %mul3A_2] : memref<16x10240xf32, #tpu.memory_space<vmem_shared>> -> memref<1x640xf32, #tpu.memory_space<vmem_shared>>
      %dma_wait3A_815 = tpu.memref_squeeze %dma_wait3A_814 : memref<1x640xf32, #tpu.memory_space<vmem_shared>> -> memref<640xf32, #tpu.memory_space<vmem_shared>>
      %dma_wait3A_816 = arith.constant 0 : i32
      %dma_wait3A_817 = tpu.memref_slice %arg13[%dma_wait3A_810, %dma_wait3A_816] : memref<16x640xf32, #tpu.memory_space<vmem>> -> memref<1x640xf32, #tpu.memory_space<vmem>>
      %dma_wait3A_818 = tpu.memref_squeeze %dma_wait3A_817 : memref<1x640xf32, #tpu.memory_space<vmem>> -> memref<640xf32, #tpu.memory_space<vmem>>
      %dma_wait3A_819 = tpu.memref_slice %arg16[%dma_wait3A_809, %mul3A_2] : memref<16x10240xf32, #tpu.memory_space<vmem_shared>> -> memref<1x640xf32, #tpu.memory_space<vmem_shared>>
      %dma_wait3A_820 = tpu.memref_squeeze %dma_wait3A_819 : memref<1x640xf32, #tpu.memory_space<vmem_shared>> -> memref<640xf32, #tpu.memory_space<vmem_shared>>
      tpu.wait_dma2 semaphore(%arg20 : memref<!tpu.dma_semaphore, #tpu.memory_space<semaphore_mem>>) src(%dma_wait3A_820 : memref<640xf32, #tpu.memory_space<vmem_shared>>) dst(%dma_wait3A_818 : memref<640xf32, #tpu.memory_space<vmem>>)
      %scan3A_821 = arith.constant 0 : i32
      %scan3A_822 = arith.constant 40 : i32
      %scan3A_823 = arith.addi %scan3A_821, %scan3A_822 : i32
      %scan3A_824 = arith.constant 1 : i32
      %scan3A_825 = scf.for %scan3A_957 = %scan3A_821 to %scan3A_823 step %scan3A_824 iter_args(%scan3A_958 = %broadcast_in_dim3A_13) -> (vector<16xf32>)  : i32 {
        %mul3A_959 = arith.constant 16 : i32
        %mul3A_960 = arith.muli %scan3A_957, %mul3A_959 : i32
        %get3A_961 = arith.constant 0 : i32
        %get3A_962 = arith.index_cast %get3A_961 : i32 to index
        %get3A_963 = arith.index_cast %mul3A_960 : i32 to index
        %get3A_964 = tpu.vector_load %arg13[%get3A_962, %get3A_963] {strides = array<i32>} : memref<16x640xf32, #tpu.memory_space<vmem>>, vector<16xf32>,
        %mul3A_965 = arith.constant 16 : i32
        %mul3A_966 = arith.muli %scan3A_957, %mul3A_965 : i32
        %get3A_967 = arith.constant 1 : i32
        %get3A_968 = arith.index_cast %get3A_967 : i32 to index
        %get3A_969 = arith.index_cast %mul3A_966 : i32 to index
        %get3A_970 = tpu.vector_load %arg13[%get3A_968, %get3A_969] {strides = array<i32>} : memref<16x640xf32, #tpu.memory_space<vmem>>, vector<16xf32>,
        %add3A_971 = arith.addf %get3A_964, %get3A_970 : vector<16xf32>
        %mul3A_972 = arith.constant 16 : i32
        %mul3A_973 = arith.muli %scan3A_957, %mul3A_972 : i32
        %get3A_974 = arith.constant 2 : i32
        %get3A_975 = arith.index_cast %get3A_974 : i32 to index
        %get3A_976 = arith.index_cast %mul3A_973 : i32 to index
        %get3A_977 = tpu.vector_load %arg13[%get3A_975, %get3A_976] {strides = array<i32>} : memref<16x640xf32, #tpu.memory_space<vmem>>, vector<16xf32>,
        %add3A_978 = arith.addf %add3A_971, %get3A_977 : vector<16xf32>
        %mul3A_979 = arith.constant 16 : i32
        %mul3A_980 = arith.muli %scan3A_957, %mul3A_979 : i32
        %get3A_981 = arith.constant 3 : i32
        %get3A_982 = arith.index_cast %get3A_981 : i32 to index
        %get3A_983 = arith.index_cast %mul3A_980 : i32 to index
        %get3A_984 = tpu.vector_load %arg13[%get3A_982, %get3A_983] {strides = array<i32>} : memref<16x640xf32, #tpu.memory_space<vmem>>, vector<16xf32>,
        %add3A_985 = arith.addf %add3A_978, %get3A_984 : vector<16xf32>
        %mul3A_986 = arith.constant 16 : i32
        %mul3A_987 = arith.muli %scan3A_957, %mul3A_986 : i32
        %get3A_988 = arith.constant 4 : i32
        %get3A_989 = arith.index_cast %get3A_988 : i32 to index
        %get3A_990 = arith.index_cast %mul3A_987 : i32 to index
        %get3A_991 = tpu.vector_load %arg13[%get3A_989, %get3A_990] {strides = array<i32>} : memref<16x640xf32, #tpu.memory_space<vmem>>, vector<16xf32>,
        %add3A_992 = arith.addf %add3A_985, %get3A_991 : vector<16xf32>
        %mul3A_993 = arith.constant 16 : i32
        %mul3A_994 = arith.muli %scan3A_957, %mul3A_993 : i32
        %get3A_995 = arith.constant 5 : i32
        %get3A_996 = arith.index_cast %get3A_995 : i32 to index
        %get3A_997 = arith.index_cast %mul3A_994 : i32 to index
        %get3A_998 = tpu.vector_load %arg13[%get3A_996, %get3A_997] {strides = array<i32>} : memref<16x640xf32, #tpu.memory_space<vmem>>, vector<16xf32>,
        %add3A_999 = arith.addf %add3A_992, %get3A_998 : vector<16xf32>
        %mul3A_1000 = arith.constant 16 : i32
        %mul3A_1001 = arith.muli %scan3A_957, %mul3A_1000 : i32
        %get3A_1002 = arith.constant 6 : i32
        %get3A_1003 = arith.index_cast %get3A_1002 : i32 to index
        %get3A_1004 = arith.index_cast %mul3A_1001 : i32 to index
        %get3A_1005 = tpu.vector_load %arg13[%get3A_1003, %get3A_1004] {strides = array<i32>} : memref<16x640xf32, #tpu.memory_space<vmem>>, vector<16xf32>,
        %add3A_1006 = arith.addf %add3A_999, %get3A_1005 : vector<16xf32>
        %mul3A_1007 = arith.constant 16 : i32
        %mul3A_1008 = arith.muli %scan3A_957, %mul3A_1007 : i32
        %get3A_1009 = arith.constant 7 : i32
        %get3A_1010 = arith.index_cast %get3A_1009 : i32 to index
        %get3A_1011 = arith.index_cast %mul3A_1008 : i32 to index
        %get3A_1012 = tpu.vector_load %arg13[%get3A_1010, %get3A_1011] {strides = array<i32>} : memref<16x640xf32, #tpu.memory_space<vmem>>, vector<16xf32>,
        %add3A_1013 = arith.addf %add3A_1006, %get3A_1012 : vector<16xf32>
        %mul3A_1014 = arith.constant 16 : i32
        %mul3A_1015 = arith.muli %scan3A_957, %mul3A_1014 : i32
        %get3A_1016 = arith.constant 8 : i32
        %get3A_1017 = arith.index_cast %get3A_1016 : i32 to index
        %get3A_1018 = arith.index_cast %mul3A_1015 : i32 to index
        %get3A_1019 = tpu.vector_load %arg13[%get3A_1017, %get3A_1018] {strides = array<i32>} : memref<16x640xf32, #tpu.memory_space<vmem>>, vector<16xf32>,
        %add3A_1020 = arith.addf %add3A_1013, %get3A_1019 : vector<16xf32>
        %mul3A_1021 = arith.constant 16 : i32
        %mul3A_1022 = arith.muli %scan3A_957, %mul3A_1021 : i32
        %get3A_1023 = arith.constant 9 : i32
        %get3A_1024 = arith.index_cast %get3A_1023 : i32 to index
        %get3A_1025 = arith.index_cast %mul3A_1022 : i32 to index
        %get3A_1026 = tpu.vector_load %arg13[%get3A_1024, %get3A_1025] {strides = array<i32>} : memref<16x640xf32, #tpu.memory_space<vmem>>, vector<16xf32>,
        %add3A_1027 = arith.addf %add3A_1020, %get3A_1026 : vector<16xf32>
        %mul3A_1028 = arith.constant 16 : i32
        %mul3A_1029 = arith.muli %scan3A_957, %mul3A_1028 : i32
        %get3A_1030 = arith.constant 10 : i32
        %get3A_1031 = arith.index_cast %get3A_1030 : i32 to index
        %get3A_1032 = arith.index_cast %mul3A_1029 : i32 to index
        %get3A_1033 = tpu.vector_load %arg13[%get3A_1031, %get3A_1032] {strides = array<i32>} : memref<16x640xf32, #tpu.memory_space<vmem>>, vector<16xf32>,
        %add3A_1034 = arith.addf %add3A_1027, %get3A_1033 : vector<16xf32>
        %mul3A_1035 = arith.constant 16 : i32
        %mul3A_1036 = arith.muli %scan3A_957, %mul3A_1035 : i32
        %get3A_1037 = arith.constant 11 : i32
        %get3A_1038 = arith.index_cast %get3A_1037 : i32 to index
        %get3A_1039 = arith.index_cast %mul3A_1036 : i32 to index
        %get3A_1040 = tpu.vector_load %arg13[%get3A_1038, %get3A_1039] {strides = array<i32>} : memref<16x640xf32, #tpu.memory_space<vmem>>, vector<16xf32>,
        %add3A_1041 = arith.addf %add3A_1034, %get3A_1040 : vector<16xf32>
        %mul3A_1042 = arith.constant 16 : i32
        %mul3A_1043 = arith.muli %scan3A_957, %mul3A_1042 : i32
        %get3A_1044 = arith.constant 12 : i32
        %get3A_1045 = arith.index_cast %get3A_1044 : i32 to index
        %get3A_1046 = arith.index_cast %mul3A_1043 : i32 to index
        %get3A_1047 = tpu.vector_load %arg13[%get3A_1045, %get3A_1046] {strides = array<i32>} : memref<16x640xf32, #tpu.memory_space<vmem>>, vector<16xf32>,
        %add3A_1048 = arith.addf %add3A_1041, %get3A_1047 : vector<16xf32>
        %mul3A_1049 = arith.constant 16 : i32
        %mul3A_1050 = arith.muli %scan3A_957, %mul3A_1049 : i32
        %get3A_1051 = arith.constant 13 : i32
        %get3A_1052 = arith.index_cast %get3A_1051 : i32 to index
        %get3A_1053 = arith.index_cast %mul3A_1050 : i32 to index
        %get3A_1054 = tpu.vector_load %arg13[%get3A_1052, %get3A_1053] {strides = array<i32>} : memref<16x640xf32, #tpu.memory_space<vmem>>, vector<16xf32>,
        %add3A_1055 = arith.addf %add3A_1048, %get3A_1054 : vector<16xf32>
        %mul3A_1056 = arith.constant 16 : i32
        %mul3A_1057 = arith.muli %scan3A_957, %mul3A_1056 : i32
        %get3A_1058 = arith.constant 14 : i32
        %get3A_1059 = arith.index_cast %get3A_1058 : i32 to index
        %get3A_1060 = arith.index_cast %mul3A_1057 : i32 to index
        %get3A_1061 = tpu.vector_load %arg13[%get3A_1059, %get3A_1060] {strides = array<i32>} : memref<16x640xf32, #tpu.memory_space<vmem>>, vector<16xf32>,
        %add3A_1062 = arith.addf %add3A_1055, %get3A_1061 : vector<16xf32>
        %mul3A_1063 = arith.constant 16 : i32
        %mul3A_1064 = arith.muli %scan3A_957, %mul3A_1063 : i32
        %get3A_1065 = arith.constant 15 : i32
        %get3A_1066 = arith.index_cast %get3A_1065 : i32 to index
        %get3A_1067 = arith.index_cast %mul3A_1064 : i32 to index
        %get3A_1068 = tpu.vector_load %arg13[%get3A_1066, %get3A_1067] {strides = array<i32>} : memref<16x640xf32, #tpu.memory_space<vmem>>, vector<16xf32>,
        %add3A_1069 = arith.addf %add3A_1062, %get3A_1068 : vector<16xf32>
        %mul3A_1070 = arith.constant 16 : i32
        %mul3A_1071 = arith.muli %scan3A_957, %mul3A_1070 : i32
        %get3A_1072 = arith.index_cast %mul3A_1071 : i32 to index
        %get3A_1073 = tpu.vector_load %arg11[%get3A_1072] {strides = array<i32>} : memref<640xf32, #tpu.memory_space<vmem>>, vector<16xf32>,
        %mul3A_1074 = arith.constant 16 : i32
        %mul3A_1075 = arith.muli %scan3A_957, %mul3A_1074 : i32
        %get3A_1076 = arith.index_cast %mul3A_1075 : i32 to index
        %get3A_1077 = tpu.vector_load %arg10[%get3A_1076] {strides = array<i32>} : memref<640xf32, #tpu.memory_space<vmem>>, vector<16xf32>,
        %mul3A_1078 = arith.constant 16 : i32
        %mul3A_1079 = arith.muli %scan3A_957, %mul3A_1078 : i32
        %add3A_1080 = arith.addi %mul3A_2, %mul3A_1079 : i32
        %add3A_1081 = vector.broadcast %add3A_1080 : i32 to vector<16xi32>
        %add3A_1082 = arith.addi %add3A_1081, %iota3A : vector<16xi32>
        %mul3A_1083 = vector.broadcast %while3A : f32 to vector<16xf32>
        %mul3A_1084 = arith.mulf %mul3A_1083, %get3A_1077 : vector<16xf32>
        %mul3A_1085 = arith.mulf %get3A_1077, %get3A_1073 : vector<16xf32>
        %add3A_1086 = arith.addf %add3A_1069, %mul3A_1085 : vector<16xf32>
        %mul3A_1087 = arith.mulf %mul3A_1084, %add3A_1086 : vector<16xf32>
        %add3A_1088 = vector.broadcast %while3A_423 : f32 to vector<16xf32>
        %add3A_1089 = arith.addf %mul3A_1087, %add3A_1088 : vector<16xf32>
        %lt3A = arith.constant 10000 : i32
        %lt3A_1090 = vector.broadcast %lt3A : i32 to vector<16xi32>
        %lt3A_1091 = arith.cmpi slt, %add3A_1082, %lt3A_1090 : vector<16xi32>
        %jit3A = arith.constant 0.000000e+00 : f32
        %broadcast_in_dim3A_1092 = vector.broadcast %jit3A : f32 to vector<16xf32>
        %select_n3A = arith.select %lt3A_1091, %add3A_1089, %broadcast_in_dim3A_1092 : vector<16xi1>, vector<16xf32>
        %mul3A_1093 = arith.constant 16 : i32
        %mul3A_1094 = arith.muli %scan3A_957, %mul3A_1093 : i32
        %swap3A_1095 = arith.index_cast %mul3A_1094 : i32 to index
        %swap3A_1096 = tpu.vector_load %arg11[%swap3A_1095] {strides = array<i32>} : memref<640xf32, #tpu.memory_space<vmem>>, vector<16xf32>,
        tpu.vector_store %arg11[%swap3A_1095], %select_n3A {strides = array<i32>} : memref<640xf32, #tpu.memory_space<vmem>>, vector<16xf32>,
        %mul3A_1097 = arith.mulf %get3A_1077, %select_n3A : vector<16xf32>
        %mul3A_1098 = arith.constant 16 : i32
        %mul3A_1099 = arith.muli %scan3A_957, %mul3A_1098 : i32
        %swap3A_1100 = arith.index_cast %mul3A_1099 : i32 to index
        %swap3A_1101 = tpu.vector_load %arg12[%swap3A_1100] {strides = array<i32>} : memref<640xf32, #tpu.memory_space<vmem>>, vector<16xf32>,
        tpu.vector_store %arg12[%swap3A_1100], %mul3A_1097 {strides = array<i32>} : memref<640xf32, #tpu.memory_space<vmem>>, vector<16xf32>,
        %sub3A_1102 = arith.subf %select_n3A, %get3A_1073 : vector<16xf32>
        %mul3A_1103 = arith.mulf %sub3A_1102, %sub3A_1102 : vector<16xf32>
        %add3A_1104 = arith.addf %scan3A_958, %mul3A_1103 : vector<16xf32>
        scf.yield %add3A_1104 : vector<16xf32>
      }
      %scan3A_826 = arith.constant 40 : i32
      %swap3A = arith.constant 0 : index
      %swap3A_827 = tpu.vector_load %arg14[%swap3A] {strides = array<i32>} : memref<16xf32, #tpu.memory_space<vmem>>, vector<16xf32>,
      tpu.vector_store %arg14[%swap3A], %scan3A_825 {strides = array<i32>} : memref<16xf32, #tpu.memory_space<vmem>>, vector<16xf32>,
      %dma_start3A_828 = tpu.memref_slice %arg17[%sub3A_429, %mul3A_2] : memref<2x10240xf32, #tpu.memory_space<vmem_shared>> -> memref<1x640xf32, #tpu.memory_space<vmem_shared>>
      %dma_start3A_829 = tpu.memref_squeeze %dma_start3A_828 : memref<1x640xf32, #tpu.memory_space<vmem_shared>> -> memref<640xf32, #tpu.memory_space<vmem_shared>>
      %dma_start3A_830 = tpu.memref_slice %arg17[%sub3A_429, %mul3A_2] : memref<2x10240xf32, #tpu.memory_space<vmem_shared>> -> memref<1x640xf32, #tpu.memory_space<vmem_shared>>
      %dma_start3A_831 = tpu.memref_squeeze %dma_start3A_830 : memref<1x640xf32, #tpu.memory_space<vmem_shared>> -> memref<640xf32, #tpu.memory_space<vmem_shared>>
      tpu.enqueue_dma source(%arg12 : memref<640xf32, #tpu.memory_space<vmem>>) target(%dma_start3A_831 : memref<640xf32, #tpu.memory_space<vmem_shared>>) target_semaphore(%arg20 : memref<!tpu.dma_semaphore, #tpu.memory_space<semaphore_mem>>)
      %dma_start3A_832 = arith.constant 0 : i32
      %dma_start3A_833 = tpu.memref_slice %arg19[%sub3A_429, %arg1, %dma_start3A_832] : memref<2x16x16xf32, #tpu.memory_space<vmem_shared>> -> memref<1x1x16xf32, #tpu.memory_space<vmem_shared>>
      %dma_start3A_834 = tpu.memref_squeeze %dma_start3A_833 : memref<1x1x16xf32, #tpu.memory_space<vmem_shared>> -> memref<16xf32, #tpu.memory_space<vmem_shared>>
      %dma_start3A_835 = arith.constant 0 : i32
      %dma_start3A_836 = tpu.memref_slice %arg19[%sub3A_429, %arg1, %dma_start3A_835] : memref<2x16x16xf32, #tpu.memory_space<vmem_shared>> -> memref<1x1x16xf32, #tpu.memory_space<vmem_shared>>
      %dma_start3A_837 = tpu.memref_squeeze %dma_start3A_836 : memref<1x1x16xf32, #tpu.memory_space<vmem_shared>> -> memref<16xf32, #tpu.memory_space<vmem_shared>>
      tpu.enqueue_dma source(%arg14 : memref<16xf32, #tpu.memory_space<vmem>>) target(%dma_start3A_837 : memref<16xf32, #tpu.memory_space<vmem_shared>>) target_semaphore(%arg20 : memref<!tpu.dma_semaphore, #tpu.memory_space<semaphore_mem>>)
      %dma_wait3A_838 = tpu.memref_slice %arg17[%sub3A_429, %mul3A_2] : memref<2x10240xf32, #tpu.memory_space<vmem_shared>> -> memref<1x640xf32, #tpu.memory_space<vmem_shared>>
      %dma_wait3A_839 = tpu.memref_squeeze %dma_wait3A_838 : memref<1x640xf32, #tpu.memory_space<vmem_shared>> -> memref<640xf32, #tpu.memory_space<vmem_shared>>
      %dma_wait3A_840 = tpu.memref_slice %arg17[%sub3A_429, %mul3A_2] : memref<2x10240xf32, #tpu.memory_space<vmem_shared>> -> memref<1x640xf32, #tpu.memory_space<vmem_shared>>
      %dma_wait3A_841 = tpu.memref_squeeze %dma_wait3A_840 : memref<1x640xf32, #tpu.memory_space<vmem_shared>> -> memref<640xf32, #tpu.memory_space<vmem_shared>>
      tpu.wait_dma2 semaphore(%arg20 : memref<!tpu.dma_semaphore, #tpu.memory_space<semaphore_mem>>) src(%arg12 : memref<640xf32, #tpu.memory_space<vmem>>) dst(%dma_wait3A_841 : memref<640xf32, #tpu.memory_space<vmem_shared>>)
      %dma_wait3A_842 = arith.constant 0 : i32
      %dma_wait3A_843 = tpu.memref_slice %arg19[%sub3A_429, %arg1, %dma_wait3A_842] : memref<2x16x16xf32, #tpu.memory_space<vmem_shared>> -> memref<1x1x16xf32, #tpu.memory_space<vmem_shared>>
      %dma_wait3A_844 = tpu.memref_squeeze %dma_wait3A_843 : memref<1x1x16xf32, #tpu.memory_space<vmem_shared>> -> memref<16xf32, #tpu.memory_space<vmem_shared>>
      %dma_wait3A_845 = arith.constant 0 : i32
      %dma_wait3A_846 = tpu.memref_slice %arg19[%sub3A_429, %arg1, %dma_wait3A_845] : memref<2x16x16xf32, #tpu.memory_space<vmem_shared>> -> memref<1x1x16xf32, #tpu.memory_space<vmem_shared>>
      %dma_wait3A_847 = tpu.memref_squeeze %dma_wait3A_846 : memref<1x1x16xf32, #tpu.memory_space<vmem_shared>> -> memref<16xf32, #tpu.memory_space<vmem_shared>>
      tpu.wait_dma2 semaphore(%arg20 : memref<!tpu.dma_semaphore, #tpu.memory_space<semaphore_mem>>) src(%arg14 : memref<16xf32, #tpu.memory_space<vmem>>) dst(%dma_wait3A_847 : memref<16xf32, #tpu.memory_space<vmem_shared>>)
      %barrier3A_848 = arith.constant 0 : index
      tpu.barrier barrier_id(%barrier3A_848)
      %dma_start3A_849 = arith.constant 0 : i32
      %dma_start3A_850 = tpu.memref_slice %arg17[%sub3A_429, %dma_start3A_849] : memref<2x10240xf32, #tpu.memory_space<vmem_shared>> -> memref<1x10240xf32, #tpu.memory_space<vmem_shared>>
      %dma_start3A_851 = tpu.memref_squeeze %dma_start3A_850 : memref<1x10240xf32, #tpu.memory_space<vmem_shared>> -> memref<10240xf32, #tpu.memory_space<vmem_shared>>
      %dma_start3A_852 = arith.constant 0 : i32
      %dma_start3A_853 = tpu.memref_slice %arg17[%sub3A_429, %dma_start3A_852] : memref<2x10240xf32, #tpu.memory_space<vmem_shared>> -> memref<1x10240xf32, #tpu.memory_space<vmem_shared>>
      %dma_start3A_854 = tpu.memref_squeeze %dma_start3A_853 : memref<1x10240xf32, #tpu.memory_space<vmem_shared>> -> memref<10240xf32, #tpu.memory_space<vmem_shared>>
      tpu.enqueue_dma source(%dma_start3A_854 : memref<10240xf32, #tpu.memory_space<vmem_shared>>) target(%arg8 : memref<10240xf32, #tpu.memory_space<vmem>>) target_semaphore(%arg20 : memref<!tpu.dma_semaphore, #tpu.memory_space<semaphore_mem>>)
      %dma_start3A_855 = arith.constant 0 : i32
      %dma_start3A_856 = arith.constant 0 : i32
      %dma_start3A_857 = tpu.memref_slice %arg19[%sub3A_429, %dma_start3A_855, %dma_start3A_856] : memref<2x16x16xf32, #tpu.memory_space<vmem_shared>> -> memref<1x16x16xf32, #tpu.memory_space<vmem_shared>>
      %dma_start3A_858 = tpu.memref_squeeze %dma_start3A_857 : memref<1x16x16xf32, #tpu.memory_space<vmem_shared>> -> memref<16x16xf32, #tpu.memory_space<vmem_shared>>
      %dma_start3A_859 = arith.constant 0 : i32
      %dma_start3A_860 = arith.constant 0 : i32
      %dma_start3A_861 = tpu.memref_slice %arg19[%sub3A_429, %dma_start3A_859, %dma_start3A_860] : memref<2x16x16xf32, #tpu.memory_space<vmem_shared>> -> memref<1x16x16xf32, #tpu.memory_space<vmem_shared>>
      %dma_start3A_862 = tpu.memref_squeeze %dma_start3A_861 : memref<1x16x16xf32, #tpu.memory_space<vmem_shared>> -> memref<16x16xf32, #tpu.memory_space<vmem_shared>>
      tpu.enqueue_dma source(%dma_start3A_862 : memref<16x16xf32, #tpu.memory_space<vmem_shared>>) target(%arg15 : memref<16x16xf32, #tpu.memory_space<vmem>>) target_semaphore(%arg20 : memref<!tpu.dma_semaphore, #tpu.memory_space<semaphore_mem>>)
      %dma_wait3A_863 = arith.constant 0 : i32
      %dma_wait3A_864 = tpu.memref_slice %arg17[%sub3A_429, %dma_wait3A_863] : memref<2x10240xf32, #tpu.memory_space<vmem_shared>> -> memref<1x10240xf32, #tpu.memory_space<vmem_shared>>
      %dma_wait3A_865 = tpu.memref_squeeze %dma_wait3A_864 : memref<1x10240xf32, #tpu.memory_space<vmem_shared>> -> memref<10240xf32, #tpu.memory_space<vmem_shared>>
      %dma_wait3A_866 = arith.constant 0 : i32
      %dma_wait3A_867 = tpu.memref_slice %arg17[%sub3A_429, %dma_wait3A_866] : memref<2x10240xf32, #tpu.memory_space<vmem_shared>> -> memref<1x10240xf32, #tpu.memory_space<vmem_shared>>
      %dma_wait3A_868 = tpu.memref_squeeze %dma_wait3A_867 : memref<1x10240xf32, #tpu.memory_space<vmem_shared>> -> memref<10240xf32, #tpu.memory_space<vmem_shared>>
      tpu.wait_dma2 semaphore(%arg20 : memref<!tpu.dma_semaphore, #tpu.memory_space<semaphore_mem>>) src(%dma_wait3A_868 : memref<10240xf32, #tpu.memory_space<vmem_shared>>) dst(%arg8 : memref<10240xf32, #tpu.memory_space<vmem>>)
      %dma_wait3A_869 = arith.constant 0 : i32
      %dma_wait3A_870 = arith.constant 0 : i32
      %dma_wait3A_871 = tpu.memref_slice %arg19[%sub3A_429, %dma_wait3A_869, %dma_wait3A_870] : memref<2x16x16xf32, #tpu.memory_space<vmem_shared>> -> memref<1x16x16xf32, #tpu.memory_space<vmem_shared>>
      %dma_wait3A_872 = tpu.memref_squeeze %dma_wait3A_871 : memref<1x16x16xf32, #tpu.memory_space<vmem_shared>> -> memref<16x16xf32, #tpu.memory_space<vmem_shared>>
      %dma_wait3A_873 = arith.constant 0 : i32
      %dma_wait3A_874 = arith.constant 0 : i32
      %dma_wait3A_875 = tpu.memref_slice %arg19[%sub3A_429, %dma_wait3A_873, %dma_wait3A_874] : memref<2x16x16xf32, #tpu.memory_space<vmem_shared>> -> memref<1x16x16xf32, #tpu.memory_space<vmem_shared>>
      %dma_wait3A_876 = tpu.memref_squeeze %dma_wait3A_875 : memref<1x16x16xf32, #tpu.memory_space<vmem_shared>> -> memref<16x16xf32, #tpu.memory_space<vmem_shared>>
      tpu.wait_dma2 semaphore(%arg20 : memref<!tpu.dma_semaphore, #tpu.memory_space<semaphore_mem>>) src(%dma_wait3A_876 : memref<16x16xf32, #tpu.memory_space<vmem_shared>>) dst(%arg15 : memref<16x16xf32, #tpu.memory_space<vmem>>)
      %get3A = arith.constant 0 : i32
      %get3A_877 = arith.index_cast %get3A : i32 to index
      %get3A_878 = arith.constant 0 : index
      %get3A_879 = tpu.vector_load %arg15[%get3A_877, %get3A_878] {strides = array<i32>} : memref<16x16xf32, #tpu.memory_space<vmem>>, vector<16xf32>,
      %get3A_880 = arith.constant 1 : i32
      %get3A_881 = arith.index_cast %get3A_880 : i32 to index
      %get3A_882 = arith.constant 0 : index
      %get3A_883 = tpu.vector_load %arg15[%get3A_881, %get3A_882] {strides = array<i32>} : memref<16x16xf32, #tpu.memory_space<vmem>>, vector<16xf32>,
      %add3A = arith.addf %get3A_879, %get3A_883 : vector<16xf32>
      %get3A_884 = arith.constant 2 : i32
      %get3A_885 = arith.index_cast %get3A_884 : i32 to index
      %get3A_886 = arith.constant 0 : index
      %get3A_887 = tpu.vector_load %arg15[%get3A_885, %get3A_886] {strides = array<i32>} : memref<16x16xf32, #tpu.memory_space<vmem>>, vector<16xf32>,
      %add3A_888 = arith.addf %add3A, %get3A_887 : vector<16xf32>
      %get3A_889 = arith.constant 3 : i32
      %get3A_890 = arith.index_cast %get3A_889 : i32 to index
      %get3A_891 = arith.constant 0 : index
      %get3A_892 = tpu.vector_load %arg15[%get3A_890, %get3A_891] {strides = array<i32>} : memref<16x16xf32, #tpu.memory_space<vmem>>, vector<16xf32>,
      %add3A_893 = arith.addf %add3A_888, %get3A_892 : vector<16xf32>
      %get3A_894 = arith.constant 4 : i32
      %get3A_895 = arith.index_cast %get3A_894 : i32 to index
      %get3A_896 = arith.constant 0 : index
      %get3A_897 = tpu.vector_load %arg15[%get3A_895, %get3A_896] {strides = array<i32>} : memref<16x16xf32, #tpu.memory_space<vmem>>, vector<16xf32>,
      %add3A_898 = arith.addf %add3A_893, %get3A_897 : vector<16xf32>
      %get3A_899 = arith.constant 5 : i32
      %get3A_900 = arith.index_cast %get3A_899 : i32 to index
      %get3A_901 = arith.constant 0 : index
      %get3A_902 = tpu.vector_load %arg15[%get3A_900, %get3A_901] {strides = array<i32>} : memref<16x16xf32, #tpu.memory_space<vmem>>, vector<16xf32>,
      %add3A_903 = arith.addf %add3A_898, %get3A_902 : vector<16xf32>
      %get3A_904 = arith.constant 6 : i32
      %get3A_905 = arith.index_cast %get3A_904 : i32 to index
      %get3A_906 = arith.constant 0 : index
      %get3A_907 = tpu.vector_load %arg15[%get3A_905, %get3A_906] {strides = array<i32>} : memref<16x16xf32, #tpu.memory_space<vmem>>, vector<16xf32>,
      %add3A_908 = arith.addf %add3A_903, %get3A_907 : vector<16xf32>
      %get3A_909 = arith.constant 7 : i32
      %get3A_910 = arith.index_cast %get3A_909 : i32 to index
      %get3A_911 = arith.constant 0 : index
      %get3A_912 = tpu.vector_load %arg15[%get3A_910, %get3A_911] {strides = array<i32>} : memref<16x16xf32, #tpu.memory_space<vmem>>, vector<16xf32>,
      %add3A_913 = arith.addf %add3A_908, %get3A_912 : vector<16xf32>
      %get3A_914 = arith.constant 8 : i32
      %get3A_915 = arith.index_cast %get3A_914 : i32 to index
      %get3A_916 = arith.constant 0 : index
      %get3A_917 = tpu.vector_load %arg15[%get3A_915, %get3A_916] {strides = array<i32>} : memref<16x16xf32, #tpu.memory_space<vmem>>, vector<16xf32>,
      %add3A_918 = arith.addf %add3A_913, %get3A_917 : vector<16xf32>
      %get3A_919 = arith.constant 9 : i32
      %get3A_920 = arith.index_cast %get3A_919 : i32 to index
      %get3A_921 = arith.constant 0 : index
      %get3A_922 = tpu.vector_load %arg15[%get3A_920, %get3A_921] {strides = array<i32>} : memref<16x16xf32, #tpu.memory_space<vmem>>, vector<16xf32>,
      %add3A_923 = arith.addf %add3A_918, %get3A_922 : vector<16xf32>
      %get3A_924 = arith.constant 10 : i32
      %get3A_925 = arith.index_cast %get3A_924 : i32 to index
      %get3A_926 = arith.constant 0 : index
      %get3A_927 = tpu.vector_load %arg15[%get3A_925, %get3A_926] {strides = array<i32>} : memref<16x16xf32, #tpu.memory_space<vmem>>, vector<16xf32>,
      %add3A_928 = arith.addf %add3A_923, %get3A_927 : vector<16xf32>
      %get3A_929 = arith.constant 11 : i32
      %get3A_930 = arith.index_cast %get3A_929 : i32 to index
      %get3A_931 = arith.constant 0 : index
      %get3A_932 = tpu.vector_load %arg15[%get3A_930, %get3A_931] {strides = array<i32>} : memref<16x16xf32, #tpu.memory_space<vmem>>, vector<16xf32>,
      %add3A_933 = arith.addf %add3A_928, %get3A_932 : vector<16xf32>
      %get3A_934 = arith.constant 12 : i32
      %get3A_935 = arith.index_cast %get3A_934 : i32 to index
      %get3A_936 = arith.constant 0 : index
      %get3A_937 = tpu.vector_load %arg15[%get3A_935, %get3A_936] {strides = array<i32>} : memref<16x16xf32, #tpu.memory_space<vmem>>, vector<16xf32>,
      %add3A_938 = arith.addf %add3A_933, %get3A_937 : vector<16xf32>
      %get3A_939 = arith.constant 13 : i32
      %get3A_940 = arith.index_cast %get3A_939 : i32 to index
      %get3A_941 = arith.constant 0 : index
      %get3A_942 = tpu.vector_load %arg15[%get3A_940, %get3A_941] {strides = array<i32>} : memref<16x16xf32, #tpu.memory_space<vmem>>, vector<16xf32>,
      %add3A_943 = arith.addf %add3A_938, %get3A_942 : vector<16xf32>
      %get3A_944 = arith.constant 14 : i32
      %get3A_945 = arith.index_cast %get3A_944 : i32 to index
      %get3A_946 = arith.constant 0 : index
      %get3A_947 = tpu.vector_load %arg15[%get3A_945, %get3A_946] {strides = array<i32>} : memref<16x16xf32, #tpu.memory_space<vmem>>, vector<16xf32>,
      %add3A_948 = arith.addf %add3A_943, %get3A_947 : vector<16xf32>
      %get3A_949 = arith.constant 15 : i32
      %get3A_950 = arith.index_cast %get3A_949 : i32 to index
      %get3A_951 = arith.constant 0 : index
      %get3A_952 = tpu.vector_load %arg15[%get3A_950, %get3A_951] {strides = array<i32>} : memref<16x16xf32, #tpu.memory_space<vmem>>, vector<16xf32>,
      %add3A_953 = arith.addf %add3A_948, %get3A_952 : vector<16xf32>
      %reduce_sum3A = arith.constant true
      %reduce_sum3A_954 = vector.broadcast %reduce_sum3A : i1 to vector<16xi1>
      %reduce_sum3A_955 = tpu.scan <sum>, %add3A_953 masked %reduce_sum3A_954 : vector<16xf32>, vector<16xi1> -> vector<16xf32>
      %reduce_sum3A_956 = vector.extract %reduce_sum3A_955[15] : f32 from vector<16xf32>
      scf.yield %reduce_sum3A_956, %sub3A_429 : f32, i32
    }
    tpu.wait_dma2 semaphore(%arg21 : memref<!tpu.dma_semaphore, #tpu.memory_space<semaphore_mem>>) src(%arg18 : memref<10240xf32, #tpu.memory_space<vmem_shared>>) dst(%arg9 : memref<10240xf32, #tpu.memory_space<vmem>>)
    "tpu.region"() ({
      %run_scoped3A_427 = tpu.sem_alloc : memref<!tpu.dma_semaphore, #tpu.memory_space<semaphore_mem>>
      %dma_start3A_428 = tpu.memref_slice %arg5[%mul3A_2] : memref<10240xf32, #tpu.memory_space<hbm>> -> memref<640xf32, #tpu.memory_space<hbm>>
      %dma_start3A_429 = tpu.memref_slice %arg5[%mul3A_2] : memref<10240xf32, #tpu.memory_space<hbm>> -> memref<640xf32, #tpu.memory_space<hbm>>
      tpu.enqueue_dma source(%arg11 : memref<640xf32, #tpu.memory_space<vmem>>) target(%dma_start3A_429 : memref<640xf32, #tpu.memory_space<hbm>>) target_semaphore(%run_scoped3A_427 : memref<!tpu.dma_semaphore, #tpu.memory_space<semaphore_mem>>)
      %dma_wait3A_430 = tpu.memref_slice %arg5[%mul3A_2] : memref<10240xf32, #tpu.memory_space<hbm>> -> memref<640xf32, #tpu.memory_space<hbm>>
      %dma_wait3A_431 = tpu.memref_slice %arg5[%mul3A_2] : memref<10240xf32, #tpu.memory_space<hbm>> -> memref<640xf32, #tpu.memory_space<hbm>>
      tpu.wait_dma2 semaphore(%run_scoped3A_427 : memref<!tpu.dma_semaphore, #tpu.memory_space<semaphore_mem>>) src(%arg11 : memref<640xf32, #tpu.memory_space<vmem>>) dst(%dma_wait3A_431 : memref<640xf32, #tpu.memory_space<hbm>>)
      tpu.yield
    }) : () -> ()
    return
  }
}

</mosaic_0001>

<sc_bundles>
// kernel: kernel.3.cloned.1.call-start
scs
__scs_entry_jumppad:
0x0: {  	(pc) =	sbr.rel $0x88, $3  }
0x1: {  	(tag) =	ssettag $0x0;
	lr =	simm.s32 $0x1  }
0x2: {  	[smem:$0x3FA0] =	sst lr;
	_ =	strace $0xD0000000  }
0x3: {  	_ = 	snop  }
0x4: {  	_ = 	snop  }
0x5: {  	_ = 	snop  }
0x6: {  	_ = 	snop  }
0x7: {  	_ = 	snop  }
__scs_overlays_trampoline_lowered:
0x8: {  	[smem:$0x3FAF] =	sst s0  }
0x9: {  	[smem:$0x3FB0] =	sst s1  }
0xa: {  	[smem:$0x3FB1] =	sst s2  }
0xb: {  	[smem:$0x3FB2] =	sst s3  }
0xc: {  	[smem:$0x3FB3] =	sst s4  }
0xd: {  	[smem:$0x3FB4] =	sst s5  }
0xe: {  	[smem:$0x3FB5] =	sst s6  }
0xf: {  	[smem:$0x3FB6] =	sst s7  }
0x10: {  	[smem:$0x3FB7] =	sst s8  }
0x11: {  	[smem:$0x3FB8] =	sst s9;
	s0 =	simm.s32 @!p0 $0x0  }
0x12: {  	s1 =	sld [smem:$0x3F9E];
	s0 =	simm.s32 @p0 $0x1  }
0x13: {  	[smem:$0x3FB9] =	sst s0;
	s0 =	simm.s32 @!p1 $0x0  }
0x14: {  	s2 =	sld [smem:$0x3F9D];
	s0 =	simm.s32 @p1 $0x1  }
0x15: {  	[smem:$0x3FBA] =	sst s0;
	s0 =	simm.s32 @!p2 $0x0  }
0x16: {  	s3 =	sld [smem:$0x3FDB];
	s0 =	simm.s32 @p2 $0x1  }
0x17: {  	s4 =	simm.s32 $0x1BF5;
	[smem:$0x3FBC] =	sst s0  }
0x18: {  	s0 =	sld [smem:$0x3F9F];
	_ =	swait.ge [sflag:s4], $0x0  }
0x19: {  	s7 =	sld [smem:$0x3FA0]  }
0x1a: {  	s8 =	sadd.s32 $0xFFFFE003, lr  }
0x1b: {  	s9 =	sadd.s32 $0xFFFFFEF7, lr;
	s5 =	simm.s32 $0xFFFFFFFF;
	p2 =	slt.u32 s8, $0xFFFFF086  }
0x1c: {  	p1 =	slt.u32 s9, $0xF7A;
	s5 =	simm.s32 @!p2 $0x0  }
0x1d: {  	s5 =	simm.s32 @p1 $0x1;
	p0 =	seq.s32 s7, s2  }
0x1e: {  	s7 =	smul.u32 @!p0 $0xF7A, s2;
	p2 =	seq.s32 @!p0 s5, $0x0  }
0x1f: {  	s9 =	smul.u32 $0xF7A, s1;
	s8 =	simm.s32 @!p0 $0x1BF5;
	p2 =	por !p2, p0  }
0x20: {  	[sflag:s8] =	ssyncset.s32 @!p0 $0xFFFFF086;
	s6 =	sadd.s32 @!p0 s3, s7;
	s7 =	simm.s32 @!p0 $0x108  }
0x21: {  	s3 =	sadd.s32 s3, s9;
	s6 =	sadd.s32 @!p0 $0x88, s6;
	s7 =	simm.s32 @p2 $0x1082  }
0x22: {  	[simem:s7], [sflag:s8] =	dma.local @!p0 [hbm:s6], $0xF7A  }
0x23: {  	s9 =	sor.u32 $0xD0000000, s2;
	s6 =	simm.s32 $0x108;
	_ =	swait.ge @!p0 [sflag:s8], $0x0  }
0x24: {  	s3 =	sadd.s32 $0x88, s3;
	s6 =	simm.s32 @!p1 $0x1082;
	[sflag:s4] =	ssyncset.s32 $0xFFFFF086  }
0x25: {  	[simem:s6], [sflag:s4] =	dma.local [hbm:s3], $0xF7A  }
0x26: {  	[smem:$0x3FA0] =	sst s1;
	(tag) =	ssettag s2;
	_ =	strace s9  }
0x27: {  	s1 =	sld [smem:$0x3FB0]  }
0x28: {  	s2 =	sld [smem:$0x3FB1]  }
0x29: {  	s4 =	sld [smem:$0x3FB3]  }
0x2a: {  	p0 =	seq.s32 s5, $0x0;
	s5 =	sld [smem:$0x3FB4]  }
0x2b: {  	s6 =	sld [smem:$0x3FB5]  }
0x2c: {  	s7 =	sld [smem:$0x3FB6]  }
0x2d: {  	s3 =	simm.s32 $0x108;
	s8 =	sld [smem:$0x3FB7]  }
0x2e: {  	s3 =	simm.s32 @!p0 $0x1082;
	s9 =	sld [smem:$0x3FB8]  }
0x2f: {  	lr =	sadd.s32 s0, s3;
	s0 =	sld [smem:$0x3FAF]  }
0x30: {  	s3 =	sld [smem:$0x3FB2]  }
0x31: {  	[smem:$0x3FBB] =	sst s10  }
0x32: {  	s10 =	sld [smem:$0x3FB9];
	_ =	sdelay $0x3  }
0x33: {  	p0 =	seq.s32 s10, $0x1;
	s10 =	sld [smem:$0x3FBB];
	_ =	sdelay $0x3  }
0x34: {  	[smem:$0x3FBB] =	sst s10  }
0x35: {  	s10 =	sld [smem:$0x3FBA];
	_ =	sdelay $0x3  }
0x36: {  	p1 =	seq.s32 s10, $0x1;
	s10 =	sld [smem:$0x3FBB];
	_ =	sdelay $0x3  }
0x37: {  	[smem:$0x3FBB] =	sst s10  }
0x38: {  	s10 =	sld [smem:$0x3FBC]  }
0x39: {  	_ = 	snop;
	(pc) =	sbr.ind lr, $3  }
0x3a: {  	_ = 	snop  }
0x3b: {  	_ = 	snop  }
0x3c: {  	p2 =	seq.s32 s10, $0x1;
	s10 =	sld [smem:$0x3FBB]  }
0x3d: {  	_ =	shalt  }
0x3e: {  	_ =	shalt  }
0x3f: {  	_ =	shalt  }
0x40: {  	_ =	shalt  }
0x41: {  	_ =	shalt  }
0x42: {  	_ =	shalt  }
0x43: {  	_ =	shalt  }
0x44: {  	_ =	shalt  }
0x45: {  	_ =	shalt  }
0x46: {  	_ =	shalt  }
0x47: {  	_ =	shalt  }
0x48: {  	_ =	shalt  }
0x49: {  	_ =	shalt  }
0x4a: {  	_ =	shalt  }
0x4b: {  	_ =	shalt  }
0x4c: {  	_ =	shalt  }
0x4d: {  	_ =	shalt  }
0x4e: {  	_ =	shalt  }
0x4f: {  	_ =	shalt  }
0x50: {  	_ =	shalt  }
0x51: {  	_ =	shalt  }
0x52: {  	_ =	shalt  }
0x53: {  	_ =	shalt  }
0x54: {  	_ =	shalt  }
0x55: {  	_ =	shalt  }
0x56: {  	_ =	shalt  }
0x57: {  	_ =	shalt  }
0x58: {  	_ =	shalt  }
0x59: {  	_ =	shalt  }
0x5a: {  	_ =	shalt  }
0x5b: {  	_ =	shalt  }
0x5c: {  	_ =	shalt  }
0x5d: {  	_ =	shalt  }
0x5e: {  	_ =	shalt  }
0x5f: {  	_ =	shalt  }
0x60: {  	_ =	shalt  }
0x61: {  	_ =	shalt  }
0x62: {  	_ =	shalt  }
0x63: {  	_ =	shalt  }
0x64: {  	_ =	shalt  }
0x65: {  	_ =	shalt  }
0x66: {  	_ =	shalt  }
0x67: {  	_ =	shalt  }
0x68: {  	_ =	shalt  }
0x69: {  	_ =	shalt  }
0x6a: {  	_ =	shalt  }
0x6b: {  	_ =	shalt  }
0x6c: {  	_ =	shalt  }
0x6d: {  	_ =	shalt  }
0x6e: {  	_ =	shalt  }
0x6f: {  	_ =	shalt  }
0x70: {  	_ =	shalt  }
0x71: {  	_ =	shalt  }
0x72: {  	_ =	shalt  }
0x73: {  	_ =	shalt  }
0x74: {  	_ =	shalt  }
0x75: {  	_ =	shalt  }
0x76: {  	_ =	shalt  }
0x77: {  	_ =	shalt  }
0x78: {  	_ =	shalt  }
0x79: {  	_ =	shalt  }
0x7a: {  	_ =	shalt  }
0x7b: {  	_ =	shalt  }
0x7c: {  	_ =	shalt  }
0x7d: {  	_ =	shalt  }
0x7e: {  	_ =	shalt  }
0x7f: {  	_ =	shalt  }
0x80: {  	_ =	shalt  }
0x81: {  	_ =	shalt  }
0x82: {  	_ =	shalt  }
0x83: {  	_ =	shalt  }
0x84: {  	_ =	shalt  }
0x85: {  	_ =	shalt  }
0x86: {  	_ =	shalt  }
0x87: {  	_ =	shalt  }
.Lfunc_end0:
.L_simem_size_0:
called_computation_lowered:
.L_overlay_start_0:
0x88: {  	s0 =	sld [smem:$0x3FD9]  }
0x89: {  	s1 =	sld [smem:$0x3FFE];
	_ =	sdelay $0x3  }
0x8a: {  	s0 =	sadd.s32 s1, s0  }
0x8b: {  	[smem:$0x3FC7] =	sst s0  }
0x8c: {  	_ = 	snop  }
0x8d: {  	(tm) =	ssettm $0x1  }
0x8e: {  	s15 =	sld [smem:$0x3FFB];
	_ =	sdelay $0x3  }
0x8f: {  	_ =	strace s15  }
0x90: {  	s0 =	sld [smem:$0x3FFC];
	_ =	sdelay $0x3  }
0x91: {  	_ =	strace s0  }
0x92: {  	s0 =	sld [smem:$0x3FFD];
	_ =	sdelay $0x3  }
0x93: {  	_ =	strace s0  }
0x94: {  	_ =	strace $0x8FFFFFFF  }
0x95: {  	s16 =	sld [smem:$0x3FDB];
	_ =	sdelay $0x1  }
0x96: {  	s17 =	simm.s32 $_scs_section_size  }
0x97: {  	s2 =	simm.s32 $_size__tile_overlayer_lowered;
	s3 =	simm.s32 $_tile_overlayer_lowered  }
0x98: {  	s20 =	simm.s32 $0x1BFF;
	s19 =	sshll.u32 s3, $0x1;
	s0 =	sadd.s32 s17, s16  }
0x99: {  	s4 =	simm.s32 $0x0;
	s18 =	sshll.u32 s2, $0x1;
	s2 =	sadd.s32 s19, s0  }
0x9a: {  	[timem:s4], [sflag:s20] =	dma.local [hbm:s2], s18  }
0x9b: {  	_ =	swait.ge [sflag:s20], s18  }
0x9c: {  	s1 =	ssub.s32 $0x0, s18;
	[sflag:s20] =	ssyncset.done $0x0  }
0x9d: {  	[sflag:s20] =	ssyncadd.s32 s1;
	_ =	sdelay $0x1  }
0x9e: {  	s21 =	simm.s32 $0x1B8B  }
0x9f: {  	_ =	swait.ge [sflag:s21], $0x1  }
0xa0: {  	[sflag:s21] =	ssyncset.done $0x0  }
0xa1: {  	s23 =	simm.s32 $0x1B8E;
	s22 =	sld [smem:$0x3FFE];
	[sflag:s21] =	ssyncadd.s32 $0xFFFFFFFF  }
0xa2: {  	s24 =	simm.s32 $execute0_lowered;
	[smem:$0x3FD2] =	sst s23  }
0xa3: {  	s2 =	sshll.u32 s24, $0x1;
	_ =	strace $0x80000046;
	[dreg:$0x1] =	wrdreg $0xFFFFFFFF  }
0xa4: {  	s25 =	simm.s32 $_size_execute0_lowered;
	s0 =	sadd.s32 s0, s2;
	[dreg:$0x0] =	wrdreg $0x0  }
0xa5: {  	s2 =	sshll.u32 s25, $0x1;
	[dreg:$0x2] =	wrdreg s0  }
0xa6: {  	[dreg:$0x3] =	wrdreg s2  }
0xa7: {  	[dreg:$0x4] =	wrdreg $0xC0  }
0xa8: {  	_ =	task [dreg:s4], $0x5FFFF  }
0xa9: {  	[dreg:$0x1] =	wrdreg $0xFFFFFFFF  }
0xaa: {  	[dreg:$0x0] =	wrdreg $0x60  }
0xab: {  	[dreg:$0x2] =	wrdreg s22  }
0xac: {  	[dreg:$0x3] =	wrdreg $0x154800  }
0xad: {  	[dreg:$0x4] =	wrdreg $0x152000  }
0xae: {  	[dreg:$0x5] =	wrdreg $0x125000  }
0xaf: {  	[dreg:$0x6] =	wrdreg $0x14D000  }
0xb0: {  	[dreg:$0x7] =	wrdreg $0x9  }
0xb1: {  	_ =	task.clear_ibuf [dreg:s4], $0x8FFFF;
	_ =	strace $0x90000046  }
0xb2: {  	s26 =	simm.s32 $0x9;
	_ =	strace $0x80000048  }
0xb3: {  	_ =	swait.ge [sflag:s26], $0x1  }
0xb4: {  	[sflag:s26] =	ssyncadd.s32 $0xFFFFFFFF  }
0xb5: {  	_ =	strace $0x90000048  }
0xb6: {  	_ =	sfence  }
0xb7: {  	s28 =	sld [smem:$0x0];
	_ =	sdelay $0x1  }
0xb8: {  	s29 =	srdreg.scid  }
0xb9: {  	s30 =	sshll.u32 s29, $0xD;
	s31 =	sshrl.u32 s29, $0x2  }
0xba: {  	s1 =	sand.u32 $0x1, s29;
	s2 =	sand.u32 $0x4000, s30;
	s0 =	sadd.s32 s31, s28  }
0xbb: {  	s1 =	sor.u32 s2, s1;
	s0 =	sshll.u32 s0, $0x11  }
0xbc: {  	s0 =	sor.u32 s0, s1  }
0xbd: {  	s0 =	sadd.s32 $0x8F2B, s0  }
0xbe: {  	[sflag:s0] =	ssyncadd.remote.s32 $0x1  }
0xbf: {  	_ =	sfence.sel $0xFFFF  }
0xc0: {  	[dreg:$0x0] =	wrdreg $0xFFFFFFFF;
	(pc) =	sbr.abs _section_cstart, $3  }
0xc1: {  	[dreg:$0x1] =	wrdreg $0xFFFFFFFF  }
0xc2: {  	_ =	task.clear_ibuf [dreg:s4], $0x2FFFF;
	_ =	strace $0x9FFFFFFF  }
0xc3: {  	(tm) =	ssettm $0x7FFFFFFF  }
tec
execute0_lowered:
.L_overlay_start_1:
0x0: {  	(tag) =	ssettag $0x1  }
0x1: {  	s14 =	stileid.u32  }
0x2: {  	s1 =	rddreg [dreg:$0x0];
	s2 =	smul.u32 $0x9C4, s14  }
0x3: {  	s0 =	rddreg [dreg:$0x3];
	s3 =	simm.s32 $0x0;
	s5 =	smul.u32 $0x280, s14  }
0x4: {  	[smem:$0x7FF] =	sst s3;
	s2 =	sadd.s32 s1, s2  }
0x5: {  	_ =	strace $0x80000047;
	s6 =	sshrl.u32 s5, $0x3;
	s4 =	sadd.s32 $0x9E00, s2  }
0x6: {  	[tilespmem:s3], [sflag:$0x1] =	stream.linear.gather [hbm4b:s4+s3], $0x4E20, $0x38;
	[tilespmem:$0x154A0] =	vst v63  }
0x7: {  	s28 =	simm.s32 $0x4E80;
	s30 =	simm.s32 $0xEF80;
	s26 =	sadd.s32 s6, s1  }
0x8: {  	[tilespmem:s28], [sflag:$0x1] =	stream.linear.gather [hbm4b:s2+s3], $0x4E20, $0x38;
	[tilespmem:$0x154A0] =	vst v63  }
0x9: {  	s31 =	simm.s32 $0x1;
	[dreg:$0x6] =	wrdreg s6;
	s29 =	sadd.s32 $0x13C00, s26  }
0xa: {  	[tilespmem:s30], [sflag:$0x1] =	stream.linear.gather [hbm4b:s29+s3], $0x280, $0x38;
	[tilespmem:$0x154A0] =	vst v63  }
0xb: {  	_ =	swait.ge [sflag:s31], $0x4E20  }
0xc: {  	[sflag:s31] =	ssyncset.done $0x0  }
0xd: {  	[sflag:s31] =	ssyncadd.s32 $0xFFFFB1E0  }
0xe: {  	_ =	swait.ge [sflag:s31], $0x4E20  }
0xf: {  	[sflag:s31] =	ssyncset.done $0x0  }
0x10: {  	[sflag:s31] =	ssyncadd.s32 $0xFFFFB1E0  }
0x11: {  	_ =	swait.ge [sflag:s31], $0x280  }
0x12: {  	s1 =	sadd.s32 $0x14200, s1;
	s2 =	simm.s32 $0x400;
	[sflag:s31] =	ssyncset.done $0x0  }
0x13: {  	v0 =	vimm.f32 $0.0e+00;
	[dreg:$0x7] =	wrdreg s1;
	s1 =	simm.s32 $0x0;
	[sflag:s31] =	ssyncadd.s32 $0xFFFFFD80  }
.LBB2_1:
0x14: {  	p0 =	sne.s32 s2, $0x9C00;
	[tilespmem:s1+$0xC5F0] =	vst v0  }
0x15: {  	[tilespmem:s1+$0xC500] =	vst v0  }
0x16: {  	[tilespmem:s1+$0xC510] =	vst v0  }
0x17: {  	[tilespmem:s1+$0xC520] =	vst v0  }
0x18: {  	[tilespmem:s1+$0xC530] =	vst v0  }
0x19: {  	[tilespmem:s1+$0xC540] =	vst v0  }
0x1a: {  	[tilespmem:s1+$0xC550] =	vst v0  }
0x1b: {  	[tilespmem:s1+$0xC560] =	vst v0  }
0x1c: {  	[tilespmem:s1+$0xC570] =	vst v0  }
0x1d: {  	[tilespmem:s1+$0xC580] =	vst v0  }
0x1e: {  	[tilespmem:s1+$0xC590] =	vst v0  }
.Ltmp0:
0x1f: {  	[tilespmem:s1+$0xC5A0] =	vst v0;
	(pc) =	sbr.rel @p0 .LBB2_1-.Ltmp0, $4  }
0x20: {  	[tilespmem:s1+$0xC5B0] =	vst v0  }
0x21: {  	[tilespmem:s1+$0xC5C0] =	vst v0  }
0x22: {  	[tilespmem:s1+$0xC5D0] =	vst v0  }
0x23: {  	[tilespmem:s1+$0xC5E0] =	vst v0;
	s1 =	sshra.s32 s2, $0x2;
	s2 =	sadd.s32 $0x400, s2  }
0x24: {  	[tilespmem:s1+$0xC5F0] =	vst v0  }
0x25: {  	[tilespmem:s1+$0xC500] =	vst v0  }
0x26: {  	[tilespmem:s1+$0xC510] =	vst v0  }
0x27: {  	[tilespmem:s1+$0xC520] =	vst v0  }
0x28: {  	[tilespmem:s1+$0xC530] =	vst v0  }
0x29: {  	[tilespmem:s1+$0xC540] =	vst v0  }
0x2a: {  	[tilespmem:s1+$0xC550] =	vst v0  }
0x2b: {  	[tilespmem:s1+$0xC560] =	vst v0  }
0x2c: {  	[tilespmem:s1+$0xC570] =	vst v0  }
0x2d: {  	[tilespmem:s1+$0xC580] =	vst v0  }
0x2e: {  	[tilespmem:s1+$0xC590] =	vst v0  }
0x2f: {  	[tilespmem:s1+$0xC5A0] =	vst v0  }
0x30: {  	[tilespmem:s1+$0xC5B0] =	vst v0  }
0x31: {  	[tilespmem:s1+$0xC5C0] =	vst v0  }
0x32: {  	[tilespmem:s1+$0xC5D0] =	vst v0;
	s30 =	rddreg [dreg:$0x2]  }
0x33: {  	[tilespmem:s1+$0xC5E0] =	vst v0;
	s2 =	sadd.s32 $0xC500, s5;
	s31 =	simm.s32 $0x3;
	s1 =	sadd.s32 s5, s30  }
0x34: {  	[spmem:s1] =	stream.linear.scatter [tilespmem:s2], [sflag:$0x3], $0x280, $0x38;
	[tilespmem:$0x154A0] =	vst v63  }
0x35: {  	_ =	swait.ge [sflag:s31], $0x280  }
0x36: {  	s3 =	simm.s32 $0xC500;
	[sflag:s31] =	ssyncset.done $0x0  }
0x37: {  	v0 =	vimm.f32 $1.000000000e+00;
	s1 =	simm.s32 $0x0;
	s2 =	simm.s32 $0x5010;
	[sflag:s31] =	ssyncadd.s32 $0xFFFFFD80  }
.LBB2_3:
0x38: {  	v1 =	vld [tilespmem:s2+$0xFFFFFE70];
	_ =	sdelay $0x7  }
0x39: {  	[tilespmem:v1+s3+$0x0] =	vst.idx.add.f32.msk $0xffff, v0  }
0x3a: {  	v1 =	vld [tilespmem:s2+$0xFFFFFE80];
	_ =	sdelay $0x7  }
0x3b: {  	[tilespmem:v1+s3+$0x0] =	vst.idx.add.f32.msk $0xffff, v0  }
0x3c: {  	v1 =	vld [tilespmem:s2+$0xFFFFFE90];
	_ =	sdelay $0x7  }
0x3d: {  	[tilespmem:v1+s3+$0x0] =	vst.idx.add.f32.msk $0xffff, v0  }
0x3e: {  	v1 =	vld [tilespmem:s2+$0xFFFFFEA0];
	_ =	sdelay $0x7  }
0x3f: {  	[tilespmem:v1+s3+$0x0] =	vst.idx.add.f32.msk $0xffff, v0  }
0x40: {  	v1 =	vld [tilespmem:s2+$0xFFFFFEB0];
	_ =	sdelay $0x7  }
0x41: {  	[tilespmem:v1+s3+$0x0] =	vst.idx.add.f32.msk $0xffff, v0  }
0x42: {  	v1 =	vld [tilespmem:s2+$0xFFFFFEC0];
	_ =	sdelay $0x7  }
0x43: {  	[tilespmem:v1+s3+$0x0] =	vst.idx.add.f32.msk $0xffff, v0  }
0x44: {  	v1 =	vld [tilespmem:s2+$0xFFFFFED0];
	_ =	sdelay $0x7  }
0x45: {  	[tilespmem:v1+s3+$0x0] =	vst.idx.add.f32.msk $0xffff, v0  }
0x46: {  	v1 =	vld [tilespmem:s2+$0xFFFFFEE0];
	_ =	sdelay $0x7  }
0x47: {  	s4 =	sand.u32 $0x7FE0, s1;
	[tilespmem:v1+s3+$0x0] =	vst.idx.add.f32.msk $0xffff, v0  }
0x48: {  	v1 =	vld [tilespmem:s4+$0x4F00];
	_ =	sdelay $0x7  }
0x49: {  	[tilespmem:v1+s3+$0x0] =	vst.idx.add.f32.msk $0xffff, v0  }
0x4a: {  	v1 =	vld [tilespmem:s2+$0xFFFFFF00];
	_ =	sdelay $0x7  }
0x4b: {  	[tilespmem:v1+s3+$0x0] =	vst.idx.add.f32.msk $0xffff, v0  }
0x4c: {  	v1 =	vld [tilespmem:s2+$0xFFFFFF10];
	_ =	sdelay $0x7  }
0x4d: {  	[tilespmem:v1+s3+$0x0] =	vst.idx.add.f32.msk $0xffff, v0  }
0x4e: {  	v1 =	vld [tilespmem:s2+$0xFFFFFF20];
	_ =	sdelay $0x7  }
0x4f: {  	[tilespmem:v1+s3+$0x0] =	vst.idx.add.f32.msk $0xffff, v0  }
0x50: {  	v1 =	vld [tilespmem:s2+$0xFFFFFF30];
	_ =	sdelay $0x7  }
0x51: {  	[tilespmem:v1+s3+$0x0] =	vst.idx.add.f32.msk $0xffff, v0  }
0x52: {  	v1 =	vld [tilespmem:s2+$0xFFFFFF40];
	_ =	sdelay $0x7  }
0x53: {  	[tilespmem:v1+s3+$0x0] =	vst.idx.add.f32.msk $0xffff, v0  }
0x54: {  	v1 =	vld [tilespmem:s2+$0xFFFFFF50];
	_ =	sdelay $0x7  }
0x55: {  	[tilespmem:v1+s3+$0x0] =	vst.idx.add.f32.msk $0xffff, v0  }
0x56: {  	v1 =	vld [tilespmem:s2+$0xFFFFFF60];
	_ =	sdelay $0x7  }
0x57: {  	[tilespmem:v1+s3+$0x0] =	vst.idx.add.f32.msk $0xffff, v0  }
0x58: {  	v1 =	vld [tilespmem:s4+$0x4F80];
	_ =	sdelay $0x7  }
0x59: {  	[tilespmem:v1+s3+$0x0] =	vst.idx.add.f32.msk $0xffff, v0  }
0x5a: {  	v1 =	vld [tilespmem:s2+$0xFFFFFF80];
	_ =	sdelay $0x7  }
0x5b: {  	[tilespmem:v1+s3+$0x0] =	vst.idx.add.f32.msk $0xffff, v0  }
0x5c: {  	v1 =	vld [tilespmem:s2+$0xFFFFFF90];
	_ =	sdelay $0x7  }
0x5d: {  	[tilespmem:v1+s3+$0x0] =	vst.idx.add.f32.msk $0xffff, v0  }
0x5e: {  	v1 =	vld [tilespmem:s2+$0xFFFFFFA0];
	_ =	sdelay $0x7  }
0x5f: {  	[tilespmem:v1+s3+$0x0] =	vst.idx.add.f32.msk $0xffff, v0  }
0x60: {  	v1 =	vld [tilespmem:s2+$0xFFFFFFB0];
	_ =	sdelay $0x7  }
0x61: {  	[tilespmem:v1+s3+$0x0] =	vst.idx.add.f32.msk $0xffff, v0  }
0x62: {  	v1 =	vld [tilespmem:s2+$0xFFFFFFC0];
	_ =	sdelay $0x7  }
0x63: {  	[tilespmem:v1+s3+$0x0] =	vst.idx.add.f32.msk $0xffff, v0  }
0x64: {  	v1 =	vld [tilespmem:s2+$0xFFFFFFD0];
	_ =	sdelay $0x7  }
0x65: {  	[tilespmem:v1+s3+$0x0] =	vst.idx.add.f32.msk $0xffff, v0  }
0x66: {  	v1 =	vld [tilespmem:s2+$0xFFFFFFE0];
	_ =	sdelay $0x7  }
0x67: {  	[tilespmem:v1+s3+$0x0] =	vst.idx.add.f32.msk $0xffff, v0  }
0x68: {  	v1 =	vld [tilespmem:s4+$0x5000];
	_ =	sdelay $0x7  }
0x69: {  	[tilespmem:v1+s3+$0x0] =	vst.idx.add.f32.msk $0xffff, v0  }
0x6a: {  	v1 =	vld [tilespmem:s2+$0x0];
	_ =	sdelay $0x7  }
0x6b: {  	[tilespmem:v1+s3+$0x0] =	vst.idx.add.f32.msk $0xffff, v0  }
0x6c: {  	v1 =	vld [tilespmem:s2+$0x10];
	_ =	sdelay $0x7  }
0x6d: {  	[tilespmem:v1+s3+$0x0] =	vst.idx.add.f32.msk $0xffff, v0  }
0x6e: {  	v1 =	vld [tilespmem:s2+$0x20];
	_ =	sdelay $0x7  }
0x6f: {  	[tilespmem:v1+s3+$0x0] =	vst.idx.add.f32.msk $0xffff, v0  }
0x70: {  	v1 =	vld [tilespmem:s2+$0x30];
	_ =	sdelay $0x7  }
0x71: {  	[tilespmem:v1+s3+$0x0] =	vst.idx.add.f32.msk $0xffff, v0  }
0x72: {  	v1 =	vld [tilespmem:s2+$0x40];
	_ =	sdelay $0x7  }
0x73: {  	[tilespmem:v1+s3+$0x0] =	vst.idx.add.f32.msk $0xffff, v0  }
0x74: {  	v1 =	vld [tilespmem:s2+$0x50];
	_ =	sdelay $0x7  }
0x75: {  	[tilespmem:v1+s3+$0x0] =	vst.idx.add.f32.msk $0xffff, v0  }
0x76: {  	v1 =	vld [tilespmem:s2+$0x60];
	_ =	sdelay $0x7  }
0x77: {  	[tilespmem:v1+s3+$0x0] =	vst.idx.add.f32.msk $0xffff, v0  }
0x78: {  	v1 =	vld [tilespmem:s4+$0x5080];
	_ =	sdelay $0x7  }
0x79: {  	[tilespmem:v1+s3+$0x0] =	vst.idx.add.f32.msk $0xffff, v0  }
0x7a: {  	v1 =	vld [tilespmem:s2+$0x80];
	_ =	sdelay $0x7  }
0x7b: {  	[tilespmem:v1+s3+$0x0] =	vst.idx.add.f32.msk $0xffff, v0  }
0x7c: {  	v1 =	vld [tilespmem:s2+$0x90];
	_ =	sdelay $0x7  }
0x7d: {  	[tilespmem:v1+s3+$0x0] =	vst.idx.add.f32.msk $0xffff, v0  }
0x7e: {  	v1 =	vld [tilespmem:s2+$0xA0];
	_ =	sdelay $0x7  }
0x7f: {  	[tilespmem:v1+s3+$0x0] =	vst.idx.add.f32.msk $0xffff, v0  }
0x80: {  	v1 =	vld [tilespmem:s2+$0xB0];
	_ =	sdelay $0x7  }
0x81: {  	[tilespmem:v1+s3+$0x0] =	vst.idx.add.f32.msk $0xffff, v0  }
0x82: {  	v1 =	vld [tilespmem:s2+$0xC0];
	_ =	sdelay $0x7  }
0x83: {  	[tilespmem:v1+s3+$0x0] =	vst.idx.add.f32.msk $0xffff, v0  }
0x84: {  	v1 =	vld [tilespmem:s2+$0xD0];
	_ =	sdelay $0x7  }
0x85: {  	[tilespmem:v1+s3+$0x0] =	vst.idx.add.f32.msk $0xffff, v0  }
0x86: {  	v1 =	vld [tilespmem:s2+$0xE0];
	_ =	sdelay $0x7  }
0x87: {  	[tilespmem:v1+s3+$0x0] =	vst.idx.add.f32.msk $0xffff, v0  }
0x88: {  	v1 =	vld [tilespmem:s4+$0x5100];
	_ =	sdelay $0x7  }
0x89: {  	[tilespmem:v1+s3+$0x0] =	vst.idx.add.f32.msk $0xffff, v0  }
0x8a: {  	v1 =	vld [tilespmem:s2+$0x100];
	_ =	sdelay $0x7  }
0x8b: {  	[tilespmem:v1+s3+$0x0] =	vst.idx.add.f32.msk $0xffff, v0  }
0x8c: {  	v1 =	vld [tilespmem:s2+$0x110];
	_ =	sdelay $0x7  }
0x8d: {  	[tilespmem:v1+s3+$0x0] =	vst.idx.add.f32.msk $0xffff, v0  }
0x8e: {  	v1 =	vld [tilespmem:s2+$0x120];
	_ =	sdelay $0x7  }
0x8f: {  	[tilespmem:v1+s3+$0x0] =	vst.idx.add.f32.msk $0xffff, v0  }
0x90: {  	v1 =	vld [tilespmem:s2+$0x130];
	_ =	sdelay $0x7  }
0x91: {  	[tilespmem:v1+s3+$0x0] =	vst.idx.add.f32.msk $0xffff, v0  }
0x92: {  	v1 =	vld [tilespmem:s2+$0x140];
	_ =	sdelay $0x7  }
0x93: {  	[tilespmem:v1+s3+$0x0] =	vst.idx.add.f32.msk $0xffff, v0  }
0x94: {  	v1 =	vld [tilespmem:s2+$0x150];
	_ =	sdelay $0x7  }
0x95: {  	[tilespmem:v1+s3+$0x0] =	vst.idx.add.f32.msk $0xffff, v0  }
0x96: {  	v1 =	vld [tilespmem:s2+$0x160];
	_ =	sdelay $0x7  }
0x97: {  	[tilespmem:v1+s3+$0x0] =	vst.idx.add.f32.msk $0xffff, v0  }
0x98: {  	v1 =	vld [tilespmem:s4+$0x5180];
	_ =	sdelay $0x7  }
0x99: {  	[tilespmem:v1+s3+$0x0] =	vst.idx.add.f32.msk $0xffff, v0  }
0x9a: {  	v1 =	vld [tilespmem:s2+$0x180];
	_ =	sdelay $0x2  }
0x9b: {  	p0 =	sne.s32 s1, $0x4B00  }
.Ltmp1:
0x9c: {  	_ = 	snop;
	(pc) =	sbr.rel @p0 .LBB2_3-.Ltmp1, $2  }
0x9d: {  	_ =	sdelay $0x2  }
0x9e: {  	s1 =	sadd.s32 $0x320, s1;
	s2 =	sadd.s32 $0x320, s2;
	[tilespmem:v1+s3+$0x0] =	vst.idx.add.f32.msk $0xffff, v0  }
0x9f: {  	s1 =	sshrl.u32 s14, $0x3  }
0xa0: {  	s1 =	smul.u32 $0x50000, s1;
	_ =	sdelay $0x1  }
0xa1: {  	s2 =	sshll.u32 s14, $0x7;
	s1 =	sshrl.u32 s1, $0x2  }
0xa2: {  	s2 =	sand.u32 $0x380, s2;
	s1 =	sadd.s32 s1, s0  }
0xa3: {  	s15 =	simm.s32 $0x80;
	s16 =	simm.s32 $0x400;
	s4 =	sadd.s32 s2, s1  }
0xa4: {  	s3 =	simm.s32 $0xC500;
	s17 =	simm.s32 $0x3;
	[dreg:$0x8] =	wrdreg s4  }
0xa5: {  	[spmem:s4] =	stream.strided.scatter [tilespmem:s3], [sflag:$0x3], $0x2800, s16, s15, $0x38;
	[tilespmem:$0x154A0] =	vst v63  }
0xa6: {  	_ =	swait.ge [sflag:s17], $0x2800  }
0xa7: {  	[sflag:s17] =	ssyncset.done $0x0  }
0xa8: {  	s18 =	smul.u32 $0x5000, s14;
	[sflag:s17] =	ssyncadd.s32 $0xFFFFD800  }
0xa9: {  	[bflag:$0x0] =	sbarrier.arrive $0xFFFF  }
0xaa: {  	s19 =	sshrl.u32 s18, $0x2;
	s20 =	rddreg [dreg:$0x2]  }
0xab: {  	[tilespmem:s3], [sflag:$0x2] =	stream.linear.gather [spmem:s20], $0x2800, $0x38;
	[tilespmem:$0x154A0] =	vst v63  }
0xac: {  	s21 =	simm.s32 $0xF480;
	s9 =	sadd.s32 s19, s0  }
0xad: {  	[tilespmem:s21], [sflag:$0x1] =	stream.linear.gather [spmem:s9], $0x80, $0x38;
	[tilespmem:$0x154A0] =	vst v63  }
0xae: {  	s22 =	simm.s32 $0xF880;
	s1 =	sadd.s32 $0x400, s9  }
0xaf: {  	[tilespmem:s22], [sflag:$0x1] =	stream.linear.gather [spmem:s1], $0x80, $0x38;
	[tilespmem:$0x154A0] =	vst v63  }
0xb0: {  	s24 =	simm.s32 $0xFC80;
	s23 =	sadd.s32 $0x800, s9  }
0xb1: {  	[tilespmem:s24], [sflag:$0x1] =	stream.linear.gather [spmem:s23], $0x80, $0x38;
	[tilespmem:$0x154A0] =	vst v63  }
0xb2: {  	s26 =	simm.s32 $0x10080;
	s25 =	sadd.s32 $0xC00, s9  }
0xb3: {  	[tilespmem:s26], [sflag:$0x1] =	stream.linear.gather [spmem:s25], $0x80, $0x38;
	[tilespmem:$0x154A0] =	vst v63  }
0xb4: {  	s2 =	sadd.s32 $0x1000, s9;
	s3 =	simm.s32 $0x10480  }
0xb5: {  	[tilespmem:s3], [sflag:$0x1] =	stream.linear.gather [spmem:s2], $0x80, $0x38;
	[tilespmem:$0x154A0] =	vst v63  }
0xb6: {  	s6 =	simm.s32 $0xF500;
	s4 =	sadd.s32 $0x80, s9  }
0xb7: {  	[tilespmem:s6], [sflag:$0x1] =	stream.linear.gather [spmem:s4], $0x80, $0x38;
	[tilespmem:$0x154A0] =	vst v63  }
0xb8: {  	s8 =	simm.s32 $0xF900;
	s7 =	sadd.s32 $0x480, s9  }
0xb9: {  	[tilespmem:s8], [sflag:$0x1] =	stream.linear.gather [spmem:s7], $0x80, $0x38;
	[tilespmem:$0x154A0] =	vst v63  }
0xba: {  	s11 =	simm.s32 $0xFD00;
	s10 =	sadd.s32 $0x880, s9  }
0xbb: {  	[tilespmem:s11], [sflag:$0x1] =	stream.linear.gather [spmem:s10], $0x80, $0x38;
	[tilespmem:$0x154A0] =	vst v63  }
0xbc: {  	s13 =	simm.s32 $0x10100;
	s12 =	sadd.s32 $0xC80, s9  }
0xbd: {  	[tilespmem:s13], [sflag:$0x1] =	stream.linear.gather [spmem:s12], $0x80, $0x38;
	[tilespmem:$0x154A0] =	vst v63  }
0xbe: {  	s15 =	sadd.s32 $0x1080, s9;
	s16 =	simm.s32 $0x10500  }
0xbf: {  	[tilespmem:s16], [sflag:$0x1] =	stream.linear.gather [spmem:s15], $0x80, $0x38;
	[tilespmem:$0x154A0] =	vst v63  }
0xc0: {  	s18 =	simm.s32 $0xF580;
	s17 =	sadd.s32 $0x100, s9  }
0xc1: {  	[tilespmem:s18], [sflag:$0x1] =	stream.linear.gather [spmem:s17], $0x80, $0x38;
	[tilespmem:$0x154A0] =	vst v63  }
0xc2: {  	s19 =	sadd.s32 $0x500, s9;
	s28 =	sadd.s32 $0x14780, s9;
	s20 =	simm.s32 $0xF980  }
0xc3: {  	[tilespmem:s20], [sflag:$0x1] =	stream.linear.gather [spmem:s19], $0x80, $0x38;
	[tilespmem:$0x154A0] =	vst v63  }
0xc4: {  	[dreg:$0x9] =	wrdreg s1;
	s21 =	sadd.s32 $0x900, s9;
	s22 =	simm.s32 $0xFD80  }
0xc5: {  	[tilespmem:s22], [sflag:$0x1] =	stream.linear.gather [spmem:s21], $0x80, $0x38;
	[tilespmem:$0x154A0] =	vst v63  }
0xc6: {  	[dreg:$0xa] =	wrdreg s23;
	s23 =	sadd.s32 $0xD00, s9;
	s24 =	simm.s32 $0x10180  }
0xc7: {  	[tilespmem:s24], [sflag:$0x1] =	stream.linear.gather [spmem:s23], $0x80, $0x38;
	[tilespmem:$0x154A0] =	vst v63  }
0xc8: {  	[dreg:$0xb] =	wrdreg s25;
	s25 =	sadd.s32 $0x1100, s9;
	s26 =	simm.s32 $0x10580  }
0xc9: {  	[tilespmem:s26], [sflag:$0x1] =	stream.linear.gather [spmem:s25], $0x80, $0x38;
	[tilespmem:$0x154A0] =	vst v63  }
0xca: {  	[dreg:$0xc] =	wrdreg s2;
	s2 =	sadd.s32 $0x180, s9;
	s3 =	simm.s32 $0xF600  }
0xcb: {  	[tilespmem:s3], [sflag:$0x1] =	stream.linear.gather [spmem:s2], $0x80, $0x38;
	[tilespmem:$0x154A0] =	vst v63  }
0xcc: {  	[dreg:$0xd] =	wrdreg s4;
	s4 =	sadd.s32 $0x580, s9;
	s6 =	simm.s32 $0xFA00  }
0xcd: {  	[tilespmem:s6], [sflag:$0x1] =	stream.linear.gather [spmem:s4], $0x80, $0x38;
	[tilespmem:$0x154A0] =	vst v63  }
0xce: {  	[dreg:$0xe] =	wrdreg s7;
	s7 =	sadd.s32 $0x980, s9;
	s8 =	simm.s32 $0xFE00  }
0xcf: {  	[tilespmem:s8], [sflag:$0x1] =	stream.linear.gather [spmem:s7], $0x80, $0x38;
	[tilespmem:$0x154A0] =	vst v63  }
0xd0: {  	[dreg:$0xf] =	wrdreg s10;
	s10 =	sadd.s32 $0xD80, s9;
	s11 =	simm.s32 $0x10200  }
0xd1: {  	[tilespmem:s11], [sflag:$0x1] =	stream.linear.gather [spmem:s10], $0x80, $0x38;
	[tilespmem:$0x154A0] =	vst v63  }
0xd2: {  	[dreg:$0x10] =	wrdreg s12;
	s12 =	sadd.s32 $0x1180, s9;
	s13 =	simm.s32 $0x10600  }
0xd3: {  	[tilespmem:s13], [sflag:$0x1] =	stream.linear.gather [spmem:s12], $0x80, $0x38;
	[tilespmem:$0x154A0] =	vst v63  }
0xd4: {  	[dreg:$0x11] =	wrdreg s15;
	s15 =	sadd.s32 $0x200, s9;
	s16 =	simm.s32 $0xF680  }
0xd5: {  	[tilespmem:s16], [sflag:$0x1] =	stream.linear.gather [spmem:s15], $0x80, $0x38;
	[tilespmem:$0x154A0] =	vst v63  }
0xd6: {  	[dreg:$0x12] =	wrdreg s17;
	s17 =	sadd.s32 $0x600, s9;
	s18 =	simm.s32 $0xFA80  }
0xd7: {  	[tilespmem:s18], [sflag:$0x1] =	stream.linear.gather [spmem:s17], $0x80, $0x38;
	[tilespmem:$0x154A0] =	vst v63  }
0xd8: {  	[dreg:$0x13] =	wrdreg s19;
	s19 =	sadd.s32 $0xA00, s9;
	s20 =	simm.s32 $0xFE80  }
0xd9: {  	[tilespmem:s20], [sflag:$0x1] =	stream.linear.gather [spmem:s19], $0x80, $0x38;
	[tilespmem:$0x154A0] =	vst v63  }
0xda: {  	[dreg:$0x14] =	wrdreg s21;
	s21 =	sadd.s32 $0xE00, s9;
	s22 =	simm.s32 $0x10280  }
0xdb: {  	[tilespmem:s22], [sflag:$0x1] =	stream.linear.gather [spmem:s21], $0x80, $0x38;
	[tilespmem:$0x154A0] =	vst v63  }
0xdc: {  	[dreg:$0x15] =	wrdreg s23;
	s23 =	sadd.s32 $0x1200, s9;
	s24 =	simm.s32 $0x10680  }
0xdd: {  	[tilespmem:s24], [sflag:$0x1] =	stream.linear.gather [spmem:s23], $0x80, $0x38;
	[tilespmem:$0x154A0] =	vst v63  }
0xde: {  	[dreg:$0x16] =	wrdreg s25;
	s25 =	sadd.s32 $0x280, s9;
	s26 =	simm.s32 $0xF700  }
0xdf: {  	[tilespmem:s26], [sflag:$0x1] =	stream.linear.gather [spmem:s25], $0x80, $0x38;
	[tilespmem:$0x154A0] =	vst v63  }
0xe0: {  	[dreg:$0x17] =	wrdreg s2;
	s2 =	sadd.s32 $0x680, s9;
	s3 =	simm.s32 $0xFB00  }
0xe1: {  	[tilespmem:s3], [sflag:$0x1] =	stream.linear.gather [spmem:s2], $0x80, $0x38;
	[tilespmem:$0x154A0] =	vst v63  }
0xe2: {  	[dreg:$0x18] =	wrdreg s4;
	s4 =	sadd.s32 $0xA80, s9;
	s6 =	simm.s32 $0xFF00  }
0xe3: {  	[tilespmem:s6], [sflag:$0x1] =	stream.linear.gather [spmem:s4], $0x80, $0x38;
	[tilespmem:$0x154A0] =	vst v63  }
0xe4: {  	[dreg:$0x19] =	wrdreg s7;
	s7 =	sadd.s32 $0xE80, s9;
	s8 =	simm.s32 $0x10300  }
0xe5: {  	[tilespmem:s8], [sflag:$0x1] =	stream.linear.gather [spmem:s7], $0x80, $0x38;
	[tilespmem:$0x154A0] =	vst v63  }
0xe6: {  	[dreg:$0x1a] =	wrdreg s10;
	s10 =	sadd.s32 $0x1280, s9;
	s11 =	simm.s32 $0x10700  }
0xe7: {  	[tilespmem:s11], [sflag:$0x1] =	stream.linear.gather [spmem:s10], $0x80, $0x38;
	[tilespmem:$0x154A0] =	vst v63  }
0xe8: {  	[dreg:$0x1b] =	wrdreg s12;
	s12 =	sadd.s32 $0x300, s9;
	s13 =	simm.s32 $0xF780  }
0xe9: {  	[tilespmem:s13], [sflag:$0x1] =	stream.linear.gather [spmem:s12], $0x80, $0x38;
	[tilespmem:$0x154A0] =	vst v63  }
0xea: {  	[dreg:$0x1c] =	wrdreg s15;
	s15 =	sadd.s32 $0x700, s9;
	s16 =	simm.s32 $0xFB80  }
0xeb: {  	[tilespmem:s16], [sflag:$0x1] =	stream.linear.gather [spmem:s15], $0x80, $0x38;
	[tilespmem:$0x154A0] =	vst v63  }
0xec: {  	[dreg:$0x1d] =	wrdreg s17;
	s17 =	sadd.s32 $0xB00, s9;
	s18 =	simm.s32 $0xFF80  }
0xed: {  	[tilespmem:s18], [sflag:$0x1] =	stream.linear.gather [spmem:s17], $0x80, $0x38;
	[tilespmem:$0x154A0] =	vst v63  }
0xee: {  	[dreg:$0x1e] =	wrdreg s19;
	s19 =	sadd.s32 $0xF00, s9;
	s20 =	simm.s32 $0x10380  }
0xef: {  	[tilespmem:s20], [sflag:$0x1] =	stream.linear.gather [spmem:s19], $0x80, $0x38;
	[tilespmem:$0x154A0] =	vst v63  }
0xf0: {  	[dreg:$0x1f] =	wrdreg s21;
	s21 =	sadd.s32 $0x1300, s9;
	s22 =	simm.s32 $0x10780  }
0xf1: {  	[tilespmem:s22], [sflag:$0x1] =	stream.linear.gather [spmem:s21], $0x80, $0x38;
	[tilespmem:$0x154A0] =	vst v63  }
0xf2: {  	[smem:$0x7D1] =	sst s23;
	s23 =	sadd.s32 $0x380, s9;
	s24 =	simm.s32 $0xF800  }
0xf3: {  	[tilespmem:s24], [sflag:$0x1] =	stream.linear.gather [spmem:s23], $0x80, $0x38;
	[tilespmem:$0x154A0] =	vst v63  }
0xf4: {  	[smem:$0x7D2] =	sst s25;
	s25 =	sadd.s32 $0x780, s9;
	s26 =	simm.s32 $0xFC00  }
0xf5: {  	[tilespmem:s26], [sflag:$0x1] =	stream.linear.gather [spmem:s25], $0x80, $0x38;
	[tilespmem:$0x154A0] =	vst v63  }
0xf6: {  	[smem:$0x7D3] =	sst s2;
	s2 =	sadd.s32 $0xB80, s9;
	s3 =	simm.s32 $0x10000  }
0xf7: {  	[tilespmem:s3], [sflag:$0x1] =	stream.linear.gather [spmem:s2], $0x80, $0x38;
	[tilespmem:$0x154A0] =	vst v63  }
0xf8: {  	[smem:$0x7D4] =	sst s4;
	s4 =	sadd.s32 $0xF80, s9;
	s6 =	simm.s32 $0x10400  }
0xf9: {  	[tilespmem:s6], [sflag:$0x1] =	stream.linear.gather [spmem:s4], $0x80, $0x38;
	[tilespmem:$0x154A0] =	vst v63  }
0xfa: {  	[smem:$0x7D5] =	sst s7;
	s7 =	sadd.s32 $0x1380, s9;
	s8 =	simm.s32 $0x10800  }
0xfb: {  	[tilespmem:s8], [sflag:$0x1] =	stream.linear.gather [spmem:s7], $0x80, $0x38;
	[tilespmem:$0x154A0] =	vst v63  }
0xfc: {  	[smem:$0x7D6] =	sst s10;
	s10 =	sadd.s32 $0x14000, s9;
	s11 =	simm.s32 $0x10880  }
0xfd: {  	[tilespmem:s11], [sflag:$0x1] =	stream.linear.gather [spmem:s10], $0x80, $0x38;
	[tilespmem:$0x154A0] =	vst v63  }
0xfe: {  	[smem:$0x7D7] =	sst s12;
	s12 =	sadd.s32 $0x14400, s9;
	s13 =	simm.s32 $0x10C80  }
0xff: {  	[tilespmem:s13], [sflag:$0x1] =	stream.linear.gather [spmem:s12], $0x80, $0x38;
	[tilespmem:$0x154A0] =	vst v63  }
0x100: {  	[smem:$0x7D8] =	sst s15;
	s15 =	sadd.s32 $0x14800, s9;
	s16 =	simm.s32 $0x11080  }
0x101: {  	[tilespmem:s16], [sflag:$0x1] =	stream.linear.gather [spmem:s15], $0x80, $0x38;
	[tilespmem:$0x154A0] =	vst v63  }
0x102: {  	[smem:$0x7D9] =	sst s17;
	s17 =	sadd.s32 $0x14C00, s9;
	s18 =	simm.s32 $0x11480  }
0x103: {  	[tilespmem:s18], [sflag:$0x1] =	stream.linear.gather [spmem:s17], $0x80, $0x38;
	[tilespmem:$0x154A0] =	vst v63  }
0x104: {  	[smem:$0x7DA] =	sst s19;
	s19 =	sadd.s32 $0x15000, s9;
	s20 =	simm.s32 $0x11880  }
0x105: {  	[tilespmem:s20], [sflag:$0x1] =	stream.linear.gather [spmem:s19], $0x80, $0x38;
	[tilespmem:$0x154A0] =	vst v63  }
0x106: {  	[smem:$0x7DB] =	sst s21;
	s21 =	sadd.s32 $0x14080, s9;
	s22 =	simm.s32 $0x10900  }
0x107: {  	[tilespmem:s22], [sflag:$0x1] =	stream.linear.gather [spmem:s21], $0x80, $0x38;
	[tilespmem:$0x154A0] =	vst v63  }
0x108: {  	[smem:$0x7DC] =	sst s23;
	s23 =	sadd.s32 $0x14480, s9;
	s24 =	simm.s32 $0x10D00  }
0x109: {  	[tilespmem:s24], [sflag:$0x1] =	stream.linear.gather [spmem:s23], $0x80, $0x38;
	[tilespmem:$0x154A0] =	vst v63  }
0x10a: {  	[smem:$0x7DD] =	sst s25;
	s25 =	sadd.s32 $0x14880, s9;
	s26 =	simm.s32 $0x11100  }
0x10b: {  	[tilespmem:s26], [sflag:$0x1] =	stream.linear.gather [spmem:s25], $0x80, $0x38;
	[tilespmem:$0x154A0] =	vst v63  }
0x10c: {  	[smem:$0x7DE] =	sst s2;
	s2 =	sadd.s32 $0x14C80, s9;
	s3 =	simm.s32 $0x11500  }
0x10d: {  	[tilespmem:s3], [sflag:$0x1] =	stream.linear.gather [spmem:s2], $0x80, $0x38;
	[tilespmem:$0x154A0] =	vst v63  }
0x10e: {  	[smem:$0x7DF] =	sst s4;
	s4 =	sadd.s32 $0x15080, s9;
	s6 =	simm.s32 $0x11900  }
0x10f: {  	[tilespmem:s6], [sflag:$0x1] =	stream.linear.gather [spmem:s4], $0x80, $0x38;
	[tilespmem:$0x154A0] =	vst v63  }
0x110: {  	[smem:$0x7E0] =	sst s7;
	s7 =	sadd.s32 $0x14100, s9;
	s8 =	simm.s32 $0x10980  }
0x111: {  	[tilespmem:s8], [sflag:$0x1] =	stream.linear.gather [spmem:s7], $0x80, $0x38;
	[tilespmem:$0x154A0] =	vst v63  }
0x112: {  	[smem:$0x7E1] =	sst s10;
	s10 =	sadd.s32 $0x14500, s9;
	s11 =	simm.s32 $0x10D80  }
0x113: {  	[tilespmem:s11], [sflag:$0x1] =	stream.linear.gather [spmem:s10], $0x80, $0x38;
	[tilespmem:$0x154A0] =	vst v63  }
0x114: {  	[smem:$0x7E2] =	sst s12;
	s12 =	sadd.s32 $0x14900, s9;
	s13 =	simm.s32 $0x11180  }
0x115: {  	[tilespmem:s13], [sflag:$0x1] =	stream.linear.gather [spmem:s12], $0x80, $0x38;
	[tilespmem:$0x154A0] =	vst v63  }
0x116: {  	[smem:$0x7E3] =	sst s15;
	s15 =	sadd.s32 $0x14D00, s9;
	s16 =	simm.s32 $0x11580  }
0x117: {  	[tilespmem:s16], [sflag:$0x1] =	stream.linear.gather [spmem:s15], $0x80, $0x38;
	[tilespmem:$0x154A0] =	vst v63  }
0x118: {  	[smem:$0x7E4] =	sst s17;
	s17 =	sadd.s32 $0x15100, s9;
	s18 =	simm.s32 $0x11980  }
0x119: {  	[tilespmem:s18], [sflag:$0x1] =	stream.linear.gather [spmem:s17], $0x80, $0x38;
	[tilespmem:$0x154A0] =	vst v63  }
0x11a: {  	[smem:$0x7E5] =	sst s19;
	s19 =	sadd.s32 $0x14180, s9;
	s20 =	simm.s32 $0x10A00  }
0x11b: {  	[tilespmem:s20], [sflag:$0x1] =	stream.linear.gather [spmem:s19], $0x80, $0x38;
	[tilespmem:$0x154A0] =	vst v63  }
0x11c: {  	[smem:$0x7E6] =	sst s21;
	s21 =	sadd.s32 $0x14580, s9;
	s22 =	simm.s32 $0x10E00  }
0x11d: {  	[tilespmem:s22], [sflag:$0x1] =	stream.linear.gather [spmem:s21], $0x80, $0x38;
	[tilespmem:$0x154A0] =	vst v63  }
0x11e: {  	[smem:$0x7E7] =	sst s23;
	s23 =	sadd.s32 $0x14980, s9;
	s24 =	simm.s32 $0x11200  }
0x11f: {  	[tilespmem:s24], [sflag:$0x1] =	stream.linear.gather [spmem:s23], $0x80, $0x38;
	[tilespmem:$0x154A0] =	vst v63  }
0x120: {  	[smem:$0x7E8] =	sst s25;
	s25 =	sadd.s32 $0x14D80, s9;
	s26 =	simm.s32 $0x11600  }
0x121: {  	[tilespmem:s26], [sflag:$0x1] =	stream.linear.gather [spmem:s25], $0x80, $0x38;
	[tilespmem:$0x154A0] =	vst v63  }
0x122: {  	[smem:$0x7E9] =	sst s2;
	s2 =	sadd.s32 $0x15180, s9;
	s3 =	simm.s32 $0x11A00  }
0x123: {  	[tilespmem:s3], [sflag:$0x1] =	stream.linear.gather [spmem:s2], $0x80, $0x38;
	[tilespmem:$0x154A0] =	vst v63  }
0x124: {  	[smem:$0x7EA] =	sst s4;
	s4 =	sadd.s32 $0x14200, s9;
	s6 =	simm.s32 $0x10A80  }
0x125: {  	[tilespmem:s6], [sflag:$0x1] =	stream.linear.gather [spmem:s4], $0x80, $0x38;
	[tilespmem:$0x154A0] =	vst v63  }
0x126: {  	[smem:$0x7EB] =	sst s7;
	s7 =	sadd.s32 $0x14600, s9;
	s8 =	simm.s32 $0x10E80  }
0x127: {  	[tilespmem:s8], [sflag:$0x1] =	stream.linear.gather [spmem:s7], $0x80, $0x38;
	[tilespmem:$0x154A0] =	vst v63  }
0x128: {  	[smem:$0x7EC] =	sst s10;
	s10 =	sadd.s32 $0x14A00, s9;
	s11 =	simm.s32 $0x11280  }
0x129: {  	[tilespmem:s11], [sflag:$0x1] =	stream.linear.gather [spmem:s10], $0x80, $0x38;
	[tilespmem:$0x154A0] =	vst v63  }
0x12a: {  	[smem:$0x7ED] =	sst s12;
	s12 =	sadd.s32 $0x14E00, s9;
	s13 =	simm.s32 $0x11680  }
0x12b: {  	[tilespmem:s13], [sflag:$0x1] =	stream.linear.gather [spmem:s12], $0x80, $0x38;
	[tilespmem:$0x154A0] =	vst v63  }
0x12c: {  	[smem:$0x7EE] =	sst s15;
	s15 =	sadd.s32 $0x15200, s9;
	s16 =	simm.s32 $0x11A80  }
0x12d: {  	[tilespmem:s16], [sflag:$0x1] =	stream.linear.gather [spmem:s15], $0x80, $0x38;
	[tilespmem:$0x154A0] =	vst v63  }
0x12e: {  	[smem:$0x7EF] =	sst s17;
	s17 =	sadd.s32 $0x14280, s9;
	s18 =	simm.s32 $0x10B00  }
0x12f: {  	[tilespmem:s18], [sflag:$0x1] =	stream.linear.gather [spmem:s17], $0x80, $0x38;
	[tilespmem:$0x154A0] =	vst v63  }
0x130: {  	[smem:$0x7F0] =	sst s19;
	s19 =	sadd.s32 $0x14680, s9;
	s20 =	simm.s32 $0x10F00  }
0x131: {  	[tilespmem:s20], [sflag:$0x1] =	stream.linear.gather [spmem:s19], $0x80, $0x38;
	[tilespmem:$0x154A0] =	vst v63  }
0x132: {  	[smem:$0x7F1] =	sst s21;
	s21 =	sadd.s32 $0x14A80, s9;
	s22 =	simm.s32 $0x11300  }
0x133: {  	[tilespmem:s22], [sflag:$0x1] =	stream.linear.gather [spmem:s21], $0x80, $0x38;
	[tilespmem:$0x154A0] =	vst v63  }
0x134: {  	[smem:$0x7F2] =	sst s23;
	s23 =	sadd.s32 $0x14E80, s9;
	s24 =	simm.s32 $0x11700  }
0x135: {  	[tilespmem:s24], [sflag:$0x1] =	stream.linear.gather [spmem:s23], $0x80, $0x38;
	[tilespmem:$0x154A0] =	vst v63  }
0x136: {  	[smem:$0x7F3] =	sst s25;
	s25 =	simm.s32 $0x11B00;
	s20 =	sadd.s32 $0x15280, s9  }
0x137: {  	[tilespmem:s25], [sflag:$0x1] =	stream.linear.gather [spmem:s20], $0x80, $0x38;
	[tilespmem:$0x154A0] =	vst v63  }
0x138: {  	[smem:$0x7FC] =	sst s21;
	s26 =	simm.s32 $0x10B80;
	s21 =	sadd.s32 $0x14300, s9  }
0x139: {  	[tilespmem:s26], [sflag:$0x1] =	stream.linear.gather [spmem:s21], $0x80, $0x38;
	[tilespmem:$0x154A0] =	vst v63  }
0x13a: {  	s1 =	simm.s32 $0x10F80;
	[smem:$0x7F4] =	sst s2;
	s22 =	sadd.s32 $0x14700, s9  }
0x13b: {  	[tilespmem:s1], [sflag:$0x1] =	stream.linear.gather [spmem:s22], $0x80, $0x38;
	[tilespmem:$0x154A0] =	vst v63  }
0x13c: {  	[smem:$0x7FD] =	sst s23;
	s2 =	simm.s32 $0x11380;
	s23 =	sadd.s32 $0x14B00, s9  }
0x13d: {  	[tilespmem:s2], [sflag:$0x1] =	stream.linear.gather [spmem:s23], $0x80, $0x38;
	[tilespmem:$0x154A0] =	vst v63  }
0x13e: {  	[smem:$0x7F5] =	sst s4;
	s3 =	simm.s32 $0x11780;
	s24 =	sadd.s32 $0x14F00, s9  }
0x13f: {  	[tilespmem:s3], [sflag:$0x1] =	stream.linear.gather [spmem:s24], $0x80, $0x38;
	[tilespmem:$0x154A0] =	vst v63  }
0x140: {  	[smem:$0x7F6] =	sst s7;
	s4 =	simm.s32 $0x11B80;
	s25 =	sadd.s32 $0x15300, s9  }
0x141: {  	[tilespmem:s4], [sflag:$0x1] =	stream.linear.gather [spmem:s25], $0x80, $0x38;
	[tilespmem:$0x154A0] =	vst v63  }
0x142: {  	[smem:$0x7F7] =	sst s10;
	s6 =	simm.s32 $0x10C00;
	s26 =	sadd.s32 $0x14380, s9  }
0x143: {  	[tilespmem:s6], [sflag:$0x1] =	stream.linear.gather [spmem:s26], $0x80, $0x38;
	[tilespmem:$0x154A0] =	vst v63  }
0x144: {  	s29 =	sadd.s32 $0x14B80, s9;
	[smem:$0x7F8] =	sst s12;
	s7 =	simm.s32 $0x11000  }
0x145: {  	[tilespmem:s7], [sflag:$0x1] =	stream.linear.gather [spmem:s28], $0x80, $0x38;
	[tilespmem:$0x154A0] =	vst v63  }
0x146: {  	s30 =	sadd.s32 $0x14F80, s9;
	[smem:$0x7F9] =	sst s15;
	s8 =	simm.s32 $0x11400  }
0x147: {  	[tilespmem:s8], [sflag:$0x1] =	stream.linear.gather [spmem:s29], $0x80, $0x38;
	[tilespmem:$0x154A0] =	vst v63  }
0x148: {  	s31 =	sadd.s32 $0x15380, s9;
	[smem:$0x7FA] =	sst s17;
	s10 =	simm.s32 $0x11800  }
0x149: {  	[tilespmem:s10], [sflag:$0x1] =	stream.linear.gather [spmem:s30], $0x80, $0x38;
	[tilespmem:$0x154A0] =	vst v63  }
0x14a: {  	[smem:$0x7FB] =	sst s19;
	s11 =	simm.s32 $0x11C00;
	s12 =	simm.s32 $0x1  }
0x14b: {  	[tilespmem:s11], [sflag:$0x1] =	stream.linear.gather [spmem:s31], $0x80, $0x38;
	[tilespmem:$0x154A0] =	vst v63  }
0x14c: {  	_ =	swait.ge [sflag:s12], $0x280  }
0x14d: {  	[sflag:s12] =	ssyncset.done $0x0  }
0x14e: {  	[sflag:s12] =	ssyncadd.s32 $0xFFFFFD80  }
0x14f: {  	_ =	swait.ge [sflag:s12], $0x280  }
0x150: {  	[sflag:s12] =	ssyncset.done $0x0  }
0x151: {  	[sflag:s12] =	ssyncadd.s32 $0xFFFFFD80  }
0x152: {  	_ =	swait.ge [sflag:s12], $0x280  }
0x153: {  	[sflag:s12] =	ssyncset.done $0x0  }
0x154: {  	[sflag:s12] =	ssyncadd.s32 $0xFFFFFD80  }
0x155: {  	_ =	swait.ge [sflag:s12], $0x280  }
0x156: {  	[sflag:s12] =	ssyncset.done $0x0  }
0x157: {  	[sflag:s12] =	ssyncadd.s32 $0xFFFFFD80  }
0x158: {  	_ =	swait.ge [sflag:s12], $0x280  }
0x159: {  	[sflag:s12] =	ssyncset.done $0x0  }
0x15a: {  	[sflag:s12] =	ssyncadd.s32 $0xFFFFFD80  }
0x15b: {  	_ =	swait.ge [sflag:s12], $0x280  }
0x15c: {  	[sflag:s12] =	ssyncset.done $0x0  }
0x15d: {  	[sflag:s12] =	ssyncadd.s32 $0xFFFFFD80  }
0x15e: {  	_ =	swait.ge [sflag:s12], $0x280  }
0x15f: {  	[sflag:s12] =	ssyncset.done $0x0  }
0x160: {  	[sflag:s12] =	ssyncadd.s32 $0xFFFFFD80  }
0x161: {  	_ =	swait.ge [sflag:s12], $0x280  }
0x162: {  	[sflag:s12] =	ssyncset.done $0x0  }
0x163: {  	[sflag:s12] =	ssyncadd.s32 $0xFFFFFD80  }
0x164: {  	_ =	swait.ge [sflag:s12], $0x280  }
0x165: {  	[sflag:s12] =	ssyncset.done $0x0  }
0x166: {  	[sflag:s12] =	ssyncadd.s32 $0xFFFFFD80  }
0x167: {  	_ =	swait.ge [sflag:s12], $0x280  }
0x168: {  	[sflag:s12] =	ssyncset.done $0x0  }
0x169: {  	[sflag:s12] =	ssyncadd.s32 $0xFFFFFD80  }
0x16a: {  	_ =	swait.ge [sflag:s12], $0x280  }
0x16b: {  	[sflag:s12] =	ssyncset.done $0x0  }
0x16c: {  	[sflag:s12] =	ssyncadd.s32 $0xFFFFFD80  }
0x16d: {  	_ =	swait.ge [sflag:s12], $0x280  }
0x16e: {  	[sflag:s12] =	ssyncset.done $0x0  }
0x16f: {  	[sflag:s12] =	ssyncadd.s32 $0xFFFFFD80  }
0x170: {  	_ =	swait.ge [sflag:s12], $0x280  }
0x171: {  	[sflag:s12] =	ssyncset.done $0x0  }
0x172: {  	[sflag:s12] =	ssyncadd.s32 $0xFFFFFD80  }
0x173: {  	_ =	swait.ge [sflag:s12], $0x280  }
0x174: {  	[sflag:s12] =	ssyncset.done $0x0  }
0x175: {  	[sflag:s12] =	ssyncadd.s32 $0xFFFFFD80  }
0x176: {  	_ =	swait.ge [sflag:s12], $0x280  }
0x177: {  	[sflag:s12] =	ssyncset.done $0x0  }
0x178: {  	[sflag:s12] =	ssyncadd.s32 $0xFFFFFD80  }
0x179: {  	s13 =	simm.s32 $0x0;
	_ =	swait.ge [sflag:s12], $0x280  }
0x17a: {  	s15 =	sand.u32 $0x70, s13;
	s1 =	sand.u32 $0x1C00, s13;
	[sflag:s12] =	ssyncset.done $0x0  }
0x17b: {  	s16 =	sor.u32 s15, s1;
	[sflag:s12] =	ssyncadd.s32 $0xFFFFFD80  }
0x17c: {  	v0 =	vld [tilespmem:s16+$0xF480]  }
0x17d: {  	v1 =	vld [tilespmem:s16+$0xF500];
	_ =	sdelay $0x1  }
0x17e: {  	v2 =	vld [tilespmem:s16+$0xF580];
	_ =	sdelay $0x1  }
0x17f: {  	v3 =	vld [tilespmem:s16+$0xF600]  }
0x180: {  	v0 =	vadd.f32 v1, v0  }
0x181: {  	v1 =	vld [tilespmem:s16+$0xF680]  }
0x182: {  	v0 =	vadd.f32 v2, v0  }
0x183: {  	v2 =	vld [tilespmem:s16+$0xF700]  }
0x184: {  	v0 =	vadd.f32 v3, v0  }
0x185: {  	v3 =	vld [tilespmem:s16+$0xF780]  }
0x186: {  	v0 =	vadd.f32 v1, v0  }
0x187: {  	v1 =	vld [tilespmem:s16+$0xF800]  }
0x188: {  	v0 =	vadd.f32 v2, v0  }
0x189: {  	v2 =	vld [tilespmem:s16+$0x10880]  }
0x18a: {  	v0 =	vadd.f32 v3, v0  }
0x18b: {  	v3 =	vld [tilespmem:s16+$0x10900]  }
0x18c: {  	v0 =	vadd.f32 v1, v0  }
0x18d: {  	v1 =	vld [tilespmem:s16+$0x10980]  }
0x18e: {  	v0 =	vadd.f32 v2, v0  }
0x18f: {  	v2 =	vld [tilespmem:s16+$0x10A00]  }
0x190: {  	v0 =	vadd.f32 v3, v0  }
0x191: {  	v3 =	vld [tilespmem:s16+$0x10A80]  }
0x192: {  	v0 =	vadd.f32 v1, v0  }
0x193: {  	v1 =	vld [tilespmem:s16+$0x10B00]  }
0x194: {  	v0 =	vadd.f32 v2, v0  }
0x195: {  	v2 =	vld [tilespmem:s16+$0x10B80]  }
0x196: {  	v0 =	vadd.f32 v3, v0  }
0x197: {  	v3 =	vld [tilespmem:s16+$0x10C00]  }
0x198: {  	v0 =	vadd.f32 v1, v0;
	_ =	sdelay $0x1  }
0x199: {  	v0 =	vadd.f32 v2, v0;
	_ =	sdelay $0x1  }
0x19a: {  	v0 =	vadd.f32 v3, v0;
	_ =	sdelay $0x1  }
0x19b: {  	v0 =	vadd.f32 $1.000000000e+00, v0;
	_ =	sdelay $0x1  }
0x19c: {  	v1 =	vshrl.u32 v0, $0x1;
	v0 =	vmul.f32 $5.000000000e-01, v0  }
0x19d: {  	v1 =	vsub.s32 $0x5F3759DF, v1  }
0x19e: {  	v2 =	vmul.f32 v1, v0;
	_ =	sdelay $0x1  }
0x19f: {  	v2 =	vmul.f32 v1, v2;
	_ =	sdelay $0x1  }
0x1a0: {  	v2 =	vsub.f32 $1.500000000e+00, v2;
	_ =	sdelay $0x1  }
0x1a1: {  	v1 =	vmul.f32 v1, v2;
	_ =	sdelay $0x1  }
0x1a2: {  	v2 =	vmul.f32 v1, v0;
	_ =	sdelay $0x1  }
0x1a3: {  	v2 =	vmul.f32 v2, v1;
	_ =	sdelay $0x1  }
0x1a4: {  	v2 =	vsub.f32 $1.500000000e+00, v2;
	_ =	sdelay $0x1  }
0x1a5: {  	v1 =	vmul.f32 v2, v1;
	_ =	sdelay $0x1  }
0x1a6: {  	v0 =	vmul.f32 v1, v0;
	_ =	sdelay $0x1  }
0x1a7: {  	v0 =	vmul.f32 v0, v1;
	_ =	sdelay $0x1  }
0x1a8: {  	v0 =	vsub.f32 $1.500000000e+00, v0;
	_ =	sdelay $0x1  }
0x1a9: {  	s17 =	sadd.s32 $0x0, s5;
	v0 =	vmul.f32 v0, v1  }
0x1aa: {  	p0 =	slt.u32 s17, $0x2710  }
0x1ab: {  	s18 =	simm.s32 $0xED00;
	v0 =	vpsel !p0, $0x0, v0  }
0x1ac: {  	s19 =	simm.s32 $0xEF80;
	[tilespmem:s18+$0x0] =	vst v0  }
0x1ad: {  	v1 =	vld [tilespmem:s19+$0x0];
	_ =	sdelay $0x2  }
0x1ae: {  	s0 =	simm.s32 $0xF210;
	s1 =	simm.s32 $0x10  }
0x1af: {  	s2 =	simm.s32 $0xED10;
	s3 =	simm.s32 $0xEF90;
	s4 =	simm.s32 $0xF200  }
0x1b0: {  	s6 =	sand.u32 $0x70, s1;
	s7 =	simm.s32 $0x80;
	s11 =	simm.s32 $0x20;
	v0 =	vmul.f32 v0, v1  }
.LBB2_5:
0x1b1: {  	s12 =	sand.u32 $0x70, s11  }
0x1b2: {  	s13 =	sand.u32 $0x1C00, s7;
	s10 =	smov.u32 s11;
	s8 =	sadd.s32 $0x10, s11  }
0x1b3: {  	p0 =	sne.s32 s11, $0x270;
	s11 =	sor.u32 s6, s13;
	[tilespmem:s4+$0x0] =	vst v0;
	s6 =	smov.u32 s12  }
0x1b4: {  	s4 =	smov.u32 s0;
	v0 =	vld [tilespmem:s11+$0xF480]  }
0x1b5: {  	v1 =	vld [tilespmem:s11+$0xF500]  }
0x1b6: {  	v2 =	vld [tilespmem:s11+$0xF580];
	_ =	sdelay $0x1  }
0x1b7: {  	v3 =	vld [tilespmem:s11+$0xF600];
	_ =	sdelay $0x1  }
0x1b8: {  	v0 =	vadd.f32 v1, v0;
	v1 =	vld [tilespmem:s11+$0xF680];
	_ =	sdelay $0x1  }
0x1b9: {  	v0 =	vadd.f32 v2, v0;
	v2 =	vld [tilespmem:s11+$0xF700];
	_ =	sdelay $0x1  }
0x1ba: {  	v0 =	vadd.f32 v3, v0;
	v3 =	vld [tilespmem:s11+$0xF780];
	_ =	sdelay $0x1  }
0x1bb: {  	v0 =	vadd.f32 v1, v0;
	v1 =	vld [tilespmem:s11+$0xF800];
	_ =	sdelay $0x1  }
0x1bc: {  	v0 =	vadd.f32 v2, v0;
	v2 =	vld [tilespmem:s11+$0x10880];
	_ =	sdelay $0x1  }
0x1bd: {  	v0 =	vadd.f32 v3, v0;
	v3 =	vld [tilespmem:s11+$0x10900];
	_ =	sdelay $0x1  }
0x1be: {  	v0 =	vadd.f32 v1, v0;
	v1 =	vld [tilespmem:s11+$0x10980];
	_ =	sdelay $0x1  }
0x1bf: {  	v0 =	vadd.f32 v2, v0;
	v2 =	vld [tilespmem:s11+$0x10A00];
	_ =	sdelay $0x1  }
0x1c0: {  	v0 =	vadd.f32 v3, v0;
	v3 =	vld [tilespmem:s11+$0x10A80];
	_ =	sdelay $0x1  }
0x1c1: {  	v0 =	vadd.f32 v1, v0;
	v1 =	vld [tilespmem:s11+$0x10B00];
	_ =	sdelay $0x1  }
0x1c2: {  	v0 =	vadd.f32 v2, v0;
	v2 =	vld [tilespmem:s11+$0x10B80];
	_ =	sdelay $0x1  }
0x1c3: {  	v0 =	vadd.f32 v3, v0;
	v3 =	vld [tilespmem:s11+$0x10C00];
	_ =	sdelay $0x1  }
0x1c4: {  	v0 =	vadd.f32 v1, v0;
	_ =	sdelay $0x1  }
0x1c5: {  	v0 =	vadd.f32 v2, v0;
	_ =	sdelay $0x1  }
0x1c6: {  	v0 =	vadd.f32 v3, v0;
	_ =	sdelay $0x1  }
0x1c7: {  	v0 =	vadd.f32 $1.000000000e+00, v0;
	_ =	sdelay $0x1  }
0x1c8: {  	v1 =	vshrl.u32 v0, $0x1;
	v0 =	vmul.f32 $5.000000000e-01, v0  }
0x1c9: {  	v1 =	vsub.s32 $0x5F3759DF, v1  }
0x1ca: {  	v2 =	vmul.f32 v1, v0;
	_ =	sdelay $0x1  }
0x1cb: {  	v2 =	vmul.f32 v1, v2;
	_ =	sdelay $0x1  }
0x1cc: {  	v2 =	vsub.f32 $1.500000000e+00, v2;
	_ =	sdelay $0x1  }
0x1cd: {  	v1 =	vmul.f32 v1, v2;
	_ =	sdelay $0x1  }
0x1ce: {  	v2 =	vmul.f32 v1, v0;
	_ =	sdelay $0x1  }
0x1cf: {  	v2 =	vmul.f32 v2, v1;
	_ =	sdelay $0x1  }
0x1d0: {  	v2 =	vsub.f32 $1.500000000e+00, v2;
	_ =	sdelay $0x1  }
0x1d1: {  	v1 =	vmul.f32 v2, v1;
	_ =	sdelay $0x1  }
0x1d2: {  	v0 =	vmul.f32 v1, v0;
	_ =	sdelay $0x1  }
0x1d3: {  	v0 =	vmul.f32 v0, v1;
	_ =	sdelay $0x1  }
0x1d4: {  	v0 =	vsub.f32 $1.500000000e+00, v0  }
0x1d5: {  	s11 =	sadd.s32 s1, s5;
	s1 =	smov.u32 s10  }
0x1d6: {  	p1 =	slt.u32 s11, $0x2710;
	v0 =	vmul.f32 v0, v1;
	_ =	sdelay $0x1  }
0x1d7: {  	v0 =	vpsel !p1, $0x0, v0  }
0x1d8: {  	[tilespmem:s2+$0x0] =	vst v0  }
0x1d9: {  	v1 =	vld [tilespmem:s3+$0x0]  }
.Ltmp2:
0x1da: {  	(pc) =	sbr.rel @p0 .LBB2_5-.Ltmp2, $3  }
0x1db: {  	_ =	sdelay $0x1  }
0x1dc: {  	s7 =	sadd.s32 $0x80, s7;
	s0 =	sadd.s32 $0x10, s0  }
0x1dd: {  	s11 =	smov.u32 s8;
	s2 =	sadd.s32 $0x10, s2;
	s3 =	sadd.s32 $0x10, s3;
	v0 =	vmul.f32 v0, v1  }
0x1de: {  	s7 =	sand.u32 $0x1C00, s7  }
0x1df: {  	s6 =	sor.u32 s6, s7;
	[tilespmem:s4+$0x0] =	vst v0  }
0x1e0: {  	v0 =	vld [tilespmem:s6+$0xF480]  }
0x1e1: {  	v1 =	vld [tilespmem:s6+$0xF500];
	_ =	sdelay $0x1  }
0x1e2: {  	v2 =	vld [tilespmem:s6+$0xF580];
	_ =	sdelay $0x1  }
0x1e3: {  	v3 =	vld [tilespmem:s6+$0xF600]  }
0x1e4: {  	v0 =	vadd.f32 v1, v0  }
0x1e5: {  	v49 =	vld [tilespmem:s6+$0xF680]  }
0x1e6: {  	v0 =	vadd.f32 v2, v0  }
0x1e7: {  	v50 =	vld [tilespmem:s6+$0xF700]  }
0x1e8: {  	v0 =	vadd.f32 v3, v0  }
0x1e9: {  	v51 =	vld [tilespmem:s6+$0xF780]  }
0x1ea: {  	v0 =	vadd.f32 v49, v0  }
0x1eb: {  	v52 =	vld [tilespmem:s6+$0xF800]  }
0x1ec: {  	v0 =	vadd.f32 v50, v0  }
0x1ed: {  	v53 =	vld [tilespmem:s6+$0x10880]  }
0x1ee: {  	v0 =	vadd.f32 v51, v0  }
0x1ef: {  	v54 =	vld [tilespmem:s6+$0x10900]  }
0x1f0: {  	v0 =	vadd.f32 v52, v0  }
0x1f1: {  	v55 =	vld [tilespmem:s6+$0x10980]  }
0x1f2: {  	v0 =	vadd.f32 v53, v0  }
0x1f3: {  	v56 =	vld [tilespmem:s6+$0x10A00]  }
0x1f4: {  	v0 =	vadd.f32 v54, v0  }
0x1f5: {  	v57 =	vld [tilespmem:s6+$0x10A80]  }
0x1f6: {  	v0 =	vadd.f32 v55, v0  }
0x1f7: {  	v58 =	vld [tilespmem:s6+$0x10B00]  }
0x1f8: {  	v0 =	vadd.f32 v56, v0  }
0x1f9: {  	v59 =	vld [tilespmem:s6+$0x10B80]  }
0x1fa: {  	v0 =	vadd.f32 v57, v0  }
0x1fb: {  	v60 =	vld [tilespmem:s6+$0x10C00]  }
0x1fc: {  	v0 =	vadd.f32 v58, v0;
	_ =	sdelay $0x1  }
0x1fd: {  	v0 =	vadd.f32 v59, v0;
	_ =	sdelay $0x1  }
0x1fe: {  	v0 =	vadd.f32 v60, v0;
	_ =	sdelay $0x1  }
0x1ff: {  	v0 =	vadd.f32 $1.000000000e+00, v0;
	_ =	sdelay $0x1  }
0x200: {  	v61 =	vshrl.u32 v0, $0x1;
	v0 =	vmul.f32 $5.000000000e-01, v0  }
0x201: {  	v1 =	vsub.s32 $0x5F3759DF, v61  }
0x202: {  	v62 =	vmul.f32 v1, v0;
	_ =	sdelay $0x1  }
0x203: {  	v2 =	vmul.f32 v1, v62;
	_ =	sdelay $0x1  }
0x204: {  	v2 =	vsub.f32 $1.500000000e+00, v2;
	_ =	sdelay $0x1  }
0x205: {  	v1 =	vmul.f32 v1, v2;
	_ =	sdelay $0x1  }
0x206: {  	v2 =	vmul.f32 v1, v0;
	_ =	sdelay $0x1  }
0x207: {  	v2 =	vmul.f32 v2, v1;
	_ =	sdelay $0x1  }
0x208: {  	v2 =	vsub.f32 $1.500000000e+00, v2;
	_ =	sdelay $0x1  }
0x209: {  	v1 =	vmul.f32 v2, v1;
	_ =	sdelay $0x1  }
0x20a: {  	v0 =	vmul.f32 v1, v0;
	_ =	sdelay $0x1  }
0x20b: {  	v0 =	vmul.f32 v0, v1;
	_ =	sdelay $0x1  }
0x20c: {  	v0 =	vsub.f32 $1.500000000e+00, v0;
	_ =	sdelay $0x1  }
0x20d: {  	s1 =	sadd.s32 s1, s5;
	v0 =	vmul.f32 v0, v1  }
0x20e: {  	p0 =	slt.u32 s1, $0x2710  }
0x20f: {  	v0 =	vpsel !p0, $0x0, v0  }
0x210: {  	[tilespmem:s2+$0x0] =	vst v0  }
0x211: {  	v63 =	vld [tilespmem:s3+$0x0];
	_ =	sdelay $0x3  }
0x212: {  	s17 =	smul.u32 $0x1400, s14  }
0x213: {  	s18 =	rddreg [dreg:$0x4];
	v0 =	vmul.f32 v0, v63  }
0x214: {  	s19 =	simm.s32 $0xF200;
	s7 =	simm.s32 $0x80;
	s1 =	sshrl.u32 s17, $0x2  }
0x215: {  	s6 =	simm.s32 $0x100;
	s1 =	sadd.s32 s1, s18;
	[tilespmem:s0+$0x0] =	vst v0;
	s0 =	simm.s32 $0x3  }
0x216: {  	[spmem:s1] =	stream.strided.scatter [tilespmem:s19], [sflag:$0x3], $0x280, s6, s7, $0x38;
	[tilespmem:$0x154A0] =	vst v63  }
0x217: {  	_ =	swait.ge [sflag:s0], $0x280  }
0x218: {  	[sflag:s0] =	ssyncset.done $0x0  }
0x219: {  	[sflag:s0] =	ssyncadd.s32 $0xFFFFFD80  }
0x21a: {  	s2 =	simm.s32 $0x9D00;
	[bflag:$0x0] =	sbarrier.arrive $0xFFFF  }
0x21b: {  	[tilespmem:s2], [sflag:$0x3] =	stream.strided.gather [spmem:s18], $0x2800, s6, s7, $0x38;
	[tilespmem:$0x154A0] =	vst v63  }
0x21c: {  	s10 =	sshll.u32 s14, $0x9;
	s8 =	simm.s32 $0xC500;
	_ =	swait.ge [sflag:s0], $0x2800  }
0x21d: {  	s11 =	simm.s32 $0x1;
	s4 =	simm.s32 $0x2;
	[sflag:s0] =	ssyncset.done $0x0  }
0x21e: {  	s10 =	sshrl.u32 s10, $0x2;
	s3 =	simm.s32 $0x0;
	[sflag:s0] =	ssyncadd.s32 $0xFFFFD800  }
.LBB2_7:
0x21f: {  	_ =	swait.ge [sflag:s4], $0x2800  }
0x220: {  	s12 =	simm.s32 $0x5010;
	[sflag:s4] =	ssyncset.done $0x0  }
0x221: {  	s13 =	simm.s32 $0x190;
	s14 =	simm.s32 $0x0;
	[sflag:s4] =	ssyncadd.s32 $0xFFFFD800  }
.LBB2_8:
0x222: {  	v0 =	vld [tilespmem:s13+$0xFFFFFE70];
	_ =	sdelay $0x4  }
0x223: {  	v1 =	vld [tilespmem:s12+$0xFFFFFE70];
	_ =	sdelay $0x2  }
0x224: {  	v0 =	vld.idx.msk [tilespmem:v0+s2+$0x0], $0xffff;
	_ =	sdelay $0x4  }
0x225: {  	[tilespmem:v1+s8+$0x0] =	vst.idx.add.f32.msk $0xffff, v0  }
0x226: {  	v0 =	vld [tilespmem:s13+$0xFFFFFE80];
	_ =	sdelay $0x4  }
0x227: {  	v1 =	vld [tilespmem:s12+$0xFFFFFE80];
	_ =	sdelay $0x2  }
0x228: {  	v0 =	vld.idx.msk [tilespmem:v0+s2+$0x0], $0xffff;
	_ =	sdelay $0x4  }
0x229: {  	[tilespmem:v1+s8+$0x0] =	vst.idx.add.f32.msk $0xffff, v0  }
0x22a: {  	v0 =	vld [tilespmem:s13+$0xFFFFFE90];
	_ =	sdelay $0x4  }
0x22b: {  	v1 =	vld [tilespmem:s12+$0xFFFFFE90];
	_ =	sdelay $0x2  }
0x22c: {  	v0 =	vld.idx.msk [tilespmem:v0+s2+$0x0], $0xffff;
	_ =	sdelay $0x4  }
0x22d: {  	[tilespmem:v1+s8+$0x0] =	vst.idx.add.f32.msk $0xffff, v0  }
0x22e: {  	v0 =	vld [tilespmem:s13+$0xFFFFFEA0];
	_ =	sdelay $0x4  }
0x22f: {  	v1 =	vld [tilespmem:s12+$0xFFFFFEA0];
	_ =	sdelay $0x2  }
0x230: {  	v0 =	vld.idx.msk [tilespmem:v0+s2+$0x0], $0xffff;
	_ =	sdelay $0x4  }
0x231: {  	[tilespmem:v1+s8+$0x0] =	vst.idx.add.f32.msk $0xffff, v0  }
0x232: {  	v0 =	vld [tilespmem:s13+$0xFFFFFEB0];
	_ =	sdelay $0x4  }
0x233: {  	v1 =	vld [tilespmem:s12+$0xFFFFFEB0];
	_ =	sdelay $0x2  }
0x234: {  	v0 =	vld.idx.msk [tilespmem:v0+s2+$0x0], $0xffff;
	_ =	sdelay $0x4  }
0x235: {  	[tilespmem:v1+s8+$0x0] =	vst.idx.add.f32.msk $0xffff, v0  }
0x236: {  	v0 =	vld [tilespmem:s13+$0xFFFFFEC0];
	_ =	sdelay $0x4  }
0x237: {  	v1 =	vld [tilespmem:s12+$0xFFFFFEC0];
	_ =	sdelay $0x2  }
0x238: {  	v0 =	vld.idx.msk [tilespmem:v0+s2+$0x0], $0xffff;
	_ =	sdelay $0x4  }
0x239: {  	[tilespmem:v1+s8+$0x0] =	vst.idx.add.f32.msk $0xffff, v0  }
0x23a: {  	v0 =	vld [tilespmem:s13+$0xFFFFFED0];
	_ =	sdelay $0x4  }
0x23b: {  	v1 =	vld [tilespmem:s12+$0xFFFFFED0];
	_ =	sdelay $0x2  }
0x23c: {  	v0 =	vld.idx.msk [tilespmem:v0+s2+$0x0], $0xffff;
	_ =	sdelay $0x4  }
0x23d: {  	[tilespmem:v1+s8+$0x0] =	vst.idx.add.f32.msk $0xffff, v0  }
0x23e: {  	v0 =	vld [tilespmem:s13+$0xFFFFFEE0];
	_ =	sdelay $0x4  }
0x23f: {  	v1 =	vld [tilespmem:s12+$0xFFFFFEE0];
	_ =	sdelay $0x2  }
0x240: {  	v0 =	vld.idx.msk [tilespmem:v0+s2+$0x0], $0xffff;
	_ =	sdelay $0x4  }
0x241: {  	s15 =	sand.u32 $0x7FE0, s14;
	[tilespmem:v1+s8+$0x0] =	vst.idx.add.f32.msk $0xffff, v0  }
0x242: {  	v0 =	vld [tilespmem:s15+$0x80];
	_ =	sdelay $0x4  }
0x243: {  	v1 =	vld [tilespmem:s15+$0x4F00];
	_ =	sdelay $0x2  }
0x244: {  	v0 =	vld.idx.msk [tilespmem:v0+s2+$0x0], $0xffff;
	_ =	sdelay $0x4  }
0x245: {  	[tilespmem:v1+s8+$0x0] =	vst.idx.add.f32.msk $0xffff, v0  }
0x246: {  	v0 =	vld [tilespmem:s13+$0xFFFFFF00];
	_ =	sdelay $0x4  }
0x247: {  	v1 =	vld [tilespmem:s12+$0xFFFFFF00];
	_ =	sdelay $0x2  }
0x248: {  	v0 =	vld.idx.msk [tilespmem:v0+s2+$0x0], $0xffff;
	_ =	sdelay $0x4  }
0x249: {  	[tilespmem:v1+s8+$0x0] =	vst.idx.add.f32.msk $0xffff, v0  }
0x24a: {  	v0 =	vld [tilespmem:s13+$0xFFFFFF10];
	_ =	sdelay $0x4  }
0x24b: {  	v1 =	vld [tilespmem:s12+$0xFFFFFF10];
	_ =	sdelay $0x2  }
0x24c: {  	v0 =	vld.idx.msk [tilespmem:v0+s2+$0x0], $0xffff;
	_ =	sdelay $0x4  }
0x24d: {  	[tilespmem:v1+s8+$0x0] =	vst.idx.add.f32.msk $0xffff, v0  }
0x24e: {  	v0 =	vld [tilespmem:s13+$0xFFFFFF20];
	_ =	sdelay $0x4  }
0x24f: {  	v1 =	vld [tilespmem:s12+$0xFFFFFF20];
	_ =	sdelay $0x2  }
0x250: {  	v0 =	vld.idx.msk [tilespmem:v0+s2+$0x0], $0xffff;
	_ =	sdelay $0x4  }
0x251: {  	[tilespmem:v1+s8+$0x0] =	vst.idx.add.f32.msk $0xffff, v0  }
0x252: {  	v0 =	vld [tilespmem:s13+$0xFFFFFF30];
	_ =	sdelay $0x4  }
0x253: {  	v1 =	vld [tilespmem:s12+$0xFFFFFF30];
	_ =	sdelay $0x2  }
0x254: {  	v0 =	vld.idx.msk [tilespmem:v0+s2+$0x0], $0xffff;
	_ =	sdelay $0x4  }
0x255: {  	[tilespmem:v1+s8+$0x0] =	vst.idx.add.f32.msk $0xffff, v0  }
0x256: {  	v0 =	vld [tilespmem:s13+$0xFFFFFF40];
	_ =	sdelay $0x4  }
0x257: {  	v1 =	vld [tilespmem:s12+$0xFFFFFF40];
	_ =	sdelay $0x2  }
0x258: {  	v0 =	vld.idx.msk [tilespmem:v0+s2+$0x0], $0xffff;
	_ =	sdelay $0x4  }
0x259: {  	[tilespmem:v1+s8+$0x0] =	vst.idx.add.f32.msk $0xffff, v0  }
0x25a: {  	v0 =	vld [tilespmem:s13+$0xFFFFFF50];
	_ =	sdelay $0x4  }
0x25b: {  	v1 =	vld [tilespmem:s12+$0xFFFFFF50];
	_ =	sdelay $0x2  }
0x25c: {  	v0 =	vld.idx.msk [tilespmem:v0+s2+$0x0], $0xffff;
	_ =	sdelay $0x4  }
0x25d: {  	[tilespmem:v1+s8+$0x0] =	vst.idx.add.f32.msk $0xffff, v0  }
0x25e: {  	v0 =	vld [tilespmem:s13+$0xFFFFFF60];
	_ =	sdelay $0x4  }
0x25f: {  	v1 =	vld [tilespmem:s12+$0xFFFFFF60];
	_ =	sdelay $0x2  }
0x260: {  	v0 =	vld.idx.msk [tilespmem:v0+s2+$0x0], $0xffff;
	_ =	sdelay $0x4  }
0x261: {  	[tilespmem:v1+s8+$0x0] =	vst.idx.add.f32.msk $0xffff, v0  }
0x262: {  	v0 =	vld [tilespmem:s15+$0x100];
	_ =	sdelay $0x4  }
0x263: {  	v1 =	vld [tilespmem:s15+$0x4F80];
	_ =	sdelay $0x2  }
0x264: {  	v0 =	vld.idx.msk [tilespmem:v0+s2+$0x0], $0xffff;
	_ =	sdelay $0x4  }
0x265: {  	[tilespmem:v1+s8+$0x0] =	vst.idx.add.f32.msk $0xffff, v0  }
0x266: {  	v0 =	vld [tilespmem:s13+$0xFFFFFF80];
	_ =	sdelay $0x4  }
0x267: {  	v1 =	vld [tilespmem:s12+$0xFFFFFF80];
	_ =	sdelay $0x2  }
0x268: {  	v0 =	vld.idx.msk [tilespmem:v0+s2+$0x0], $0xffff;
	_ =	sdelay $0x4  }
0x269: {  	[tilespmem:v1+s8+$0x0] =	vst.idx.add.f32.msk $0xffff, v0  }
0x26a: {  	v0 =	vld [tilespmem:s13+$0xFFFFFF90];
	_ =	sdelay $0x4  }
0x26b: {  	v1 =	vld [tilespmem:s12+$0xFFFFFF90];
	_ =	sdelay $0x2  }
0x26c: {  	v0 =	vld.idx.msk [tilespmem:v0+s2+$0x0], $0xffff;
	_ =	sdelay $0x4  }
0x26d: {  	[tilespmem:v1+s8+$0x0] =	vst.idx.add.f32.msk $0xffff, v0  }
0x26e: {  	v0 =	vld [tilespmem:s13+$0xFFFFFFA0];
	_ =	sdelay $0x4  }
0x26f: {  	v1 =	vld [tilespmem:s12+$0xFFFFFFA0];
	_ =	sdelay $0x2  }
0x270: {  	v0 =	vld.idx.msk [tilespmem:v0+s2+$0x0], $0xffff;
	_ =	sdelay $0x4  }
0x271: {  	[tilespmem:v1+s8+$0x0] =	vst.idx.add.f32.msk $0xffff, v0  }
0x272: {  	v0 =	vld [tilespmem:s13+$0xFFFFFFB0];
	_ =	sdelay $0x4  }
0x273: {  	v1 =	vld [tilespmem:s12+$0xFFFFFFB0];
	_ =	sdelay $0x2  }
0x274: {  	v0 =	vld.idx.msk [tilespmem:v0+s2+$0x0], $0xffff;
	_ =	sdelay $0x4  }
0x275: {  	[tilespmem:v1+s8+$0x0] =	vst.idx.add.f32.msk $0xffff, v0  }
0x276: {  	v0 =	vld [tilespmem:s13+$0xFFFFFFC0];
	_ =	sdelay $0x4  }
0x277: {  	v1 =	vld [tilespmem:s12+$0xFFFFFFC0];
	_ =	sdelay $0x2  }
0x278: {  	v0 =	vld.idx.msk [tilespmem:v0+s2+$0x0], $0xffff;
	_ =	sdelay $0x4  }
0x279: {  	[tilespmem:v1+s8+$0x0] =	vst.idx.add.f32.msk $0xffff, v0  }
0x27a: {  	v0 =	vld [tilespmem:s13+$0xFFFFFFD0];
	_ =	sdelay $0x4  }
0x27b: {  	v1 =	vld [tilespmem:s12+$0xFFFFFFD0];
	_ =	sdelay $0x2  }
0x27c: {  	v0 =	vld.idx.msk [tilespmem:v0+s2+$0x0], $0xffff;
	_ =	sdelay $0x4  }
0x27d: {  	[tilespmem:v1+s8+$0x0] =	vst.idx.add.f32.msk $0xffff, v0  }
0x27e: {  	v0 =	vld [tilespmem:s13+$0xFFFFFFE0];
	_ =	sdelay $0x4  }
0x27f: {  	v1 =	vld [tilespmem:s12+$0xFFFFFFE0];
	_ =	sdelay $0x2  }
0x280: {  	v0 =	vld.idx.msk [tilespmem:v0+s2+$0x0], $0xffff;
	_ =	sdelay $0x4  }
0x281: {  	[tilespmem:v1+s8+$0x0] =	vst.idx.add.f32.msk $0xffff, v0  }
0x282: {  	v0 =	vld [tilespmem:s15+$0x180];
	_ =	sdelay $0x4  }
0x283: {  	v1 =	vld [tilespmem:s15+$0x5000];
	_ =	sdelay $0x2  }
0x284: {  	v0 =	vld.idx.msk [tilespmem:v0+s2+$0x0], $0xffff;
	_ =	sdelay $0x4  }
0x285: {  	[tilespmem:v1+s8+$0x0] =	vst.idx.add.f32.msk $0xffff, v0  }
0x286: {  	v0 =	vld [tilespmem:s13+$0x0];
	_ =	sdelay $0x4  }
0x287: {  	v1 =	vld [tilespmem:s12+$0x0];
	_ =	sdelay $0x2  }
0x288: {  	v0 =	vld.idx.msk [tilespmem:v0+s2+$0x0], $0xffff;
	_ =	sdelay $0x4  }
0x289: {  	[tilespmem:v1+s8+$0x0] =	vst.idx.add.f32.msk $0xffff, v0  }
0x28a: {  	v0 =	vld [tilespmem:s13+$0x10];
	_ =	sdelay $0x4  }
0x28b: {  	v1 =	vld [tilespmem:s12+$0x10];
	_ =	sdelay $0x2  }
0x28c: {  	v0 =	vld.idx.msk [tilespmem:v0+s2+$0x0], $0xffff;
	_ =	sdelay $0x4  }
0x28d: {  	[tilespmem:v1+s8+$0x0] =	vst.idx.add.f32.msk $0xffff, v0  }
0x28e: {  	v0 =	vld [tilespmem:s13+$0x20];
	_ =	sdelay $0x4  }
0x28f: {  	v1 =	vld [tilespmem:s12+$0x20];
	_ =	sdelay $0x2  }
0x290: {  	v0 =	vld.idx.msk [tilespmem:v0+s2+$0x0], $0xffff;
	_ =	sdelay $0x4  }
0x291: {  	[tilespmem:v1+s8+$0x0] =	vst.idx.add.f32.msk $0xffff, v0  }
0x292: {  	v0 =	vld [tilespmem:s13+$0x30];
	_ =	sdelay $0x4  }
0x293: {  	v1 =	vld [tilespmem:s12+$0x30];
	_ =	sdelay $0x2  }
0x294: {  	v0 =	vld.idx.msk [tilespmem:v0+s2+$0x0], $0xffff;
	_ =	sdelay $0x4  }
0x295: {  	[tilespmem:v1+s8+$0x0] =	vst.idx.add.f32.msk $0xffff, v0  }
0x296: {  	v0 =	vld [tilespmem:s13+$0x40];
	_ =	sdelay $0x4  }
0x297: {  	v1 =	vld [tilespmem:s12+$0x40];
	_ =	sdelay $0x2  }
0x298: {  	v0 =	vld.idx.msk [tilespmem:v0+s2+$0x0], $0xffff;
	_ =	sdelay $0x4  }
0x299: {  	[tilespmem:v1+s8+$0x0] =	vst.idx.add.f32.msk $0xffff, v0  }
0x29a: {  	v0 =	vld [tilespmem:s13+$0x50];
	_ =	sdelay $0x4  }
0x29b: {  	v1 =	vld [tilespmem:s12+$0x50];
	_ =	sdelay $0x2  }
0x29c: {  	v0 =	vld.idx.msk [tilespmem:v0+s2+$0x0], $0xffff;
	_ =	sdelay $0x4  }
0x29d: {  	[tilespmem:v1+s8+$0x0] =	vst.idx.add.f32.msk $0xffff, v0  }
0x29e: {  	v0 =	vld [tilespmem:s13+$0x60];
	_ =	sdelay $0x4  }
0x29f: {  	v1 =	vld [tilespmem:s12+$0x60];
	_ =	sdelay $0x2  }
0x2a0: {  	v0 =	vld.idx.msk [tilespmem:v0+s2+$0x0], $0xffff;
	_ =	sdelay $0x4  }
0x2a1: {  	[tilespmem:v1+s8+$0x0] =	vst.idx.add.f32.msk $0xffff, v0  }
0x2a2: {  	v0 =	vld [tilespmem:s15+$0x200];
	_ =	sdelay $0x4  }
0x2a3: {  	v1 =	vld [tilespmem:s15+$0x5080];
	_ =	sdelay $0x2  }
0x2a4: {  	v0 =	vld.idx.msk [tilespmem:v0+s2+$0x0], $0xffff;
	_ =	sdelay $0x4  }
0x2a5: {  	[tilespmem:v1+s8+$0x0] =	vst.idx.add.f32.msk $0xffff, v0  }
0x2a6: {  	v0 =	vld [tilespmem:s13+$0x80];
	_ =	sdelay $0x4  }
0x2a7: {  	v1 =	vld [tilespmem:s12+$0x80];
	_ =	sdelay $0x2  }
0x2a8: {  	v0 =	vld.idx.msk [tilespmem:v0+s2+$0x0], $0xffff;
	_ =	sdelay $0x4  }
0x2a9: {  	[tilespmem:v1+s8+$0x0] =	vst.idx.add.f32.msk $0xffff, v0  }
0x2aa: {  	v0 =	vld [tilespmem:s13+$0x90];
	_ =	sdelay $0x4  }
0x2ab: {  	v1 =	vld [tilespmem:s12+$0x90];
	_ =	sdelay $0x2  }
0x2ac: {  	v0 =	vld.idx.msk [tilespmem:v0+s2+$0x0], $0xffff;
	_ =	sdelay $0x4  }
0x2ad: {  	[tilespmem:v1+s8+$0x0] =	vst.idx.add.f32.msk $0xffff, v0  }
0x2ae: {  	v0 =	vld [tilespmem:s13+$0xA0];
	_ =	sdelay $0x4  }
0x2af: {  	v1 =	vld [tilespmem:s12+$0xA0];
	_ =	sdelay $0x2  }
0x2b0: {  	v0 =	vld.idx.msk [tilespmem:v0+s2+$0x0], $0xffff;
	_ =	sdelay $0x4  }
0x2b1: {  	[tilespmem:v1+s8+$0x0] =	vst.idx.add.f32.msk $0xffff, v0  }
0x2b2: {  	v0 =	vld [tilespmem:s13+$0xB0];
	_ =	sdelay $0x4  }
0x2b3: {  	v1 =	vld [tilespmem:s12+$0xB0];
	_ =	sdelay $0x2  }
0x2b4: {  	v0 =	vld.idx.msk [tilespmem:v0+s2+$0x0], $0xffff;
	_ =	sdelay $0x4  }
0x2b5: {  	[tilespmem:v1+s8+$0x0] =	vst.idx.add.f32.msk $0xffff, v0  }
0x2b6: {  	v0 =	vld [tilespmem:s13+$0xC0];
	_ =	sdelay $0x4  }
0x2b7: {  	v1 =	vld [tilespmem:s12+$0xC0];
	_ =	sdelay $0x2  }
0x2b8: {  	v0 =	vld.idx.msk [tilespmem:v0+s2+$0x0], $0xffff;
	_ =	sdelay $0x4  }
0x2b9: {  	[tilespmem:v1+s8+$0x0] =	vst.idx.add.f32.msk $0xffff, v0  }
0x2ba: {  	v0 =	vld [tilespmem:s13+$0xD0];
	_ =	sdelay $0x4  }
0x2bb: {  	v1 =	vld [tilespmem:s12+$0xD0];
	_ =	sdelay $0x2  }
0x2bc: {  	v0 =	vld.idx.msk [tilespmem:v0+s2+$0x0], $0xffff;
	_ =	sdelay $0x4  }
0x2bd: {  	[tilespmem:v1+s8+$0x0] =	vst.idx.add.f32.msk $0xffff, v0  }
0x2be: {  	v0 =	vld [tilespmem:s13+$0xE0];
	_ =	sdelay $0x4  }
0x2bf: {  	v1 =	vld [tilespmem:s12+$0xE0];
	_ =	sdelay $0x2  }
0x2c0: {  	v0 =	vld.idx.msk [tilespmem:v0+s2+$0x0], $0xffff;
	_ =	sdelay $0x4  }
0x2c1: {  	[tilespmem:v1+s8+$0x0] =	vst.idx.add.f32.msk $0xffff, v0  }
0x2c2: {  	v0 =	vld [tilespmem:s15+$0x280];
	_ =	sdelay $0x4  }
0x2c3: {  	v1 =	vld [tilespmem:s15+$0x5100];
	_ =	sdelay $0x2  }
0x2c4: {  	v0 =	vld.idx.msk [tilespmem:v0+s2+$0x0], $0xffff;
	_ =	sdelay $0x4  }
0x2c5: {  	[tilespmem:v1+s8+$0x0] =	vst.idx.add.f32.msk $0xffff, v0  }
0x2c6: {  	v0 =	vld [tilespmem:s13+$0x100];
	_ =	sdelay $0x4  }
0x2c7: {  	v1 =	vld [tilespmem:s12+$0x100];
	_ =	sdelay $0x2  }
0x2c8: {  	v0 =	vld.idx.msk [tilespmem:v0+s2+$0x0], $0xffff;
	_ =	sdelay $0x4  }
0x2c9: {  	[tilespmem:v1+s8+$0x0] =	vst.idx.add.f32.msk $0xffff, v0  }
0x2ca: {  	v0 =	vld [tilespmem:s13+$0x110];
	_ =	sdelay $0x4  }
0x2cb: {  	v1 =	vld [tilespmem:s12+$0x110];
	_ =	sdelay $0x2  }
0x2cc: {  	v0 =	vld.idx.msk [tilespmem:v0+s2+$0x0], $0xffff;
	_ =	sdelay $0x4  }
0x2cd: {  	[tilespmem:v1+s8+$0x0] =	vst.idx.add.f32.msk $0xffff, v0  }
0x2ce: {  	v0 =	vld [tilespmem:s13+$0x120];
	_ =	sdelay $0x4  }
0x2cf: {  	v1 =	vld [tilespmem:s12+$0x120];
	_ =	sdelay $0x2  }
0x2d0: {  	v0 =	vld.idx.msk [tilespmem:v0+s2+$0x0], $0xffff;
	_ =	sdelay $0x4  }
0x2d1: {  	[tilespmem:v1+s8+$0x0] =	vst.idx.add.f32.msk $0xffff, v0  }
0x2d2: {  	v0 =	vld [tilespmem:s13+$0x130];
	_ =	sdelay $0x4  }
0x2d3: {  	v1 =	vld [tilespmem:s12+$0x130];
	_ =	sdelay $0x2  }
0x2d4: {  	v0 =	vld.idx.msk [tilespmem:v0+s2+$0x0], $0xffff;
	_ =	sdelay $0x4  }
0x2d5: {  	[tilespmem:v1+s8+$0x0] =	vst.idx.add.f32.msk $0xffff, v0  }
0x2d6: {  	v0 =	vld [tilespmem:s13+$0x140];
	_ =	sdelay $0x4  }
0x2d7: {  	v1 =	vld [tilespmem:s12+$0x140];
	_ =	sdelay $0x2  }
0x2d8: {  	v0 =	vld.idx.msk [tilespmem:v0+s2+$0x0], $0xffff;
	_ =	sdelay $0x4  }
0x2d9: {  	[tilespmem:v1+s8+$0x0] =	vst.idx.add.f32.msk $0xffff, v0  }
0x2da: {  	v0 =	vld [tilespmem:s13+$0x150];
	_ =	sdelay $0x4  }
0x2db: {  	v1 =	vld [tilespmem:s12+$0x150];
	_ =	sdelay $0x2  }
0x2dc: {  	v0 =	vld.idx.msk [tilespmem:v0+s2+$0x0], $0xffff;
	_ =	sdelay $0x4  }
0x2dd: {  	[tilespmem:v1+s8+$0x0] =	vst.idx.add.f32.msk $0xffff, v0  }
0x2de: {  	v0 =	vld [tilespmem:s13+$0x160];
	_ =	sdelay $0x4  }
0x2df: {  	v1 =	vld [tilespmem:s12+$0x160];
	_ =	sdelay $0x2  }
0x2e0: {  	v0 =	vld.idx.msk [tilespmem:v0+s2+$0x0], $0xffff;
	_ =	sdelay $0x4  }
0x2e1: {  	[tilespmem:v1+s8+$0x0] =	vst.idx.add.f32.msk $0xffff, v0  }
0x2e2: {  	v0 =	vld [tilespmem:s15+$0x300];
	_ =	sdelay $0x4  }
0x2e3: {  	v1 =	vld [tilespmem:s15+$0x5180];
	_ =	sdelay $0x2  }
0x2e4: {  	v0 =	vld.idx.msk [tilespmem:v0+s2+$0x0], $0xffff;
	_ =	sdelay $0x4  }
0x2e5: {  	[tilespmem:v1+s8+$0x0] =	vst.idx.add.f32.msk $0xffff, v0  }
0x2e6: {  	v0 =	vld [tilespmem:s13+$0x180];
	_ =	sdelay $0x4  }
0x2e7: {  	v1 =	vld [tilespmem:s12+$0x180];
	_ =	sdelay $0x2  }
0x2e8: {  	p0 =	sne.s32 s14, $0x4B00;
	v0 =	vld.idx.msk [tilespmem:v0+s2+$0x0], $0xffff  }
.Ltmp3:
0x2e9: {  	_ = 	snop;
	(pc) =	sbr.rel @p0 .LBB2_8-.Ltmp3, $2  }
0x2ea: {  	_ =	sdelay $0x2  }
0x2eb: {  	s14 =	sadd.s32 $0x320, s14;
	s12 =	sadd.s32 $0x320, s12;
	s13 =	sadd.s32 $0x320, s13;
	[tilespmem:v1+s8+$0x0] =	vst.idx.add.f32.msk $0xffff, v0  }
0x2ec: {  	s12 =	rddreg [dreg:$0x8];
	s13 =	simm.s32 $0x400  }
0x2ed: {  	[spmem:s12] =	stream.strided.scatter [tilespmem:s8], [sflag:$0x3], $0x2800, s13, s7, $0x38;
	[tilespmem:$0x154A0] =	vst v63  }
0x2ee: {  	_ =	swait.ge [sflag:s0], $0x2800  }
0x2ef: {  	[sflag:s0] =	ssyncset.done $0x0  }
0x2f0: {  	[sflag:s0] =	ssyncadd.s32 $0xFFFFD800  }
0x2f1: {  	[bflag:$0x0] =	sbarrier.arrive $0xFFFF  }
0x2f2: {  	s14 =	rddreg [dreg:$0x2]  }
0x2f3: {  	[tilespmem:s8], [sflag:$0x2] =	stream.linear.gather [spmem:s14], $0x2800, $0x38;
	[tilespmem:$0x154A0] =	vst v63  }
0x2f4: {  	s15 =	simm.s32 $0xF480;
	s16 =	rddreg [dreg:$0x9]  }
0x2f5: {  	[tilespmem:s15], [sflag:$0x1] =	stream.linear.gather [spmem:s9], $0x80, $0x38;
	[tilespmem:$0x154A0] =	vst v63  }
0x2f6: {  	s17 =	simm.s32 $0xF880;
	s18 =	rddreg [dreg:$0xa]  }
0x2f7: {  	[tilespmem:s17], [sflag:$0x1] =	stream.linear.gather [spmem:s16], $0x80, $0x38;
	[tilespmem:$0x154A0] =	vst v63  }
0x2f8: {  	s19 =	simm.s32 $0xFC80;
	s14 =	rddreg [dreg:$0xb]  }
0x2f9: {  	[tilespmem:s19], [sflag:$0x1] =	stream.linear.gather [spmem:s18], $0x80, $0x38;
	[tilespmem:$0x154A0] =	vst v63  }
0x2fa: {  	s15 =	simm.s32 $0x10080;
	s16 =	rddreg [dreg:$0xc]  }
0x2fb: {  	[tilespmem:s15], [sflag:$0x1] =	stream.linear.gather [spmem:s14], $0x80, $0x38;
	[tilespmem:$0x154A0] =	vst v63  }
0x2fc: {  	s17 =	simm.s32 $0x10480;
	s18 =	rddreg [dreg:$0xd]  }
0x2fd: {  	[tilespmem:s17], [sflag:$0x1] =	stream.linear.gather [spmem:s16], $0x80, $0x38;
	[tilespmem:$0x154A0] =	vst v63  }
0x2fe: {  	s19 =	simm.s32 $0xF500;
	s14 =	rddreg [dreg:$0xe]  }
0x2ff: {  	[tilespmem:s19], [sflag:$0x1] =	stream.linear.gather [spmem:s18], $0x80, $0x38;
	[tilespmem:$0x154A0] =	vst v63  }
0x300: {  	s15 =	simm.s32 $0xF900;
	s16 =	rddreg [dreg:$0xf]  }
0x301: {  	[tilespmem:s15], [sflag:$0x1] =	stream.linear.gather [spmem:s14], $0x80, $0x38;
	[tilespmem:$0x154A0] =	vst v63  }
0x302: {  	s17 =	simm.s32 $0xFD00;
	s18 =	rddreg [dreg:$0x10]  }
0x303: {  	[tilespmem:s17], [sflag:$0x1] =	stream.linear.gather [spmem:s16], $0x80, $0x38;
	[tilespmem:$0x154A0] =	vst v63  }
0x304: {  	s19 =	simm.s32 $0x10100;
	s14 =	rddreg [dreg:$0x11]  }
0x305: {  	[tilespmem:s19], [sflag:$0x1] =	stream.linear.gather [spmem:s18], $0x80, $0x38;
	[tilespmem:$0x154A0] =	vst v63  }
0x306: {  	s15 =	simm.s32 $0x10500;
	s16 =	rddreg [dreg:$0x12]  }
0x307: {  	[tilespmem:s15], [sflag:$0x1] =	stream.linear.gather [spmem:s14], $0x80, $0x38;
	[tilespmem:$0x154A0] =	vst v63  }
0x308: {  	s17 =	simm.s32 $0xF580;
	s18 =	rddreg [dreg:$0x13]  }
0x309: {  	[tilespmem:s17], [sflag:$0x1] =	stream.linear.gather [spmem:s16], $0x80, $0x38;
	[tilespmem:$0x154A0] =	vst v63  }
0x30a: {  	s19 =	simm.s32 $0xF980;
	s14 =	rddreg [dreg:$0x14]  }
0x30b: {  	[tilespmem:s19], [sflag:$0x1] =	stream.linear.gather [spmem:s18], $0x80, $0x38;
	[tilespmem:$0x154A0] =	vst v63  }
0x30c: {  	s15 =	simm.s32 $0xFD80;
	s16 =	rddreg [dreg:$0x15]  }
0x30d: {  	[tilespmem:s15], [sflag:$0x1] =	stream.linear.gather [spmem:s14], $0x80, $0x38;
	[tilespmem:$0x154A0] =	vst v63  }
0x30e: {  	s17 =	simm.s32 $0x10180;
	s18 =	rddreg [dreg:$0x16]  }
0x30f: {  	[tilespmem:s17], [sflag:$0x1] =	stream.linear.gather [spmem:s16], $0x80, $0x38;
	[tilespmem:$0x154A0] =	vst v63  }
0x310: {  	s19 =	simm.s32 $0x10580;
	s14 =	rddreg [dreg:$0x17]  }
0x311: {  	[tilespmem:s19], [sflag:$0x1] =	stream.linear.gather [spmem:s18], $0x80, $0x38;
	[tilespmem:$0x154A0] =	vst v63  }
0x312: {  	s15 =	simm.s32 $0xF600;
	s16 =	rddreg [dreg:$0x18]  }
0x313: {  	[tilespmem:s15], [sflag:$0x1] =	stream.linear.gather [spmem:s14], $0x80, $0x38;
	[tilespmem:$0x154A0] =	vst v63  }
0x314: {  	s17 =	simm.s32 $0xFA00;
	s18 =	rddreg [dreg:$0x19]  }
0x315: {  	[tilespmem:s17], [sflag:$0x1] =	stream.linear.gather [spmem:s16], $0x80, $0x38;
	[tilespmem:$0x154A0] =	vst v63  }
0x316: {  	s19 =	simm.s32 $0xFE00;
	s14 =	rddreg [dreg:$0x1a]  }
0x317: {  	[tilespmem:s19], [sflag:$0x1] =	stream.linear.gather [spmem:s18], $0x80, $0x38;
	[tilespmem:$0x154A0] =	vst v63  }
0x318: {  	s15 =	simm.s32 $0x10200;
	s16 =	rddreg [dreg:$0x1b]  }
0x319: {  	[tilespmem:s15], [sflag:$0x1] =	stream.linear.gather [spmem:s14], $0x80, $0x38;
	[tilespmem:$0x154A0] =	vst v63  }
0x31a: {  	s17 =	simm.s32 $0x10600;
	s18 =	rddreg [dreg:$0x1c]  }
0x31b: {  	[tilespmem:s17], [sflag:$0x1] =	stream.linear.gather [spmem:s16], $0x80, $0x38;
	[tilespmem:$0x154A0] =	vst v63  }
0x31c: {  	s19 =	simm.s32 $0xF680;
	s14 =	rddreg [dreg:$0x1d]  }
0x31d: {  	[tilespmem:s19], [sflag:$0x1] =	stream.linear.gather [spmem:s18], $0x80, $0x38;
	[tilespmem:$0x154A0] =	vst v63  }
0x31e: {  	s15 =	simm.s32 $0xFA80;
	s16 =	rddreg [dreg:$0x1e]  }
0x31f: {  	[tilespmem:s15], [sflag:$0x1] =	stream.linear.gather [spmem:s14], $0x80, $0x38;
	[tilespmem:$0x154A0] =	vst v63  }
0x320: {  	s17 =	simm.s32 $0xFE80;
	s18 =	rddreg [dreg:$0x1f]  }
0x321: {  	[tilespmem:s17], [sflag:$0x1] =	stream.linear.gather [spmem:s16], $0x80, $0x38;
	[tilespmem:$0x154A0] =	vst v63  }
0x322: {  	s19 =	simm.s32 $0x10280;
	s14 =	sld [smem:$0x7D1]  }
0x323: {  	[tilespmem:s19], [sflag:$0x1] =	stream.linear.gather [spmem:s18], $0x80, $0x38;
	[tilespmem:$0x154A0] =	vst v63  }
0x324: {  	s15 =	simm.s32 $0x10680;
	s16 =	sld [smem:$0x7D2]  }
0x325: {  	[tilespmem:s15], [sflag:$0x1] =	stream.linear.gather [spmem:s14], $0x80, $0x38;
	[tilespmem:$0x154A0] =	vst v63  }
0x326: {  	s17 =	simm.s32 $0xF700;
	s18 =	sld [smem:$0x7D3]  }
0x327: {  	[tilespmem:s17], [sflag:$0x1] =	stream.linear.gather [spmem:s16], $0x80, $0x38;
	[tilespmem:$0x154A0] =	vst v63  }
0x328: {  	s19 =	simm.s32 $0xFB00;
	s14 =	sld [smem:$0x7D4]  }
0x329: {  	[tilespmem:s19], [sflag:$0x1] =	stream.linear.gather [spmem:s18], $0x80, $0x38;
	[tilespmem:$0x154A0] =	vst v63  }
0x32a: {  	s15 =	simm.s32 $0xFF00;
	s16 =	sld [smem:$0x7D5]  }
0x32b: {  	[tilespmem:s15], [sflag:$0x1] =	stream.linear.gather [spmem:s14], $0x80, $0x38;
	[tilespmem:$0x154A0] =	vst v63  }
0x32c: {  	s17 =	simm.s32 $0x10300;
	s18 =	sld [smem:$0x7D6]  }
0x32d: {  	[tilespmem:s17], [sflag:$0x1] =	stream.linear.gather [spmem:s16], $0x80, $0x38;
	[tilespmem:$0x154A0] =	vst v63  }
0x32e: {  	s19 =	simm.s32 $0x10700;
	s14 =	sld [smem:$0x7D7]  }
0x32f: {  	[tilespmem:s19], [sflag:$0x1] =	stream.linear.gather [spmem:s18], $0x80, $0x38;
	[tilespmem:$0x154A0] =	vst v63  }
0x330: {  	s15 =	simm.s32 $0xF780;
	s16 =	sld [smem:$0x7D8]  }
0x331: {  	[tilespmem:s15], [sflag:$0x1] =	stream.linear.gather [spmem:s14], $0x80, $0x38;
	[tilespmem:$0x154A0] =	vst v63  }
0x332: {  	s17 =	simm.s32 $0xFB80;
	s18 =	sld [smem:$0x7D9]  }
0x333: {  	[tilespmem:s17], [sflag:$0x1] =	stream.linear.gather [spmem:s16], $0x80, $0x38;
	[tilespmem:$0x154A0] =	vst v63  }
0x334: {  	s19 =	simm.s32 $0xFF80;
	s14 =	sld [smem:$0x7DA]  }
0x335: {  	[tilespmem:s19], [sflag:$0x1] =	stream.linear.gather [spmem:s18], $0x80, $0x38;
	[tilespmem:$0x154A0] =	vst v63  }
0x336: {  	s15 =	simm.s32 $0x10380;
	s16 =	sld [smem:$0x7DB]  }
0x337: {  	[tilespmem:s15], [sflag:$0x1] =	stream.linear.gather [spmem:s14], $0x80, $0x38;
	[tilespmem:$0x154A0] =	vst v63  }
0x338: {  	s17 =	simm.s32 $0x10780;
	s18 =	sld [smem:$0x7DC]  }
0x339: {  	[tilespmem:s17], [sflag:$0x1] =	stream.linear.gather [spmem:s16], $0x80, $0x38;
	[tilespmem:$0x154A0] =	vst v63  }
0x33a: {  	s19 =	simm.s32 $0xF800;
	s14 =	sld [smem:$0x7DD]  }
0x33b: {  	[tilespmem:s19], [sflag:$0x1] =	stream.linear.gather [spmem:s18], $0x80, $0x38;
	[tilespmem:$0x154A0] =	vst v63  }
0x33c: {  	s15 =	simm.s32 $0xFC00;
	s16 =	sld [smem:$0x7DE]  }
0x33d: {  	[tilespmem:s15], [sflag:$0x1] =	stream.linear.gather [spmem:s14], $0x80, $0x38;
	[tilespmem:$0x154A0] =	vst v63  }
0x33e: {  	s17 =	simm.s32 $0x10000;
	s18 =	sld [smem:$0x7DF]  }
0x33f: {  	[tilespmem:s17], [sflag:$0x1] =	stream.linear.gather [spmem:s16], $0x80, $0x38;
	[tilespmem:$0x154A0] =	vst v63  }
0x340: {  	s19 =	simm.s32 $0x10400;
	s14 =	sld [smem:$0x7E0]  }
0x341: {  	[tilespmem:s19], [sflag:$0x1] =	stream.linear.gather [spmem:s18], $0x80, $0x38;
	[tilespmem:$0x154A0] =	vst v63  }
0x342: {  	s15 =	simm.s32 $0x10800;
	s16 =	sld [smem:$0x7E1]  }
0x343: {  	[tilespmem:s15], [sflag:$0x1] =	stream.linear.gather [spmem:s14], $0x80, $0x38;
	[tilespmem:$0x154A0] =	vst v63  }
0x344: {  	s17 =	simm.s32 $0x10880;
	s18 =	sld [smem:$0x7E2]  }
0x345: {  	[tilespmem:s17], [sflag:$0x1] =	stream.linear.gather [spmem:s16], $0x80, $0x38;
	[tilespmem:$0x154A0] =	vst v63  }
0x346: {  	s19 =	simm.s32 $0x10C80;
	s14 =	sld [smem:$0x7E3]  }
0x347: {  	[tilespmem:s19], [sflag:$0x1] =	stream.linear.gather [spmem:s18], $0x80, $0x38;
	[tilespmem:$0x154A0] =	vst v63  }
0x348: {  	s15 =	simm.s32 $0x11080;
	s16 =	sld [smem:$0x7E4]  }
0x349: {  	[tilespmem:s15], [sflag:$0x1] =	stream.linear.gather [spmem:s14], $0x80, $0x38;
	[tilespmem:$0x154A0] =	vst v63  }
0x34a: {  	s17 =	simm.s32 $0x11480;
	s18 =	sld [smem:$0x7E5]  }
0x34b: {  	[tilespmem:s17], [sflag:$0x1] =	stream.linear.gather [spmem:s16], $0x80, $0x38;
	[tilespmem:$0x154A0] =	vst v63  }
0x34c: {  	s19 =	simm.s32 $0x11880;
	s14 =	sld [smem:$0x7E6]  }
0x34d: {  	[tilespmem:s19], [sflag:$0x1] =	stream.linear.gather [spmem:s18], $0x80, $0x38;
	[tilespmem:$0x154A0] =	vst v63  }
0x34e: {  	s15 =	simm.s32 $0x10900;
	s16 =	sld [smem:$0x7E7]  }
0x34f: {  	[tilespmem:s15], [sflag:$0x1] =	stream.linear.gather [spmem:s14], $0x80, $0x38;
	[tilespmem:$0x154A0] =	vst v63  }
0x350: {  	s17 =	simm.s32 $0x10D00;
	s18 =	sld [smem:$0x7E8]  }
0x351: {  	[tilespmem:s17], [sflag:$0x1] =	stream.linear.gather [spmem:s16], $0x80, $0x38;
	[tilespmem:$0x154A0] =	vst v63  }
0x352: {  	s19 =	simm.s32 $0x11100;
	s14 =	sld [smem:$0x7E9]  }
0x353: {  	[tilespmem:s19], [sflag:$0x1] =	stream.linear.gather [spmem:s18], $0x80, $0x38;
	[tilespmem:$0x154A0] =	vst v63  }
0x354: {  	s15 =	simm.s32 $0x11500;
	s16 =	sld [smem:$0x7EA]  }
0x355: {  	[tilespmem:s15], [sflag:$0x1] =	stream.linear.gather [spmem:s14], $0x80, $0x38;
	[tilespmem:$0x154A0] =	vst v63  }
0x356: {  	s17 =	simm.s32 $0x11900;
	s18 =	sld [smem:$0x7EB]  }
0x357: {  	[tilespmem:s17], [sflag:$0x1] =	stream.linear.gather [spmem:s16], $0x80, $0x38;
	[tilespmem:$0x154A0] =	vst v63  }
0x358: {  	s19 =	simm.s32 $0x10980;
	s14 =	sld [smem:$0x7EC]  }
0x359: {  	[tilespmem:s19], [sflag:$0x1] =	stream.linear.gather [spmem:s18], $0x80, $0x38;
	[tilespmem:$0x154A0] =	vst v63  }
0x35a: {  	s15 =	simm.s32 $0x10D80;
	s16 =	sld [smem:$0x7ED]  }
0x35b: {  	[tilespmem:s15], [sflag:$0x1] =	stream.linear.gather [spmem:s14], $0x80, $0x38;
	[tilespmem:$0x154A0] =	vst v63  }
0x35c: {  	s17 =	simm.s32 $0x11180;
	s18 =	sld [smem:$0x7EE]  }
0x35d: {  	[tilespmem:s17], [sflag:$0x1] =	stream.linear.gather [spmem:s16], $0x80, $0x38;
	[tilespmem:$0x154A0] =	vst v63  }
0x35e: {  	s19 =	simm.s32 $0x11580;
	s14 =	sld [smem:$0x7EF]  }
0x35f: {  	[tilespmem:s19], [sflag:$0x1] =	stream.linear.gather [spmem:s18], $0x80, $0x38;
	[tilespmem:$0x154A0] =	vst v63  }
0x360: {  	s15 =	simm.s32 $0x11980;
	s16 =	sld [smem:$0x7F0]  }
0x361: {  	[tilespmem:s15], [sflag:$0x1] =	stream.linear.gather [spmem:s14], $0x80, $0x38;
	[tilespmem:$0x154A0] =	vst v63  }
0x362: {  	s17 =	simm.s32 $0x10A00;
	s18 =	sld [smem:$0x7F1]  }
0x363: {  	[tilespmem:s17], [sflag:$0x1] =	stream.linear.gather [spmem:s16], $0x80, $0x38;
	[tilespmem:$0x154A0] =	vst v63  }
0x364: {  	s19 =	simm.s32 $0x10E00;
	s14 =	sld [smem:$0x7F2]  }
0x365: {  	[tilespmem:s19], [sflag:$0x1] =	stream.linear.gather [spmem:s18], $0x80, $0x38;
	[tilespmem:$0x154A0] =	vst v63  }
0x366: {  	s15 =	simm.s32 $0x11200;
	s16 =	sld [smem:$0x7F3]  }
0x367: {  	[tilespmem:s15], [sflag:$0x1] =	stream.linear.gather [spmem:s14], $0x80, $0x38;
	[tilespmem:$0x154A0] =	vst v63  }
0x368: {  	s17 =	simm.s32 $0x11600;
	s18 =	sld [smem:$0x7F4]  }
0x369: {  	[tilespmem:s17], [sflag:$0x1] =	stream.linear.gather [spmem:s16], $0x80, $0x38;
	[tilespmem:$0x154A0] =	vst v63  }
0x36a: {  	s19 =	simm.s32 $0x11A00;
	s14 =	sld [smem:$0x7F5]  }
0x36b: {  	[tilespmem:s19], [sflag:$0x1] =	stream.linear.gather [spmem:s18], $0x80, $0x38;
	[tilespmem:$0x154A0] =	vst v63  }
0x36c: {  	s15 =	simm.s32 $0x10A80;
	s16 =	sld [smem:$0x7F6]  }
0x36d: {  	[tilespmem:s15], [sflag:$0x1] =	stream.linear.gather [spmem:s14], $0x80, $0x38;
	[tilespmem:$0x154A0] =	vst v63  }
0x36e: {  	s17 =	simm.s32 $0x10E80;
	s18 =	sld [smem:$0x7F7]  }
0x36f: {  	[tilespmem:s17], [sflag:$0x1] =	stream.linear.gather [spmem:s16], $0x80, $0x38;
	[tilespmem:$0x154A0] =	vst v63  }
0x370: {  	s19 =	simm.s32 $0x11280;
	s14 =	sld [smem:$0x7F8]  }
0x371: {  	[tilespmem:s19], [sflag:$0x1] =	stream.linear.gather [spmem:s18], $0x80, $0x38;
	[tilespmem:$0x154A0] =	vst v63  }
0x372: {  	s15 =	simm.s32 $0x11680;
	s16 =	sld [smem:$0x7F9]  }
0x373: {  	[tilespmem:s15], [sflag:$0x1] =	stream.linear.gather [spmem:s14], $0x80, $0x38;
	[tilespmem:$0x154A0] =	vst v63  }
0x374: {  	s17 =	simm.s32 $0x11A80;
	s18 =	sld [smem:$0x7FA]  }
0x375: {  	[tilespmem:s17], [sflag:$0x1] =	stream.linear.gather [spmem:s16], $0x80, $0x38;
	[tilespmem:$0x154A0] =	vst v63  }
0x376: {  	s19 =	simm.s32 $0x10B00;
	s14 =	sld [smem:$0x7FB]  }
0x377: {  	[tilespmem:s19], [sflag:$0x1] =	stream.linear.gather [spmem:s18], $0x80, $0x38;
	[tilespmem:$0x154A0] =	vst v63  }
0x378: {  	s15 =	simm.s32 $0x10F00;
	s16 =	sld [smem:$0x7FC]  }
0x379: {  	[tilespmem:s15], [sflag:$0x1] =	stream.linear.gather [spmem:s14], $0x80, $0x38;
	[tilespmem:$0x154A0] =	vst v63  }
0x37a: {  	s17 =	simm.s32 $0x11300;
	s18 =	sld [smem:$0x7FD]  }
0x37b: {  	[tilespmem:s17], [sflag:$0x1] =	stream.linear.gather [spmem:s16], $0x80, $0x38;
	[tilespmem:$0x154A0] =	vst v63  }
0x37c: {  	s19 =	simm.s32 $0x11700  }
0x37d: {  	[tilespmem:s19], [sflag:$0x1] =	stream.linear.gather [spmem:s18], $0x80, $0x38;
	[tilespmem:$0x154A0] =	vst v63  }
0x37e: {  	s13 =	simm.s32 $0x11B00  }
0x37f: {  	[tilespmem:s13], [sflag:$0x1] =	stream.linear.gather [spmem:s20], $0x80, $0x38;
	[tilespmem:$0x154A0] =	vst v63  }
0x380: {  	s14 =	simm.s32 $0x10B80  }
0x381: {  	[tilespmem:s14], [sflag:$0x1] =	stream.linear.gather [spmem:s21], $0x80, $0x38;
	[tilespmem:$0x154A0] =	vst v63  }
0x382: {  	s15 =	simm.s32 $0x10F80  }
0x383: {  	[tilespmem:s15], [sflag:$0x1] =	stream.linear.gather [spmem:s22], $0x80, $0x38;
	[tilespmem:$0x154A0] =	vst v63  }
0x384: {  	s16 =	simm.s32 $0x11380  }
0x385: {  	[tilespmem:s16], [sflag:$0x1] =	stream.linear.gather [spmem:s23], $0x80, $0x38;
	[tilespmem:$0x154A0] =	vst v63  }
0x386: {  	s17 =	simm.s32 $0x11780  }
0x387: {  	[tilespmem:s17], [sflag:$0x1] =	stream.linear.gather [spmem:s24], $0x80, $0x38;
	[tilespmem:$0x154A0] =	vst v63  }
0x388: {  	s18 =	simm.s32 $0x11B80  }
0x389: {  	[tilespmem:s18], [sflag:$0x1] =	stream.linear.gather [spmem:s25], $0x80, $0x38;
	[tilespmem:$0x154A0] =	vst v63  }
0x38a: {  	s19 =	simm.s32 $0x10C00  }
0x38b: {  	[tilespmem:s19], [sflag:$0x1] =	stream.linear.gather [spmem:s26], $0x80, $0x38;
	[tilespmem:$0x154A0] =	vst v63  }
0x38c: {  	s13 =	simm.s32 $0x11000  }
0x38d: {  	[tilespmem:s13], [sflag:$0x1] =	stream.linear.gather [spmem:s28], $0x80, $0x38;
	[tilespmem:$0x154A0] =	vst v63  }
0x38e: {  	s14 =	simm.s32 $0x11400  }
0x38f: {  	[tilespmem:s14], [sflag:$0x1] =	stream.linear.gather [spmem:s29], $0x80, $0x38;
	[tilespmem:$0x154A0] =	vst v63  }
0x390: {  	s15 =	simm.s32 $0x11800  }
0x391: {  	[tilespmem:s15], [sflag:$0x1] =	stream.linear.gather [spmem:s30], $0x80, $0x38;
	[tilespmem:$0x154A0] =	vst v63  }
0x392: {  	s16 =	simm.s32 $0x11C00  }
0x393: {  	[tilespmem:s16], [sflag:$0x1] =	stream.linear.gather [spmem:s31], $0x80, $0x38;
	[tilespmem:$0x154A0] =	vst v63  }
0x394: {  	_ =	swait.ge [sflag:s11], $0x280  }
0x395: {  	[sflag:s11] =	ssyncset.done $0x0  }
0x396: {  	[sflag:s11] =	ssyncadd.s32 $0xFFFFFD80  }
0x397: {  	_ =	swait.ge [sflag:s11], $0x280  }
0x398: {  	[sflag:s11] =	ssyncset.done $0x0  }
0x399: {  	[sflag:s11] =	ssyncadd.s32 $0xFFFFFD80  }
0x39a: {  	_ =	swait.ge [sflag:s11], $0x280  }
0x39b: {  	[sflag:s11] =	ssyncset.done $0x0  }
0x39c: {  	[sflag:s11] =	ssyncadd.s32 $0xFFFFFD80  }
0x39d: {  	_ =	swait.ge [sflag:s11], $0x280  }
0x39e: {  	[sflag:s11] =	ssyncset.done $0x0  }
0x39f: {  	[sflag:s11] =	ssyncadd.s32 $0xFFFFFD80  }
0x3a0: {  	_ =	swait.ge [sflag:s11], $0x280  }
0x3a1: {  	[sflag:s11] =	ssyncset.done $0x0  }
0x3a2: {  	[sflag:s11] =	ssyncadd.s32 $0xFFFFFD80  }
0x3a3: {  	_ =	swait.ge [sflag:s11], $0x280  }
0x3a4: {  	[sflag:s11] =	ssyncset.done $0x0  }
0x3a5: {  	[sflag:s11] =	ssyncadd.s32 $0xFFFFFD80  }
0x3a6: {  	_ =	swait.ge [sflag:s11], $0x280  }
0x3a7: {  	[sflag:s11] =	ssyncset.done $0x0  }
0x3a8: {  	[sflag:s11] =	ssyncadd.s32 $0xFFFFFD80  }
0x3a9: {  	_ =	swait.ge [sflag:s11], $0x280  }
0x3aa: {  	[sflag:s11] =	ssyncset.done $0x0  }
0x3ab: {  	[sflag:s11] =	ssyncadd.s32 $0xFFFFFD80  }
0x3ac: {  	_ =	swait.ge [sflag:s11], $0x280  }
0x3ad: {  	[sflag:s11] =	ssyncset.done $0x0  }
0x3ae: {  	[sflag:s11] =	ssyncadd.s32 $0xFFFFFD80  }
0x3af: {  	_ =	swait.ge [sflag:s11], $0x280  }
0x3b0: {  	[sflag:s11] =	ssyncset.done $0x0  }
0x3b1: {  	[sflag:s11] =	ssyncadd.s32 $0xFFFFFD80  }
0x3b2: {  	_ =	swait.ge [sflag:s11], $0x280  }
0x3b3: {  	[sflag:s11] =	ssyncset.done $0x0  }
0x3b4: {  	[sflag:s11] =	ssyncadd.s32 $0xFFFFFD80  }
0x3b5: {  	_ =	swait.ge [sflag:s11], $0x280  }
0x3b6: {  	[sflag:s11] =	ssyncset.done $0x0  }
0x3b7: {  	[sflag:s11] =	ssyncadd.s32 $0xFFFFFD80  }
0x3b8: {  	_ =	swait.ge [sflag:s11], $0x280  }
0x3b9: {  	[sflag:s11] =	ssyncset.done $0x0  }
0x3ba: {  	[sflag:s11] =	ssyncadd.s32 $0xFFFFFD80  }
0x3bb: {  	_ =	swait.ge [sflag:s11], $0x280  }
0x3bc: {  	[sflag:s11] =	ssyncset.done $0x0  }
0x3bd: {  	[sflag:s11] =	ssyncadd.s32 $0xFFFFFD80  }
0x3be: {  	_ =	swait.ge [sflag:s11], $0x280  }
0x3bf: {  	[sflag:s11] =	ssyncset.done $0x0  }
0x3c0: {  	[sflag:s11] =	ssyncadd.s32 $0xFFFFFD80  }
0x3c1: {  	s17 =	simm.s32 $0x0;
	_ =	swait.ge [sflag:s11], $0x280  }
0x3c2: {  	s12 =	sand.u32 $0x1C00, s17;
	s18 =	sand.u32 $0x70, s17;
	[sflag:s11] =	ssyncset.done $0x0  }
0x3c3: {  	s12 =	sor.u32 s18, s12;
	[sflag:s11] =	ssyncadd.s32 $0xFFFFFD80  }
0x3c4: {  	v0 =	vld [tilespmem:s12+$0xF500]  }
0x3c5: {  	v1 =	vld [tilespmem:s12+$0xF480];
	_ =	sdelay $0x1  }
0x3c6: {  	v2 =	vld [tilespmem:s12+$0xF580];
	_ =	sdelay $0x1  }
0x3c7: {  	v3 =	vld [tilespmem:s12+$0xF600]  }
0x3c8: {  	v0 =	vadd.f32 v0, v1  }
0x3c9: {  	v1 =	vld [tilespmem:s12+$0xF680]  }
0x3ca: {  	v0 =	vadd.f32 v2, v0  }
0x3cb: {  	v2 =	vld [tilespmem:s12+$0xF700]  }
0x3cc: {  	v0 =	vadd.f32 v3, v0  }
0x3cd: {  	v3 =	vld [tilespmem:s12+$0xF780]  }
0x3ce: {  	v0 =	vadd.f32 v1, v0  }
0x3cf: {  	v1 =	vld [tilespmem:s12+$0xF800]  }
0x3d0: {  	v0 =	vadd.f32 v2, v0  }
0x3d1: {  	v2 =	vld [tilespmem:s12+$0x10880]  }
0x3d2: {  	v0 =	vadd.f32 v3, v0  }
0x3d3: {  	v3 =	vld [tilespmem:s12+$0x10900]  }
0x3d4: {  	v0 =	vadd.f32 v1, v0  }
0x3d5: {  	v1 =	vld [tilespmem:s12+$0x10980]  }
0x3d6: {  	v0 =	vadd.f32 v2, v0  }
0x3d7: {  	v2 =	vld [tilespmem:s12+$0x10A00]  }
0x3d8: {  	v0 =	vadd.f32 v3, v0  }
0x3d9: {  	v3 =	vld [tilespmem:s12+$0x10A80]  }
0x3da: {  	v0 =	vadd.f32 v1, v0  }
0x3db: {  	v1 =	vld [tilespmem:s12+$0x10B00]  }
0x3dc: {  	s13 =	simm.s32 $0xED00;
	v4 =	vld [tilespmem:s12+$0x10B80];
	v0 =	vadd.f32 v2, v0  }
0x3dd: {  	v5 =	vld [tilespmem:s13+$0x0]  }
0x3de: {  	s14 =	simm.s32 $0xEF80;
	v2 =	vld [tilespmem:s12+$0x10C00];
	v0 =	vadd.f32 v3, v0  }
0x3df: {  	v3 =	vld [tilespmem:s14+$0x0]  }
0x3e0: {  	v0 =	vadd.f32 v1, v0;
	_ =	sdelay $0x1  }
0x3e1: {  	v0 =	vadd.f32 v4, v0;
	_ =	sdelay $0x1  }
0x3e2: {  	v1 =	vmul.f32 v5, v3;
	v0 =	vadd.f32 v2, v0;
	_ =	sdelay $0x1  }
0x3e3: {  	v2 =	vmul.f32 $8.999999760e-01, v5;
	v0 =	vadd.f32 v1, v0;
	_ =	sdelay $0x1  }
0x3e4: {  	v0 =	vmul.f32 v0, v2;
	_ =	sdelay $0x1  }
0x3e5: {  	s19 =	sadd.s32 $0x0, s5;
	v0 =	vadd.f32 $9.999999740e-06, v0  }
0x3e6: {  	p0 =	slt.u32 s19, $0x2710  }
0x3e7: {  	s17 =	simm.s32 $0x80;
	v1 =	vpsel !p0, $0x0, v0  }
0x3e8: {  	s15 =	simm.s32 $0x10;
	s16 =	simm.s32 $0x20;
	s12 =	simm.s32 $0xF200;
	v0 =	vimm.f32 $0.0e+00;
	[tilespmem:s14+$0x0] =	vst v1;
	v2 =	vmul.f32 v1, v5;
	v1 =	vsub.f32 v1, v3  }
.LBB2_10:
0x3e9: {  	p0 =	sne.s32 s16, $0x270;
	s18 =	sand.u32 $0x70, s15;
	s19 =	sand.u32 $0x1C00, s17  }
0x3ea: {  	s18 =	sor.u32 s18, s19;
	[tilespmem:s12+$0x0] =	vst v2;
	v1 =	vmul.f32 v1, v1  }
0x3eb: {  	v2 =	vld [tilespmem:s18+$0xF500]  }
0x3ec: {  	v3 =	vld [tilespmem:s18+$0xF480];
	v0 =	vadd.f32 v1, v0;
	_ =	sdelay $0x1  }
0x3ed: {  	v1 =	vld [tilespmem:s18+$0xF580];
	_ =	sdelay $0x1  }
0x3ee: {  	v4 =	vld [tilespmem:s18+$0xF600]  }
0x3ef: {  	v2 =	vadd.f32 v2, v3  }
0x3f0: {  	v3 =	vld [tilespmem:s18+$0xF680]  }
0x3f1: {  	v1 =	vadd.f32 v1, v2  }
0x3f2: {  	v2 =	vld [tilespmem:s18+$0xF700]  }
0x3f3: {  	v1 =	vadd.f32 v4, v1  }
0x3f4: {  	v4 =	vld [tilespmem:s18+$0xF780]  }
0x3f5: {  	v1 =	vadd.f32 v3, v1  }
0x3f6: {  	v3 =	vld [tilespmem:s18+$0xF800]  }
0x3f7: {  	v1 =	vadd.f32 v2, v1  }
0x3f8: {  	v2 =	vld [tilespmem:s18+$0x10880]  }
0x3f9: {  	v1 =	vadd.f32 v4, v1  }
0x3fa: {  	v4 =	vld [tilespmem:s18+$0x10900]  }
0x3fb: {  	v1 =	vadd.f32 v3, v1  }
0x3fc: {  	v3 =	vld [tilespmem:s18+$0x10980]  }
0x3fd: {  	v1 =	vadd.f32 v2, v1  }
0x3fe: {  	v2 =	vld [tilespmem:s18+$0x10A00]  }
0x3ff: {  	v1 =	vadd.f32 v4, v1  }
0x400: {  	v4 =	vld [tilespmem:s18+$0x10A80]  }
0x401: {  	v1 =	vadd.f32 v3, v1  }
0x402: {  	v3 =	vld [tilespmem:s18+$0x10B00]  }
0x403: {  	v1 =	vadd.f32 v2, v1;
	v2 =	vld [tilespmem:s18+$0x10C00]  }
0x404: {  	s14 =	sadd.s32 $0x10, s14;
	v5 =	vld [tilespmem:s18+$0x10B80]  }
0x405: {  	s13 =	sadd.s32 $0x10, s13;
	v1 =	vadd.f32 v4, v1;
	v4 =	vld [tilespmem:s14+$0x0]  }
0x406: {  	v6 =	vld [tilespmem:s13+$0x0]  }
0x407: {  	v1 =	vadd.f32 v3, v1;
	_ =	sdelay $0x1  }
0x408: {  	v1 =	vadd.f32 v5, v1;
	_ =	sdelay $0x1  }
0x409: {  	v1 =	vadd.f32 v2, v1;
	v2 =	vmul.f32 v6, v4;
	_ =	sdelay $0x1  }
0x40a: {  	v3 =	vmul.f32 $8.999999760e-01, v6;
	v1 =	vadd.f32 v2, v1;
	_ =	sdelay $0x1  }
0x40b: {  	v1 =	vmul.f32 v1, v3  }
.Ltmp4:
0x40c: {  	(pc) =	sbr.rel @p0 .LBB2_10-.Ltmp4, $4  }
0x40d: {  	s18 =	sadd.s32 s15, s5;
	s15 =	smov.u32 s16;
	v1 =	vadd.f32 $9.999999740e-06, v1  }
0x40e: {  	p1 =	slt.u32 s18, $0x2710  }
0x40f: {  	v1 =	vpsel !p1, $0x0, v1  }
0x410: {  	s17 =	sadd.s32 $0x80, s17;
	s12 =	sadd.s32 $0x10, s12;
	s16 =	sadd.s32 $0x10, s16;
	[tilespmem:s14+$0x0] =	vst v1;
	v2 =	vmul.f32 v1, v6;
	v1 =	vsub.f32 v1, v4  }
0x411: {  	s16 =	sand.u32 $0x70, s15;
	s17 =	sand.u32 $0x1C00, s17  }
0x412: {  	s16 =	sor.u32 s16, s17;
	[tilespmem:s12+$0x0] =	vst v2  }
0x413: {  	v2 =	vld [tilespmem:s16+$0xF500]  }
0x414: {  	v3 =	vld [tilespmem:s16+$0xF480];
	_ =	sdelay $0x1  }
0x415: {  	v4 =	vld [tilespmem:s16+$0xF580];
	_ =	sdelay $0x1  }
0x416: {  	v5 =	vld [tilespmem:s16+$0xF600]  }
0x417: {  	v2 =	vadd.f32 v2, v3  }
0x418: {  	v31 =	vld [tilespmem:s16+$0xF680]  }
0x419: {  	v2 =	vadd.f32 v4, v2  }
0x41a: {  	v32 =	vld [tilespmem:s16+$0xF700]  }
0x41b: {  	v2 =	vadd.f32 v5, v2  }
0x41c: {  	v33 =	vld [tilespmem:s16+$0xF780]  }
0x41d: {  	v2 =	vadd.f32 v31, v2  }
0x41e: {  	v34 =	vld [tilespmem:s16+$0xF800]  }
0x41f: {  	v2 =	vadd.f32 v32, v2  }
0x420: {  	v35 =	vld [tilespmem:s16+$0x10880]  }
0x421: {  	v2 =	vadd.f32 v33, v2  }
0x422: {  	v36 =	vld [tilespmem:s16+$0x10900]  }
0x423: {  	v2 =	vadd.f32 v34, v2  }
0x424: {  	v37 =	vld [tilespmem:s16+$0x10980]  }
0x425: {  	v2 =	vadd.f32 v35, v2  }
0x426: {  	v38 =	vld [tilespmem:s16+$0x10A00]  }
0x427: {  	v2 =	vadd.f32 v36, v2  }
0x428: {  	v39 =	vld [tilespmem:s16+$0x10A80]  }
0x429: {  	v2 =	vadd.f32 v37, v2  }
0x42a: {  	v40 =	vld [tilespmem:s16+$0x10B00]  }
0x42b: {  	v41 =	vld [tilespmem:s16+$0x10C00];
	v2 =	vadd.f32 v38, v2  }
0x42c: {  	s14 =	sadd.s32 $0x10, s14;
	v6 =	vld [tilespmem:s16+$0x10B80]  }
0x42d: {  	s13 =	sadd.s32 $0x10, s13;
	v42 =	vld [tilespmem:s14+$0x0];
	v2 =	vadd.f32 v39, v2  }
0x42e: {  	v7 =	vld [tilespmem:s13+$0x0]  }
0x42f: {  	v2 =	vadd.f32 v40, v2;
	_ =	sdelay $0x1  }
0x430: {  	v2 =	vadd.f32 v6, v2;
	_ =	sdelay $0x1  }
0x431: {  	v43 =	vmul.f32 v7, v42;
	v2 =	vadd.f32 v41, v2;
	_ =	sdelay $0x1  }
0x432: {  	v44 =	vmul.f32 $8.999999760e-01, v7;
	v2 =	vadd.f32 v43, v2;
	_ =	sdelay $0x1  }
0x433: {  	v2 =	vmul.f32 v2, v44;
	_ =	sdelay $0x1  }
0x434: {  	s15 =	sadd.s32 s15, s5;
	v2 =	vadd.f32 $9.999999740e-06, v2  }
0x435: {  	p0 =	slt.u32 s15, $0x2710  }
0x436: {  	v2 =	vpsel !p0, $0x0, v2  }
0x437: {  	v1 =	vmul.f32 v1, v1;
	v45 =	vsub.f32 v2, v42;
	_ =	sdelay $0x1  }
0x438: {  	v0 =	vadd.f32 v1, v0;
	v46 =	vmul.f32 v45, v45  }
0x439: {  	s3 =	sxor.u32 $0x1, s3;
	v47 =	vmul.f32 v2, v7  }
0x43a: {  	s17 =	sshll.u32 s3, $0x7;
	s16 =	sadd.s32 $0x10, s12;
	[tilespmem:s14+$0x0] =	vst v2;
	v0 =	vadd.f32 v46, v0  }
0x43b: {  	s18 =	sand.u32 $0x80, s17;
	[tilespmem:s16+$0x0] =	vst v47  }
0x43c: {  	s19 =	simm.s32 $0xF200;
	s13 =	sadd.s32 s18, s1;
	s14 =	sshll.u32 s3, $0xB;
	[tilespmem:$0x11C80] =	vst v0  }
0x43d: {  	[spmem:s13] =	stream.strided.scatter [tilespmem:s19], [sflag:$0x1], $0x280, s6, s7, $0x38;
	[tilespmem:$0x154A0] =	vst v63  }
0x43e: {  	s15 =	rddreg [dreg:$0x1];
	s13 =	sand.u32 $0x3FFFF800, s14  }
0x43f: {  	s13 =	sadd.s32 s13, s15  }
0x440: {  	s16 =	simm.s32 $0x11C80;
	s14 =	sadd.s32 s10, s13  }
0x441: {  	[spmem:s14] =	stream.linear.scatter [tilespmem:s16], [sflag:$0x1], $0x80, $0x38;
	[tilespmem:$0x154A0] =	vst v63  }
0x442: {  	_ =	swait.ge [sflag:s11], $0x280  }
0x443: {  	[sflag:s11] =	ssyncset.done $0x0  }
0x444: {  	[sflag:s11] =	ssyncadd.s32 $0xFFFFFD80  }
0x445: {  	_ =	swait.ge [sflag:s11], $0x80  }
0x446: {  	[sflag:s11] =	ssyncset.done $0x0  }
0x447: {  	[sflag:s11] =	ssyncadd.s32 $0xFFFFFF80  }
0x448: {  	[bflag:$0x0] =	sbarrier.arrive $0xFFFF  }
0x449: {  	s17 =	rddreg [dreg:$0x4]  }
0x44a: {  	s12 =	sadd.s32 s18, s17  }
0x44b: {  	[tilespmem:s2], [sflag:$0x1] =	stream.strided.gather [spmem:s12], $0x2800, s6, s7, $0x38;
	[tilespmem:$0x154A0] =	vst v63  }
0x44c: {  	s18 =	simm.s32 $0x11D00  }
0x44d: {  	[tilespmem:s18], [sflag:$0x1] =	stream.linear.gather [spmem:s13], $0x800, $0x38;
	[tilespmem:$0x154A0] =	vst v63  }
0x44e: {  	_ =	swait.ge [sflag:s11], $0x2800  }
0x44f: {  	[sflag:s11] =	ssyncset.done $0x0  }
0x450: {  	[sflag:s11] =	ssyncadd.s32 $0xFFFFD800  }
0x451: {  	_ =	swait.ge [sflag:s11], $0x800  }
0x452: {  	[sflag:s11] =	ssyncset.done $0x0  }
0x453: {  	[sflag:s11] =	ssyncadd.s32 $0xFFFFF800  }
0x454: {  	v48 =	vld [tilespmem:$0x11D00]  }
0x455: {  	v49 =	vld [tilespmem:$0x11D80];
	_ =	sdelay $0x1  }
0x456: {  	v50 =	vld [tilespmem:$0x11E00];
	_ =	sdelay $0x1  }
0x457: {  	v51 =	vld [tilespmem:$0x11E80]  }
0x458: {  	v0 =	vadd.f32 v49, v48  }
0x459: {  	v52 =	vld [tilespmem:$0x11F00]  }
0x45a: {  	v0 =	vadd.f32 v50, v0  }
0x45b: {  	v53 =	vld [tilespmem:$0x11F80]  }
0x45c: {  	v0 =	vadd.f32 v51, v0  }
0x45d: {  	v54 =	vld [tilespmem:$0x12000]  }
0x45e: {  	v0 =	vadd.f32 v52, v0  }
0x45f: {  	v55 =	vld [tilespmem:$0x12080]  }
0x460: {  	v0 =	vadd.f32 v53, v0  }
0x461: {  	v56 =	vld [tilespmem:$0x12100]  }
0x462: {  	v0 =	vadd.f32 v54, v0  }
0x463: {  	v57 =	vld [tilespmem:$0x12180]  }
0x464: {  	v0 =	vadd.f32 v55, v0  }
0x465: {  	v58 =	vld [tilespmem:$0x12200]  }
0x466: {  	v0 =	vadd.f32 v56, v0  }
0x467: {  	v59 =	vld [tilespmem:$0x12280]  }
0x468: {  	v0 =	vadd.f32 v57, v0  }
0x469: {  	v60 =	vld [tilespmem:$0x12300]  }
0x46a: {  	v0 =	vadd.f32 v58, v0  }
0x46b: {  	v61 =	vld [tilespmem:$0x12380]  }
0x46c: {  	v0 =	vadd.f32 v59, v0  }
0x46d: {  	v62 =	vld [tilespmem:$0x12400]  }
0x46e: {  	v0 =	vadd.f32 v60, v0  }
0x46f: {  	v63 =	vld [tilespmem:$0x12480]  }
0x470: {  	v0 =	vadd.f32 v61, v0;
	_ =	sdelay $0x1  }
0x471: {  	v0 =	vadd.f32 v62, v0;
	_ =	sdelay $0x1  }
0x472: {  	v0 =	vadd.f32 v63, v0;
	_ =	sdelay $0x1  }
0x473: {  	(xrf2) =	vadd.scan.msk.f32 $0xffff, v0;
	_ =	sdelay $0x9  }
0x474: {  	v0, _, _ =	vpop (xrf2)  }
0x475: {  	(v2sf) =	vpush v0, $0xF;
	_ =	sdelay $0xe  }
0x476: {  	s19 =	spop (v2sf)  }
0x477: {  	p0 =	sgt.f32 s19, $9.999999430e-11  }
.Ltmp5:
0x478: {  	_ = 	snop;
	(pc) =	sbr.rel @p0 .LBB2_7-.Ltmp5, $1  }
0x479: {  	_ =	sdelay $0x3  }
0x47a: {  	s0 =	simm.s32 $0x2  }
0x47b: {  	_ =	swait.ge [sflag:s0], $0x2800  }
0x47c: {  	s28 =	simm.s32 $0x0;
	s1 =	rddreg [dreg:$0x6]  }
0x47d: {  	s29 =	simm.s32 $0xEF80;
	s2 =	rddreg [dreg:$0x7];
	[sflag:s0] =	ssyncset.done $0x0  }
0x47e: {  	s30 =	simm.s32 $0x3;
	s1 =	sadd.s32 s2, s1;
	[sflag:s0] =	ssyncadd.s32 $0xFFFFD800  }
0x47f: {  	[hbm4b:s1+s28] =	stream.linear.scatter [tilespmem:s29], [sflag:$0x3], $0x280, $0x38;
	[tilespmem:$0x154A0] =	vst v63  }
0x480: {  	_ =	swait.ge [sflag:s30], $0x280  }
0x481: {  	[sflag:s30] =	ssyncset.done $0x0  }
0x482: {  	[sflag:s30] =	ssyncadd.s32 $0xFFFFFD80  }
0x483: {  	_ =	sfence.sel $0x180000  }
0x484: {  	[bflag:$0x0] =	sbarrier.arrive $0xFFFF  }
0x485: {  	_ =	strace $0x90000047  }
0x486: {  	s31 =	stileid.u32;
	[bflag:$0x2] =	sbarrier.arrive $0xFFFF  }
0x487: {  	p0 =	sne.s32 s31, $0x0;
	s0 =	rddreg [dreg:$0x5]  }
0x488: {  	s0 =	sadd.s32 @!p0 $0x100000, s0  }
0x489: {  	[sflag:s0] =	ssyncadd.tile.s32 @!p0 $0x1;
	_ =	shalt  }
.Lfunc_end2:
_tile_overlayer_lowered:
.L_overlay_start_2:
0x48a: {  	(tag) =	ssettag $0x2  }
0x48b: {  	s0 =	rddreg [dreg:$0x0];
	s2 =	stileid.u32  }
0x48c: {  	s1 =	rddreg [dreg:$0x1];
	p0 =	sne.s32 s2, $0x0  }
0x48d: {  	s3 =	rddreg [dreg:$0x2];
	[bflag:$0x3] =	sbarrier.arrive $0xFFFF;
	s2 =	simm.s32 @!p0 $0x1C03  }
0x48e: {  	[timem:s3], [sflag:s2] =	dma.local @!p0 [hbm:s0], s1  }
0x48f: {  	s0 =	simm.s32 @!p0 $0x3  }
0x490: {  	_ =	swait.ge @!p0 [sflag:s0], s1  }
0x491: {  	s1 =	ssub.s32 @!p0 $0x0, s1;
	[sflag:s0] =	ssyncset.done @!p0 $0x0  }
0x492: {  	[sflag:s0] =	ssyncadd.s32 @!p0 s1  }
0x493: {  	[bflag:$0x3] =	sbarrier.arrive $0xFFFF  }
0x494: {  	_ =	shalt  }

</sc_bundles>
